<compile_context>
chip_gen: v7x
topology: tpu7x:2x2x1
jax: 0.10.2.dev20260603
libtpu: 0.0.44.dev20260713+nightly
codegen_flags: <defaults>
</compile_context>

<pallas_src>
import functools

import jax
import jax.numpy as jnp
from jax import lax
from jax.experimental import pallas as pl
from jax.experimental.pallas import tpu as pltpu
from jax.experimental.pallas import tpu_sc as plsc

N = 10000
NP = 10112
E = 320000
BE = 128
NBLK = E // BE
NTILE = 16
MAXBLK = 157
PBLK = NTILE * MAXBLK
CHK = 8
NCH = 20
TPT = NP // NTILE
DP = 128
EPS = 1e-12
ROW_BLK = 512



def _tc1_body(q_ref, w_ref, wab_ref, msg_ref, fxfs_ref):
    q = q_ref[...]
    msg_ref[...] = q @ w_ref[...]
    fxfs_ref[...] = q @ wab_ref[...]


def _tc1(q_flat, w1cat, wab1):
    grid = (2 * NP + ROW_BLK - 1) // ROW_BLK
    return pl.pallas_call(
        _tc1_body,
        grid=(grid,),
        in_specs=[
            pl.BlockSpec((ROW_BLK, 128), lambda i: (i, 0)),
            pl.BlockSpec((128, DP), lambda i: (0, 0)),
            pl.BlockSpec((128, 2), lambda i: (0, 0)),
        ],
        out_specs=[
            pl.BlockSpec((ROW_BLK, DP), lambda i: (i, 0)),
            pl.BlockSpec((ROW_BLK, 2), lambda i: (i, 0)),
        ],
        out_shape=[
            jax.ShapeDtypeStruct((2 * NP, DP), jnp.float32),
            jax.ShapeDtypeStruct((2 * NP, 2), jnp.float32),
        ],
    )(q_flat, w1cat, wab1)


def _tc2_body(msg1_ref, u1_ref, w2_ref, wab2_ref, msg2_ref, fxfs2_ref):
    m = msg1_ref[...]
    u = u1_ref[...]
    den = u[:, 64:65]
    q1 = m[:, :64] + u[:, :64] / (den + EPS)
    msg2_ref[...] = q1 @ w2_ref[...]
    fxfs2_ref[...] = q1 @ wab2_ref[...]


def _tc2(msg1, u1, w2cat, wab2):
    grid = (2 * NP + ROW_BLK - 1) // ROW_BLK
    return pl.pallas_call(
        _tc2_body,
        grid=(grid,),
        in_specs=[
            pl.BlockSpec((ROW_BLK, DP), lambda i: (i, 0)),
            pl.BlockSpec((ROW_BLK, DP), lambda i: (i, 0)),
            pl.BlockSpec((64, DP), lambda i: (0, 0)),
            pl.BlockSpec((64, 2), lambda i: (0, 0)),
        ],
        out_specs=[
            pl.BlockSpec((ROW_BLK, DP), lambda i: (i, 0)),
            pl.BlockSpec((ROW_BLK, 2), lambda i: (i, 0)),
        ],
        out_shape=[
            jax.ShapeDtypeStruct((2 * NP, DP), jnp.float32),
            jax.ShapeDtypeStruct((2 * NP, 2), jnp.float32),
        ],
    )(msg1, u1, w2cat, wab2)


def _tc3_body(e_ref, msg2_ref, u2_ref, wt_ref, wb_ref, bfc_ref, bv2_ref,
              out_ref):
    u = u2_ref[...]
    den = u[:, 32:33]
    inv = 1.0 / (den + EPS)
    q2 = msg2_ref[:, 0:16] + u[:, 0:16] * inv
    ov = u[:, 16:32] * inv + (den * inv) * bv2_ref[...]
    g = q2 @ wt_ref[...] + ov @ wb_ref[...] + bfc_ref[...]
    out_ref[:, :128] = e_ref[...]
    out_ref[:, 128:] = jnp.maximum(g, 0.0)


def _tc3(e_flat, msg2, u2, w_fc, b_fc, b_v2):
    grid = (2 * NP + ROW_BLK - 1) // ROW_BLK
    return pl.pallas_call(
        _tc3_body,
        grid=(grid,),
        in_specs=[
            pl.BlockSpec((ROW_BLK, 128), lambda i: (i, 0)),
            pl.BlockSpec((ROW_BLK, DP), lambda i: (i, 0)),
            pl.BlockSpec((ROW_BLK, DP), lambda i: (i, 0)),
            pl.BlockSpec((16, 128), lambda i: (0, 0)),
            pl.BlockSpec((16, 128), lambda i: (0, 0)),
            pl.BlockSpec((1, 128), lambda i: (0, 0)),
            pl.BlockSpec((1, 16), lambda i: (0, 0)),
        ],
        out_specs=pl.BlockSpec((ROW_BLK, 256), lambda i: (i, 0)),
        out_shape=jax.ShapeDtypeStruct((2 * NP, 256), jnp.float32),
    )(e_flat, msg2, u2, w_fc[:16], w_fc[16:], b_fc.reshape(1, 128),
      b_v2.reshape(1, 16))



def _sc_body(msg_hbm, fbot_hbm, idx_hbm, u_hbm,
             fbot_v, idxb, rows2, exb, u_sh, sems, *, nd):
    c = lax.axis_index("c")
    s = lax.axis_index("s")

    pltpu.sync_copy(fbot_hbm.at[pl.ds(c * NP, NP)], fbot_v)
    start = s * 156 + jnp.minimum(s, 4)
    nblk = 156 + jnp.where(s < 4, 1, 0)

    zer = jnp.zeros((16,), jnp.float32)

    def _zrow(e, carry):
        for dc in range(DP // 16):
            rows2[0, e, pl.ds(16 * dc, 16)] = zer
        return carry

    lax.fori_loop(0, BE, _zrow, 0)
    for k in range(4):
        pltpu.sync_copy(rows2.at[0], u_sh.at[pl.ds(s * TPT + BE * k, BE)])
    pltpu.sync_copy(rows2.at[0, pl.ds(0, TPT - 4 * BE)],
                    u_sh.at[pl.ds(s * TPT + 4 * BE, TPT - 4 * BE)])
    plsc.subcore_barrier()

    iot = lax.iota(jnp.int32, 16)
    onehot = jnp.where(iot == 0, 1.0, 0.0)
    c127 = jnp.full((16,), DP - 1, jnp.int32)
    cbase = c * (PBLK * 2 * BE)

    pltpu.sync_copy(idx_hbm.at[pl.ds(cbase + start * 2 * BE,
                                     CHK * 2 * BE)], idxb.at[0])
    pltpu.async_copy(msg_hbm.at[idxb.at[0, pl.ds(0, BE)]],
                     rows2.at[0], sems.at[0])

    def blk_body(b, carry):
        p = jnp.bitwise_and(b, 1)
        q = lax.shift_right_logical(b, 3)
        qp = jnp.bitwise_and(q, 1)
        bb = jnp.bitwise_and(b, CHK - 1)
        bi = bb * 2 * BE

        @pl.when(b > 0)
        def _():
            pltpu.make_async_copy(rows2.at[1 - p],
                                  u_sh.at[idxb.at[qp, pl.ds(0, BE)]],
                                  sems.at[1]).wait()

        @pl.when((bb == 2) & (q < NCH - 1))
        def _():
            pltpu.async_copy(
                idx_hbm.at[pl.ds(cbase + (start + (q + 1) * CHK) * 2 * BE,
                                 CHK * 2 * BE)], idxb.at[1 - qp],
                sems.at[2])

        pltpu.make_async_copy(msg_hbm.at[idxb.at[qp, pl.ds(bi, BE)]],
                              rows2.at[p], sems.at[0]).wait()

        nqp = jnp.bitwise_and(lax.shift_right_logical(b + 1, 3), 1)
        nbi = jnp.bitwise_and(b + 1, CHK - 1) * 2 * BE

        @pl.when((b + 1 < nblk) & (nbi == 0))
        def _():
            pltpu.make_async_copy(
                idx_hbm.at[pl.ds(cbase + (start + (q + 1) * CHK) * 2 * BE,
                                 CHK * 2 * BE)], idxb.at[nqp],
                sems.at[2]).wait()

        @pl.when(b + 1 < nblk)
        def _():
            pltpu.async_copy(msg_hbm.at[idxb.at[nqp, pl.ds(nbi, BE)]],
                             rows2.at[1 - p], sems.at[0])

        p16 = jnp.full((16,), p, jnp.int32)
        for j in range(BE // 16):
            isv = idxb[qp, pl.ds(bi + BE + 16 * j, 16)]
            fxv = plsc.load_gather(rows2, [p16, iot + 16 * j, c127])
            fsv = plsc.load_gather(fbot_v, [isv])
            sg = 1.0 / (1.0 + jnp.exp(-(fxv + fsv)))
            exb[pl.ds(16 * j, 16)] = jnp.exp(sg)

        def row_body(e, rcarry):
            av = plsc.load_gather(exb, [jnp.full((16,), e, jnp.int32)])
            for dc in range(nd):
                rows2[p, e, pl.ds(16 * dc, 16)] = (
                    rows2[p, e, pl.ds(16 * dc, 16)] * av)
            rows2[p, e, pl.ds(16 * nd, 16)] = av * onehot
            return rcarry

        lax.fori_loop(0, BE, row_body, 0)
        pltpu.async_copy(rows2.at[p],
                         u_sh.at[idxb.at[qp, pl.ds(bi + BE, BE)]],
                         sems.at[1], add=True)
        return carry

    lax.fori_loop(0, nblk, blk_body, 0)
    pltpu.make_async_copy(rows2.at[0], u_sh.at[idxb.at[0, pl.ds(0, BE)]],
                          sems.at[1]).wait()
    plsc.subcore_barrier()

    pltpu.sync_copy(u_sh.at[pl.ds(s * TPT, TPT)],
                    u_hbm.at[pl.ds(c * NP + s * TPT, TPT)])


def _sc_layer(msg, fbot, idx_flat, nd):
    mesh = plsc.VectorSubcoreMesh(core_axis_name="c", subcore_axis_name="s",
                                  num_cores=2)
    return pl.kernel(
        functools.partial(_sc_body, nd=nd),
        out_type=jax.ShapeDtypeStruct((2 * NP, DP), jnp.float32),
        mesh=mesh,
        compiler_params=pltpu.CompilerParams(needs_layout_passes=False),
        scratch_types=[
            pltpu.VMEM((NP,), jnp.float32),
            pltpu.VMEM((2, CHK * 2 * BE), jnp.int32),
            pltpu.VMEM((2, BE, DP), jnp.float32),
            pltpu.VMEM((BE,), jnp.float32),
            pltpu.VMEM_SHARED((NP, DP), jnp.float32),
            pltpu.SemaphoreType.DMA((3,)),
        ],
    )(msg, fbot, idx_flat)



def _pad_side(x):
    return jnp.pad(x, ((0, NP - N), (0, 0)))


def kernel(E_u, E_i, Q_user, Q_item, W_att1, W_upd1, W_V1, b_V1,
           W_att2, W_upd2, W_V2, b_V2, W_fc, b_fc, edge_src, edge_dst):
    src = edge_src.astype(jnp.int32)
    dst = edge_dst.astype(jnp.int32)

    im = jnp.stack([dst + NP, src])
    isg = jnp.stack([src, dst])
    idx2 = jnp.stack([im.reshape(2, NBLK, BE),
                      isg.reshape(2, NBLK, BE)], axis=2)
    idx2 = jnp.pad(idx2, ((0, 0), (0, PBLK - NBLK), (0, 0), (0, 0)))
    idx_flat = idx2.reshape(-1)

    q_flat = jnp.concatenate([_pad_side(Q_user), _pad_side(Q_item)])
    e_flat = jnp.concatenate([_pad_side(E_u), _pad_side(E_i)])

    w1cat = jnp.concatenate([W_upd1, jnp.zeros((128, DP - 65), jnp.float32),
                             W_att1[:128]], axis=1)
    wab1 = jnp.concatenate([W_att1[:128], W_att1[128:]], axis=1)
    w2cat = jnp.concatenate([W_upd2, W_V2,
                             jnp.zeros((64, DP - 33), jnp.float32),
                             W_att2[:64]], axis=1)
    wab2 = jnp.concatenate([W_att2[:64], W_att2[64:]], axis=1)

    msg1, fxfs1 = _tc1(q_flat, w1cat, wab1)
    u1 = _sc_layer(msg1, fxfs1[:, 1], idx_flat, 4)
    msg2, fxfs2 = _tc2(msg1, u1, w2cat, wab2)
    u2 = _sc_layer(msg2, fxfs2[:, 1], idx_flat, 2)
    out = _tc3(e_flat, msg2, u2, W_fc, b_fc, b_V2)
    return (out[:N], out[NP:NP + N])

# --- scband reference (transcript-rebuilt; emitter-appended) ---
"""Pipeline reference for scband-hero-graph-91216515432634 (READ-ONLY COPY).

The authoritative reference and input builder live on the scoring server;
editing this copy changes nothing except your own understanding.
"""

import jax, jax.numpy as jnp
import numpy as np

N_U = 10000
N_I = 10000
E = 320000
D = 128


def _seg_softmax(e, seg, n):
    m = jax.ops.segment_max(e, seg, num_segments=n)
    m = jnp.where(jnp.isfinite(m), m, 0.0)
    ex = jnp.exp(e - m[seg])
    den = jax.ops.segment_sum(ex, seg, num_segments=n)
    return ex / (den[seg] + 1e-12)


def _gat(q_u, q_i, src, dst, W_att, W_upd, W_V, b_V):
    # edge type 'review': user(src) -> item(dst); items reduce
    qs = q_u[src]
    qd = q_i[dst]
    e = jax.nn.sigmoid(jnp.concatenate([qs, qd], axis=1) @ W_att)
    V = qs @ W_V + b_V
    a = _seg_softmax(e, dst, N_I)
    OK_i = jax.ops.segment_sum(a * qs, dst, num_segments=N_I)
    OV_i = jax.ops.segment_sum(a * V, dst, num_segments=N_I)
    q_new_i = (q_i + OK_i) @ W_upd
    # edge type 'review_by': item(src=dst idx) -> user(dst=src idx); users reduce
    qs2 = q_i[dst]
    qd2 = q_u[src]
    e2 = jax.nn.sigmoid(jnp.concatenate([qs2, qd2], axis=1) @ W_att)
    V2 = qs2 @ W_V + b_V
    a2 = _seg_softmax(e2, src, N_U)
    OK_u = jax.ops.segment_sum(a2 * qs2, src, num_segments=N_U)
    OV_u = jax.ops.segment_sum(a2 * V2, src, num_segments=N_U)
    q_new_u = (q_u + OK_u) @ W_upd
    return q_new_u, q_new_i, OV_u, OV_i


def setup_inputs(seed: int = 0) -> dict:
    key = jax.random.key(seed)
    ks = jax.random.split(key, 16)

    def rn(k, shp):
        return jax.random.normal(k, shp, dtype=jnp.float32) * 0.05

    return {
        "E_u": rn(ks[0], (N_U, D)),
        "E_i": rn(ks[1], (N_I, D)),
        "Q_user": rn(ks[2], (N_U, D)),
        "Q_item": rn(ks[3], (N_I, D)),
        "W_att1": rn(ks[4], (2 * D, 1)),
        "W_upd1": rn(ks[5], (D, 64)),
        "W_V1": rn(ks[6], (D, 64)),
        "b_V1": rn(ks[7], (64,)),
        "W_att2": rn(ks[8], (2 * 64, 1)),
        "W_upd2": rn(ks[9], (64, 16)),
        "W_V2": rn(ks[10], (64, 16)),
        "b_V2": rn(ks[11], (16,)),
        "W_fc": rn(ks[12], (2 * 16, D)),
        "b_fc": rn(ks[13], (D,)),
        "edge_src": jax.random.randint(ks[14], (E,), 0, N_U, dtype=jnp.int32),
        "edge_dst": jax.random.randint(ks[15], (E,), 0, N_I, dtype=jnp.int32),
    }


def reference(E_u, E_i, Q_user, Q_item, W_att1, W_upd1, W_V1, b_V1,
              W_att2, W_upd2, W_V2, b_V2, W_fc, b_fc, edge_src, edge_dst):
    q_u1, q_i1, _, _ = _gat(Q_user, Q_item, edge_src, edge_dst, W_att1, W_upd1, W_V1, b_V1)
    q_u2, q_i2, OV_u, OV_i = _gat(q_u1, q_i1, edge_src, edge_dst, W_att2, W_upd2, W_V2, b_V2)
    G_u = jax.nn.relu(jnp.concatenate([q_u2, OV_u], axis=1) @ W_fc + b_fc)
    G_i = jax.nn.relu(jnp.concatenate([q_i2, OV_i], axis=1) @ W_fc + b_fc)
    return (jnp.concatenate([E_u, G_u], axis=1), jnp.concatenate([E_i, G_i], axis=1))

if __name__ == "__main__":
    import jax
    _d = setup_inputs()
    print(jax.jit(kernel)(*tuple(_d.values())))

</pallas_src>

<mosaic_0001>
#map = affine_map<(d0, d1) -> (0, 0)>
#map1 = affine_map<(d0, d1) -> (0)>
module attributes {stable_mosaic.version = 14 : i64} {
  func.func @_sc_body(%arg0: i32, %arg1: i32, %arg2: memref<20224x128xf32, #tpu.memory_space<hbm>>, %arg3: memref<20224xf32, #tpu.memory_space<hbm>>, %arg4: memref<1286144xi32, #tpu.memory_space<hbm>>, %arg5: memref<20224x128xf32, #tpu.memory_space<hbm>>, %arg6: memref<10112xf32, #tpu.memory_space<vmem>>, %arg7: memref<2x2048xi32, #tpu.memory_space<vmem>>, %arg8: memref<2x128x128xf32, #tpu.memory_space<vmem>>, %arg9: memref<128xf32, #tpu.memory_space<vmem>>, %arg10: memref<10112x128xf32, #tpu.memory_space<vmem_shared>>, %arg11: memref<3x!tpu.dma_semaphore, #tpu.memory_space<semaphore_mem>>) attributes {dimension_semantics = [#tpu.dimension_semantics<core_parallel>, #tpu.dimension_semantics<subcore_parallel>], iteration_bounds = array<i64: 2, 16>, scalar_prefetch = 0 : i64, scratch_operands = 6 : i64, tpu.core_type = #tpu.core_type<sc_vector_subcore>, window_params = [{transform_indices = #map}, {transform_indices = #map1}, {transform_indices = #map1}, {transform_indices = #map}]} {
    %mul3A = arith.constant 10112 : i32
    %mul3A_0 = arith.muli %arg0, %mul3A : i32
    "tpu.region"() ({
      %run_scoped3A_100 = tpu.sem_alloc : memref<!tpu.dma_semaphore, #tpu.memory_space<semaphore_mem>>
      %dma_start3A_101 = tpu.memref_slice %arg3[%mul3A_0] : memref<20224xf32, #tpu.memory_space<hbm>> -> memref<10112xf32, #tpu.memory_space<hbm>>
      %dma_start3A_102 = tpu.memref_slice %arg3[%mul3A_0] : memref<20224xf32, #tpu.memory_space<hbm>> -> memref<10112xf32, #tpu.memory_space<hbm>>
      tpu.enqueue_dma source(%dma_start3A_102 : memref<10112xf32, #tpu.memory_space<hbm>>) target(%arg6 : memref<10112xf32, #tpu.memory_space<vmem>>) target_semaphore(%run_scoped3A_100 : memref<!tpu.dma_semaphore, #tpu.memory_space<semaphore_mem>>)
      %dma_wait3A_103 = tpu.memref_slice %arg3[%mul3A_0] : memref<20224xf32, #tpu.memory_space<hbm>> -> memref<10112xf32, #tpu.memory_space<hbm>>
      %dma_wait3A_104 = tpu.memref_slice %arg3[%mul3A_0] : memref<20224xf32, #tpu.memory_space<hbm>> -> memref<10112xf32, #tpu.memory_space<hbm>>
      tpu.wait_dma2 semaphore(%run_scoped3A_100 : memref<!tpu.dma_semaphore, #tpu.memory_space<semaphore_mem>>) src(%dma_wait3A_104 : memref<10112xf32, #tpu.memory_space<hbm>>) dst(%arg6 : memref<10112xf32, #tpu.memory_space<vmem>>)
      tpu.yield
    }) : () -> ()
    %mul3A_1 = arith.constant 156 : i32
    %mul3A_2 = arith.muli %arg1, %mul3A_1 : i32
    %min3A = arith.constant 4 : i32
    %min3A_3 = arith.minsi %arg1, %min3A : i32
    %add3A = arith.addi %mul3A_2, %min3A_3 : i32
    %lt3A = arith.constant 4 : i32
    %lt3A_4 = arith.cmpi slt, %arg1, %lt3A : i32
    %jit3A = arith.constant 1 : i32
    %jit3A_5 = arith.constant 0 : i32
    %select_n3A = arith.select %lt3A_4, %jit3A, %jit3A_5 : i32
    %add3A_6 = arith.constant 156 : i32
    %add3A_7 = arith.addi %add3A_6, %select_n3A : i32
    %broadcast_in_dim3A = arith.constant 0.000000e+00 : f32
    %broadcast_in_dim3A_8 = vector.broadcast %broadcast_in_dim3A : f32 to vector<16xf32>
    %scan3A = arith.constant 0 : i32
    %scan3A_9 = arith.constant 0 : i32
    %scan3A_10 = arith.constant 128 : i32
    %scan3A_11 = arith.addi %scan3A_9, %scan3A_10 : i32
    %scan3A_12 = arith.constant 1 : i32
    scf.for %scan3A_100 = %scan3A_9 to %scan3A_11 step %scan3A_12  : i32 {
      %swap3A = arith.constant 0 : i32
      %swap3A_101 = arith.index_cast %swap3A : i32 to index
      %swap3A_102 = arith.index_cast %scan3A_100 : i32 to index
      %swap3A_103 = arith.constant 0 : index
      %swap3A_104 = tpu.vector_load %arg8[%swap3A_101, %swap3A_102, %swap3A_103] {strides = array<i32>} : memref<2x128x128xf32, #tpu.memory_space<vmem>>, vector<16xf32>,
      tpu.vector_store %arg8[%swap3A_101, %swap3A_102, %swap3A_103], %broadcast_in_dim3A_8 {strides = array<i32>} : memref<2x128x128xf32, #tpu.memory_space<vmem>>, vector<16xf32>,
      %swap3A_105 = arith.constant 0 : i32
      %swap3A_106 = arith.index_cast %swap3A_105 : i32 to index
      %swap3A_107 = arith.index_cast %scan3A_100 : i32 to index
      %swap3A_108 = arith.constant 16 : index
      %swap3A_109 = tpu.vector_load %arg8[%swap3A_106, %swap3A_107, %swap3A_108] {strides = array<i32>} : memref<2x128x128xf32, #tpu.memory_space<vmem>>, vector<16xf32>,
      tpu.vector_store %arg8[%swap3A_106, %swap3A_107, %swap3A_108], %broadcast_in_dim3A_8 {strides = array<i32>} : memref<2x128x128xf32, #tpu.memory_space<vmem>>, vector<16xf32>,
      %swap3A_110 = arith.constant 0 : i32
      %swap3A_111 = arith.index_cast %swap3A_110 : i32 to index
      %swap3A_112 = arith.index_cast %scan3A_100 : i32 to index
      %swap3A_113 = arith.constant 32 : index
      %swap3A_114 = tpu.vector_load %arg8[%swap3A_111, %swap3A_112, %swap3A_113] {strides = array<i32>} : memref<2x128x128xf32, #tpu.memory_space<vmem>>, vector<16xf32>,
      tpu.vector_store %arg8[%swap3A_111, %swap3A_112, %swap3A_113], %broadcast_in_dim3A_8 {strides = array<i32>} : memref<2x128x128xf32, #tpu.memory_space<vmem>>, vector<16xf32>,
      %swap3A_115 = arith.constant 0 : i32
      %swap3A_116 = arith.index_cast %swap3A_115 : i32 to index
      %swap3A_117 = arith.index_cast %scan3A_100 : i32 to index
      %swap3A_118 = arith.constant 48 : index
      %swap3A_119 = tpu.vector_load %arg8[%swap3A_116, %swap3A_117, %swap3A_118] {strides = array<i32>} : memref<2x128x128xf32, #tpu.memory_space<vmem>>, vector<16xf32>,
      tpu.vector_store %arg8[%swap3A_116, %swap3A_117, %swap3A_118], %broadcast_in_dim3A_8 {strides = array<i32>} : memref<2x128x128xf32, #tpu.memory_space<vmem>>, vector<16xf32>,
      %swap3A_120 = arith.constant 0 : i32
      %swap3A_121 = arith.index_cast %swap3A_120 : i32 to index
      %swap3A_122 = arith.index_cast %scan3A_100 : i32 to index
      %swap3A_123 = arith.constant 64 : index
      %swap3A_124 = tpu.vector_load %arg8[%swap3A_121, %swap3A_122, %swap3A_123] {strides = array<i32>} : memref<2x128x128xf32, #tpu.memory_space<vmem>>, vector<16xf32>,
      tpu.vector_store %arg8[%swap3A_121, %swap3A_122, %swap3A_123], %broadcast_in_dim3A_8 {strides = array<i32>} : memref<2x128x128xf32, #tpu.memory_space<vmem>>, vector<16xf32>,
      %swap3A_125 = arith.constant 0 : i32
      %swap3A_126 = arith.index_cast %swap3A_125 : i32 to index
      %swap3A_127 = arith.index_cast %scan3A_100 : i32 to index
      %swap3A_128 = arith.constant 80 : index
      %swap3A_129 = tpu.vector_load %arg8[%swap3A_126, %swap3A_127, %swap3A_128] {strides = array<i32>} : memref<2x128x128xf32, #tpu.memory_space<vmem>>, vector<16xf32>,
      tpu.vector_store %arg8[%swap3A_126, %swap3A_127, %swap3A_128], %broadcast_in_dim3A_8 {strides = array<i32>} : memref<2x128x128xf32, #tpu.memory_space<vmem>>, vector<16xf32>,
      %swap3A_130 = arith.constant 0 : i32
      %swap3A_131 = arith.index_cast %swap3A_130 : i32 to index
      %swap3A_132 = arith.index_cast %scan3A_100 : i32 to index
      %swap3A_133 = arith.constant 96 : index
      %swap3A_134 = tpu.vector_load %arg8[%swap3A_131, %swap3A_132, %swap3A_133] {strides = array<i32>} : memref<2x128x128xf32, #tpu.memory_space<vmem>>, vector<16xf32>,
      tpu.vector_store %arg8[%swap3A_131, %swap3A_132, %swap3A_133], %broadcast_in_dim3A_8 {strides = array<i32>} : memref<2x128x128xf32, #tpu.memory_space<vmem>>, vector<16xf32>,
      %swap3A_135 = arith.constant 0 : i32
      %swap3A_136 = arith.index_cast %swap3A_135 : i32 to index
      %swap3A_137 = arith.index_cast %scan3A_100 : i32 to index
      %swap3A_138 = arith.constant 112 : index
      %swap3A_139 = tpu.vector_load %arg8[%swap3A_136, %swap3A_137, %swap3A_138] {strides = array<i32>} : memref<2x128x128xf32, #tpu.memory_space<vmem>>, vector<16xf32>,
      tpu.vector_store %arg8[%swap3A_136, %swap3A_137, %swap3A_138], %broadcast_in_dim3A_8 {strides = array<i32>} : memref<2x128x128xf32, #tpu.memory_space<vmem>>, vector<16xf32>,
    }
    %scan3A_13 = arith.constant 128 : i32
    %mul3A_14 = arith.constant 632 : i32
    %mul3A_15 = arith.muli %arg1, %mul3A_14 : i32
    %add3A_16 = arith.constant 0 : i32
    %add3A_17 = arith.addi %mul3A_15, %add3A_16 : i32
    %run_scoped3A = arith.constant 0 : i32
    "tpu.region"() ({
      %run_scoped3A_100 = tpu.sem_alloc : memref<!tpu.dma_semaphore, #tpu.memory_space<semaphore_mem>>
      %dma_start3A_101 = arith.constant 0 : i32
      %dma_start3A_102 = arith.constant 0 : i32
      %dma_start3A_103 = tpu.memref_slice %arg8[%run_scoped3A, %dma_start3A_101, %dma_start3A_102] : memref<2x128x128xf32, #tpu.memory_space<vmem>> -> memref<1x128x128xf32, #tpu.memory_space<vmem>>
      %dma_start3A_104 = tpu.memref_squeeze %dma_start3A_103 : memref<1x128x128xf32, #tpu.memory_space<vmem>> -> memref<128x128xf32, #tpu.memory_space<vmem>>
      %dma_start3A_105 = arith.constant 0 : i32
      %dma_start3A_106 = tpu.memref_slice %arg10[%add3A_17, %dma_start3A_105] : memref<10112x128xf32, #tpu.memory_space<vmem_shared>> -> memref<128x128xf32, #tpu.memory_space<vmem_shared>>
      %dma_start3A_107 = arith.constant 0 : i32
      %dma_start3A_108 = tpu.memref_slice %arg10[%add3A_17, %dma_start3A_107] : memref<10112x128xf32, #tpu.memory_space<vmem_shared>> -> memref<128x128xf32, #tpu.memory_space<vmem_shared>>
      %dma_start3A_109 = arith.constant 0 : i32
      %dma_start3A_110 = arith.constant 0 : i32
      %dma_start3A_111 = tpu.memref_slice %arg8[%run_scoped3A, %dma_start3A_109, %dma_start3A_110] : memref<2x128x128xf32, #tpu.memory_space<vmem>> -> memref<1x128x128xf32, #tpu.memory_space<vmem>>
      %dma_start3A_112 = tpu.memref_squeeze %dma_start3A_111 : memref<1x128x128xf32, #tpu.memory_space<vmem>> -> memref<128x128xf32, #tpu.memory_space<vmem>>
      tpu.enqueue_dma source(%dma_start3A_112 : memref<128x128xf32, #tpu.memory_space<vmem>>) target(%dma_start3A_108 : memref<128x128xf32, #tpu.memory_space<vmem_shared>>) target_semaphore(%run_scoped3A_100 : memref<!tpu.dma_semaphore, #tpu.memory_space<semaphore_mem>>)
      %dma_wait3A_113 = arith.constant 0 : i32
      %dma_wait3A_114 = arith.constant 0 : i32
      %dma_wait3A_115 = tpu.memref_slice %arg8[%run_scoped3A, %dma_wait3A_113, %dma_wait3A_114] : memref<2x128x128xf32, #tpu.memory_space<vmem>> -> memref<1x128x128xf32, #tpu.memory_space<vmem>>
      %dma_wait3A_116 = tpu.memref_squeeze %dma_wait3A_115 : memref<1x128x128xf32, #tpu.memory_space<vmem>> -> memref<128x128xf32, #tpu.memory_space<vmem>>
      %dma_wait3A_117 = arith.constant 0 : i32
      %dma_wait3A_118 = tpu.memref_slice %arg10[%add3A_17, %dma_wait3A_117] : memref<10112x128xf32, #tpu.memory_space<vmem_shared>> -> memref<128x128xf32, #tpu.memory_space<vmem_shared>>
      %dma_wait3A_119 = arith.constant 0 : i32
      %dma_wait3A_120 = tpu.memref_slice %arg10[%add3A_17, %dma_wait3A_119] : memref<10112x128xf32, #tpu.memory_space<vmem_shared>> -> memref<128x128xf32, #tpu.memory_space<vmem_shared>>
      %dma_wait3A_121 = arith.constant 0 : i32
      %dma_wait3A_122 = arith.constant 0 : i32
      %dma_wait3A_123 = tpu.memref_slice %arg8[%run_scoped3A, %dma_wait3A_121, %dma_wait3A_122] : memref<2x128x128xf32, #tpu.memory_space<vmem>> -> memref<1x128x128xf32, #tpu.memory_space<vmem>>
      %dma_wait3A_124 = tpu.memref_squeeze %dma_wait3A_123 : memref<1x128x128xf32, #tpu.memory_space<vmem>> -> memref<128x128xf32, #tpu.memory_space<vmem>>
      tpu.wait_dma2 semaphore(%run_scoped3A_100 : memref<!tpu.dma_semaphore, #tpu.memory_space<semaphore_mem>>) src(%dma_wait3A_124 : memref<128x128xf32, #tpu.memory_space<vmem>>) dst(%dma_wait3A_120 : memref<128x128xf32, #tpu.memory_space<vmem_shared>>)
      tpu.yield
    }) : () -> ()
    %mul3A_18 = arith.constant 632 : i32
    %mul3A_19 = arith.muli %arg1, %mul3A_18 : i32
    %add3A_20 = arith.constant 128 : i32
    %add3A_21 = arith.addi %mul3A_19, %add3A_20 : i32
    %run_scoped3A_22 = arith.constant 0 : i32
    "tpu.region"() ({
      %run_scoped3A_100 = tpu.sem_alloc : memref<!tpu.dma_semaphore, #tpu.memory_space<semaphore_mem>>
      %dma_start3A_101 = arith.constant 0 : i32
      %dma_start3A_102 = arith.constant 0 : i32
      %dma_start3A_103 = tpu.memref_slice %arg8[%run_scoped3A_22, %dma_start3A_101, %dma_start3A_102] : memref<2x128x128xf32, #tpu.memory_space<vmem>> -> memref<1x128x128xf32, #tpu.memory_space<vmem>>
      %dma_start3A_104 = tpu.memref_squeeze %dma_start3A_103 : memref<1x128x128xf32, #tpu.memory_space<vmem>> -> memref<128x128xf32, #tpu.memory_space<vmem>>
      %dma_start3A_105 = arith.constant 0 : i32
      %dma_start3A_106 = tpu.memref_slice %arg10[%add3A_21, %dma_start3A_105] : memref<10112x128xf32, #tpu.memory_space<vmem_shared>> -> memref<128x128xf32, #tpu.memory_space<vmem_shared>>
      %dma_start3A_107 = arith.constant 0 : i32
      %dma_start3A_108 = tpu.memref_slice %arg10[%add3A_21, %dma_start3A_107] : memref<10112x128xf32, #tpu.memory_space<vmem_shared>> -> memref<128x128xf32, #tpu.memory_space<vmem_shared>>
      %dma_start3A_109 = arith.constant 0 : i32
      %dma_start3A_110 = arith.constant 0 : i32
      %dma_start3A_111 = tpu.memref_slice %arg8[%run_scoped3A_22, %dma_start3A_109, %dma_start3A_110] : memref<2x128x128xf32, #tpu.memory_space<vmem>> -> memref<1x128x128xf32, #tpu.memory_space<vmem>>
      %dma_start3A_112 = tpu.memref_squeeze %dma_start3A_111 : memref<1x128x128xf32, #tpu.memory_space<vmem>> -> memref<128x128xf32, #tpu.memory_space<vmem>>
      tpu.enqueue_dma source(%dma_start3A_112 : memref<128x128xf32, #tpu.memory_space<vmem>>) target(%dma_start3A_108 : memref<128x128xf32, #tpu.memory_space<vmem_shared>>) target_semaphore(%run_scoped3A_100 : memref<!tpu.dma_semaphore, #tpu.memory_space<semaphore_mem>>)
      %dma_wait3A_113 = arith.constant 0 : i32
      %dma_wait3A_114 = arith.constant 0 : i32
      %dma_wait3A_115 = tpu.memref_slice %arg8[%run_scoped3A_22, %dma_wait3A_113, %dma_wait3A_114] : memref<2x128x128xf32, #tpu.memory_space<vmem>> -> memref<1x128x128xf32, #tpu.memory_space<vmem>>
      %dma_wait3A_116 = tpu.memref_squeeze %dma_wait3A_115 : memref<1x128x128xf32, #tpu.memory_space<vmem>> -> memref<128x128xf32, #tpu.memory_space<vmem>>
      %dma_wait3A_117 = arith.constant 0 : i32
      %dma_wait3A_118 = tpu.memref_slice %arg10[%add3A_21, %dma_wait3A_117] : memref<10112x128xf32, #tpu.memory_space<vmem_shared>> -> memref<128x128xf32, #tpu.memory_space<vmem_shared>>
      %dma_wait3A_119 = arith.constant 0 : i32
      %dma_wait3A_120 = tpu.memref_slice %arg10[%add3A_21, %dma_wait3A_119] : memref<10112x128xf32, #tpu.memory_space<vmem_shared>> -> memref<128x128xf32, #tpu.memory_space<vmem_shared>>
      %dma_wait3A_121 = arith.constant 0 : i32
      %dma_wait3A_122 = arith.constant 0 : i32
      %dma_wait3A_123 = tpu.memref_slice %arg8[%run_scoped3A_22, %dma_wait3A_121, %dma_wait3A_122] : memref<2x128x128xf32, #tpu.memory_space<vmem>> -> memref<1x128x128xf32, #tpu.memory_space<vmem>>
      %dma_wait3A_124 = tpu.memref_squeeze %dma_wait3A_123 : memref<1x128x128xf32, #tpu.memory_space<vmem>> -> memref<128x128xf32, #tpu.memory_space<vmem>>
      tpu.wait_dma2 semaphore(%run_scoped3A_100 : memref<!tpu.dma_semaphore, #tpu.memory_space<semaphore_mem>>) src(%dma_wait3A_124 : memref<128x128xf32, #tpu.memory_space<vmem>>) dst(%dma_wait3A_120 : memref<128x128xf32, #tpu.memory_space<vmem_shared>>)
      tpu.yield
    }) : () -> ()
    %mul3A_23 = arith.constant 632 : i32
    %mul3A_24 = arith.muli %arg1, %mul3A_23 : i32
    %add3A_25 = arith.constant 256 : i32
    %add3A_26 = arith.addi %mul3A_24, %add3A_25 : i32
    %run_scoped3A_27 = arith.constant 0 : i32
    "tpu.region"() ({
      %run_scoped3A_100 = tpu.sem_alloc : memref<!tpu.dma_semaphore, #tpu.memory_space<semaphore_mem>>
      %dma_start3A_101 = arith.constant 0 : i32
      %dma_start3A_102 = arith.constant 0 : i32
      %dma_start3A_103 = tpu.memref_slice %arg8[%run_scoped3A_27, %dma_start3A_101, %dma_start3A_102] : memref<2x128x128xf32, #tpu.memory_space<vmem>> -> memref<1x128x128xf32, #tpu.memory_space<vmem>>
      %dma_start3A_104 = tpu.memref_squeeze %dma_start3A_103 : memref<1x128x128xf32, #tpu.memory_space<vmem>> -> memref<128x128xf32, #tpu.memory_space<vmem>>
      %dma_start3A_105 = arith.constant 0 : i32
      %dma_start3A_106 = tpu.memref_slice %arg10[%add3A_26, %dma_start3A_105] : memref<10112x128xf32, #tpu.memory_space<vmem_shared>> -> memref<128x128xf32, #tpu.memory_space<vmem_shared>>
      %dma_start3A_107 = arith.constant 0 : i32
      %dma_start3A_108 = tpu.memref_slice %arg10[%add3A_26, %dma_start3A_107] : memref<10112x128xf32, #tpu.memory_space<vmem_shared>> -> memref<128x128xf32, #tpu.memory_space<vmem_shared>>
      %dma_start3A_109 = arith.constant 0 : i32
      %dma_start3A_110 = arith.constant 0 : i32
      %dma_start3A_111 = tpu.memref_slice %arg8[%run_scoped3A_27, %dma_start3A_109, %dma_start3A_110] : memref<2x128x128xf32, #tpu.memory_space<vmem>> -> memref<1x128x128xf32, #tpu.memory_space<vmem>>
      %dma_start3A_112 = tpu.memref_squeeze %dma_start3A_111 : memref<1x128x128xf32, #tpu.memory_space<vmem>> -> memref<128x128xf32, #tpu.memory_space<vmem>>
      tpu.enqueue_dma source(%dma_start3A_112 : memref<128x128xf32, #tpu.memory_space<vmem>>) target(%dma_start3A_108 : memref<128x128xf32, #tpu.memory_space<vmem_shared>>) target_semaphore(%run_scoped3A_100 : memref<!tpu.dma_semaphore, #tpu.memory_space<semaphore_mem>>)
      %dma_wait3A_113 = arith.constant 0 : i32
      %dma_wait3A_114 = arith.constant 0 : i32
      %dma_wait3A_115 = tpu.memref_slice %arg8[%run_scoped3A_27, %dma_wait3A_113, %dma_wait3A_114] : memref<2x128x128xf32, #tpu.memory_space<vmem>> -> memref<1x128x128xf32, #tpu.memory_space<vmem>>
      %dma_wait3A_116 = tpu.memref_squeeze %dma_wait3A_115 : memref<1x128x128xf32, #tpu.memory_space<vmem>> -> memref<128x128xf32, #tpu.memory_space<vmem>>
      %dma_wait3A_117 = arith.constant 0 : i32
      %dma_wait3A_118 = tpu.memref_slice %arg10[%add3A_26, %dma_wait3A_117] : memref<10112x128xf32, #tpu.memory_space<vmem_shared>> -> memref<128x128xf32, #tpu.memory_space<vmem_shared>>
      %dma_wait3A_119 = arith.constant 0 : i32
      %dma_wait3A_120 = tpu.memref_slice %arg10[%add3A_26, %dma_wait3A_119] : memref<10112x128xf32, #tpu.memory_space<vmem_shared>> -> memref<128x128xf32, #tpu.memory_space<vmem_shared>>
      %dma_wait3A_121 = arith.constant 0 : i32
      %dma_wait3A_122 = arith.constant 0 : i32
      %dma_wait3A_123 = tpu.memref_slice %arg8[%run_scoped3A_27, %dma_wait3A_121, %dma_wait3A_122] : memref<2x128x128xf32, #tpu.memory_space<vmem>> -> memref<1x128x128xf32, #tpu.memory_space<vmem>>
      %dma_wait3A_124 = tpu.memref_squeeze %dma_wait3A_123 : memref<1x128x128xf32, #tpu.memory_space<vmem>> -> memref<128x128xf32, #tpu.memory_space<vmem>>
      tpu.wait_dma2 semaphore(%run_scoped3A_100 : memref<!tpu.dma_semaphore, #tpu.memory_space<semaphore_mem>>) src(%dma_wait3A_124 : memref<128x128xf32, #tpu.memory_space<vmem>>) dst(%dma_wait3A_120 : memref<128x128xf32, #tpu.memory_space<vmem_shared>>)
      tpu.yield
    }) : () -> ()
    %mul3A_28 = arith.constant 632 : i32
    %mul3A_29 = arith.muli %arg1, %mul3A_28 : i32
    %add3A_30 = arith.constant 384 : i32
    %add3A_31 = arith.addi %mul3A_29, %add3A_30 : i32
    %run_scoped3A_32 = arith.constant 0 : i32
    "tpu.region"() ({
      %run_scoped3A_100 = tpu.sem_alloc : memref<!tpu.dma_semaphore, #tpu.memory_space<semaphore_mem>>
      %dma_start3A_101 = arith.constant 0 : i32
      %dma_start3A_102 = arith.constant 0 : i32
      %dma_start3A_103 = tpu.memref_slice %arg8[%run_scoped3A_32, %dma_start3A_101, %dma_start3A_102] : memref<2x128x128xf32, #tpu.memory_space<vmem>> -> memref<1x128x128xf32, #tpu.memory_space<vmem>>
      %dma_start3A_104 = tpu.memref_squeeze %dma_start3A_103 : memref<1x128x128xf32, #tpu.memory_space<vmem>> -> memref<128x128xf32, #tpu.memory_space<vmem>>
      %dma_start3A_105 = arith.constant 0 : i32
      %dma_start3A_106 = tpu.memref_slice %arg10[%add3A_31, %dma_start3A_105] : memref<10112x128xf32, #tpu.memory_space<vmem_shared>> -> memref<128x128xf32, #tpu.memory_space<vmem_shared>>
      %dma_start3A_107 = arith.constant 0 : i32
      %dma_start3A_108 = tpu.memref_slice %arg10[%add3A_31, %dma_start3A_107] : memref<10112x128xf32, #tpu.memory_space<vmem_shared>> -> memref<128x128xf32, #tpu.memory_space<vmem_shared>>
      %dma_start3A_109 = arith.constant 0 : i32
      %dma_start3A_110 = arith.constant 0 : i32
      %dma_start3A_111 = tpu.memref_slice %arg8[%run_scoped3A_32, %dma_start3A_109, %dma_start3A_110] : memref<2x128x128xf32, #tpu.memory_space<vmem>> -> memref<1x128x128xf32, #tpu.memory_space<vmem>>
      %dma_start3A_112 = tpu.memref_squeeze %dma_start3A_111 : memref<1x128x128xf32, #tpu.memory_space<vmem>> -> memref<128x128xf32, #tpu.memory_space<vmem>>
      tpu.enqueue_dma source(%dma_start3A_112 : memref<128x128xf32, #tpu.memory_space<vmem>>) target(%dma_start3A_108 : memref<128x128xf32, #tpu.memory_space<vmem_shared>>) target_semaphore(%run_scoped3A_100 : memref<!tpu.dma_semaphore, #tpu.memory_space<semaphore_mem>>)
      %dma_wait3A_113 = arith.constant 0 : i32
      %dma_wait3A_114 = arith.constant 0 : i32
      %dma_wait3A_115 = tpu.memref_slice %arg8[%run_scoped3A_32, %dma_wait3A_113, %dma_wait3A_114] : memref<2x128x128xf32, #tpu.memory_space<vmem>> -> memref<1x128x128xf32, #tpu.memory_space<vmem>>
      %dma_wait3A_116 = tpu.memref_squeeze %dma_wait3A_115 : memref<1x128x128xf32, #tpu.memory_space<vmem>> -> memref<128x128xf32, #tpu.memory_space<vmem>>
      %dma_wait3A_117 = arith.constant 0 : i32
      %dma_wait3A_118 = tpu.memref_slice %arg10[%add3A_31, %dma_wait3A_117] : memref<10112x128xf32, #tpu.memory_space<vmem_shared>> -> memref<128x128xf32, #tpu.memory_space<vmem_shared>>
      %dma_wait3A_119 = arith.constant 0 : i32
      %dma_wait3A_120 = tpu.memref_slice %arg10[%add3A_31, %dma_wait3A_119] : memref<10112x128xf32, #tpu.memory_space<vmem_shared>> -> memref<128x128xf32, #tpu.memory_space<vmem_shared>>
      %dma_wait3A_121 = arith.constant 0 : i32
      %dma_wait3A_122 = arith.constant 0 : i32
      %dma_wait3A_123 = tpu.memref_slice %arg8[%run_scoped3A_32, %dma_wait3A_121, %dma_wait3A_122] : memref<2x128x128xf32, #tpu.memory_space<vmem>> -> memref<1x128x128xf32, #tpu.memory_space<vmem>>
      %dma_wait3A_124 = tpu.memref_squeeze %dma_wait3A_123 : memref<1x128x128xf32, #tpu.memory_space<vmem>> -> memref<128x128xf32, #tpu.memory_space<vmem>>
      tpu.wait_dma2 semaphore(%run_scoped3A_100 : memref<!tpu.dma_semaphore, #tpu.memory_space<semaphore_mem>>) src(%dma_wait3A_124 : memref<128x128xf32, #tpu.memory_space<vmem>>) dst(%dma_wait3A_120 : memref<128x128xf32, #tpu.memory_space<vmem_shared>>)
      tpu.yield
    }) : () -> ()
    %mul3A_33 = arith.constant 632 : i32
    %mul3A_34 = arith.muli %arg1, %mul3A_33 : i32
    %add3A_35 = arith.constant 512 : i32
    %add3A_36 = arith.addi %mul3A_34, %add3A_35 : i32
    %run_scoped3A_37 = arith.constant 0 : i32
    "tpu.region"() ({
      %run_scoped3A_100 = tpu.sem_alloc : memref<!tpu.dma_semaphore, #tpu.memory_space<semaphore_mem>>
      %dma_start3A_101 = arith.constant 0 : i32
      %dma_start3A_102 = arith.constant 0 : i32
      %dma_start3A_103 = tpu.memref_slice %arg8[%run_scoped3A_37, %dma_start3A_101, %dma_start3A_102] : memref<2x128x128xf32, #tpu.memory_space<vmem>> -> memref<1x120x128xf32, #tpu.memory_space<vmem>>
      %dma_start3A_104 = tpu.memref_squeeze %dma_start3A_103 : memref<1x120x128xf32, #tpu.memory_space<vmem>> -> memref<120x128xf32, #tpu.memory_space<vmem>>
      %dma_start3A_105 = arith.constant 0 : i32
      %dma_start3A_106 = tpu.memref_slice %arg10[%add3A_36, %dma_start3A_105] : memref<10112x128xf32, #tpu.memory_space<vmem_shared>> -> memref<120x128xf32, #tpu.memory_space<vmem_shared>>
      %dma_start3A_107 = arith.constant 0 : i32
      %dma_start3A_108 = tpu.memref_slice %arg10[%add3A_36, %dma_start3A_107] : memref<10112x128xf32, #tpu.memory_space<vmem_shared>> -> memref<120x128xf32, #tpu.memory_space<vmem_shared>>
      %dma_start3A_109 = arith.constant 0 : i32
      %dma_start3A_110 = arith.constant 0 : i32
      %dma_start3A_111 = tpu.memref_slice %arg8[%run_scoped3A_37, %dma_start3A_109, %dma_start3A_110] : memref<2x128x128xf32, #tpu.memory_space<vmem>> -> memref<1x120x128xf32, #tpu.memory_space<vmem>>
      %dma_start3A_112 = tpu.memref_squeeze %dma_start3A_111 : memref<1x120x128xf32, #tpu.memory_space<vmem>> -> memref<120x128xf32, #tpu.memory_space<vmem>>
      tpu.enqueue_dma source(%dma_start3A_112 : memref<120x128xf32, #tpu.memory_space<vmem>>) target(%dma_start3A_108 : memref<120x128xf32, #tpu.memory_space<vmem_shared>>) target_semaphore(%run_scoped3A_100 : memref<!tpu.dma_semaphore, #tpu.memory_space<semaphore_mem>>)
      %dma_wait3A_113 = arith.constant 0 : i32
      %dma_wait3A_114 = arith.constant 0 : i32
      %dma_wait3A_115 = tpu.memref_slice %arg8[%run_scoped3A_37, %dma_wait3A_113, %dma_wait3A_114] : memref<2x128x128xf32, #tpu.memory_space<vmem>> -> memref<1x120x128xf32, #tpu.memory_space<vmem>>
      %dma_wait3A_116 = tpu.memref_squeeze %dma_wait3A_115 : memref<1x120x128xf32, #tpu.memory_space<vmem>> -> memref<120x128xf32, #tpu.memory_space<vmem>>
      %dma_wait3A_117 = arith.constant 0 : i32
      %dma_wait3A_118 = tpu.memref_slice %arg10[%add3A_36, %dma_wait3A_117] : memref<10112x128xf32, #tpu.memory_space<vmem_shared>> -> memref<120x128xf32, #tpu.memory_space<vmem_shared>>
      %dma_wait3A_119 = arith.constant 0 : i32
      %dma_wait3A_120 = tpu.memref_slice %arg10[%add3A_36, %dma_wait3A_119] : memref<10112x128xf32, #tpu.memory_space<vmem_shared>> -> memref<120x128xf32, #tpu.memory_space<vmem_shared>>
      %dma_wait3A_121 = arith.constant 0 : i32
      %dma_wait3A_122 = arith.constant 0 : i32
      %dma_wait3A_123 = tpu.memref_slice %arg8[%run_scoped3A_37, %dma_wait3A_121, %dma_wait3A_122] : memref<2x128x128xf32, #tpu.memory_space<vmem>> -> memref<1x120x128xf32, #tpu.memory_space<vmem>>
      %dma_wait3A_124 = tpu.memref_squeeze %dma_wait3A_123 : memref<1x120x128xf32, #tpu.memory_space<vmem>> -> memref<120x128xf32, #tpu.memory_space<vmem>>
      tpu.wait_dma2 semaphore(%run_scoped3A_100 : memref<!tpu.dma_semaphore, #tpu.memory_space<semaphore_mem>>) src(%dma_wait3A_124 : memref<120x128xf32, #tpu.memory_space<vmem>>) dst(%dma_wait3A_120 : memref<120x128xf32, #tpu.memory_space<vmem_shared>>)
      tpu.yield
    }) : () -> ()
    %barrier3A = arith.constant 0 : index
    tpu.barrier barrier_id(%barrier3A)
    %iota3A = tpu.iota {dimensions = array<i32: 0>} : vector<16xi32>
    %eq3A = arith.constant 0 : i32
    %eq3A_38 = vector.broadcast %eq3A : i32 to vector<16xi32>
    %eq3A_39 = arith.cmpi eq, %iota3A, %eq3A_38 : vector<16xi32>
    %jit3A_40 = arith.constant 1.000000e+00 : f32
    %jit3A_41 = arith.constant 0.000000e+00 : f32
    %broadcast_in_dim3A_42 = vector.broadcast %jit3A_40 : f32 to vector<16xf32>
    %broadcast_in_dim3A_43 = vector.broadcast %jit3A_41 : f32 to vector<16xf32>
    %select_n3A_44 = arith.select %eq3A_39, %broadcast_in_dim3A_42, %broadcast_in_dim3A_43 : vector<16xi1>, vector<16xf32>
    %broadcast_in_dim3A_45 = arith.constant 127 : i32
    %broadcast_in_dim3A_46 = vector.broadcast %broadcast_in_dim3A_45 : i32 to vector<16xi32>
    %mul3A_47 = arith.constant 643072 : i32
    %mul3A_48 = arith.muli %arg0, %mul3A_47 : i32
    %mul3A_49 = arith.constant 2 : i32
    %mul3A_50 = arith.muli %add3A, %mul3A_49 : i32
    %mul3A_51 = arith.constant 128 : i32
    %mul3A_52 = arith.muli %mul3A_50, %mul3A_51 : i32
    %add3A_53 = arith.addi %mul3A_48, %mul3A_52 : i32
    %run_scoped3A_54 = arith.constant 0 : i32
    "tpu.region"() ({
      %run_scoped3A_100 = tpu.sem_alloc : memref<!tpu.dma_semaphore, #tpu.memory_space<semaphore_mem>>
      %dma_start3A_101 = arith.constant 0 : i32
      %dma_start3A_102 = tpu.memref_slice %arg7[%run_scoped3A_54, %dma_start3A_101] : memref<2x2048xi32, #tpu.memory_space<vmem>> -> memref<1x2048xi32, #tpu.memory_space<vmem>>
      %dma_start3A_103 = tpu.memref_squeeze %dma_start3A_102 : memref<1x2048xi32, #tpu.memory_space<vmem>> -> memref<2048xi32, #tpu.memory_space<vmem>>
      %dma_start3A_104 = tpu.memref_slice %arg4[%add3A_53] : memref<1286144xi32, #tpu.memory_space<hbm>> -> memref<2048xi32, #tpu.memory_space<hbm>>
      %dma_start3A_105 = arith.constant 0 : i32
      %dma_start3A_106 = tpu.memref_slice %arg7[%run_scoped3A_54, %dma_start3A_105] : memref<2x2048xi32, #tpu.memory_space<vmem>> -> memref<1x2048xi32, #tpu.memory_space<vmem>>
      %dma_start3A_107 = tpu.memref_squeeze %dma_start3A_106 : memref<1x2048xi32, #tpu.memory_space<vmem>> -> memref<2048xi32, #tpu.memory_space<vmem>>
      %dma_start3A_108 = tpu.memref_slice %arg4[%add3A_53] : memref<1286144xi32, #tpu.memory_space<hbm>> -> memref<2048xi32, #tpu.memory_space<hbm>>
      tpu.enqueue_dma source(%dma_start3A_108 : memref<2048xi32, #tpu.memory_space<hbm>>) target(%dma_start3A_107 : memref<2048xi32, #tpu.memory_space<vmem>>) target_semaphore(%run_scoped3A_100 : memref<!tpu.dma_semaphore, #tpu.memory_space<semaphore_mem>>)
      %dma_wait3A_109 = arith.constant 0 : i32
      %dma_wait3A_110 = tpu.memref_slice %arg7[%run_scoped3A_54, %dma_wait3A_109] : memref<2x2048xi32, #tpu.memory_space<vmem>> -> memref<1x2048xi32, #tpu.memory_space<vmem>>
      %dma_wait3A_111 = tpu.memref_squeeze %dma_wait3A_110 : memref<1x2048xi32, #tpu.memory_space<vmem>> -> memref<2048xi32, #tpu.memory_space<vmem>>
      %dma_wait3A_112 = tpu.memref_slice %arg4[%add3A_53] : memref<1286144xi32, #tpu.memory_space<hbm>> -> memref<2048xi32, #tpu.memory_space<hbm>>
      %dma_wait3A_113 = arith.constant 0 : i32
      %dma_wait3A_114 = tpu.memref_slice %arg7[%run_scoped3A_54, %dma_wait3A_113] : memref<2x2048xi32, #tpu.memory_space<vmem>> -> memref<1x2048xi32, #tpu.memory_space<vmem>>
      %dma_wait3A_115 = tpu.memref_squeeze %dma_wait3A_114 : memref<1x2048xi32, #tpu.memory_space<vmem>> -> memref<2048xi32, #tpu.memory_space<vmem>>
      %dma_wait3A_116 = tpu.memref_slice %arg4[%add3A_53] : memref<1286144xi32, #tpu.memory_space<hbm>> -> memref<2048xi32, #tpu.memory_space<hbm>>
      tpu.wait_dma2 semaphore(%run_scoped3A_100 : memref<!tpu.dma_semaphore, #tpu.memory_space<semaphore_mem>>) src(%dma_wait3A_116 : memref<2048xi32, #tpu.memory_space<hbm>>) dst(%dma_wait3A_115 : memref<2048xi32, #tpu.memory_space<vmem>>)
      tpu.yield
    }) : () -> ()
    %dma_start3A = arith.constant 0 : i32
    %dma_start3A_55 = arith.constant 0 : i32
    %dma_start3A_56 = arith.constant 0 : i32
    %dma_start3A_57 = arith.constant 0 : i32
    %dma_start3A_58 = arith.constant 0 : i32
    %dma_start3A_59 = tpu.memref_slice %arg8[%dma_start3A_55, %dma_start3A_57, %dma_start3A_58] : memref<2x128x128xf32, #tpu.memory_space<vmem>> -> memref<1x128x128xf32, #tpu.memory_space<vmem>>
    %dma_start3A_60 = tpu.memref_squeeze %dma_start3A_59 : memref<1x128x128xf32, #tpu.memory_space<vmem>> -> memref<128x128xf32, #tpu.memory_space<vmem>>
    %dma_start3A_61 = arith.constant 0 : i32
    %dma_start3A_62 = tpu.memref_slice %arg7[%dma_start3A, %dma_start3A_61] : memref<2x2048xi32, #tpu.memory_space<vmem>> -> memref<1x128xi32, #tpu.memory_space<vmem>>
    %dma_start3A_63 = tpu.memref_squeeze %dma_start3A_62 : memref<1x128xi32, #tpu.memory_space<vmem>> -> memref<128xi32, #tpu.memory_space<vmem>>
    %dma_start3A_64 = arith.constant 0 : i32
    %dma_start3A_65 = arith.constant 0 : i32
    %dma_start3A_66 = tpu.memref_slice %arg2[%dma_start3A_64, %dma_start3A_65] : memref<20224x128xf32, #tpu.memory_space<hbm>> -> memref<20224x128xf32, #tpu.memory_space<hbm>>
    %dma_start3A_67 = tpu.memref_slice %arg11[%dma_start3A_56] : memref<3x!tpu.dma_semaphore, #tpu.memory_space<semaphore_mem>> -> memref<1x!tpu.dma_semaphore, #tpu.memory_space<semaphore_mem>>
    %dma_start3A_68 = tpu.memref_squeeze %dma_start3A_67 : memref<1x!tpu.dma_semaphore, #tpu.memory_space<semaphore_mem>> -> memref<!tpu.dma_semaphore, #tpu.memory_space<semaphore_mem>>
    tpu.enqueue_indirect_dma source(%dma_start3A_66 : memref<20224x128xf32, #tpu.memory_space<hbm>>) target(%dma_start3A_60 : memref<128x128xf32, #tpu.memory_space<vmem>>) offsets(%dma_start3A_63 : memref<128xi32, #tpu.memory_space<vmem>>) semaphore(%dma_start3A_68 : memref<!tpu.dma_semaphore, #tpu.memory_space<semaphore_mem>>)
    %while3A = arith.constant 0 : i32
    %while3A_69 = arith.constant 0 : i32
    %while3A_70 = arith.subi %add3A_7, %while3A_69 : i32
    %while3A_71 = arith.addi %while3A_69, %while3A_70 : i32
    %while3A_72 = arith.constant 1 : i32
    %while3A_73 = arith.divsi %while3A_70, %while3A_72 : i32
    %while3A_74 = arith.muli %while3A_73, %while3A_72 : i32
    %while3A_75 = arith.addi %while3A_69, %while3A_74 : i32
    %while3A_76 = arith.constant 1 : i32
    scf.for %while3A_100 = %while3A_69 to %while3A_75 step %while3A_76  : i32 {
      %and3A = arith.constant 1 : i32
      %and3A_101 = arith.andi %while3A_100, %and3A : i32
      %shift_right_logical3A = arith.constant 3 : i32
      %shift_right_logical3A_102 = arith.shrui %while3A_100, %shift_right_logical3A : i32
      %and3A_103 = arith.constant 1 : i32
      %and3A_104 = arith.andi %shift_right_logical3A_102, %and3A_103 : i32
      %and3A_105 = arith.constant 7 : i32
      %and3A_106 = arith.andi %while3A_100, %and3A_105 : i32
      %mul3A_107 = arith.constant 2 : i32
      %mul3A_108 = arith.muli %and3A_106, %mul3A_107 : i32
      %mul3A_109 = arith.constant 128 : i32
      %mul3A_110 = arith.muli %mul3A_108, %mul3A_109 : i32
      %gt3A = arith.constant 0 : i32
      %gt3A_111 = arith.cmpi sgt, %while3A_100, %gt3A : i32
      %convert_element_type3A = arith.extui %gt3A_111 : i1 to i32
      %cond3A = arith.constant 0 : i32
      %cond3A_112 = arith.cmpi ne, %convert_element_type3A, %cond3A : i32
      scf.if %cond3A_112 {
        %sub3A = arith.constant 1 : i32
        %sub3A_385 = arith.subi %sub3A, %and3A_101 : i32
        %dma_wait3A_386 = arith.constant 1 : i32
        %dma_wait3A_387 = arith.constant 0 : i32
        %dma_wait3A_388 = arith.constant 0 : i32
        %dma_wait3A_389 = tpu.memref_slice %arg8[%sub3A_385, %dma_wait3A_387, %dma_wait3A_388] : memref<2x128x128xf32, #tpu.memory_space<vmem>> -> memref<1x128x128xf32, #tpu.memory_space<vmem>>
        %dma_wait3A_390 = tpu.memref_squeeze %dma_wait3A_389 : memref<1x128x128xf32, #tpu.memory_space<vmem>> -> memref<128x128xf32, #tpu.memory_space<vmem>>
        %dma_wait3A_391 = arith.constant 0 : i32
        %dma_wait3A_392 = tpu.memref_slice %arg7[%and3A_104, %dma_wait3A_391] : memref<2x2048xi32, #tpu.memory_space<vmem>> -> memref<1x128xi32, #tpu.memory_space<vmem>>
        %dma_wait3A_393 = tpu.memref_squeeze %dma_wait3A_392 : memref<1x128xi32, #tpu.memory_space<vmem>> -> memref<128xi32, #tpu.memory_space<vmem>>
        %dma_wait3A_394 = arith.constant 0 : i32
        %dma_wait3A_395 = arith.constant 0 : i32
        %dma_wait3A_396 = tpu.memref_slice %arg10[%dma_wait3A_394, %dma_wait3A_395] : memref<10112x128xf32, #tpu.memory_space<vmem_shared>> -> memref<10112x128xf32, #tpu.memory_space<vmem_shared>>
        %dma_wait3A_397 = tpu.memref_slice %arg11[%dma_wait3A_386] : memref<3x!tpu.dma_semaphore, #tpu.memory_space<semaphore_mem>> -> memref<1x!tpu.dma_semaphore, #tpu.memory_space<semaphore_mem>>
        %dma_wait3A_398 = tpu.memref_squeeze %dma_wait3A_397 : memref<1x!tpu.dma_semaphore, #tpu.memory_space<semaphore_mem>> -> memref<!tpu.dma_semaphore, #tpu.memory_space<semaphore_mem>>
        tpu.wait_indirect_dma semaphore(%dma_wait3A_398 : memref<!tpu.dma_semaphore, #tpu.memory_space<semaphore_mem>>) src(%dma_wait3A_390 : memref<128x128xf32, #tpu.memory_space<vmem>>) dst(%dma_wait3A_396 : memref<10112x128xf32, #tpu.memory_space<vmem_shared>>)
      } else {
      }
      %eq3A_113 = arith.constant 2 : i32
      %eq3A_114 = arith.cmpi eq, %and3A_106, %eq3A_113 : i32
      %lt3A_115 = arith.constant 19 : i32
      %lt3A_116 = arith.cmpi slt, %shift_right_logical3A_102, %lt3A_115 : i32
      %and3A_117 = arith.andi %eq3A_114, %lt3A_116 : i1
      %convert_element_type3A_118 = arith.extui %and3A_117 : i1 to i32
      %cond3A_119 = arith.constant 0 : i32
      %cond3A_120 = arith.cmpi ne, %convert_element_type3A_118, %cond3A_119 : i32
      scf.if %cond3A_120 {
        %add3A_385 = arith.constant 1 : i32
        %add3A_386 = arith.addi %shift_right_logical3A_102, %add3A_385 : i32
        %mul3A_387 = arith.constant 8 : i32
        %mul3A_388 = arith.muli %add3A_386, %mul3A_387 : i32
        %add3A_389 = arith.addi %add3A, %mul3A_388 : i32
        %mul3A_390 = arith.constant 2 : i32
        %mul3A_391 = arith.muli %add3A_389, %mul3A_390 : i32
        %mul3A_392 = arith.constant 128 : i32
        %mul3A_393 = arith.muli %mul3A_391, %mul3A_392 : i32
        %add3A_394 = arith.addi %mul3A_48, %mul3A_393 : i32
        %sub3A = arith.constant 1 : i32
        %sub3A_395 = arith.subi %sub3A, %and3A_104 : i32
        %dma_start3A_396 = arith.constant 2 : i32
        %dma_start3A_397 = arith.constant 0 : i32
        %dma_start3A_398 = tpu.memref_slice %arg7[%sub3A_395, %dma_start3A_397] : memref<2x2048xi32, #tpu.memory_space<vmem>> -> memref<1x2048xi32, #tpu.memory_space<vmem>>
        %dma_start3A_399 = tpu.memref_squeeze %dma_start3A_398 : memref<1x2048xi32, #tpu.memory_space<vmem>> -> memref<2048xi32, #tpu.memory_space<vmem>>
        %dma_start3A_400 = tpu.memref_slice %arg4[%add3A_394] : memref<1286144xi32, #tpu.memory_space<hbm>> -> memref<2048xi32, #tpu.memory_space<hbm>>
        %dma_start3A_401 = tpu.memref_slice %arg11[%dma_start3A_396] : memref<3x!tpu.dma_semaphore, #tpu.memory_space<semaphore_mem>> -> memref<1x!tpu.dma_semaphore, #tpu.memory_space<semaphore_mem>>
        %dma_start3A_402 = tpu.memref_squeeze %dma_start3A_401 : memref<1x!tpu.dma_semaphore, #tpu.memory_space<semaphore_mem>> -> memref<!tpu.dma_semaphore, #tpu.memory_space<semaphore_mem>>
        %dma_start3A_403 = arith.constant 0 : i32
        %dma_start3A_404 = tpu.memref_slice %arg7[%sub3A_395, %dma_start3A_403] : memref<2x2048xi32, #tpu.memory_space<vmem>> -> memref<1x2048xi32, #tpu.memory_space<vmem>>
        %dma_start3A_405 = tpu.memref_squeeze %dma_start3A_404 : memref<1x2048xi32, #tpu.memory_space<vmem>> -> memref<2048xi32, #tpu.memory_space<vmem>>
        %dma_start3A_406 = tpu.memref_slice %arg4[%add3A_394] : memref<1286144xi32, #tpu.memory_space<hbm>> -> memref<2048xi32, #tpu.memory_space<hbm>>
        tpu.enqueue_dma source(%dma_start3A_406 : memref<2048xi32, #tpu.memory_space<hbm>>) target(%dma_start3A_405 : memref<2048xi32, #tpu.memory_space<vmem>>) target_semaphore(%dma_start3A_402 : memref<!tpu.dma_semaphore, #tpu.memory_space<semaphore_mem>>)
      } else {
      }
      %dma_wait3A_121 = arith.constant 0 : i32
      %dma_wait3A_122 = arith.constant 0 : i32
      %dma_wait3A_123 = arith.constant 0 : i32
      %dma_wait3A_124 = tpu.memref_slice %arg8[%and3A_101, %dma_wait3A_122, %dma_wait3A_123] : memref<2x128x128xf32, #tpu.memory_space<vmem>> -> memref<1x128x128xf32, #tpu.memory_space<vmem>>
      %dma_wait3A_125 = tpu.memref_squeeze %dma_wait3A_124 : memref<1x128x128xf32, #tpu.memory_space<vmem>> -> memref<128x128xf32, #tpu.memory_space<vmem>>
      %dma_wait3A_126 = tpu.memref_slice %arg7[%and3A_104, %mul3A_110] : memref<2x2048xi32, #tpu.memory_space<vmem>> -> memref<1x128xi32, #tpu.memory_space<vmem>>
      %dma_wait3A_127 = tpu.memref_squeeze %dma_wait3A_126 : memref<1x128xi32, #tpu.memory_space<vmem>> -> memref<128xi32, #tpu.memory_space<vmem>>
      %dma_wait3A_128 = arith.constant 0 : i32
      %dma_wait3A_129 = arith.constant 0 : i32
      %dma_wait3A_130 = tpu.memref_slice %arg2[%dma_wait3A_128, %dma_wait3A_129] : memref<20224x128xf32, #tpu.memory_space<hbm>> -> memref<20224x128xf32, #tpu.memory_space<hbm>>
      %dma_wait3A_131 = tpu.memref_slice %arg11[%dma_wait3A_121] : memref<3x!tpu.dma_semaphore, #tpu.memory_space<semaphore_mem>> -> memref<1x!tpu.dma_semaphore, #tpu.memory_space<semaphore_mem>>
      %dma_wait3A_132 = tpu.memref_squeeze %dma_wait3A_131 : memref<1x!tpu.dma_semaphore, #tpu.memory_space<semaphore_mem>> -> memref<!tpu.dma_semaphore, #tpu.memory_space<semaphore_mem>>
      tpu.wait_indirect_dma semaphore(%dma_wait3A_132 : memref<!tpu.dma_semaphore, #tpu.memory_space<semaphore_mem>>) src(%dma_wait3A_130 : memref<20224x128xf32, #tpu.memory_space<hbm>>) dst(%dma_wait3A_125 : memref<128x128xf32, #tpu.memory_space<vmem>>)
      %add3A_133 = arith.constant 1 : i32
      %add3A_134 = arith.addi %while3A_100, %add3A_133 : i32
      %shift_right_logical3A_135 = arith.constant 3 : i32
      %shift_right_logical3A_136 = arith.shrui %add3A_134, %shift_right_logical3A_135 : i32
      %and3A_137 = arith.constant 1 : i32
      %and3A_138 = arith.andi %shift_right_logical3A_136, %and3A_137 : i32
      %add3A_139 = arith.constant 1 : i32
      %add3A_140 = arith.addi %while3A_100, %add3A_139 : i32
      %and3A_141 = arith.constant 7 : i32
      %and3A_142 = arith.andi %add3A_140, %and3A_141 : i32
      %mul3A_143 = arith.constant 2 : i32
      %mul3A_144 = arith.muli %and3A_142, %mul3A_143 : i32
      %mul3A_145 = arith.constant 128 : i32
      %mul3A_146 = arith.muli %mul3A_144, %mul3A_145 : i32
      %add3A_147 = arith.constant 1 : i32
      %add3A_148 = arith.addi %while3A_100, %add3A_147 : i32
      %lt3A_149 = arith.cmpi slt, %add3A_148, %add3A_7 : i32
      %eq3A_150 = arith.constant 0 : i32
      %eq3A_151 = arith.cmpi eq, %mul3A_146, %eq3A_150 : i32
      %and3A_152 = arith.andi %lt3A_149, %eq3A_151 : i1
      %convert_element_type3A_153 = arith.extui %and3A_152 : i1 to i32
      %cond3A_154 = arith.constant 0 : i32
      %cond3A_155 = arith.cmpi ne, %convert_element_type3A_153, %cond3A_154 : i32
      scf.if %cond3A_155 {
        %add3A_385 = arith.constant 1 : i32
        %add3A_386 = arith.addi %shift_right_logical3A_102, %add3A_385 : i32
        %mul3A_387 = arith.constant 8 : i32
        %mul3A_388 = arith.muli %add3A_386, %mul3A_387 : i32
        %add3A_389 = arith.addi %add3A, %mul3A_388 : i32
        %mul3A_390 = arith.constant 2 : i32
        %mul3A_391 = arith.muli %add3A_389, %mul3A_390 : i32
        %mul3A_392 = arith.constant 128 : i32
        %mul3A_393 = arith.muli %mul3A_391, %mul3A_392 : i32
        %add3A_394 = arith.addi %mul3A_48, %mul3A_393 : i32
        %dma_wait3A_395 = arith.constant 2 : i32
        %dma_wait3A_396 = arith.constant 0 : i32
        %dma_wait3A_397 = tpu.memref_slice %arg7[%and3A_138, %dma_wait3A_396] : memref<2x2048xi32, #tpu.memory_space<vmem>> -> memref<1x2048xi32, #tpu.memory_space<vmem>>
        %dma_wait3A_398 = tpu.memref_squeeze %dma_wait3A_397 : memref<1x2048xi32, #tpu.memory_space<vmem>> -> memref<2048xi32, #tpu.memory_space<vmem>>
        %dma_wait3A_399 = tpu.memref_slice %arg4[%add3A_394] : memref<1286144xi32, #tpu.memory_space<hbm>> -> memref<2048xi32, #tpu.memory_space<hbm>>
        %dma_wait3A_400 = tpu.memref_slice %arg11[%dma_wait3A_395] : memref<3x!tpu.dma_semaphore, #tpu.memory_space<semaphore_mem>> -> memref<1x!tpu.dma_semaphore, #tpu.memory_space<semaphore_mem>>
        %dma_wait3A_401 = tpu.memref_squeeze %dma_wait3A_400 : memref<1x!tpu.dma_semaphore, #tpu.memory_space<semaphore_mem>> -> memref<!tpu.dma_semaphore, #tpu.memory_space<semaphore_mem>>
        %dma_wait3A_402 = arith.constant 0 : i32
        %dma_wait3A_403 = tpu.memref_slice %arg7[%and3A_138, %dma_wait3A_402] : memref<2x2048xi32, #tpu.memory_space<vmem>> -> memref<1x2048xi32, #tpu.memory_space<vmem>>
        %dma_wait3A_404 = tpu.memref_squeeze %dma_wait3A_403 : memref<1x2048xi32, #tpu.memory_space<vmem>> -> memref<2048xi32, #tpu.memory_space<vmem>>
        %dma_wait3A_405 = tpu.memref_slice %arg4[%add3A_394] : memref<1286144xi32, #tpu.memory_space<hbm>> -> memref<2048xi32, #tpu.memory_space<hbm>>
        tpu.wait_dma2 semaphore(%dma_wait3A_401 : memref<!tpu.dma_semaphore, #tpu.memory_space<semaphore_mem>>) src(%dma_wait3A_405 : memref<2048xi32, #tpu.memory_space<hbm>>) dst(%dma_wait3A_404 : memref<2048xi32, #tpu.memory_space<vmem>>)
      } else {
      }
      %add3A_156 = arith.constant 1 : i32
      %add3A_157 = arith.addi %while3A_100, %add3A_156 : i32
      %lt3A_158 = arith.cmpi slt, %add3A_157, %add3A_7 : i32
      %convert_element_type3A_159 = arith.extui %lt3A_158 : i1 to i32
      %cond3A_160 = arith.constant 0 : i32
      %cond3A_161 = arith.cmpi ne, %convert_element_type3A_159, %cond3A_160 : i32
      scf.if %cond3A_161 {
        %sub3A = arith.constant 1 : i32
        %sub3A_385 = arith.subi %sub3A, %and3A_101 : i32
        %dma_start3A_386 = arith.constant 0 : i32
        %dma_start3A_387 = arith.constant 0 : i32
        %dma_start3A_388 = arith.constant 0 : i32
        %dma_start3A_389 = tpu.memref_slice %arg8[%sub3A_385, %dma_start3A_387, %dma_start3A_388] : memref<2x128x128xf32, #tpu.memory_space<vmem>> -> memref<1x128x128xf32, #tpu.memory_space<vmem>>
        %dma_start3A_390 = tpu.memref_squeeze %dma_start3A_389 : memref<1x128x128xf32, #tpu.memory_space<vmem>> -> memref<128x128xf32, #tpu.memory_space<vmem>>
        %dma_start3A_391 = tpu.memref_slice %arg7[%and3A_138, %mul3A_146] : memref<2x2048xi32, #tpu.memory_space<vmem>> -> memref<1x128xi32, #tpu.memory_space<vmem>>
        %dma_start3A_392 = tpu.memref_squeeze %dma_start3A_391 : memref<1x128xi32, #tpu.memory_space<vmem>> -> memref<128xi32, #tpu.memory_space<vmem>>
        %dma_start3A_393 = arith.constant 0 : i32
        %dma_start3A_394 = arith.constant 0 : i32
        %dma_start3A_395 = tpu.memref_slice %arg2[%dma_start3A_393, %dma_start3A_394] : memref<20224x128xf32, #tpu.memory_space<hbm>> -> memref<20224x128xf32, #tpu.memory_space<hbm>>
        %dma_start3A_396 = tpu.memref_slice %arg11[%dma_start3A_386] : memref<3x!tpu.dma_semaphore, #tpu.memory_space<semaphore_mem>> -> memref<1x!tpu.dma_semaphore, #tpu.memory_space<semaphore_mem>>
        %dma_start3A_397 = tpu.memref_squeeze %dma_start3A_396 : memref<1x!tpu.dma_semaphore, #tpu.memory_space<semaphore_mem>> -> memref<!tpu.dma_semaphore, #tpu.memory_space<semaphore_mem>>
        tpu.enqueue_indirect_dma source(%dma_start3A_395 : memref<20224x128xf32, #tpu.memory_space<hbm>>) target(%dma_start3A_390 : memref<128x128xf32, #tpu.memory_space<vmem>>) offsets(%dma_start3A_392 : memref<128xi32, #tpu.memory_space<vmem>>) semaphore(%dma_start3A_397 : memref<!tpu.dma_semaphore, #tpu.memory_space<semaphore_mem>>)
      } else {
      }
      %broadcast_in_dim3A_162 = vector.broadcast %and3A_101 : i32 to vector<16xi32>
      %add3A_163 = arith.constant 128 : i32
      %add3A_164 = arith.addi %mul3A_110, %add3A_163 : i32
      %add3A_165 = arith.constant 0 : i32
      %add3A_166 = arith.addi %add3A_164, %add3A_165 : i32
      %get3A = arith.index_cast %and3A_104 : i32 to index
      %get3A_167 = arith.index_cast %add3A_166 : i32 to index
      %get3A_168 = tpu.vector_load %arg7[%get3A, %get3A_167] {strides = array<i32>} : memref<2x2048xi32, #tpu.memory_space<vmem>>, vector<16xi32>,
      %add3A_169 = arith.constant 0 : i32
      %add3A_170 = vector.broadcast %add3A_169 : i32 to vector<16xi32>
      %add3A_171 = arith.addi %iota3A, %add3A_170 : vector<16xi32>
      %gather3A = tpu.vector_load_idx %arg8[%broadcast_in_dim3A_162, %add3A_171, %broadcast_in_dim3A_46] : memref<2x128x128xf32, #tpu.memory_space<vmem>>[vector<16xi32>, vector<16xi32>, vector<16xi32>], vector<16xf32>,
      %gather3A_172 = tpu.vector_load_idx %arg6[%get3A_168] : memref<10112xf32, #tpu.memory_space<vmem>>[vector<16xi32>], vector<16xf32>,
      %add3A_173 = arith.addf %gather3A, %gather3A_172 : vector<16xf32>
      %neg3A = arith.constant 0.000000e+00 : f32
      %neg3A_174 = vector.broadcast %neg3A : f32 to vector<16xf32>
      %neg3A_175 = arith.subf %neg3A_174, %add3A_173 : vector<16xf32>
      %exp3A = math.exp %neg3A_175 : vector<16xf32>
      %add3A_176 = arith.constant 1.000000e+00 : f32
      %add3A_177 = vector.broadcast %add3A_176 : f32 to vector<16xf32>
      %add3A_178 = arith.addf %add3A_177, %exp3A : vector<16xf32>
      %div3A = arith.constant 1.000000e+00 : f32
      %div3A_179 = vector.broadcast %div3A : f32 to vector<16xf32>
      %div3A_180 = arith.divf %div3A_179, %add3A_178 : vector<16xf32>
      %exp3A_181 = math.exp %div3A_180 : vector<16xf32>
      %swap3A = arith.constant 0 : index
      %swap3A_182 = tpu.vector_load %arg9[%swap3A] {strides = array<i32>} : memref<128xf32, #tpu.memory_space<vmem>>, vector<16xf32>,
      tpu.vector_store %arg9[%swap3A], %exp3A_181 {strides = array<i32>} : memref<128xf32, #tpu.memory_space<vmem>>, vector<16xf32>,
      %add3A_183 = arith.constant 128 : i32
      %add3A_184 = arith.addi %mul3A_110, %add3A_183 : i32
      %add3A_185 = arith.constant 16 : i32
      %add3A_186 = arith.addi %add3A_184, %add3A_185 : i32
      %get3A_187 = arith.index_cast %and3A_104 : i32 to index
      %get3A_188 = arith.index_cast %add3A_186 : i32 to index
      %get3A_189 = tpu.vector_load %arg7[%get3A_187, %get3A_188] {strides = array<i32>} : memref<2x2048xi32, #tpu.memory_space<vmem>>, vector<16xi32>,
      %add3A_190 = arith.constant 16 : i32
      %add3A_191 = vector.broadcast %add3A_190 : i32 to vector<16xi32>
      %add3A_192 = arith.addi %iota3A, %add3A_191 : vector<16xi32>
      %gather3A_193 = tpu.vector_load_idx %arg8[%broadcast_in_dim3A_162, %add3A_192, %broadcast_in_dim3A_46] : memref<2x128x128xf32, #tpu.memory_space<vmem>>[vector<16xi32>, vector<16xi32>, vector<16xi32>], vector<16xf32>,
      %gather3A_194 = tpu.vector_load_idx %arg6[%get3A_189] : memref<10112xf32, #tpu.memory_space<vmem>>[vector<16xi32>], vector<16xf32>,
      %add3A_195 = arith.addf %gather3A_193, %gather3A_194 : vector<16xf32>
      %neg3A_196 = arith.constant 0.000000e+00 : f32
      %neg3A_197 = vector.broadcast %neg3A_196 : f32 to vector<16xf32>
      %neg3A_198 = arith.subf %neg3A_197, %add3A_195 : vector<16xf32>
      %exp3A_199 = math.exp %neg3A_198 : vector<16xf32>
      %add3A_200 = arith.constant 1.000000e+00 : f32
      %add3A_201 = vector.broadcast %add3A_200 : f32 to vector<16xf32>
      %add3A_202 = arith.addf %add3A_201, %exp3A_199 : vector<16xf32>
      %div3A_203 = arith.constant 1.000000e+00 : f32
      %div3A_204 = vector.broadcast %div3A_203 : f32 to vector<16xf32>
      %div3A_205 = arith.divf %div3A_204, %add3A_202 : vector<16xf32>
      %exp3A_206 = math.exp %div3A_205 : vector<16xf32>
      %swap3A_207 = arith.constant 16 : index
      %swap3A_208 = tpu.vector_load %arg9[%swap3A_207] {strides = array<i32>} : memref<128xf32, #tpu.memory_space<vmem>>, vector<16xf32>,
      tpu.vector_store %arg9[%swap3A_207], %exp3A_206 {strides = array<i32>} : memref<128xf32, #tpu.memory_space<vmem>>, vector<16xf32>,
      %add3A_209 = arith.constant 128 : i32
      %add3A_210 = arith.addi %mul3A_110, %add3A_209 : i32
      %add3A_211 = arith.constant 32 : i32
      %add3A_212 = arith.addi %add3A_210, %add3A_211 : i32
      %get3A_213 = arith.index_cast %and3A_104 : i32 to index
      %get3A_214 = arith.index_cast %add3A_212 : i32 to index
      %get3A_215 = tpu.vector_load %arg7[%get3A_213, %get3A_214] {strides = array<i32>} : memref<2x2048xi32, #tpu.memory_space<vmem>>, vector<16xi32>,
      %add3A_216 = arith.constant 32 : i32
      %add3A_217 = vector.broadcast %add3A_216 : i32 to vector<16xi32>
      %add3A_218 = arith.addi %iota3A, %add3A_217 : vector<16xi32>
      %gather3A_219 = tpu.vector_load_idx %arg8[%broadcast_in_dim3A_162, %add3A_218, %broadcast_in_dim3A_46] : memref<2x128x128xf32, #tpu.memory_space<vmem>>[vector<16xi32>, vector<16xi32>, vector<16xi32>], vector<16xf32>,
      %gather3A_220 = tpu.vector_load_idx %arg6[%get3A_215] : memref<10112xf32, #tpu.memory_space<vmem>>[vector<16xi32>], vector<16xf32>,
      %add3A_221 = arith.addf %gather3A_219, %gather3A_220 : vector<16xf32>
      %neg3A_222 = arith.constant 0.000000e+00 : f32
      %neg3A_223 = vector.broadcast %neg3A_222 : f32 to vector<16xf32>
      %neg3A_224 = arith.subf %neg3A_223, %add3A_221 : vector<16xf32>
      %exp3A_225 = math.exp %neg3A_224 : vector<16xf32>
      %add3A_226 = arith.constant 1.000000e+00 : f32
      %add3A_227 = vector.broadcast %add3A_226 : f32 to vector<16xf32>
      %add3A_228 = arith.addf %add3A_227, %exp3A_225 : vector<16xf32>
      %div3A_229 = arith.constant 1.000000e+00 : f32
      %div3A_230 = vector.broadcast %div3A_229 : f32 to vector<16xf32>
      %div3A_231 = arith.divf %div3A_230, %add3A_228 : vector<16xf32>
      %exp3A_232 = math.exp %div3A_231 : vector<16xf32>
      %swap3A_233 = arith.constant 32 : index
      %swap3A_234 = tpu.vector_load %arg9[%swap3A_233] {strides = array<i32>} : memref<128xf32, #tpu.memory_space<vmem>>, vector<16xf32>,
      tpu.vector_store %arg9[%swap3A_233], %exp3A_232 {strides = array<i32>} : memref<128xf32, #tpu.memory_space<vmem>>, vector<16xf32>,
      %add3A_235 = arith.constant 128 : i32
      %add3A_236 = arith.addi %mul3A_110, %add3A_235 : i32
      %add3A_237 = arith.constant 48 : i32
      %add3A_238 = arith.addi %add3A_236, %add3A_237 : i32
      %get3A_239 = arith.index_cast %and3A_104 : i32 to index
      %get3A_240 = arith.index_cast %add3A_238 : i32 to index
      %get3A_241 = tpu.vector_load %arg7[%get3A_239, %get3A_240] {strides = array<i32>} : memref<2x2048xi32, #tpu.memory_space<vmem>>, vector<16xi32>,
      %add3A_242 = arith.constant 48 : i32
      %add3A_243 = vector.broadcast %add3A_242 : i32 to vector<16xi32>
      %add3A_244 = arith.addi %iota3A, %add3A_243 : vector<16xi32>
      %gather3A_245 = tpu.vector_load_idx %arg8[%broadcast_in_dim3A_162, %add3A_244, %broadcast_in_dim3A_46] : memref<2x128x128xf32, #tpu.memory_space<vmem>>[vector<16xi32>, vector<16xi32>, vector<16xi32>], vector<16xf32>,
      %gather3A_246 = tpu.vector_load_idx %arg6[%get3A_241] : memref<10112xf32, #tpu.memory_space<vmem>>[vector<16xi32>], vector<16xf32>,
      %add3A_247 = arith.addf %gather3A_245, %gather3A_246 : vector<16xf32>
      %neg3A_248 = arith.constant 0.000000e+00 : f32
      %neg3A_249 = vector.broadcast %neg3A_248 : f32 to vector<16xf32>
      %neg3A_250 = arith.subf %neg3A_249, %add3A_247 : vector<16xf32>
      %exp3A_251 = math.exp %neg3A_250 : vector<16xf32>
      %add3A_252 = arith.constant 1.000000e+00 : f32
      %add3A_253 = vector.broadcast %add3A_252 : f32 to vector<16xf32>
      %add3A_254 = arith.addf %add3A_253, %exp3A_251 : vector<16xf32>
      %div3A_255 = arith.constant 1.000000e+00 : f32
      %div3A_256 = vector.broadcast %div3A_255 : f32 to vector<16xf32>
      %div3A_257 = arith.divf %div3A_256, %add3A_254 : vector<16xf32>
      %exp3A_258 = math.exp %div3A_257 : vector<16xf32>
      %swap3A_259 = arith.constant 48 : index
      %swap3A_260 = tpu.vector_load %arg9[%swap3A_259] {strides = array<i32>} : memref<128xf32, #tpu.memory_space<vmem>>, vector<16xf32>,
      tpu.vector_store %arg9[%swap3A_259], %exp3A_258 {strides = array<i32>} : memref<128xf32, #tpu.memory_space<vmem>>, vector<16xf32>,
      %add3A_261 = arith.constant 128 : i32
      %add3A_262 = arith.addi %mul3A_110, %add3A_261 : i32
      %add3A_263 = arith.constant 64 : i32
      %add3A_264 = arith.addi %add3A_262, %add3A_263 : i32
      %get3A_265 = arith.index_cast %and3A_104 : i32 to index
      %get3A_266 = arith.index_cast %add3A_264 : i32 to index
      %get3A_267 = tpu.vector_load %arg7[%get3A_265, %get3A_266] {strides = array<i32>} : memref<2x2048xi32, #tpu.memory_space<vmem>>, vector<16xi32>,
      %add3A_268 = arith.constant 64 : i32
      %add3A_269 = vector.broadcast %add3A_268 : i32 to vector<16xi32>
      %add3A_270 = arith.addi %iota3A, %add3A_269 : vector<16xi32>
      %gather3A_271 = tpu.vector_load_idx %arg8[%broadcast_in_dim3A_162, %add3A_270, %broadcast_in_dim3A_46] : memref<2x128x128xf32, #tpu.memory_space<vmem>>[vector<16xi32>, vector<16xi32>, vector<16xi32>], vector<16xf32>,
      %gather3A_272 = tpu.vector_load_idx %arg6[%get3A_267] : memref<10112xf32, #tpu.memory_space<vmem>>[vector<16xi32>], vector<16xf32>,
      %add3A_273 = arith.addf %gather3A_271, %gather3A_272 : vector<16xf32>
      %neg3A_274 = arith.constant 0.000000e+00 : f32
      %neg3A_275 = vector.broadcast %neg3A_274 : f32 to vector<16xf32>
      %neg3A_276 = arith.subf %neg3A_275, %add3A_273 : vector<16xf32>
      %exp3A_277 = math.exp %neg3A_276 : vector<16xf32>
      %add3A_278 = arith.constant 1.000000e+00 : f32
      %add3A_279 = vector.broadcast %add3A_278 : f32 to vector<16xf32>
      %add3A_280 = arith.addf %add3A_279, %exp3A_277 : vector<16xf32>
      %div3A_281 = arith.constant 1.000000e+00 : f32
      %div3A_282 = vector.broadcast %div3A_281 : f32 to vector<16xf32>
      %div3A_283 = arith.divf %div3A_282, %add3A_280 : vector<16xf32>
      %exp3A_284 = math.exp %div3A_283 : vector<16xf32>
      %swap3A_285 = arith.constant 64 : index
      %swap3A_286 = tpu.vector_load %arg9[%swap3A_285] {strides = array<i32>} : memref<128xf32, #tpu.memory_space<vmem>>, vector<16xf32>,
      tpu.vector_store %arg9[%swap3A_285], %exp3A_284 {strides = array<i32>} : memref<128xf32, #tpu.memory_space<vmem>>, vector<16xf32>,
      %add3A_287 = arith.constant 128 : i32
      %add3A_288 = arith.addi %mul3A_110, %add3A_287 : i32
      %add3A_289 = arith.constant 80 : i32
      %add3A_290 = arith.addi %add3A_288, %add3A_289 : i32
      %get3A_291 = arith.index_cast %and3A_104 : i32 to index
      %get3A_292 = arith.index_cast %add3A_290 : i32 to index
      %get3A_293 = tpu.vector_load %arg7[%get3A_291, %get3A_292] {strides = array<i32>} : memref<2x2048xi32, #tpu.memory_space<vmem>>, vector<16xi32>,
      %add3A_294 = arith.constant 80 : i32
      %add3A_295 = vector.broadcast %add3A_294 : i32 to vector<16xi32>
      %add3A_296 = arith.addi %iota3A, %add3A_295 : vector<16xi32>
      %gather3A_297 = tpu.vector_load_idx %arg8[%broadcast_in_dim3A_162, %add3A_296, %broadcast_in_dim3A_46] : memref<2x128x128xf32, #tpu.memory_space<vmem>>[vector<16xi32>, vector<16xi32>, vector<16xi32>], vector<16xf32>,
      %gather3A_298 = tpu.vector_load_idx %arg6[%get3A_293] : memref<10112xf32, #tpu.memory_space<vmem>>[vector<16xi32>], vector<16xf32>,
      %add3A_299 = arith.addf %gather3A_297, %gather3A_298 : vector<16xf32>
      %neg3A_300 = arith.constant 0.000000e+00 : f32
      %neg3A_301 = vector.broadcast %neg3A_300 : f32 to vector<16xf32>
      %neg3A_302 = arith.subf %neg3A_301, %add3A_299 : vector<16xf32>
      %exp3A_303 = math.exp %neg3A_302 : vector<16xf32>
      %add3A_304 = arith.constant 1.000000e+00 : f32
      %add3A_305 = vector.broadcast %add3A_304 : f32 to vector<16xf32>
      %add3A_306 = arith.addf %add3A_305, %exp3A_303 : vector<16xf32>
      %div3A_307 = arith.constant 1.000000e+00 : f32
      %div3A_308 = vector.broadcast %div3A_307 : f32 to vector<16xf32>
      %div3A_309 = arith.divf %div3A_308, %add3A_306 : vector<16xf32>
      %exp3A_310 = math.exp %div3A_309 : vector<16xf32>
      %swap3A_311 = arith.constant 80 : index
      %swap3A_312 = tpu.vector_load %arg9[%swap3A_311] {strides = array<i32>} : memref<128xf32, #tpu.memory_space<vmem>>, vector<16xf32>,
      tpu.vector_store %arg9[%swap3A_311], %exp3A_310 {strides = array<i32>} : memref<128xf32, #tpu.memory_space<vmem>>, vector<16xf32>,
      %add3A_313 = arith.constant 128 : i32
      %add3A_314 = arith.addi %mul3A_110, %add3A_313 : i32
      %add3A_315 = arith.constant 96 : i32
      %add3A_316 = arith.addi %add3A_314, %add3A_315 : i32
      %get3A_317 = arith.index_cast %and3A_104 : i32 to index
      %get3A_318 = arith.index_cast %add3A_316 : i32 to index
      %get3A_319 = tpu.vector_load %arg7[%get3A_317, %get3A_318] {strides = array<i32>} : memref<2x2048xi32, #tpu.memory_space<vmem>>, vector<16xi32>,
      %add3A_320 = arith.constant 96 : i32
      %add3A_321 = vector.broadcast %add3A_320 : i32 to vector<16xi32>
      %add3A_322 = arith.addi %iota3A, %add3A_321 : vector<16xi32>
      %gather3A_323 = tpu.vector_load_idx %arg8[%broadcast_in_dim3A_162, %add3A_322, %broadcast_in_dim3A_46] : memref<2x128x128xf32, #tpu.memory_space<vmem>>[vector<16xi32>, vector<16xi32>, vector<16xi32>], vector<16xf32>,
      %gather3A_324 = tpu.vector_load_idx %arg6[%get3A_319] : memref<10112xf32, #tpu.memory_space<vmem>>[vector<16xi32>], vector<16xf32>,
      %add3A_325 = arith.addf %gather3A_323, %gather3A_324 : vector<16xf32>
      %neg3A_326 = arith.constant 0.000000e+00 : f32
      %neg3A_327 = vector.broadcast %neg3A_326 : f32 to vector<16xf32>
      %neg3A_328 = arith.subf %neg3A_327, %add3A_325 : vector<16xf32>
      %exp3A_329 = math.exp %neg3A_328 : vector<16xf32>
      %add3A_330 = arith.constant 1.000000e+00 : f32
      %add3A_331 = vector.broadcast %add3A_330 : f32 to vector<16xf32>
      %add3A_332 = arith.addf %add3A_331, %exp3A_329 : vector<16xf32>
      %div3A_333 = arith.constant 1.000000e+00 : f32
      %div3A_334 = vector.broadcast %div3A_333 : f32 to vector<16xf32>
      %div3A_335 = arith.divf %div3A_334, %add3A_332 : vector<16xf32>
      %exp3A_336 = math.exp %div3A_335 : vector<16xf32>
      %swap3A_337 = arith.constant 96 : index
      %swap3A_338 = tpu.vector_load %arg9[%swap3A_337] {strides = array<i32>} : memref<128xf32, #tpu.memory_space<vmem>>, vector<16xf32>,
      tpu.vector_store %arg9[%swap3A_337], %exp3A_336 {strides = array<i32>} : memref<128xf32, #tpu.memory_space<vmem>>, vector<16xf32>,
      %add3A_339 = arith.constant 128 : i32
      %add3A_340 = arith.addi %mul3A_110, %add3A_339 : i32
      %add3A_341 = arith.constant 112 : i32
      %add3A_342 = arith.addi %add3A_340, %add3A_341 : i32
      %get3A_343 = arith.index_cast %and3A_104 : i32 to index
      %get3A_344 = arith.index_cast %add3A_342 : i32 to index
      %get3A_345 = tpu.vector_load %arg7[%get3A_343, %get3A_344] {strides = array<i32>} : memref<2x2048xi32, #tpu.memory_space<vmem>>, vector<16xi32>,
      %add3A_346 = arith.constant 112 : i32
      %add3A_347 = vector.broadcast %add3A_346 : i32 to vector<16xi32>
      %add3A_348 = arith.addi %iota3A, %add3A_347 : vector<16xi32>
      %gather3A_349 = tpu.vector_load_idx %arg8[%broadcast_in_dim3A_162, %add3A_348, %broadcast_in_dim3A_46] : memref<2x128x128xf32, #tpu.memory_space<vmem>>[vector<16xi32>, vector<16xi32>, vector<16xi32>], vector<16xf32>,
      %gather3A_350 = tpu.vector_load_idx %arg6[%get3A_345] : memref<10112xf32, #tpu.memory_space<vmem>>[vector<16xi32>], vector<16xf32>,
      %add3A_351 = arith.addf %gather3A_349, %gather3A_350 : vector<16xf32>
      %neg3A_352 = arith.constant 0.000000e+00 : f32
      %neg3A_353 = vector.broadcast %neg3A_352 : f32 to vector<16xf32>
      %neg3A_354 = arith.subf %neg3A_353, %add3A_351 : vector<16xf32>
      %exp3A_355 = math.exp %neg3A_354 : vector<16xf32>
      %add3A_356 = arith.constant 1.000000e+00 : f32
      %add3A_357 = vector.broadcast %add3A_356 : f32 to vector<16xf32>
      %add3A_358 = arith.addf %add3A_357, %exp3A_355 : vector<16xf32>
      %div3A_359 = arith.constant 1.000000e+00 : f32
      %div3A_360 = vector.broadcast %div3A_359 : f32 to vector<16xf32>
      %div3A_361 = arith.divf %div3A_360, %add3A_358 : vector<16xf32>
      %exp3A_362 = math.exp %div3A_361 : vector<16xf32>
      %swap3A_363 = arith.constant 112 : index
      %swap3A_364 = tpu.vector_load %arg9[%swap3A_363] {strides = array<i32>} : memref<128xf32, #tpu.memory_space<vmem>>, vector<16xf32>,
      tpu.vector_store %arg9[%swap3A_363], %exp3A_362 {strides = array<i32>} : memref<128xf32, #tpu.memory_space<vmem>>, vector<16xf32>,
      %scan3A_365 = arith.constant 0 : i32
      %scan3A_366 = arith.constant 0 : i32
      %scan3A_367 = arith.constant 128 : i32
      %scan3A_368 = arith.addi %scan3A_366, %scan3A_367 : i32
      %scan3A_369 = arith.constant 1 : i32
      scf.for %scan3A_385 = %scan3A_366 to %scan3A_368 step %scan3A_369  : i32 {
        %broadcast_in_dim3A_386 = vector.broadcast %scan3A_385 : i32 to vector<16xi32>
        %gather3A_387 = tpu.vector_load_idx %arg9[%broadcast_in_dim3A_386] : memref<128xf32, #tpu.memory_space<vmem>>[vector<16xi32>], vector<16xf32>,
        %get3A_388 = arith.index_cast %and3A_101 : i32 to index
        %get3A_389 = arith.index_cast %scan3A_385 : i32 to index
        %get3A_390 = arith.constant 0 : index
        %get3A_391 = tpu.vector_load %arg8[%get3A_388, %get3A_389, %get3A_390] {strides = array<i32>} : memref<2x128x128xf32, #tpu.memory_space<vmem>>, vector<16xf32>,
        %mul3A_392 = arith.mulf %get3A_391, %gather3A_387 : vector<16xf32>
        %swap3A_393 = arith.index_cast %and3A_101 : i32 to index
        %swap3A_394 = arith.index_cast %scan3A_385 : i32 to index
        %swap3A_395 = arith.constant 0 : index
        %swap3A_396 = tpu.vector_load %arg8[%swap3A_393, %swap3A_394, %swap3A_395] {strides = array<i32>} : memref<2x128x128xf32, #tpu.memory_space<vmem>>, vector<16xf32>,
        tpu.vector_store %arg8[%swap3A_393, %swap3A_394, %swap3A_395], %mul3A_392 {strides = array<i32>} : memref<2x128x128xf32, #tpu.memory_space<vmem>>, vector<16xf32>,
        %get3A_397 = arith.index_cast %and3A_101 : i32 to index
        %get3A_398 = arith.index_cast %scan3A_385 : i32 to index
        %get3A_399 = arith.constant 16 : index
        %get3A_400 = tpu.vector_load %arg8[%get3A_397, %get3A_398, %get3A_399] {strides = array<i32>} : memref<2x128x128xf32, #tpu.memory_space<vmem>>, vector<16xf32>,
        %mul3A_401 = arith.mulf %get3A_400, %gather3A_387 : vector<16xf32>
        %swap3A_402 = arith.index_cast %and3A_101 : i32 to index
        %swap3A_403 = arith.index_cast %scan3A_385 : i32 to index
        %swap3A_404 = arith.constant 16 : index
        %swap3A_405 = tpu.vector_load %arg8[%swap3A_402, %swap3A_403, %swap3A_404] {strides = array<i32>} : memref<2x128x128xf32, #tpu.memory_space<vmem>>, vector<16xf32>,
        tpu.vector_store %arg8[%swap3A_402, %swap3A_403, %swap3A_404], %mul3A_401 {strides = array<i32>} : memref<2x128x128xf32, #tpu.memory_space<vmem>>, vector<16xf32>,
        %get3A_406 = arith.index_cast %and3A_101 : i32 to index
        %get3A_407 = arith.index_cast %scan3A_385 : i32 to index
        %get3A_408 = arith.constant 32 : index
        %get3A_409 = tpu.vector_load %arg8[%get3A_406, %get3A_407, %get3A_408] {strides = array<i32>} : memref<2x128x128xf32, #tpu.memory_space<vmem>>, vector<16xf32>,
        %mul3A_410 = arith.mulf %get3A_409, %gather3A_387 : vector<16xf32>
        %swap3A_411 = arith.index_cast %and3A_101 : i32 to index
        %swap3A_412 = arith.index_cast %scan3A_385 : i32 to index
        %swap3A_413 = arith.constant 32 : index
        %swap3A_414 = tpu.vector_load %arg8[%swap3A_411, %swap3A_412, %swap3A_413] {strides = array<i32>} : memref<2x128x128xf32, #tpu.memory_space<vmem>>, vector<16xf32>,
        tpu.vector_store %arg8[%swap3A_411, %swap3A_412, %swap3A_413], %mul3A_410 {strides = array<i32>} : memref<2x128x128xf32, #tpu.memory_space<vmem>>, vector<16xf32>,
        %get3A_415 = arith.index_cast %and3A_101 : i32 to index
        %get3A_416 = arith.index_cast %scan3A_385 : i32 to index
        %get3A_417 = arith.constant 48 : index
        %get3A_418 = tpu.vector_load %arg8[%get3A_415, %get3A_416, %get3A_417] {strides = array<i32>} : memref<2x128x128xf32, #tpu.memory_space<vmem>>, vector<16xf32>,
        %mul3A_419 = arith.mulf %get3A_418, %gather3A_387 : vector<16xf32>
        %swap3A_420 = arith.index_cast %and3A_101 : i32 to index
        %swap3A_421 = arith.index_cast %scan3A_385 : i32 to index
        %swap3A_422 = arith.constant 48 : index
        %swap3A_423 = tpu.vector_load %arg8[%swap3A_420, %swap3A_421, %swap3A_422] {strides = array<i32>} : memref<2x128x128xf32, #tpu.memory_space<vmem>>, vector<16xf32>,
        tpu.vector_store %arg8[%swap3A_420, %swap3A_421, %swap3A_422], %mul3A_419 {strides = array<i32>} : memref<2x128x128xf32, #tpu.memory_space<vmem>>, vector<16xf32>,
        %mul3A_424 = arith.mulf %gather3A_387, %select_n3A_44 : vector<16xf32>
        %swap3A_425 = arith.index_cast %and3A_101 : i32 to index
        %swap3A_426 = arith.index_cast %scan3A_385 : i32 to index
        %swap3A_427 = arith.constant 64 : index
        %swap3A_428 = tpu.vector_load %arg8[%swap3A_425, %swap3A_426, %swap3A_427] {strides = array<i32>} : memref<2x128x128xf32, #tpu.memory_space<vmem>>, vector<16xf32>,
        tpu.vector_store %arg8[%swap3A_425, %swap3A_426, %swap3A_427], %mul3A_424 {strides = array<i32>} : memref<2x128x128xf32, #tpu.memory_space<vmem>>, vector<16xf32>,
      }
      %scan3A_370 = arith.constant 128 : i32
      %add3A_371 = arith.constant 128 : i32
      %add3A_372 = arith.addi %mul3A_110, %add3A_371 : i32
      %dma_start3A_373 = arith.constant 1 : i32
      %dma_start3A_374 = arith.constant 0 : i32
      %dma_start3A_375 = arith.constant 0 : i32
      %dma_start3A_376 = tpu.memref_slice %arg8[%and3A_101, %dma_start3A_374, %dma_start3A_375] : memref<2x128x128xf32, #tpu.memory_space<vmem>> -> memref<1x128x128xf32, #tpu.memory_space<vmem>>
      %dma_start3A_377 = tpu.memref_squeeze %dma_start3A_376 : memref<1x128x128xf32, #tpu.memory_space<vmem>> -> memref<128x128xf32, #tpu.memory_space<vmem>>
      %dma_start3A_378 = tpu.memref_slice %arg7[%and3A_104, %add3A_372] : memref<2x2048xi32, #tpu.memory_space<vmem>> -> memref<1x128xi32, #tpu.memory_space<vmem>>
      %dma_start3A_379 = tpu.memref_squeeze %dma_start3A_378 : memref<1x128xi32, #tpu.memory_space<vmem>> -> memref<128xi32, #tpu.memory_space<vmem>>
      %dma_start3A_380 = arith.constant 0 : i32
      %dma_start3A_381 = arith.constant 0 : i32
      %dma_start3A_382 = tpu.memref_slice %arg10[%dma_start3A_380, %dma_start3A_381] : memref<10112x128xf32, #tpu.memory_space<vmem_shared>> -> memref<10112x128xf32, #tpu.memory_space<vmem_shared>>
      %dma_start3A_383 = tpu.memref_slice %arg11[%dma_start3A_373] : memref<3x!tpu.dma_semaphore, #tpu.memory_space<semaphore_mem>> -> memref<1x!tpu.dma_semaphore, #tpu.memory_space<semaphore_mem>>
      %dma_start3A_384 = tpu.memref_squeeze %dma_start3A_383 : memref<1x!tpu.dma_semaphore, #tpu.memory_space<semaphore_mem>> -> memref<!tpu.dma_semaphore, #tpu.memory_space<semaphore_mem>>
      tpu.enqueue_indirect_dma source(%dma_start3A_377 : memref<128x128xf32, #tpu.memory_space<vmem>>) target(%dma_start3A_382 : memref<10112x128xf32, #tpu.memory_space<vmem_shared>>) offsets(%dma_start3A_379 : memref<128xi32, #tpu.memory_space<vmem>>) semaphore(%dma_start3A_384 : memref<!tpu.dma_semaphore, #tpu.memory_space<semaphore_mem>>) {add = true}
    }
    %while3A_77 = arith.constant 1 : i32
    scf.for %while3A_100 = %while3A_75 to %while3A_71 step %while3A_77  : i32 {
      %and3A = arith.constant 1 : i32
      %and3A_101 = arith.andi %while3A_100, %and3A : i32
      %shift_right_logical3A = arith.constant 3 : i32
      %shift_right_logical3A_102 = arith.shrui %while3A_100, %shift_right_logical3A : i32
      %and3A_103 = arith.constant 1 : i32
      %and3A_104 = arith.andi %shift_right_logical3A_102, %and3A_103 : i32
      %and3A_105 = arith.constant 7 : i32
      %and3A_106 = arith.andi %while3A_100, %and3A_105 : i32
      %mul3A_107 = arith.constant 2 : i32
      %mul3A_108 = arith.muli %and3A_106, %mul3A_107 : i32
      %mul3A_109 = arith.constant 128 : i32
      %mul3A_110 = arith.muli %mul3A_108, %mul3A_109 : i32
      %gt3A = arith.constant 0 : i32
      %gt3A_111 = arith.cmpi sgt, %while3A_100, %gt3A : i32
      %convert_element_type3A = arith.extui %gt3A_111 : i1 to i32
      %cond3A = arith.constant 0 : i32
      %cond3A_112 = arith.cmpi ne, %convert_element_type3A, %cond3A : i32
      scf.if %cond3A_112 {
        %sub3A = arith.constant 1 : i32
        %sub3A_385 = arith.subi %sub3A, %and3A_101 : i32
        %dma_wait3A_386 = arith.constant 1 : i32
        %dma_wait3A_387 = arith.constant 0 : i32
        %dma_wait3A_388 = arith.constant 0 : i32
        %dma_wait3A_389 = tpu.memref_slice %arg8[%sub3A_385, %dma_wait3A_387, %dma_wait3A_388] : memref<2x128x128xf32, #tpu.memory_space<vmem>> -> memref<1x128x128xf32, #tpu.memory_space<vmem>>
        %dma_wait3A_390 = tpu.memref_squeeze %dma_wait3A_389 : memref<1x128x128xf32, #tpu.memory_space<vmem>> -> memref<128x128xf32, #tpu.memory_space<vmem>>
        %dma_wait3A_391 = arith.constant 0 : i32
        %dma_wait3A_392 = tpu.memref_slice %arg7[%and3A_104, %dma_wait3A_391] : memref<2x2048xi32, #tpu.memory_space<vmem>> -> memref<1x128xi32, #tpu.memory_space<vmem>>
        %dma_wait3A_393 = tpu.memref_squeeze %dma_wait3A_392 : memref<1x128xi32, #tpu.memory_space<vmem>> -> memref<128xi32, #tpu.memory_space<vmem>>
        %dma_wait3A_394 = arith.constant 0 : i32
        %dma_wait3A_395 = arith.constant 0 : i32
        %dma_wait3A_396 = tpu.memref_slice %arg10[%dma_wait3A_394, %dma_wait3A_395] : memref<10112x128xf32, #tpu.memory_space<vmem_shared>> -> memref<10112x128xf32, #tpu.memory_space<vmem_shared>>
        %dma_wait3A_397 = tpu.memref_slice %arg11[%dma_wait3A_386] : memref<3x!tpu.dma_semaphore, #tpu.memory_space<semaphore_mem>> -> memref<1x!tpu.dma_semaphore, #tpu.memory_space<semaphore_mem>>
        %dma_wait3A_398 = tpu.memref_squeeze %dma_wait3A_397 : memref<1x!tpu.dma_semaphore, #tpu.memory_space<semaphore_mem>> -> memref<!tpu.dma_semaphore, #tpu.memory_space<semaphore_mem>>
        tpu.wait_indirect_dma semaphore(%dma_wait3A_398 : memref<!tpu.dma_semaphore, #tpu.memory_space<semaphore_mem>>) src(%dma_wait3A_390 : memref<128x128xf32, #tpu.memory_space<vmem>>) dst(%dma_wait3A_396 : memref<10112x128xf32, #tpu.memory_space<vmem_shared>>)
      } else {
      }
      %eq3A_113 = arith.constant 2 : i32
      %eq3A_114 = arith.cmpi eq, %and3A_106, %eq3A_113 : i32
      %lt3A_115 = arith.constant 19 : i32
      %lt3A_116 = arith.cmpi slt, %shift_right_logical3A_102, %lt3A_115 : i32
      %and3A_117 = arith.andi %eq3A_114, %lt3A_116 : i1
      %convert_element_type3A_118 = arith.extui %and3A_117 : i1 to i32
      %cond3A_119 = arith.constant 0 : i32
      %cond3A_120 = arith.cmpi ne, %convert_element_type3A_118, %cond3A_119 : i32
      scf.if %cond3A_120 {
        %add3A_385 = arith.constant 1 : i32
        %add3A_386 = arith.addi %shift_right_logical3A_102, %add3A_385 : i32
        %mul3A_387 = arith.constant 8 : i32
        %mul3A_388 = arith.muli %add3A_386, %mul3A_387 : i32
        %add3A_389 = arith.addi %add3A, %mul3A_388 : i32
        %mul3A_390 = arith.constant 2 : i32
        %mul3A_391 = arith.muli %add3A_389, %mul3A_390 : i32
        %mul3A_392 = arith.constant 128 : i32
        %mul3A_393 = arith.muli %mul3A_391, %mul3A_392 : i32
        %add3A_394 = arith.addi %mul3A_48, %mul3A_393 : i32
        %sub3A = arith.constant 1 : i32
        %sub3A_395 = arith.subi %sub3A, %and3A_104 : i32
        %dma_start3A_396 = arith.constant 2 : i32
        %dma_start3A_397 = arith.constant 0 : i32
        %dma_start3A_398 = tpu.memref_slice %arg7[%sub3A_395, %dma_start3A_397] : memref<2x2048xi32, #tpu.memory_space<vmem>> -> memref<1x2048xi32, #tpu.memory_space<vmem>>
        %dma_start3A_399 = tpu.memref_squeeze %dma_start3A_398 : memref<1x2048xi32, #tpu.memory_space<vmem>> -> memref<2048xi32, #tpu.memory_space<vmem>>
        %dma_start3A_400 = tpu.memref_slice %arg4[%add3A_394] : memref<1286144xi32, #tpu.memory_space<hbm>> -> memref<2048xi32, #tpu.memory_space<hbm>>
        %dma_start3A_401 = tpu.memref_slice %arg11[%dma_start3A_396] : memref<3x!tpu.dma_semaphore, #tpu.memory_space<semaphore_mem>> -> memref<1x!tpu.dma_semaphore, #tpu.memory_space<semaphore_mem>>
        %dma_start3A_402 = tpu.memref_squeeze %dma_start3A_401 : memref<1x!tpu.dma_semaphore, #tpu.memory_space<semaphore_mem>> -> memref<!tpu.dma_semaphore, #tpu.memory_space<semaphore_mem>>
        %dma_start3A_403 = arith.constant 0 : i32
        %dma_start3A_404 = tpu.memref_slice %arg7[%sub3A_395, %dma_start3A_403] : memref<2x2048xi32, #tpu.memory_space<vmem>> -> memref<1x2048xi32, #tpu.memory_space<vmem>>
        %dma_start3A_405 = tpu.memref_squeeze %dma_start3A_404 : memref<1x2048xi32, #tpu.memory_space<vmem>> -> memref<2048xi32, #tpu.memory_space<vmem>>
        %dma_start3A_406 = tpu.memref_slice %arg4[%add3A_394] : memref<1286144xi32, #tpu.memory_space<hbm>> -> memref<2048xi32, #tpu.memory_space<hbm>>
        tpu.enqueue_dma source(%dma_start3A_406 : memref<2048xi32, #tpu.memory_space<hbm>>) target(%dma_start3A_405 : memref<2048xi32, #tpu.memory_space<vmem>>) target_semaphore(%dma_start3A_402 : memref<!tpu.dma_semaphore, #tpu.memory_space<semaphore_mem>>)
      } else {
      }
      %dma_wait3A_121 = arith.constant 0 : i32
      %dma_wait3A_122 = arith.constant 0 : i32
      %dma_wait3A_123 = arith.constant 0 : i32
      %dma_wait3A_124 = tpu.memref_slice %arg8[%and3A_101, %dma_wait3A_122, %dma_wait3A_123] : memref<2x128x128xf32, #tpu.memory_space<vmem>> -> memref<1x128x128xf32, #tpu.memory_space<vmem>>
      %dma_wait3A_125 = tpu.memref_squeeze %dma_wait3A_124 : memref<1x128x128xf32, #tpu.memory_space<vmem>> -> memref<128x128xf32, #tpu.memory_space<vmem>>
      %dma_wait3A_126 = tpu.memref_slice %arg7[%and3A_104, %mul3A_110] : memref<2x2048xi32, #tpu.memory_space<vmem>> -> memref<1x128xi32, #tpu.memory_space<vmem>>
      %dma_wait3A_127 = tpu.memref_squeeze %dma_wait3A_126 : memref<1x128xi32, #tpu.memory_space<vmem>> -> memref<128xi32, #tpu.memory_space<vmem>>
      %dma_wait3A_128 = arith.constant 0 : i32
      %dma_wait3A_129 = arith.constant 0 : i32
      %dma_wait3A_130 = tpu.memref_slice %arg2[%dma_wait3A_128, %dma_wait3A_129] : memref<20224x128xf32, #tpu.memory_space<hbm>> -> memref<20224x128xf32, #tpu.memory_space<hbm>>
      %dma_wait3A_131 = tpu.memref_slice %arg11[%dma_wait3A_121] : memref<3x!tpu.dma_semaphore, #tpu.memory_space<semaphore_mem>> -> memref<1x!tpu.dma_semaphore, #tpu.memory_space<semaphore_mem>>
      %dma_wait3A_132 = tpu.memref_squeeze %dma_wait3A_131 : memref<1x!tpu.dma_semaphore, #tpu.memory_space<semaphore_mem>> -> memref<!tpu.dma_semaphore, #tpu.memory_space<semaphore_mem>>
      tpu.wait_indirect_dma semaphore(%dma_wait3A_132 : memref<!tpu.dma_semaphore, #tpu.memory_space<semaphore_mem>>) src(%dma_wait3A_130 : memref<20224x128xf32, #tpu.memory_space<hbm>>) dst(%dma_wait3A_125 : memref<128x128xf32, #tpu.memory_space<vmem>>)
      %add3A_133 = arith.constant 1 : i32
      %add3A_134 = arith.addi %while3A_100, %add3A_133 : i32
      %shift_right_logical3A_135 = arith.constant 3 : i32
      %shift_right_logical3A_136 = arith.shrui %add3A_134, %shift_right_logical3A_135 : i32
      %and3A_137 = arith.constant 1 : i32
      %and3A_138 = arith.andi %shift_right_logical3A_136, %and3A_137 : i32
      %add3A_139 = arith.constant 1 : i32
      %add3A_140 = arith.addi %while3A_100, %add3A_139 : i32
      %and3A_141 = arith.constant 7 : i32
      %and3A_142 = arith.andi %add3A_140, %and3A_141 : i32
      %mul3A_143 = arith.constant 2 : i32
      %mul3A_144 = arith.muli %and3A_142, %mul3A_143 : i32
      %mul3A_145 = arith.constant 128 : i32
      %mul3A_146 = arith.muli %mul3A_144, %mul3A_145 : i32
      %add3A_147 = arith.constant 1 : i32
      %add3A_148 = arith.addi %while3A_100, %add3A_147 : i32
      %lt3A_149 = arith.cmpi slt, %add3A_148, %add3A_7 : i32
      %eq3A_150 = arith.constant 0 : i32
      %eq3A_151 = arith.cmpi eq, %mul3A_146, %eq3A_150 : i32
      %and3A_152 = arith.andi %lt3A_149, %eq3A_151 : i1
      %convert_element_type3A_153 = arith.extui %and3A_152 : i1 to i32
      %cond3A_154 = arith.constant 0 : i32
      %cond3A_155 = arith.cmpi ne, %convert_element_type3A_153, %cond3A_154 : i32
      scf.if %cond3A_155 {
        %add3A_385 = arith.constant 1 : i32
        %add3A_386 = arith.addi %shift_right_logical3A_102, %add3A_385 : i32
        %mul3A_387 = arith.constant 8 : i32
        %mul3A_388 = arith.muli %add3A_386, %mul3A_387 : i32
        %add3A_389 = arith.addi %add3A, %mul3A_388 : i32
        %mul3A_390 = arith.constant 2 : i32
        %mul3A_391 = arith.muli %add3A_389, %mul3A_390 : i32
        %mul3A_392 = arith.constant 128 : i32
        %mul3A_393 = arith.muli %mul3A_391, %mul3A_392 : i32
        %add3A_394 = arith.addi %mul3A_48, %mul3A_393 : i32
        %dma_wait3A_395 = arith.constant 2 : i32
        %dma_wait3A_396 = arith.constant 0 : i32
        %dma_wait3A_397 = tpu.memref_slice %arg7[%and3A_138, %dma_wait3A_396] : memref<2x2048xi32, #tpu.memory_space<vmem>> -> memref<1x2048xi32, #tpu.memory_space<vmem>>
        %dma_wait3A_398 = tpu.memref_squeeze %dma_wait3A_397 : memref<1x2048xi32, #tpu.memory_space<vmem>> -> memref<2048xi32, #tpu.memory_space<vmem>>
        %dma_wait3A_399 = tpu.memref_slice %arg4[%add3A_394] : memref<1286144xi32, #tpu.memory_space<hbm>> -> memref<2048xi32, #tpu.memory_space<hbm>>
        %dma_wait3A_400 = tpu.memref_slice %arg11[%dma_wait3A_395] : memref<3x!tpu.dma_semaphore, #tpu.memory_space<semaphore_mem>> -> memref<1x!tpu.dma_semaphore, #tpu.memory_space<semaphore_mem>>
        %dma_wait3A_401 = tpu.memref_squeeze %dma_wait3A_400 : memref<1x!tpu.dma_semaphore, #tpu.memory_space<semaphore_mem>> -> memref<!tpu.dma_semaphore, #tpu.memory_space<semaphore_mem>>
        %dma_wait3A_402 = arith.constant 0 : i32
        %dma_wait3A_403 = tpu.memref_slice %arg7[%and3A_138, %dma_wait3A_402] : memref<2x2048xi32, #tpu.memory_space<vmem>> -> memref<1x2048xi32, #tpu.memory_space<vmem>>
        %dma_wait3A_404 = tpu.memref_squeeze %dma_wait3A_403 : memref<1x2048xi32, #tpu.memory_space<vmem>> -> memref<2048xi32, #tpu.memory_space<vmem>>
        %dma_wait3A_405 = tpu.memref_slice %arg4[%add3A_394] : memref<1286144xi32, #tpu.memory_space<hbm>> -> memref<2048xi32, #tpu.memory_space<hbm>>
        tpu.wait_dma2 semaphore(%dma_wait3A_401 : memref<!tpu.dma_semaphore, #tpu.memory_space<semaphore_mem>>) src(%dma_wait3A_405 : memref<2048xi32, #tpu.memory_space<hbm>>) dst(%dma_wait3A_404 : memref<2048xi32, #tpu.memory_space<vmem>>)
      } else {
      }
      %add3A_156 = arith.constant 1 : i32
      %add3A_157 = arith.addi %while3A_100, %add3A_156 : i32
      %lt3A_158 = arith.cmpi slt, %add3A_157, %add3A_7 : i32
      %convert_element_type3A_159 = arith.extui %lt3A_158 : i1 to i32
      %cond3A_160 = arith.constant 0 : i32
      %cond3A_161 = arith.cmpi ne, %convert_element_type3A_159, %cond3A_160 : i32
      scf.if %cond3A_161 {
        %sub3A = arith.constant 1 : i32
        %sub3A_385 = arith.subi %sub3A, %and3A_101 : i32
        %dma_start3A_386 = arith.constant 0 : i32
        %dma_start3A_387 = arith.constant 0 : i32
        %dma_start3A_388 = arith.constant 0 : i32
        %dma_start3A_389 = tpu.memref_slice %arg8[%sub3A_385, %dma_start3A_387, %dma_start3A_388] : memref<2x128x128xf32, #tpu.memory_space<vmem>> -> memref<1x128x128xf32, #tpu.memory_space<vmem>>
        %dma_start3A_390 = tpu.memref_squeeze %dma_start3A_389 : memref<1x128x128xf32, #tpu.memory_space<vmem>> -> memref<128x128xf32, #tpu.memory_space<vmem>>
        %dma_start3A_391 = tpu.memref_slice %arg7[%and3A_138, %mul3A_146] : memref<2x2048xi32, #tpu.memory_space<vmem>> -> memref<1x128xi32, #tpu.memory_space<vmem>>
        %dma_start3A_392 = tpu.memref_squeeze %dma_start3A_391 : memref<1x128xi32, #tpu.memory_space<vmem>> -> memref<128xi32, #tpu.memory_space<vmem>>
        %dma_start3A_393 = arith.constant 0 : i32
        %dma_start3A_394 = arith.constant 0 : i32
        %dma_start3A_395 = tpu.memref_slice %arg2[%dma_start3A_393, %dma_start3A_394] : memref<20224x128xf32, #tpu.memory_space<hbm>> -> memref<20224x128xf32, #tpu.memory_space<hbm>>
        %dma_start3A_396 = tpu.memref_slice %arg11[%dma_start3A_386] : memref<3x!tpu.dma_semaphore, #tpu.memory_space<semaphore_mem>> -> memref<1x!tpu.dma_semaphore, #tpu.memory_space<semaphore_mem>>
        %dma_start3A_397 = tpu.memref_squeeze %dma_start3A_396 : memref<1x!tpu.dma_semaphore, #tpu.memory_space<semaphore_mem>> -> memref<!tpu.dma_semaphore, #tpu.memory_space<semaphore_mem>>
        tpu.enqueue_indirect_dma source(%dma_start3A_395 : memref<20224x128xf32, #tpu.memory_space<hbm>>) target(%dma_start3A_390 : memref<128x128xf32, #tpu.memory_space<vmem>>) offsets(%dma_start3A_392 : memref<128xi32, #tpu.memory_space<vmem>>) semaphore(%dma_start3A_397 : memref<!tpu.dma_semaphore, #tpu.memory_space<semaphore_mem>>)
      } else {
      }
      %broadcast_in_dim3A_162 = vector.broadcast %and3A_101 : i32 to vector<16xi32>
      %add3A_163 = arith.constant 128 : i32
      %add3A_164 = arith.addi %mul3A_110, %add3A_163 : i32
      %add3A_165 = arith.constant 0 : i32
      %add3A_166 = arith.addi %add3A_164, %add3A_165 : i32
      %get3A = arith.index_cast %and3A_104 : i32 to index
      %get3A_167 = arith.index_cast %add3A_166 : i32 to index
      %get3A_168 = tpu.vector_load %arg7[%get3A, %get3A_167] {strides = array<i32>} : memref<2x2048xi32, #tpu.memory_space<vmem>>, vector<16xi32>,
      %add3A_169 = arith.constant 0 : i32
      %add3A_170 = vector.broadcast %add3A_169 : i32 to vector<16xi32>
      %add3A_171 = arith.addi %iota3A, %add3A_170 : vector<16xi32>
      %gather3A = tpu.vector_load_idx %arg8[%broadcast_in_dim3A_162, %add3A_171, %broadcast_in_dim3A_46] : memref<2x128x128xf32, #tpu.memory_space<vmem>>[vector<16xi32>, vector<16xi32>, vector<16xi32>], vector<16xf32>,
      %gather3A_172 = tpu.vector_load_idx %arg6[%get3A_168] : memref<10112xf32, #tpu.memory_space<vmem>>[vector<16xi32>], vector<16xf32>,
      %add3A_173 = arith.addf %gather3A, %gather3A_172 : vector<16xf32>
      %neg3A = arith.constant 0.000000e+00 : f32
      %neg3A_174 = vector.broadcast %neg3A : f32 to vector<16xf32>
      %neg3A_175 = arith.subf %neg3A_174, %add3A_173 : vector<16xf32>
      %exp3A = math.exp %neg3A_175 : vector<16xf32>
      %add3A_176 = arith.constant 1.000000e+00 : f32
      %add3A_177 = vector.broadcast %add3A_176 : f32 to vector<16xf32>
      %add3A_178 = arith.addf %add3A_177, %exp3A : vector<16xf32>
      %div3A = arith.constant 1.000000e+00 : f32
      %div3A_179 = vector.broadcast %div3A : f32 to vector<16xf32>
      %div3A_180 = arith.divf %div3A_179, %add3A_178 : vector<16xf32>
      %exp3A_181 = math.exp %div3A_180 : vector<16xf32>
      %swap3A = arith.constant 0 : index
      %swap3A_182 = tpu.vector_load %arg9[%swap3A] {strides = array<i32>} : memref<128xf32, #tpu.memory_space<vmem>>, vector<16xf32>,
      tpu.vector_store %arg9[%swap3A], %exp3A_181 {strides = array<i32>} : memref<128xf32, #tpu.memory_space<vmem>>, vector<16xf32>,
      %add3A_183 = arith.constant 128 : i32
      %add3A_184 = arith.addi %mul3A_110, %add3A_183 : i32
      %add3A_185 = arith.constant 16 : i32
      %add3A_186 = arith.addi %add3A_184, %add3A_185 : i32
      %get3A_187 = arith.index_cast %and3A_104 : i32 to index
      %get3A_188 = arith.index_cast %add3A_186 : i32 to index
      %get3A_189 = tpu.vector_load %arg7[%get3A_187, %get3A_188] {strides = array<i32>} : memref<2x2048xi32, #tpu.memory_space<vmem>>, vector<16xi32>,
      %add3A_190 = arith.constant 16 : i32
      %add3A_191 = vector.broadcast %add3A_190 : i32 to vector<16xi32>
      %add3A_192 = arith.addi %iota3A, %add3A_191 : vector<16xi32>
      %gather3A_193 = tpu.vector_load_idx %arg8[%broadcast_in_dim3A_162, %add3A_192, %broadcast_in_dim3A_46] : memref<2x128x128xf32, #tpu.memory_space<vmem>>[vector<16xi32>, vector<16xi32>, vector<16xi32>], vector<16xf32>,
      %gather3A_194 = tpu.vector_load_idx %arg6[%get3A_189] : memref<10112xf32, #tpu.memory_space<vmem>>[vector<16xi32>], vector<16xf32>,
      %add3A_195 = arith.addf %gather3A_193, %gather3A_194 : vector<16xf32>
      %neg3A_196 = arith.constant 0.000000e+00 : f32
      %neg3A_197 = vector.broadcast %neg3A_196 : f32 to vector<16xf32>
      %neg3A_198 = arith.subf %neg3A_197, %add3A_195 : vector<16xf32>
      %exp3A_199 = math.exp %neg3A_198 : vector<16xf32>
      %add3A_200 = arith.constant 1.000000e+00 : f32
      %add3A_201 = vector.broadcast %add3A_200 : f32 to vector<16xf32>
      %add3A_202 = arith.addf %add3A_201, %exp3A_199 : vector<16xf32>
      %div3A_203 = arith.constant 1.000000e+00 : f32
      %div3A_204 = vector.broadcast %div3A_203 : f32 to vector<16xf32>
      %div3A_205 = arith.divf %div3A_204, %add3A_202 : vector<16xf32>
      %exp3A_206 = math.exp %div3A_205 : vector<16xf32>
      %swap3A_207 = arith.constant 16 : index
      %swap3A_208 = tpu.vector_load %arg9[%swap3A_207] {strides = array<i32>} : memref<128xf32, #tpu.memory_space<vmem>>, vector<16xf32>,
      tpu.vector_store %arg9[%swap3A_207], %exp3A_206 {strides = array<i32>} : memref<128xf32, #tpu.memory_space<vmem>>, vector<16xf32>,
      %add3A_209 = arith.constant 128 : i32
      %add3A_210 = arith.addi %mul3A_110, %add3A_209 : i32
      %add3A_211 = arith.constant 32 : i32
      %add3A_212 = arith.addi %add3A_210, %add3A_211 : i32
      %get3A_213 = arith.index_cast %and3A_104 : i32 to index
      %get3A_214 = arith.index_cast %add3A_212 : i32 to index
      %get3A_215 = tpu.vector_load %arg7[%get3A_213, %get3A_214] {strides = array<i32>} : memref<2x2048xi32, #tpu.memory_space<vmem>>, vector<16xi32>,
      %add3A_216 = arith.constant 32 : i32
      %add3A_217 = vector.broadcast %add3A_216 : i32 to vector<16xi32>
      %add3A_218 = arith.addi %iota3A, %add3A_217 : vector<16xi32>
      %gather3A_219 = tpu.vector_load_idx %arg8[%broadcast_in_dim3A_162, %add3A_218, %broadcast_in_dim3A_46] : memref<2x128x128xf32, #tpu.memory_space<vmem>>[vector<16xi32>, vector<16xi32>, vector<16xi32>], vector<16xf32>,
      %gather3A_220 = tpu.vector_load_idx %arg6[%get3A_215] : memref<10112xf32, #tpu.memory_space<vmem>>[vector<16xi32>], vector<16xf32>,
      %add3A_221 = arith.addf %gather3A_219, %gather3A_220 : vector<16xf32>
      %neg3A_222 = arith.constant 0.000000e+00 : f32
      %neg3A_223 = vector.broadcast %neg3A_222 : f32 to vector<16xf32>
      %neg3A_224 = arith.subf %neg3A_223, %add3A_221 : vector<16xf32>
      %exp3A_225 = math.exp %neg3A_224 : vector<16xf32>
      %add3A_226 = arith.constant 1.000000e+00 : f32
      %add3A_227 = vector.broadcast %add3A_226 : f32 to vector<16xf32>
      %add3A_228 = arith.addf %add3A_227, %exp3A_225 : vector<16xf32>
      %div3A_229 = arith.constant 1.000000e+00 : f32
      %div3A_230 = vector.broadcast %div3A_229 : f32 to vector<16xf32>
      %div3A_231 = arith.divf %div3A_230, %add3A_228 : vector<16xf32>
      %exp3A_232 = math.exp %div3A_231 : vector<16xf32>
      %swap3A_233 = arith.constant 32 : index
      %swap3A_234 = tpu.vector_load %arg9[%swap3A_233] {strides = array<i32>} : memref<128xf32, #tpu.memory_space<vmem>>, vector<16xf32>,
      tpu.vector_store %arg9[%swap3A_233], %exp3A_232 {strides = array<i32>} : memref<128xf32, #tpu.memory_space<vmem>>, vector<16xf32>,
      %add3A_235 = arith.constant 128 : i32
      %add3A_236 = arith.addi %mul3A_110, %add3A_235 : i32
      %add3A_237 = arith.constant 48 : i32
      %add3A_238 = arith.addi %add3A_236, %add3A_237 : i32
      %get3A_239 = arith.index_cast %and3A_104 : i32 to index
      %get3A_240 = arith.index_cast %add3A_238 : i32 to index
      %get3A_241 = tpu.vector_load %arg7[%get3A_239, %get3A_240] {strides = array<i32>} : memref<2x2048xi32, #tpu.memory_space<vmem>>, vector<16xi32>,
      %add3A_242 = arith.constant 48 : i32
      %add3A_243 = vector.broadcast %add3A_242 : i32 to vector<16xi32>
      %add3A_244 = arith.addi %iota3A, %add3A_243 : vector<16xi32>
      %gather3A_245 = tpu.vector_load_idx %arg8[%broadcast_in_dim3A_162, %add3A_244, %broadcast_in_dim3A_46] : memref<2x128x128xf32, #tpu.memory_space<vmem>>[vector<16xi32>, vector<16xi32>, vector<16xi32>], vector<16xf32>,
      %gather3A_246 = tpu.vector_load_idx %arg6[%get3A_241] : memref<10112xf32, #tpu.memory_space<vmem>>[vector<16xi32>], vector<16xf32>,
      %add3A_247 = arith.addf %gather3A_245, %gather3A_246 : vector<16xf32>
      %neg3A_248 = arith.constant 0.000000e+00 : f32
      %neg3A_249 = vector.broadcast %neg3A_248 : f32 to vector<16xf32>
      %neg3A_250 = arith.subf %neg3A_249, %add3A_247 : vector<16xf32>
      %exp3A_251 = math.exp %neg3A_250 : vector<16xf32>
      %add3A_252 = arith.constant 1.000000e+00 : f32
      %add3A_253 = vector.broadcast %add3A_252 : f32 to vector<16xf32>
      %add3A_254 = arith.addf %add3A_253, %exp3A_251 : vector<16xf32>
      %div3A_255 = arith.constant 1.000000e+00 : f32
      %div3A_256 = vector.broadcast %div3A_255 : f32 to vector<16xf32>
      %div3A_257 = arith.divf %div3A_256, %add3A_254 : vector<16xf32>
      %exp3A_258 = math.exp %div3A_257 : vector<16xf32>
      %swap3A_259 = arith.constant 48 : index
      %swap3A_260 = tpu.vector_load %arg9[%swap3A_259] {strides = array<i32>} : memref<128xf32, #tpu.memory_space<vmem>>, vector<16xf32>,
      tpu.vector_store %arg9[%swap3A_259], %exp3A_258 {strides = array<i32>} : memref<128xf32, #tpu.memory_space<vmem>>, vector<16xf32>,
      %add3A_261 = arith.constant 128 : i32
      %add3A_262 = arith.addi %mul3A_110, %add3A_261 : i32
      %add3A_263 = arith.constant 64 : i32
      %add3A_264 = arith.addi %add3A_262, %add3A_263 : i32
      %get3A_265 = arith.index_cast %and3A_104 : i32 to index
      %get3A_266 = arith.index_cast %add3A_264 : i32 to index
      %get3A_267 = tpu.vector_load %arg7[%get3A_265, %get3A_266] {strides = array<i32>} : memref<2x2048xi32, #tpu.memory_space<vmem>>, vector<16xi32>,
      %add3A_268 = arith.constant 64 : i32
      %add3A_269 = vector.broadcast %add3A_268 : i32 to vector<16xi32>
      %add3A_270 = arith.addi %iota3A, %add3A_269 : vector<16xi32>
      %gather3A_271 = tpu.vector_load_idx %arg8[%broadcast_in_dim3A_162, %add3A_270, %broadcast_in_dim3A_46] : memref<2x128x128xf32, #tpu.memory_space<vmem>>[vector<16xi32>, vector<16xi32>, vector<16xi32>], vector<16xf32>,
      %gather3A_272 = tpu.vector_load_idx %arg6[%get3A_267] : memref<10112xf32, #tpu.memory_space<vmem>>[vector<16xi32>], vector<16xf32>,
      %add3A_273 = arith.addf %gather3A_271, %gather3A_272 : vector<16xf32>
      %neg3A_274 = arith.constant 0.000000e+00 : f32
      %neg3A_275 = vector.broadcast %neg3A_274 : f32 to vector<16xf32>
      %neg3A_276 = arith.subf %neg3A_275, %add3A_273 : vector<16xf32>
      %exp3A_277 = math.exp %neg3A_276 : vector<16xf32>
      %add3A_278 = arith.constant 1.000000e+00 : f32
      %add3A_279 = vector.broadcast %add3A_278 : f32 to vector<16xf32>
      %add3A_280 = arith.addf %add3A_279, %exp3A_277 : vector<16xf32>
      %div3A_281 = arith.constant 1.000000e+00 : f32
      %div3A_282 = vector.broadcast %div3A_281 : f32 to vector<16xf32>
      %div3A_283 = arith.divf %div3A_282, %add3A_280 : vector<16xf32>
      %exp3A_284 = math.exp %div3A_283 : vector<16xf32>
      %swap3A_285 = arith.constant 64 : index
      %swap3A_286 = tpu.vector_load %arg9[%swap3A_285] {strides = array<i32>} : memref<128xf32, #tpu.memory_space<vmem>>, vector<16xf32>,
      tpu.vector_store %arg9[%swap3A_285], %exp3A_284 {strides = array<i32>} : memref<128xf32, #tpu.memory_space<vmem>>, vector<16xf32>,
      %add3A_287 = arith.constant 128 : i32
      %add3A_288 = arith.addi %mul3A_110, %add3A_287 : i32
      %add3A_289 = arith.constant 80 : i32
      %add3A_290 = arith.addi %add3A_288, %add3A_289 : i32
      %get3A_291 = arith.index_cast %and3A_104 : i32 to index
      %get3A_292 = arith.index_cast %add3A_290 : i32 to index
      %get3A_293 = tpu.vector_load %arg7[%get3A_291, %get3A_292] {strides = array<i32>} : memref<2x2048xi32, #tpu.memory_space<vmem>>, vector<16xi32>,
      %add3A_294 = arith.constant 80 : i32
      %add3A_295 = vector.broadcast %add3A_294 : i32 to vector<16xi32>
      %add3A_296 = arith.addi %iota3A, %add3A_295 : vector<16xi32>
      %gather3A_297 = tpu.vector_load_idx %arg8[%broadcast_in_dim3A_162, %add3A_296, %broadcast_in_dim3A_46] : memref<2x128x128xf32, #tpu.memory_space<vmem>>[vector<16xi32>, vector<16xi32>, vector<16xi32>], vector<16xf32>,
      %gather3A_298 = tpu.vector_load_idx %arg6[%get3A_293] : memref<10112xf32, #tpu.memory_space<vmem>>[vector<16xi32>], vector<16xf32>,
      %add3A_299 = arith.addf %gather3A_297, %gather3A_298 : vector<16xf32>
      %neg3A_300 = arith.constant 0.000000e+00 : f32
      %neg3A_301 = vector.broadcast %neg3A_300 : f32 to vector<16xf32>
      %neg3A_302 = arith.subf %neg3A_301, %add3A_299 : vector<16xf32>
      %exp3A_303 = math.exp %neg3A_302 : vector<16xf32>
      %add3A_304 = arith.constant 1.000000e+00 : f32
      %add3A_305 = vector.broadcast %add3A_304 : f32 to vector<16xf32>
      %add3A_306 = arith.addf %add3A_305, %exp3A_303 : vector<16xf32>
      %div3A_307 = arith.constant 1.000000e+00 : f32
      %div3A_308 = vector.broadcast %div3A_307 : f32 to vector<16xf32>
      %div3A_309 = arith.divf %div3A_308, %add3A_306 : vector<16xf32>
      %exp3A_310 = math.exp %div3A_309 : vector<16xf32>
      %swap3A_311 = arith.constant 80 : index
      %swap3A_312 = tpu.vector_load %arg9[%swap3A_311] {strides = array<i32>} : memref<128xf32, #tpu.memory_space<vmem>>, vector<16xf32>,
      tpu.vector_store %arg9[%swap3A_311], %exp3A_310 {strides = array<i32>} : memref<128xf32, #tpu.memory_space<vmem>>, vector<16xf32>,
      %add3A_313 = arith.constant 128 : i32
      %add3A_314 = arith.addi %mul3A_110, %add3A_313 : i32
      %add3A_315 = arith.constant 96 : i32
      %add3A_316 = arith.addi %add3A_314, %add3A_315 : i32
      %get3A_317 = arith.index_cast %and3A_104 : i32 to index
      %get3A_318 = arith.index_cast %add3A_316 : i32 to index
      %get3A_319 = tpu.vector_load %arg7[%get3A_317, %get3A_318] {strides = array<i32>} : memref<2x2048xi32, #tpu.memory_space<vmem>>, vector<16xi32>,
      %add3A_320 = arith.constant 96 : i32
      %add3A_321 = vector.broadcast %add3A_320 : i32 to vector<16xi32>
      %add3A_322 = arith.addi %iota3A, %add3A_321 : vector<16xi32>
      %gather3A_323 = tpu.vector_load_idx %arg8[%broadcast_in_dim3A_162, %add3A_322, %broadcast_in_dim3A_46] : memref<2x128x128xf32, #tpu.memory_space<vmem>>[vector<16xi32>, vector<16xi32>, vector<16xi32>], vector<16xf32>,
      %gather3A_324 = tpu.vector_load_idx %arg6[%get3A_319] : memref<10112xf32, #tpu.memory_space<vmem>>[vector<16xi32>], vector<16xf32>,
      %add3A_325 = arith.addf %gather3A_323, %gather3A_324 : vector<16xf32>
      %neg3A_326 = arith.constant 0.000000e+00 : f32
      %neg3A_327 = vector.broadcast %neg3A_326 : f32 to vector<16xf32>
      %neg3A_328 = arith.subf %neg3A_327, %add3A_325 : vector<16xf32>
      %exp3A_329 = math.exp %neg3A_328 : vector<16xf32>
      %add3A_330 = arith.constant 1.000000e+00 : f32
      %add3A_331 = vector.broadcast %add3A_330 : f32 to vector<16xf32>
      %add3A_332 = arith.addf %add3A_331, %exp3A_329 : vector<16xf32>
      %div3A_333 = arith.constant 1.000000e+00 : f32
      %div3A_334 = vector.broadcast %div3A_333 : f32 to vector<16xf32>
      %div3A_335 = arith.divf %div3A_334, %add3A_332 : vector<16xf32>
      %exp3A_336 = math.exp %div3A_335 : vector<16xf32>
      %swap3A_337 = arith.constant 96 : index
      %swap3A_338 = tpu.vector_load %arg9[%swap3A_337] {strides = array<i32>} : memref<128xf32, #tpu.memory_space<vmem>>, vector<16xf32>,
      tpu.vector_store %arg9[%swap3A_337], %exp3A_336 {strides = array<i32>} : memref<128xf32, #tpu.memory_space<vmem>>, vector<16xf32>,
      %add3A_339 = arith.constant 128 : i32
      %add3A_340 = arith.addi %mul3A_110, %add3A_339 : i32
      %add3A_341 = arith.constant 112 : i32
      %add3A_342 = arith.addi %add3A_340, %add3A_341 : i32
      %get3A_343 = arith.index_cast %and3A_104 : i32 to index
      %get3A_344 = arith.index_cast %add3A_342 : i32 to index
      %get3A_345 = tpu.vector_load %arg7[%get3A_343, %get3A_344] {strides = array<i32>} : memref<2x2048xi32, #tpu.memory_space<vmem>>, vector<16xi32>,
      %add3A_346 = arith.constant 112 : i32
      %add3A_347 = vector.broadcast %add3A_346 : i32 to vector<16xi32>
      %add3A_348 = arith.addi %iota3A, %add3A_347 : vector<16xi32>
      %gather3A_349 = tpu.vector_load_idx %arg8[%broadcast_in_dim3A_162, %add3A_348, %broadcast_in_dim3A_46] : memref<2x128x128xf32, #tpu.memory_space<vmem>>[vector<16xi32>, vector<16xi32>, vector<16xi32>], vector<16xf32>,
      %gather3A_350 = tpu.vector_load_idx %arg6[%get3A_345] : memref<10112xf32, #tpu.memory_space<vmem>>[vector<16xi32>], vector<16xf32>,
      %add3A_351 = arith.addf %gather3A_349, %gather3A_350 : vector<16xf32>
      %neg3A_352 = arith.constant 0.000000e+00 : f32
      %neg3A_353 = vector.broadcast %neg3A_352 : f32 to vector<16xf32>
      %neg3A_354 = arith.subf %neg3A_353, %add3A_351 : vector<16xf32>
      %exp3A_355 = math.exp %neg3A_354 : vector<16xf32>
      %add3A_356 = arith.constant 1.000000e+00 : f32
      %add3A_357 = vector.broadcast %add3A_356 : f32 to vector<16xf32>
      %add3A_358 = arith.addf %add3A_357, %exp3A_355 : vector<16xf32>
      %div3A_359 = arith.constant 1.000000e+00 : f32
      %div3A_360 = vector.broadcast %div3A_359 : f32 to vector<16xf32>
      %div3A_361 = arith.divf %div3A_360, %add3A_358 : vector<16xf32>
      %exp3A_362 = math.exp %div3A_361 : vector<16xf32>
      %swap3A_363 = arith.constant 112 : index
      %swap3A_364 = tpu.vector_load %arg9[%swap3A_363] {strides = array<i32>} : memref<128xf32, #tpu.memory_space<vmem>>, vector<16xf32>,
      tpu.vector_store %arg9[%swap3A_363], %exp3A_362 {strides = array<i32>} : memref<128xf32, #tpu.memory_space<vmem>>, vector<16xf32>,
      %scan3A_365 = arith.constant 0 : i32
      %scan3A_366 = arith.constant 0 : i32
      %scan3A_367 = arith.constant 128 : i32
      %scan3A_368 = arith.addi %scan3A_366, %scan3A_367 : i32
      %scan3A_369 = arith.constant 1 : i32
      scf.for %scan3A_385 = %scan3A_366 to %scan3A_368 step %scan3A_369  : i32 {
        %broadcast_in_dim3A_386 = vector.broadcast %scan3A_385 : i32 to vector<16xi32>
        %gather3A_387 = tpu.vector_load_idx %arg9[%broadcast_in_dim3A_386] : memref<128xf32, #tpu.memory_space<vmem>>[vector<16xi32>], vector<16xf32>,
        %get3A_388 = arith.index_cast %and3A_101 : i32 to index
        %get3A_389 = arith.index_cast %scan3A_385 : i32 to index
        %get3A_390 = arith.constant 0 : index
        %get3A_391 = tpu.vector_load %arg8[%get3A_388, %get3A_389, %get3A_390] {strides = array<i32>} : memref<2x128x128xf32, #tpu.memory_space<vmem>>, vector<16xf32>,
        %mul3A_392 = arith.mulf %get3A_391, %gather3A_387 : vector<16xf32>
        %swap3A_393 = arith.index_cast %and3A_101 : i32 to index
        %swap3A_394 = arith.index_cast %scan3A_385 : i32 to index
        %swap3A_395 = arith.constant 0 : index
        %swap3A_396 = tpu.vector_load %arg8[%swap3A_393, %swap3A_394, %swap3A_395] {strides = array<i32>} : memref<2x128x128xf32, #tpu.memory_space<vmem>>, vector<16xf32>,
        tpu.vector_store %arg8[%swap3A_393, %swap3A_394, %swap3A_395], %mul3A_392 {strides = array<i32>} : memref<2x128x128xf32, #tpu.memory_space<vmem>>, vector<16xf32>,
        %get3A_397 = arith.index_cast %and3A_101 : i32 to index
        %get3A_398 = arith.index_cast %scan3A_385 : i32 to index
        %get3A_399 = arith.constant 16 : index
        %get3A_400 = tpu.vector_load %arg8[%get3A_397, %get3A_398, %get3A_399] {strides = array<i32>} : memref<2x128x128xf32, #tpu.memory_space<vmem>>, vector<16xf32>,
        %mul3A_401 = arith.mulf %get3A_400, %gather3A_387 : vector<16xf32>
        %swap3A_402 = arith.index_cast %and3A_101 : i32 to index
        %swap3A_403 = arith.index_cast %scan3A_385 : i32 to index
        %swap3A_404 = arith.constant 16 : index
        %swap3A_405 = tpu.vector_load %arg8[%swap3A_402, %swap3A_403, %swap3A_404] {strides = array<i32>} : memref<2x128x128xf32, #tpu.memory_space<vmem>>, vector<16xf32>,
        tpu.vector_store %arg8[%swap3A_402, %swap3A_403, %swap3A_404], %mul3A_401 {strides = array<i32>} : memref<2x128x128xf32, #tpu.memory_space<vmem>>, vector<16xf32>,
        %get3A_406 = arith.index_cast %and3A_101 : i32 to index
        %get3A_407 = arith.index_cast %scan3A_385 : i32 to index
        %get3A_408 = arith.constant 32 : index
        %get3A_409 = tpu.vector_load %arg8[%get3A_406, %get3A_407, %get3A_408] {strides = array<i32>} : memref<2x128x128xf32, #tpu.memory_space<vmem>>, vector<16xf32>,
        %mul3A_410 = arith.mulf %get3A_409, %gather3A_387 : vector<16xf32>
        %swap3A_411 = arith.index_cast %and3A_101 : i32 to index
        %swap3A_412 = arith.index_cast %scan3A_385 : i32 to index
        %swap3A_413 = arith.constant 32 : index
        %swap3A_414 = tpu.vector_load %arg8[%swap3A_411, %swap3A_412, %swap3A_413] {strides = array<i32>} : memref<2x128x128xf32, #tpu.memory_space<vmem>>, vector<16xf32>,
        tpu.vector_store %arg8[%swap3A_411, %swap3A_412, %swap3A_413], %mul3A_410 {strides = array<i32>} : memref<2x128x128xf32, #tpu.memory_space<vmem>>, vector<16xf32>,
        %get3A_415 = arith.index_cast %and3A_101 : i32 to index
        %get3A_416 = arith.index_cast %scan3A_385 : i32 to index
        %get3A_417 = arith.constant 48 : index
        %get3A_418 = tpu.vector_load %arg8[%get3A_415, %get3A_416, %get3A_417] {strides = array<i32>} : memref<2x128x128xf32, #tpu.memory_space<vmem>>, vector<16xf32>,
        %mul3A_419 = arith.mulf %get3A_418, %gather3A_387 : vector<16xf32>
        %swap3A_420 = arith.index_cast %and3A_101 : i32 to index
        %swap3A_421 = arith.index_cast %scan3A_385 : i32 to index
        %swap3A_422 = arith.constant 48 : index
        %swap3A_423 = tpu.vector_load %arg8[%swap3A_420, %swap3A_421, %swap3A_422] {strides = array<i32>} : memref<2x128x128xf32, #tpu.memory_space<vmem>>, vector<16xf32>,
        tpu.vector_store %arg8[%swap3A_420, %swap3A_421, %swap3A_422], %mul3A_419 {strides = array<i32>} : memref<2x128x128xf32, #tpu.memory_space<vmem>>, vector<16xf32>,
        %mul3A_424 = arith.mulf %gather3A_387, %select_n3A_44 : vector<16xf32>
        %swap3A_425 = arith.index_cast %and3A_101 : i32 to index
        %swap3A_426 = arith.index_cast %scan3A_385 : i32 to index
        %swap3A_427 = arith.constant 64 : index
        %swap3A_428 = tpu.vector_load %arg8[%swap3A_425, %swap3A_426, %swap3A_427] {strides = array<i32>} : memref<2x128x128xf32, #tpu.memory_space<vmem>>, vector<16xf32>,
        tpu.vector_store %arg8[%swap3A_425, %swap3A_426, %swap3A_427], %mul3A_424 {strides = array<i32>} : memref<2x128x128xf32, #tpu.memory_space<vmem>>, vector<16xf32>,
      }
      %scan3A_370 = arith.constant 128 : i32
      %add3A_371 = arith.constant 128 : i32
      %add3A_372 = arith.addi %mul3A_110, %add3A_371 : i32
      %dma_start3A_373 = arith.constant 1 : i32
      %dma_start3A_374 = arith.constant 0 : i32
      %dma_start3A_375 = arith.constant 0 : i32
      %dma_start3A_376 = tpu.memref_slice %arg8[%and3A_101, %dma_start3A_374, %dma_start3A_375] : memref<2x128x128xf32, #tpu.memory_space<vmem>> -> memref<1x128x128xf32, #tpu.memory_space<vmem>>
      %dma_start3A_377 = tpu.memref_squeeze %dma_start3A_376 : memref<1x128x128xf32, #tpu.memory_space<vmem>> -> memref<128x128xf32, #tpu.memory_space<vmem>>
      %dma_start3A_378 = tpu.memref_slice %arg7[%and3A_104, %add3A_372] : memref<2x2048xi32, #tpu.memory_space<vmem>> -> memref<1x128xi32, #tpu.memory_space<vmem>>
      %dma_start3A_379 = tpu.memref_squeeze %dma_start3A_378 : memref<1x128xi32, #tpu.memory_space<vmem>> -> memref<128xi32, #tpu.memory_space<vmem>>
      %dma_start3A_380 = arith.constant 0 : i32
      %dma_start3A_381 = arith.constant 0 : i32
      %dma_start3A_382 = tpu.memref_slice %arg10[%dma_start3A_380, %dma_start3A_381] : memref<10112x128xf32, #tpu.memory_space<vmem_shared>> -> memref<10112x128xf32, #tpu.memory_space<vmem_shared>>
      %dma_start3A_383 = tpu.memref_slice %arg11[%dma_start3A_373] : memref<3x!tpu.dma_semaphore, #tpu.memory_space<semaphore_mem>> -> memref<1x!tpu.dma_semaphore, #tpu.memory_space<semaphore_mem>>
      %dma_start3A_384 = tpu.memref_squeeze %dma_start3A_383 : memref<1x!tpu.dma_semaphore, #tpu.memory_space<semaphore_mem>> -> memref<!tpu.dma_semaphore, #tpu.memory_space<semaphore_mem>>
      tpu.enqueue_indirect_dma source(%dma_start3A_377 : memref<128x128xf32, #tpu.memory_space<vmem>>) target(%dma_start3A_382 : memref<10112x128xf32, #tpu.memory_space<vmem_shared>>) offsets(%dma_start3A_379 : memref<128xi32, #tpu.memory_space<vmem>>) semaphore(%dma_start3A_384 : memref<!tpu.dma_semaphore, #tpu.memory_space<semaphore_mem>>) {add = true}
    }
    %dma_wait3A = arith.constant 0 : i32
    %dma_wait3A_78 = arith.constant 0 : i32
    %dma_wait3A_79 = arith.constant 1 : i32
    %dma_wait3A_80 = arith.constant 0 : i32
    %dma_wait3A_81 = arith.constant 0 : i32
    %dma_wait3A_82 = tpu.memref_slice %arg8[%dma_wait3A, %dma_wait3A_80, %dma_wait3A_81] : memref<2x128x128xf32, #tpu.memory_space<vmem>> -> memref<1x128x128xf32, #tpu.memory_space<vmem>>
    %dma_wait3A_83 = tpu.memref_squeeze %dma_wait3A_82 : memref<1x128x128xf32, #tpu.memory_space<vmem>> -> memref<128x128xf32, #tpu.memory_space<vmem>>
    %dma_wait3A_84 = arith.constant 0 : i32
    %dma_wait3A_85 = tpu.memref_slice %arg7[%dma_wait3A_78, %dma_wait3A_84] : memref<2x2048xi32, #tpu.memory_space<vmem>> -> memref<1x128xi32, #tpu.memory_space<vmem>>
    %dma_wait3A_86 = tpu.memref_squeeze %dma_wait3A_85 : memref<1x128xi32, #tpu.memory_space<vmem>> -> memref<128xi32, #tpu.memory_space<vmem>>
    %dma_wait3A_87 = arith.constant 0 : i32
    %dma_wait3A_88 = arith.constant 0 : i32
    %dma_wait3A_89 = tpu.memref_slice %arg10[%dma_wait3A_87, %dma_wait3A_88] : memref<10112x128xf32, #tpu.memory_space<vmem_shared>> -> memref<10112x128xf32, #tpu.memory_space<vmem_shared>>
    %dma_wait3A_90 = tpu.memref_slice %arg11[%dma_wait3A_79] : memref<3x!tpu.dma_semaphore, #tpu.memory_space<semaphore_mem>> -> memref<1x!tpu.dma_semaphore, #tpu.memory_space<semaphore_mem>>
    %dma_wait3A_91 = tpu.memref_squeeze %dma_wait3A_90 : memref<1x!tpu.dma_semaphore, #tpu.memory_space<semaphore_mem>> -> memref<!tpu.dma_semaphore, #tpu.memory_space<semaphore_mem>>
    tpu.wait_indirect_dma semaphore(%dma_wait3A_91 : memref<!tpu.dma_semaphore, #tpu.memory_space<semaphore_mem>>) src(%dma_wait3A_83 : memref<128x128xf32, #tpu.memory_space<vmem>>) dst(%dma_wait3A_89 : memref<10112x128xf32, #tpu.memory_space<vmem_shared>>)
    %barrier3A_92 = arith.constant 0 : index
    tpu.barrier barrier_id(%barrier3A_92)
    %mul3A_93 = arith.constant 632 : i32
    %mul3A_94 = arith.muli %arg1, %mul3A_93 : i32
    %mul3A_95 = arith.constant 10112 : i32
    %mul3A_96 = arith.muli %arg0, %mul3A_95 : i32
    %mul3A_97 = arith.constant 632 : i32
    %mul3A_98 = arith.muli %arg1, %mul3A_97 : i32
    %add3A_99 = arith.addi %mul3A_96, %mul3A_98 : i32
    "tpu.region"() ({
      %run_scoped3A_100 = tpu.sem_alloc : memref<!tpu.dma_semaphore, #tpu.memory_space<semaphore_mem>>
      %dma_start3A_101 = arith.constant 0 : i32
      %dma_start3A_102 = tpu.memref_slice %arg5[%add3A_99, %dma_start3A_101] : memref<20224x128xf32, #tpu.memory_space<hbm>> -> memref<632x128xf32, #tpu.memory_space<hbm>>
      %dma_start3A_103 = arith.constant 0 : i32
      %dma_start3A_104 = tpu.memref_slice %arg10[%mul3A_94, %dma_start3A_103] : memref<10112x128xf32, #tpu.memory_space<vmem_shared>> -> memref<632x128xf32, #tpu.memory_space<vmem_shared>>
      tpu.enqueue_dma source(%dma_start3A_104 : memref<632x128xf32, #tpu.memory_space<vmem_shared>>) target(%dma_start3A_102 : memref<632x128xf32, #tpu.memory_space<hbm>>) target_semaphore(%run_scoped3A_100 : memref<!tpu.dma_semaphore, #tpu.memory_space<semaphore_mem>>)
      %dma_wait3A_105 = arith.constant 0 : i32
      %dma_wait3A_106 = tpu.memref_slice %arg5[%add3A_99, %dma_wait3A_105] : memref<20224x128xf32, #tpu.memory_space<hbm>> -> memref<632x128xf32, #tpu.memory_space<hbm>>
      %dma_wait3A_107 = arith.constant 0 : i32
      %dma_wait3A_108 = tpu.memref_slice %arg10[%mul3A_94, %dma_wait3A_107] : memref<10112x128xf32, #tpu.memory_space<vmem_shared>> -> memref<632x128xf32, #tpu.memory_space<vmem_shared>>
      tpu.wait_dma2 semaphore(%run_scoped3A_100 : memref<!tpu.dma_semaphore, #tpu.memory_space<semaphore_mem>>) src(%dma_wait3A_108 : memref<632x128xf32, #tpu.memory_space<vmem_shared>>) dst(%dma_wait3A_106 : memref<632x128xf32, #tpu.memory_space<hbm>>)
      tpu.yield
    }) : () -> ()
    return
  }
}

#map = affine_map<(d0, d1) -> (0, 0)>
#map1 = affine_map<(d0, d1) -> (0)>
module attributes {stable_mosaic.version = 14 : i64} {
  func.func @_sc_body(%arg0: i32, %arg1: i32, %arg2: memref<20224x128xf32, #tpu.memory_space<hbm>>, %arg3: memref<20224xf32, #tpu.memory_space<hbm>>, %arg4: memref<1286144xi32, #tpu.memory_space<hbm>>, %arg5: memref<20224x128xf32, #tpu.memory_space<hbm>>, %arg6: memref<10112xf32, #tpu.memory_space<vmem>>, %arg7: memref<2x2048xi32, #tpu.memory_space<vmem>>, %arg8: memref<2x128x128xf32, #tpu.memory_space<vmem>>, %arg9: memref<128xf32, #tpu.memory_space<vmem>>, %arg10: memref<10112x128xf32, #tpu.memory_space<vmem_shared>>, %arg11: memref<3x!tpu.dma_semaphore, #tpu.memory_space<semaphore_mem>>) attributes {dimension_semantics = [#tpu.dimension_semantics<core_parallel>, #tpu.dimension_semantics<subcore_parallel>], iteration_bounds = array<i64: 2, 16>, scalar_prefetch = 0 : i64, scratch_operands = 6 : i64, tpu.core_type = #tpu.core_type<sc_vector_subcore>, window_params = [{transform_indices = #map}, {transform_indices = #map1}, {transform_indices = #map1}, {transform_indices = #map}]} {
    %mul3A = arith.constant 10112 : i32
    %mul3A_0 = arith.muli %arg0, %mul3A : i32
    "tpu.region"() ({
      %run_scoped3A_100 = tpu.sem_alloc : memref<!tpu.dma_semaphore, #tpu.memory_space<semaphore_mem>>
      %dma_start3A_101 = tpu.memref_slice %arg3[%mul3A_0] : memref<20224xf32, #tpu.memory_space<hbm>> -> memref<10112xf32, #tpu.memory_space<hbm>>
      %dma_start3A_102 = tpu.memref_slice %arg3[%mul3A_0] : memref<20224xf32, #tpu.memory_space<hbm>> -> memref<10112xf32, #tpu.memory_space<hbm>>
      tpu.enqueue_dma source(%dma_start3A_102 : memref<10112xf32, #tpu.memory_space<hbm>>) target(%arg6 : memref<10112xf32, #tpu.memory_space<vmem>>) target_semaphore(%run_scoped3A_100 : memref<!tpu.dma_semaphore, #tpu.memory_space<semaphore_mem>>)
      %dma_wait3A_103 = tpu.memref_slice %arg3[%mul3A_0] : memref<20224xf32, #tpu.memory_space<hbm>> -> memref<10112xf32, #tpu.memory_space<hbm>>
      %dma_wait3A_104 = tpu.memref_slice %arg3[%mul3A_0] : memref<20224xf32, #tpu.memory_space<hbm>> -> memref<10112xf32, #tpu.memory_space<hbm>>
      tpu.wait_dma2 semaphore(%run_scoped3A_100 : memref<!tpu.dma_semaphore, #tpu.memory_space<semaphore_mem>>) src(%dma_wait3A_104 : memref<10112xf32, #tpu.memory_space<hbm>>) dst(%arg6 : memref<10112xf32, #tpu.memory_space<vmem>>)
      tpu.yield
    }) : () -> ()
    %mul3A_1 = arith.constant 156 : i32
    %mul3A_2 = arith.muli %arg1, %mul3A_1 : i32
    %min3A = arith.constant 4 : i32
    %min3A_3 = arith.minsi %arg1, %min3A : i32
    %add3A = arith.addi %mul3A_2, %min3A_3 : i32
    %lt3A = arith.constant 4 : i32
    %lt3A_4 = arith.cmpi slt, %arg1, %lt3A : i32
    %jit3A = arith.constant 1 : i32
    %jit3A_5 = arith.constant 0 : i32
    %select_n3A = arith.select %lt3A_4, %jit3A, %jit3A_5 : i32
    %add3A_6 = arith.constant 156 : i32
    %add3A_7 = arith.addi %add3A_6, %select_n3A : i32
    %broadcast_in_dim3A = arith.constant 0.000000e+00 : f32
    %broadcast_in_dim3A_8 = vector.broadcast %broadcast_in_dim3A : f32 to vector<16xf32>
    %scan3A = arith.constant 0 : i32
    %scan3A_9 = arith.constant 0 : i32
    %scan3A_10 = arith.constant 128 : i32
    %scan3A_11 = arith.addi %scan3A_9, %scan3A_10 : i32
    %scan3A_12 = arith.constant 1 : i32
    scf.for %scan3A_100 = %scan3A_9 to %scan3A_11 step %scan3A_12  : i32 {
      %swap3A = arith.constant 0 : i32
      %swap3A_101 = arith.index_cast %swap3A : i32 to index
      %swap3A_102 = arith.index_cast %scan3A_100 : i32 to index
      %swap3A_103 = arith.constant 0 : index
      %swap3A_104 = tpu.vector_load %arg8[%swap3A_101, %swap3A_102, %swap3A_103] {strides = array<i32>} : memref<2x128x128xf32, #tpu.memory_space<vmem>>, vector<16xf32>,
      tpu.vector_store %arg8[%swap3A_101, %swap3A_102, %swap3A_103], %broadcast_in_dim3A_8 {strides = array<i32>} : memref<2x128x128xf32, #tpu.memory_space<vmem>>, vector<16xf32>,
      %swap3A_105 = arith.constant 0 : i32
      %swap3A_106 = arith.index_cast %swap3A_105 : i32 to index
      %swap3A_107 = arith.index_cast %scan3A_100 : i32 to index
      %swap3A_108 = arith.constant 16 : index
      %swap3A_109 = tpu.vector_load %arg8[%swap3A_106, %swap3A_107, %swap3A_108] {strides = array<i32>} : memref<2x128x128xf32, #tpu.memory_space<vmem>>, vector<16xf32>,
      tpu.vector_store %arg8[%swap3A_106, %swap3A_107, %swap3A_108], %broadcast_in_dim3A_8 {strides = array<i32>} : memref<2x128x128xf32, #tpu.memory_space<vmem>>, vector<16xf32>,
      %swap3A_110 = arith.constant 0 : i32
      %swap3A_111 = arith.index_cast %swap3A_110 : i32 to index
      %swap3A_112 = arith.index_cast %scan3A_100 : i32 to index
      %swap3A_113 = arith.constant 32 : index
      %swap3A_114 = tpu.vector_load %arg8[%swap3A_111, %swap3A_112, %swap3A_113] {strides = array<i32>} : memref<2x128x128xf32, #tpu.memory_space<vmem>>, vector<16xf32>,
      tpu.vector_store %arg8[%swap3A_111, %swap3A_112, %swap3A_113], %broadcast_in_dim3A_8 {strides = array<i32>} : memref<2x128x128xf32, #tpu.memory_space<vmem>>, vector<16xf32>,
      %swap3A_115 = arith.constant 0 : i32
      %swap3A_116 = arith.index_cast %swap3A_115 : i32 to index
      %swap3A_117 = arith.index_cast %scan3A_100 : i32 to index
      %swap3A_118 = arith.constant 48 : index
      %swap3A_119 = tpu.vector_load %arg8[%swap3A_116, %swap3A_117, %swap3A_118] {strides = array<i32>} : memref<2x128x128xf32, #tpu.memory_space<vmem>>, vector<16xf32>,
      tpu.vector_store %arg8[%swap3A_116, %swap3A_117, %swap3A_118], %broadcast_in_dim3A_8 {strides = array<i32>} : memref<2x128x128xf32, #tpu.memory_space<vmem>>, vector<16xf32>,
      %swap3A_120 = arith.constant 0 : i32
      %swap3A_121 = arith.index_cast %swap3A_120 : i32 to index
      %swap3A_122 = arith.index_cast %scan3A_100 : i32 to index
      %swap3A_123 = arith.constant 64 : index
      %swap3A_124 = tpu.vector_load %arg8[%swap3A_121, %swap3A_122, %swap3A_123] {strides = array<i32>} : memref<2x128x128xf32, #tpu.memory_space<vmem>>, vector<16xf32>,
      tpu.vector_store %arg8[%swap3A_121, %swap3A_122, %swap3A_123], %broadcast_in_dim3A_8 {strides = array<i32>} : memref<2x128x128xf32, #tpu.memory_space<vmem>>, vector<16xf32>,
      %swap3A_125 = arith.constant 0 : i32
      %swap3A_126 = arith.index_cast %swap3A_125 : i32 to index
      %swap3A_127 = arith.index_cast %scan3A_100 : i32 to index
      %swap3A_128 = arith.constant 80 : index
      %swap3A_129 = tpu.vector_load %arg8[%swap3A_126, %swap3A_127, %swap3A_128] {strides = array<i32>} : memref<2x128x128xf32, #tpu.memory_space<vmem>>, vector<16xf32>,
      tpu.vector_store %arg8[%swap3A_126, %swap3A_127, %swap3A_128], %broadcast_in_dim3A_8 {strides = array<i32>} : memref<2x128x128xf32, #tpu.memory_space<vmem>>, vector<16xf32>,
      %swap3A_130 = arith.constant 0 : i32
      %swap3A_131 = arith.index_cast %swap3A_130 : i32 to index
      %swap3A_132 = arith.index_cast %scan3A_100 : i32 to index
      %swap3A_133 = arith.constant 96 : index
      %swap3A_134 = tpu.vector_load %arg8[%swap3A_131, %swap3A_132, %swap3A_133] {strides = array<i32>} : memref<2x128x128xf32, #tpu.memory_space<vmem>>, vector<16xf32>,
      tpu.vector_store %arg8[%swap3A_131, %swap3A_132, %swap3A_133], %broadcast_in_dim3A_8 {strides = array<i32>} : memref<2x128x128xf32, #tpu.memory_space<vmem>>, vector<16xf32>,
      %swap3A_135 = arith.constant 0 : i32
      %swap3A_136 = arith.index_cast %swap3A_135 : i32 to index
      %swap3A_137 = arith.index_cast %scan3A_100 : i32 to index
      %swap3A_138 = arith.constant 112 : index
      %swap3A_139 = tpu.vector_load %arg8[%swap3A_136, %swap3A_137, %swap3A_138] {strides = array<i32>} : memref<2x128x128xf32, #tpu.memory_space<vmem>>, vector<16xf32>,
      tpu.vector_store %arg8[%swap3A_136, %swap3A_137, %swap3A_138], %broadcast_in_dim3A_8 {strides = array<i32>} : memref<2x128x128xf32, #tpu.memory_space<vmem>>, vector<16xf32>,
    }
    %scan3A_13 = arith.constant 128 : i32
    %mul3A_14 = arith.constant 632 : i32
    %mul3A_15 = arith.muli %arg1, %mul3A_14 : i32
    %add3A_16 = arith.constant 0 : i32
    %add3A_17 = arith.addi %mul3A_15, %add3A_16 : i32
    %run_scoped3A = arith.constant 0 : i32
    "tpu.region"() ({
      %run_scoped3A_100 = tpu.sem_alloc : memref<!tpu.dma_semaphore, #tpu.memory_space<semaphore_mem>>
      %dma_start3A_101 = arith.constant 0 : i32
      %dma_start3A_102 = arith.constant 0 : i32
      %dma_start3A_103 = tpu.memref_slice %arg8[%run_scoped3A, %dma_start3A_101, %dma_start3A_102] : memref<2x128x128xf32, #tpu.memory_space<vmem>> -> memref<1x128x128xf32, #tpu.memory_space<vmem>>
      %dma_start3A_104 = tpu.memref_squeeze %dma_start3A_103 : memref<1x128x128xf32, #tpu.memory_space<vmem>> -> memref<128x128xf32, #tpu.memory_space<vmem>>
      %dma_start3A_105 = arith.constant 0 : i32
      %dma_start3A_106 = tpu.memref_slice %arg10[%add3A_17, %dma_start3A_105] : memref<10112x128xf32, #tpu.memory_space<vmem_shared>> -> memref<128x128xf32, #tpu.memory_space<vmem_shared>>
      %dma_start3A_107 = arith.constant 0 : i32
      %dma_start3A_108 = tpu.memref_slice %arg10[%add3A_17, %dma_start3A_107] : memref<10112x128xf32, #tpu.memory_space<vmem_shared>> -> memref<128x128xf32, #tpu.memory_space<vmem_shared>>
      %dma_start3A_109 = arith.constant 0 : i32
      %dma_start3A_110 = arith.constant 0 : i32
      %dma_start3A_111 = tpu.memref_slice %arg8[%run_scoped3A, %dma_start3A_109, %dma_start3A_110] : memref<2x128x128xf32, #tpu.memory_space<vmem>> -> memref<1x128x128xf32, #tpu.memory_space<vmem>>
      %dma_start3A_112 = tpu.memref_squeeze %dma_start3A_111 : memref<1x128x128xf32, #tpu.memory_space<vmem>> -> memref<128x128xf32, #tpu.memory_space<vmem>>
      tpu.enqueue_dma source(%dma_start3A_112 : memref<128x128xf32, #tpu.memory_space<vmem>>) target(%dma_start3A_108 : memref<128x128xf32, #tpu.memory_space<vmem_shared>>) target_semaphore(%run_scoped3A_100 : memref<!tpu.dma_semaphore, #tpu.memory_space<semaphore_mem>>)
      %dma_wait3A_113 = arith.constant 0 : i32
      %dma_wait3A_114 = arith.constant 0 : i32
      %dma_wait3A_115 = tpu.memref_slice %arg8[%run_scoped3A, %dma_wait3A_113, %dma_wait3A_114] : memref<2x128x128xf32, #tpu.memory_space<vmem>> -> memref<1x128x128xf32, #tpu.memory_space<vmem>>
      %dma_wait3A_116 = tpu.memref_squeeze %dma_wait3A_115 : memref<1x128x128xf32, #tpu.memory_space<vmem>> -> memref<128x128xf32, #tpu.memory_space<vmem>>
      %dma_wait3A_117 = arith.constant 0 : i32
      %dma_wait3A_118 = tpu.memref_slice %arg10[%add3A_17, %dma_wait3A_117] : memref<10112x128xf32, #tpu.memory_space<vmem_shared>> -> memref<128x128xf32, #tpu.memory_space<vmem_shared>>
      %dma_wait3A_119 = arith.constant 0 : i32
      %dma_wait3A_120 = tpu.memref_slice %arg10[%add3A_17, %dma_wait3A_119] : memref<10112x128xf32, #tpu.memory_space<vmem_shared>> -> memref<128x128xf32, #tpu.memory_space<vmem_shared>>
      %dma_wait3A_121 = arith.constant 0 : i32
      %dma_wait3A_122 = arith.constant 0 : i32
      %dma_wait3A_123 = tpu.memref_slice %arg8[%run_scoped3A, %dma_wait3A_121, %dma_wait3A_122] : memref<2x128x128xf32, #tpu.memory_space<vmem>> -> memref<1x128x128xf32, #tpu.memory_space<vmem>>
      %dma_wait3A_124 = tpu.memref_squeeze %dma_wait3A_123 : memref<1x128x128xf32, #tpu.memory_space<vmem>> -> memref<128x128xf32, #tpu.memory_space<vmem>>
      tpu.wait_dma2 semaphore(%run_scoped3A_100 : memref<!tpu.dma_semaphore, #tpu.memory_space<semaphore_mem>>) src(%dma_wait3A_124 : memref<128x128xf32, #tpu.memory_space<vmem>>) dst(%dma_wait3A_120 : memref<128x128xf32, #tpu.memory_space<vmem_shared>>)
      tpu.yield
    }) : () -> ()
    %mul3A_18 = arith.constant 632 : i32
    %mul3A_19 = arith.muli %arg1, %mul3A_18 : i32
    %add3A_20 = arith.constant 128 : i32
    %add3A_21 = arith.addi %mul3A_19, %add3A_20 : i32
    %run_scoped3A_22 = arith.constant 0 : i32
    "tpu.region"() ({
      %run_scoped3A_100 = tpu.sem_alloc : memref<!tpu.dma_semaphore, #tpu.memory_space<semaphore_mem>>
      %dma_start3A_101 = arith.constant 0 : i32
      %dma_start3A_102 = arith.constant 0 : i32
      %dma_start3A_103 = tpu.memref_slice %arg8[%run_scoped3A_22, %dma_start3A_101, %dma_start3A_102] : memref<2x128x128xf32, #tpu.memory_space<vmem>> -> memref<1x128x128xf32, #tpu.memory_space<vmem>>
      %dma_start3A_104 = tpu.memref_squeeze %dma_start3A_103 : memref<1x128x128xf32, #tpu.memory_space<vmem>> -> memref<128x128xf32, #tpu.memory_space<vmem>>
      %dma_start3A_105 = arith.constant 0 : i32
      %dma_start3A_106 = tpu.memref_slice %arg10[%add3A_21, %dma_start3A_105] : memref<10112x128xf32, #tpu.memory_space<vmem_shared>> -> memref<128x128xf32, #tpu.memory_space<vmem_shared>>
      %dma_start3A_107 = arith.constant 0 : i32
      %dma_start3A_108 = tpu.memref_slice %arg10[%add3A_21, %dma_start3A_107] : memref<10112x128xf32, #tpu.memory_space<vmem_shared>> -> memref<128x128xf32, #tpu.memory_space<vmem_shared>>
      %dma_start3A_109 = arith.constant 0 : i32
      %dma_start3A_110 = arith.constant 0 : i32
      %dma_start3A_111 = tpu.memref_slice %arg8[%run_scoped3A_22, %dma_start3A_109, %dma_start3A_110] : memref<2x128x128xf32, #tpu.memory_space<vmem>> -> memref<1x128x128xf32, #tpu.memory_space<vmem>>
      %dma_start3A_112 = tpu.memref_squeeze %dma_start3A_111 : memref<1x128x128xf32, #tpu.memory_space<vmem>> -> memref<128x128xf32, #tpu.memory_space<vmem>>
      tpu.enqueue_dma source(%dma_start3A_112 : memref<128x128xf32, #tpu.memory_space<vmem>>) target(%dma_start3A_108 : memref<128x128xf32, #tpu.memory_space<vmem_shared>>) target_semaphore(%run_scoped3A_100 : memref<!tpu.dma_semaphore, #tpu.memory_space<semaphore_mem>>)
      %dma_wait3A_113 = arith.constant 0 : i32
      %dma_wait3A_114 = arith.constant 0 : i32
      %dma_wait3A_115 = tpu.memref_slice %arg8[%run_scoped3A_22, %dma_wait3A_113, %dma_wait3A_114] : memref<2x128x128xf32, #tpu.memory_space<vmem>> -> memref<1x128x128xf32, #tpu.memory_space<vmem>>
      %dma_wait3A_116 = tpu.memref_squeeze %dma_wait3A_115 : memref<1x128x128xf32, #tpu.memory_space<vmem>> -> memref<128x128xf32, #tpu.memory_space<vmem>>
      %dma_wait3A_117 = arith.constant 0 : i32
      %dma_wait3A_118 = tpu.memref_slice %arg10[%add3A_21, %dma_wait3A_117] : memref<10112x128xf32, #tpu.memory_space<vmem_shared>> -> memref<128x128xf32, #tpu.memory_space<vmem_shared>>
      %dma_wait3A_119 = arith.constant 0 : i32
      %dma_wait3A_120 = tpu.memref_slice %arg10[%add3A_21, %dma_wait3A_119] : memref<10112x128xf32, #tpu.memory_space<vmem_shared>> -> memref<128x128xf32, #tpu.memory_space<vmem_shared>>
      %dma_wait3A_121 = arith.constant 0 : i32
      %dma_wait3A_122 = arith.constant 0 : i32
      %dma_wait3A_123 = tpu.memref_slice %arg8[%run_scoped3A_22, %dma_wait3A_121, %dma_wait3A_122] : memref<2x128x128xf32, #tpu.memory_space<vmem>> -> memref<1x128x128xf32, #tpu.memory_space<vmem>>
      %dma_wait3A_124 = tpu.memref_squeeze %dma_wait3A_123 : memref<1x128x128xf32, #tpu.memory_space<vmem>> -> memref<128x128xf32, #tpu.memory_space<vmem>>
      tpu.wait_dma2 semaphore(%run_scoped3A_100 : memref<!tpu.dma_semaphore, #tpu.memory_space<semaphore_mem>>) src(%dma_wait3A_124 : memref<128x128xf32, #tpu.memory_space<vmem>>) dst(%dma_wait3A_120 : memref<128x128xf32, #tpu.memory_space<vmem_shared>>)
      tpu.yield
    }) : () -> ()
    %mul3A_23 = arith.constant 632 : i32
    %mul3A_24 = arith.muli %arg1, %mul3A_23 : i32
    %add3A_25 = arith.constant 256 : i32
    %add3A_26 = arith.addi %mul3A_24, %add3A_25 : i32
    %run_scoped3A_27 = arith.constant 0 : i32
    "tpu.region"() ({
      %run_scoped3A_100 = tpu.sem_alloc : memref<!tpu.dma_semaphore, #tpu.memory_space<semaphore_mem>>
      %dma_start3A_101 = arith.constant 0 : i32
      %dma_start3A_102 = arith.constant 0 : i32
      %dma_start3A_103 = tpu.memref_slice %arg8[%run_scoped3A_27, %dma_start3A_101, %dma_start3A_102] : memref<2x128x128xf32, #tpu.memory_space<vmem>> -> memref<1x128x128xf32, #tpu.memory_space<vmem>>
      %dma_start3A_104 = tpu.memref_squeeze %dma_start3A_103 : memref<1x128x128xf32, #tpu.memory_space<vmem>> -> memref<128x128xf32, #tpu.memory_space<vmem>>
      %dma_start3A_105 = arith.constant 0 : i32
      %dma_start3A_106 = tpu.memref_slice %arg10[%add3A_26, %dma_start3A_105] : memref<10112x128xf32, #tpu.memory_space<vmem_shared>> -> memref<128x128xf32, #tpu.memory_space<vmem_shared>>
      %dma_start3A_107 = arith.constant 0 : i32
      %dma_start3A_108 = tpu.memref_slice %arg10[%add3A_26, %dma_start3A_107] : memref<10112x128xf32, #tpu.memory_space<vmem_shared>> -> memref<128x128xf32, #tpu.memory_space<vmem_shared>>
      %dma_start3A_109 = arith.constant 0 : i32
      %dma_start3A_110 = arith.constant 0 : i32
      %dma_start3A_111 = tpu.memref_slice %arg8[%run_scoped3A_27, %dma_start3A_109, %dma_start3A_110] : memref<2x128x128xf32, #tpu.memory_space<vmem>> -> memref<1x128x128xf32, #tpu.memory_space<vmem>>
      %dma_start3A_112 = tpu.memref_squeeze %dma_start3A_111 : memref<1x128x128xf32, #tpu.memory_space<vmem>> -> memref<128x128xf32, #tpu.memory_space<vmem>>
      tpu.enqueue_dma source(%dma_start3A_112 : memref<128x128xf32, #tpu.memory_space<vmem>>) target(%dma_start3A_108 : memref<128x128xf32, #tpu.memory_space<vmem_shared>>) target_semaphore(%run_scoped3A_100 : memref<!tpu.dma_semaphore, #tpu.memory_space<semaphore_mem>>)
      %dma_wait3A_113 = arith.constant 0 : i32
      %dma_wait3A_114 = arith.constant 0 : i32
      %dma_wait3A_115 = tpu.memref_slice %arg8[%run_scoped3A_27, %dma_wait3A_113, %dma_wait3A_114] : memref<2x128x128xf32, #tpu.memory_space<vmem>> -> memref<1x128x128xf32, #tpu.memory_space<vmem>>
      %dma_wait3A_116 = tpu.memref_squeeze %dma_wait3A_115 : memref<1x128x128xf32, #tpu.memory_space<vmem>> -> memref<128x128xf32, #tpu.memory_space<vmem>>
      %dma_wait3A_117 = arith.constant 0 : i32
      %dma_wait3A_118 = tpu.memref_slice %arg10[%add3A_26, %dma_wait3A_117] : memref<10112x128xf32, #tpu.memory_space<vmem_shared>> -> memref<128x128xf32, #tpu.memory_space<vmem_shared>>
      %dma_wait3A_119 = arith.constant 0 : i32
      %dma_wait3A_120 = tpu.memref_slice %arg10[%add3A_26, %dma_wait3A_119] : memref<10112x128xf32, #tpu.memory_space<vmem_shared>> -> memref<128x128xf32, #tpu.memory_space<vmem_shared>>
      %dma_wait3A_121 = arith.constant 0 : i32
      %dma_wait3A_122 = arith.constant 0 : i32
      %dma_wait3A_123 = tpu.memref_slice %arg8[%run_scoped3A_27, %dma_wait3A_121, %dma_wait3A_122] : memref<2x128x128xf32, #tpu.memory_space<vmem>> -> memref<1x128x128xf32, #tpu.memory_space<vmem>>
      %dma_wait3A_124 = tpu.memref_squeeze %dma_wait3A_123 : memref<1x128x128xf32, #tpu.memory_space<vmem>> -> memref<128x128xf32, #tpu.memory_space<vmem>>
      tpu.wait_dma2 semaphore(%run_scoped3A_100 : memref<!tpu.dma_semaphore, #tpu.memory_space<semaphore_mem>>) src(%dma_wait3A_124 : memref<128x128xf32, #tpu.memory_space<vmem>>) dst(%dma_wait3A_120 : memref<128x128xf32, #tpu.memory_space<vmem_shared>>)
      tpu.yield
    }) : () -> ()
    %mul3A_28 = arith.constant 632 : i32
    %mul3A_29 = arith.muli %arg1, %mul3A_28 : i32
    %add3A_30 = arith.constant 384 : i32
    %add3A_31 = arith.addi %mul3A_29, %add3A_30 : i32
    %run_scoped3A_32 = arith.constant 0 : i32
    "tpu.region"() ({
      %run_scoped3A_100 = tpu.sem_alloc : memref<!tpu.dma_semaphore, #tpu.memory_space<semaphore_mem>>
      %dma_start3A_101 = arith.constant 0 : i32
      %dma_start3A_102 = arith.constant 0 : i32
      %dma_start3A_103 = tpu.memref_slice %arg8[%run_scoped3A_32, %dma_start3A_101, %dma_start3A_102] : memref<2x128x128xf32, #tpu.memory_space<vmem>> -> memref<1x128x128xf32, #tpu.memory_space<vmem>>
      %dma_start3A_104 = tpu.memref_squeeze %dma_start3A_103 : memref<1x128x128xf32, #tpu.memory_space<vmem>> -> memref<128x128xf32, #tpu.memory_space<vmem>>
      %dma_start3A_105 = arith.constant 0 : i32
      %dma_start3A_106 = tpu.memref_slice %arg10[%add3A_31, %dma_start3A_105] : memref<10112x128xf32, #tpu.memory_space<vmem_shared>> -> memref<128x128xf32, #tpu.memory_space<vmem_shared>>
      %dma_start3A_107 = arith.constant 0 : i32
      %dma_start3A_108 = tpu.memref_slice %arg10[%add3A_31, %dma_start3A_107] : memref<10112x128xf32, #tpu.memory_space<vmem_shared>> -> memref<128x128xf32, #tpu.memory_space<vmem_shared>>
      %dma_start3A_109 = arith.constant 0 : i32
      %dma_start3A_110 = arith.constant 0 : i32
      %dma_start3A_111 = tpu.memref_slice %arg8[%run_scoped3A_32, %dma_start3A_109, %dma_start3A_110] : memref<2x128x128xf32, #tpu.memory_space<vmem>> -> memref<1x128x128xf32, #tpu.memory_space<vmem>>
      %dma_start3A_112 = tpu.memref_squeeze %dma_start3A_111 : memref<1x128x128xf32, #tpu.memory_space<vmem>> -> memref<128x128xf32, #tpu.memory_space<vmem>>
      tpu.enqueue_dma source(%dma_start3A_112 : memref<128x128xf32, #tpu.memory_space<vmem>>) target(%dma_start3A_108 : memref<128x128xf32, #tpu.memory_space<vmem_shared>>) target_semaphore(%run_scoped3A_100 : memref<!tpu.dma_semaphore, #tpu.memory_space<semaphore_mem>>)
      %dma_wait3A_113 = arith.constant 0 : i32
      %dma_wait3A_114 = arith.constant 0 : i32
      %dma_wait3A_115 = tpu.memref_slice %arg8[%run_scoped3A_32, %dma_wait3A_113, %dma_wait3A_114] : memref<2x128x128xf32, #tpu.memory_space<vmem>> -> memref<1x128x128xf32, #tpu.memory_space<vmem>>
      %dma_wait3A_116 = tpu.memref_squeeze %dma_wait3A_115 : memref<1x128x128xf32, #tpu.memory_space<vmem>> -> memref<128x128xf32, #tpu.memory_space<vmem>>
      %dma_wait3A_117 = arith.constant 0 : i32
      %dma_wait3A_118 = tpu.memref_slice %arg10[%add3A_31, %dma_wait3A_117] : memref<10112x128xf32, #tpu.memory_space<vmem_shared>> -> memref<128x128xf32, #tpu.memory_space<vmem_shared>>
      %dma_wait3A_119 = arith.constant 0 : i32
      %dma_wait3A_120 = tpu.memref_slice %arg10[%add3A_31, %dma_wait3A_119] : memref<10112x128xf32, #tpu.memory_space<vmem_shared>> -> memref<128x128xf32, #tpu.memory_space<vmem_shared>>
      %dma_wait3A_121 = arith.constant 0 : i32
      %dma_wait3A_122 = arith.constant 0 : i32
      %dma_wait3A_123 = tpu.memref_slice %arg8[%run_scoped3A_32, %dma_wait3A_121, %dma_wait3A_122] : memref<2x128x128xf32, #tpu.memory_space<vmem>> -> memref<1x128x128xf32, #tpu.memory_space<vmem>>
      %dma_wait3A_124 = tpu.memref_squeeze %dma_wait3A_123 : memref<1x128x128xf32, #tpu.memory_space<vmem>> -> memref<128x128xf32, #tpu.memory_space<vmem>>
      tpu.wait_dma2 semaphore(%run_scoped3A_100 : memref<!tpu.dma_semaphore, #tpu.memory_space<semaphore_mem>>) src(%dma_wait3A_124 : memref<128x128xf32, #tpu.memory_space<vmem>>) dst(%dma_wait3A_120 : memref<128x128xf32, #tpu.memory_space<vmem_shared>>)
      tpu.yield
    }) : () -> ()
    %mul3A_33 = arith.constant 632 : i32
    %mul3A_34 = arith.muli %arg1, %mul3A_33 : i32
    %add3A_35 = arith.constant 512 : i32
    %add3A_36 = arith.addi %mul3A_34, %add3A_35 : i32
    %run_scoped3A_37 = arith.constant 0 : i32
    "tpu.region"() ({
      %run_scoped3A_100 = tpu.sem_alloc : memref<!tpu.dma_semaphore, #tpu.memory_space<semaphore_mem>>
      %dma_start3A_101 = arith.constant 0 : i32
      %dma_start3A_102 = arith.constant 0 : i32
      %dma_start3A_103 = tpu.memref_slice %arg8[%run_scoped3A_37, %dma_start3A_101, %dma_start3A_102] : memref<2x128x128xf32, #tpu.memory_space<vmem>> -> memref<1x120x128xf32, #tpu.memory_space<vmem>>
      %dma_start3A_104 = tpu.memref_squeeze %dma_start3A_103 : memref<1x120x128xf32, #tpu.memory_space<vmem>> -> memref<120x128xf32, #tpu.memory_space<vmem>>
      %dma_start3A_105 = arith.constant 0 : i32
      %dma_start3A_106 = tpu.memref_slice %arg10[%add3A_36, %dma_start3A_105] : memref<10112x128xf32, #tpu.memory_space<vmem_shared>> -> memref<120x128xf32, #tpu.memory_space<vmem_shared>>
      %dma_start3A_107 = arith.constant 0 : i32
      %dma_start3A_108 = tpu.memref_slice %arg10[%add3A_36, %dma_start3A_107] : memref<10112x128xf32, #tpu.memory_space<vmem_shared>> -> memref<120x128xf32, #tpu.memory_space<vmem_shared>>
      %dma_start3A_109 = arith.constant 0 : i32
      %dma_start3A_110 = arith.constant 0 : i32
      %dma_start3A_111 = tpu.memref_slice %arg8[%run_scoped3A_37, %dma_start3A_109, %dma_start3A_110] : memref<2x128x128xf32, #tpu.memory_space<vmem>> -> memref<1x120x128xf32, #tpu.memory_space<vmem>>
      %dma_start3A_112 = tpu.memref_squeeze %dma_start3A_111 : memref<1x120x128xf32, #tpu.memory_space<vmem>> -> memref<120x128xf32, #tpu.memory_space<vmem>>
      tpu.enqueue_dma source(%dma_start3A_112 : memref<120x128xf32, #tpu.memory_space<vmem>>) target(%dma_start3A_108 : memref<120x128xf32, #tpu.memory_space<vmem_shared>>) target_semaphore(%run_scoped3A_100 : memref<!tpu.dma_semaphore, #tpu.memory_space<semaphore_mem>>)
      %dma_wait3A_113 = arith.constant 0 : i32
      %dma_wait3A_114 = arith.constant 0 : i32
      %dma_wait3A_115 = tpu.memref_slice %arg8[%run_scoped3A_37, %dma_wait3A_113, %dma_wait3A_114] : memref<2x128x128xf32, #tpu.memory_space<vmem>> -> memref<1x120x128xf32, #tpu.memory_space<vmem>>
      %dma_wait3A_116 = tpu.memref_squeeze %dma_wait3A_115 : memref<1x120x128xf32, #tpu.memory_space<vmem>> -> memref<120x128xf32, #tpu.memory_space<vmem>>
      %dma_wait3A_117 = arith.constant 0 : i32
      %dma_wait3A_118 = tpu.memref_slice %arg10[%add3A_36, %dma_wait3A_117] : memref<10112x128xf32, #tpu.memory_space<vmem_shared>> -> memref<120x128xf32, #tpu.memory_space<vmem_shared>>
      %dma_wait3A_119 = arith.constant 0 : i32
      %dma_wait3A_120 = tpu.memref_slice %arg10[%add3A_36, %dma_wait3A_119] : memref<10112x128xf32, #tpu.memory_space<vmem_shared>> -> memref<120x128xf32, #tpu.memory_space<vmem_shared>>
      %dma_wait3A_121 = arith.constant 0 : i32
      %dma_wait3A_122 = arith.constant 0 : i32
      %dma_wait3A_123 = tpu.memref_slice %arg8[%run_scoped3A_37, %dma_wait3A_121, %dma_wait3A_122] : memref<2x128x128xf32, #tpu.memory_space<vmem>> -> memref<1x120x128xf32, #tpu.memory_space<vmem>>
      %dma_wait3A_124 = tpu.memref_squeeze %dma_wait3A_123 : memref<1x120x128xf32, #tpu.memory_space<vmem>> -> memref<120x128xf32, #tpu.memory_space<vmem>>
      tpu.wait_dma2 semaphore(%run_scoped3A_100 : memref<!tpu.dma_semaphore, #tpu.memory_space<semaphore_mem>>) src(%dma_wait3A_124 : memref<120x128xf32, #tpu.memory_space<vmem>>) dst(%dma_wait3A_120 : memref<120x128xf32, #tpu.memory_space<vmem_shared>>)
      tpu.yield
    }) : () -> ()
    %barrier3A = arith.constant 0 : index
    tpu.barrier barrier_id(%barrier3A)
    %iota3A = tpu.iota {dimensions = array<i32: 0>} : vector<16xi32>
    %eq3A = arith.constant 0 : i32
    %eq3A_38 = vector.broadcast %eq3A : i32 to vector<16xi32>
    %eq3A_39 = arith.cmpi eq, %iota3A, %eq3A_38 : vector<16xi32>
    %jit3A_40 = arith.constant 1.000000e+00 : f32
    %jit3A_41 = arith.constant 0.000000e+00 : f32
    %broadcast_in_dim3A_42 = vector.broadcast %jit3A_40 : f32 to vector<16xf32>
    %broadcast_in_dim3A_43 = vector.broadcast %jit3A_41 : f32 to vector<16xf32>
    %select_n3A_44 = arith.select %eq3A_39, %broadcast_in_dim3A_42, %broadcast_in_dim3A_43 : vector<16xi1>, vector<16xf32>
    %broadcast_in_dim3A_45 = arith.constant 127 : i32
    %broadcast_in_dim3A_46 = vector.broadcast %broadcast_in_dim3A_45 : i32 to vector<16xi32>
    %mul3A_47 = arith.constant 643072 : i32
    %mul3A_48 = arith.muli %arg0, %mul3A_47 : i32
    %mul3A_49 = arith.constant 2 : i32
    %mul3A_50 = arith.muli %add3A, %mul3A_49 : i32
    %mul3A_51 = arith.constant 128 : i32
    %mul3A_52 = arith.muli %mul3A_50, %mul3A_51 : i32
    %add3A_53 = arith.addi %mul3A_48, %mul3A_52 : i32
    %run_scoped3A_54 = arith.constant 0 : i32
    "tpu.region"() ({
      %run_scoped3A_100 = tpu.sem_alloc : memref<!tpu.dma_semaphore, #tpu.memory_space<semaphore_mem>>
      %dma_start3A_101 = arith.constant 0 : i32
      %dma_start3A_102 = tpu.memref_slice %arg7[%run_scoped3A_54, %dma_start3A_101] : memref<2x2048xi32, #tpu.memory_space<vmem>> -> memref<1x2048xi32, #tpu.memory_space<vmem>>
      %dma_start3A_103 = tpu.memref_squeeze %dma_start3A_102 : memref<1x2048xi32, #tpu.memory_space<vmem>> -> memref<2048xi32, #tpu.memory_space<vmem>>
      %dma_start3A_104 = tpu.memref_slice %arg4[%add3A_53] : memref<1286144xi32, #tpu.memory_space<hbm>> -> memref<2048xi32, #tpu.memory_space<hbm>>
      %dma_start3A_105 = arith.constant 0 : i32
      %dma_start3A_106 = tpu.memref_slice %arg7[%run_scoped3A_54, %dma_start3A_105] : memref<2x2048xi32, #tpu.memory_space<vmem>> -> memref<1x2048xi32, #tpu.memory_space<vmem>>
      %dma_start3A_107 = tpu.memref_squeeze %dma_start3A_106 : memref<1x2048xi32, #tpu.memory_space<vmem>> -> memref<2048xi32, #tpu.memory_space<vmem>>
      %dma_start3A_108 = tpu.memref_slice %arg4[%add3A_53] : memref<1286144xi32, #tpu.memory_space<hbm>> -> memref<2048xi32, #tpu.memory_space<hbm>>
      tpu.enqueue_dma source(%dma_start3A_108 : memref<2048xi32, #tpu.memory_space<hbm>>) target(%dma_start3A_107 : memref<2048xi32, #tpu.memory_space<vmem>>) target_semaphore(%run_scoped3A_100 : memref<!tpu.dma_semaphore, #tpu.memory_space<semaphore_mem>>)
      %dma_wait3A_109 = arith.constant 0 : i32
      %dma_wait3A_110 = tpu.memref_slice %arg7[%run_scoped3A_54, %dma_wait3A_109] : memref<2x2048xi32, #tpu.memory_space<vmem>> -> memref<1x2048xi32, #tpu.memory_space<vmem>>
      %dma_wait3A_111 = tpu.memref_squeeze %dma_wait3A_110 : memref<1x2048xi32, #tpu.memory_space<vmem>> -> memref<2048xi32, #tpu.memory_space<vmem>>
      %dma_wait3A_112 = tpu.memref_slice %arg4[%add3A_53] : memref<1286144xi32, #tpu.memory_space<hbm>> -> memref<2048xi32, #tpu.memory_space<hbm>>
      %dma_wait3A_113 = arith.constant 0 : i32
      %dma_wait3A_114 = tpu.memref_slice %arg7[%run_scoped3A_54, %dma_wait3A_113] : memref<2x2048xi32, #tpu.memory_space<vmem>> -> memref<1x2048xi32, #tpu.memory_space<vmem>>
      %dma_wait3A_115 = tpu.memref_squeeze %dma_wait3A_114 : memref<1x2048xi32, #tpu.memory_space<vmem>> -> memref<2048xi32, #tpu.memory_space<vmem>>
      %dma_wait3A_116 = tpu.memref_slice %arg4[%add3A_53] : memref<1286144xi32, #tpu.memory_space<hbm>> -> memref<2048xi32, #tpu.memory_space<hbm>>
      tpu.wait_dma2 semaphore(%run_scoped3A_100 : memref<!tpu.dma_semaphore, #tpu.memory_space<semaphore_mem>>) src(%dma_wait3A_116 : memref<2048xi32, #tpu.memory_space<hbm>>) dst(%dma_wait3A_115 : memref<2048xi32, #tpu.memory_space<vmem>>)
      tpu.yield
    }) : () -> ()
    %dma_start3A = arith.constant 0 : i32
    %dma_start3A_55 = arith.constant 0 : i32
    %dma_start3A_56 = arith.constant 0 : i32
    %dma_start3A_57 = arith.constant 0 : i32
    %dma_start3A_58 = arith.constant 0 : i32
    %dma_start3A_59 = tpu.memref_slice %arg8[%dma_start3A_55, %dma_start3A_57, %dma_start3A_58] : memref<2x128x128xf32, #tpu.memory_space<vmem>> -> memref<1x128x128xf32, #tpu.memory_space<vmem>>
    %dma_start3A_60 = tpu.memref_squeeze %dma_start3A_59 : memref<1x128x128xf32, #tpu.memory_space<vmem>> -> memref<128x128xf32, #tpu.memory_space<vmem>>
    %dma_start3A_61 = arith.constant 0 : i32
    %dma_start3A_62 = tpu.memref_slice %arg7[%dma_start3A, %dma_start3A_61] : memref<2x2048xi32, #tpu.memory_space<vmem>> -> memref<1x128xi32, #tpu.memory_space<vmem>>
    %dma_start3A_63 = tpu.memref_squeeze %dma_start3A_62 : memref<1x128xi32, #tpu.memory_space<vmem>> -> memref<128xi32, #tpu.memory_space<vmem>>
    %dma_start3A_64 = arith.constant 0 : i32
    %dma_start3A_65 = arith.constant 0 : i32
    %dma_start3A_66 = tpu.memref_slice %arg2[%dma_start3A_64, %dma_start3A_65] : memref<20224x128xf32, #tpu.memory_space<hbm>> -> memref<20224x128xf32, #tpu.memory_space<hbm>>
    %dma_start3A_67 = tpu.memref_slice %arg11[%dma_start3A_56] : memref<3x!tpu.dma_semaphore, #tpu.memory_space<semaphore_mem>> -> memref<1x!tpu.dma_semaphore, #tpu.memory_space<semaphore_mem>>
    %dma_start3A_68 = tpu.memref_squeeze %dma_start3A_67 : memref<1x!tpu.dma_semaphore, #tpu.memory_space<semaphore_mem>> -> memref<!tpu.dma_semaphore, #tpu.memory_space<semaphore_mem>>
    tpu.enqueue_indirect_dma source(%dma_start3A_66 : memref<20224x128xf32, #tpu.memory_space<hbm>>) target(%dma_start3A_60 : memref<128x128xf32, #tpu.memory_space<vmem>>) offsets(%dma_start3A_63 : memref<128xi32, #tpu.memory_space<vmem>>) semaphore(%dma_start3A_68 : memref<!tpu.dma_semaphore, #tpu.memory_space<semaphore_mem>>)
    %while3A = arith.constant 0 : i32
    %while3A_69 = arith.constant 0 : i32
    %while3A_70 = arith.subi %add3A_7, %while3A_69 : i32
    %while3A_71 = arith.addi %while3A_69, %while3A_70 : i32
    %while3A_72 = arith.constant 1 : i32
    %while3A_73 = arith.divsi %while3A_70, %while3A_72 : i32
    %while3A_74 = arith.muli %while3A_73, %while3A_72 : i32
    %while3A_75 = arith.addi %while3A_69, %while3A_74 : i32
    %while3A_76 = arith.constant 1 : i32
    scf.for %while3A_100 = %while3A_69 to %while3A_75 step %while3A_76  : i32 {
      %and3A = arith.constant 1 : i32
      %and3A_101 = arith.andi %while3A_100, %and3A : i32
      %shift_right_logical3A = arith.constant 3 : i32
      %shift_right_logical3A_102 = arith.shrui %while3A_100, %shift_right_logical3A : i32
      %and3A_103 = arith.constant 1 : i32
      %and3A_104 = arith.andi %shift_right_logical3A_102, %and3A_103 : i32
      %and3A_105 = arith.constant 7 : i32
      %and3A_106 = arith.andi %while3A_100, %and3A_105 : i32
      %mul3A_107 = arith.constant 2 : i32
      %mul3A_108 = arith.muli %and3A_106, %mul3A_107 : i32
      %mul3A_109 = arith.constant 128 : i32
      %mul3A_110 = arith.muli %mul3A_108, %mul3A_109 : i32
      %gt3A = arith.constant 0 : i32
      %gt3A_111 = arith.cmpi sgt, %while3A_100, %gt3A : i32
      %convert_element_type3A = arith.extui %gt3A_111 : i1 to i32
      %cond3A = arith.constant 0 : i32
      %cond3A_112 = arith.cmpi ne, %convert_element_type3A, %cond3A : i32
      scf.if %cond3A_112 {
        %sub3A = arith.constant 1 : i32
        %sub3A_385 = arith.subi %sub3A, %and3A_101 : i32
        %dma_wait3A_386 = arith.constant 1 : i32
        %dma_wait3A_387 = arith.constant 0 : i32
        %dma_wait3A_388 = arith.constant 0 : i32
        %dma_wait3A_389 = tpu.memref_slice %arg8[%sub3A_385, %dma_wait3A_387, %dma_wait3A_388] : memref<2x128x128xf32, #tpu.memory_space<vmem>> -> memref<1x128x128xf32, #tpu.memory_space<vmem>>
        %dma_wait3A_390 = tpu.memref_squeeze %dma_wait3A_389 : memref<1x128x128xf32, #tpu.memory_space<vmem>> -> memref<128x128xf32, #tpu.memory_space<vmem>>
        %dma_wait3A_391 = arith.constant 0 : i32
        %dma_wait3A_392 = tpu.memref_slice %arg7[%and3A_104, %dma_wait3A_391] : memref<2x2048xi32, #tpu.memory_space<vmem>> -> memref<1x128xi32, #tpu.memory_space<vmem>>
        %dma_wait3A_393 = tpu.memref_squeeze %dma_wait3A_392 : memref<1x128xi32, #tpu.memory_space<vmem>> -> memref<128xi32, #tpu.memory_space<vmem>>
        %dma_wait3A_394 = arith.constant 0 : i32
        %dma_wait3A_395 = arith.constant 0 : i32
        %dma_wait3A_396 = tpu.memref_slice %arg10[%dma_wait3A_394, %dma_wait3A_395] : memref<10112x128xf32, #tpu.memory_space<vmem_shared>> -> memref<10112x128xf32, #tpu.memory_space<vmem_shared>>
        %dma_wait3A_397 = tpu.memref_slice %arg11[%dma_wait3A_386] : memref<3x!tpu.dma_semaphore, #tpu.memory_space<semaphore_mem>> -> memref<1x!tpu.dma_semaphore, #tpu.memory_space<semaphore_mem>>
        %dma_wait3A_398 = tpu.memref_squeeze %dma_wait3A_397 : memref<1x!tpu.dma_semaphore, #tpu.memory_space<semaphore_mem>> -> memref<!tpu.dma_semaphore, #tpu.memory_space<semaphore_mem>>
        tpu.wait_indirect_dma semaphore(%dma_wait3A_398 : memref<!tpu.dma_semaphore, #tpu.memory_space<semaphore_mem>>) src(%dma_wait3A_390 : memref<128x128xf32, #tpu.memory_space<vmem>>) dst(%dma_wait3A_396 : memref<10112x128xf32, #tpu.memory_space<vmem_shared>>)
      } else {
      }
      %eq3A_113 = arith.constant 2 : i32
      %eq3A_114 = arith.cmpi eq, %and3A_106, %eq3A_113 : i32
      %lt3A_115 = arith.constant 19 : i32
      %lt3A_116 = arith.cmpi slt, %shift_right_logical3A_102, %lt3A_115 : i32
      %and3A_117 = arith.andi %eq3A_114, %lt3A_116 : i1
      %convert_element_type3A_118 = arith.extui %and3A_117 : i1 to i32
      %cond3A_119 = arith.constant 0 : i32
      %cond3A_120 = arith.cmpi ne, %convert_element_type3A_118, %cond3A_119 : i32
      scf.if %cond3A_120 {
        %add3A_385 = arith.constant 1 : i32
        %add3A_386 = arith.addi %shift_right_logical3A_102, %add3A_385 : i32
        %mul3A_387 = arith.constant 8 : i32
        %mul3A_388 = arith.muli %add3A_386, %mul3A_387 : i32
        %add3A_389 = arith.addi %add3A, %mul3A_388 : i32
        %mul3A_390 = arith.constant 2 : i32
        %mul3A_391 = arith.muli %add3A_389, %mul3A_390 : i32
        %mul3A_392 = arith.constant 128 : i32
        %mul3A_393 = arith.muli %mul3A_391, %mul3A_392 : i32
        %add3A_394 = arith.addi %mul3A_48, %mul3A_393 : i32
        %sub3A = arith.constant 1 : i32
        %sub3A_395 = arith.subi %sub3A, %and3A_104 : i32
        %dma_start3A_396 = arith.constant 2 : i32
        %dma_start3A_397 = arith.constant 0 : i32
        %dma_start3A_398 = tpu.memref_slice %arg7[%sub3A_395, %dma_start3A_397] : memref<2x2048xi32, #tpu.memory_space<vmem>> -> memref<1x2048xi32, #tpu.memory_space<vmem>>
        %dma_start3A_399 = tpu.memref_squeeze %dma_start3A_398 : memref<1x2048xi32, #tpu.memory_space<vmem>> -> memref<2048xi32, #tpu.memory_space<vmem>>
        %dma_start3A_400 = tpu.memref_slice %arg4[%add3A_394] : memref<1286144xi32, #tpu.memory_space<hbm>> -> memref<2048xi32, #tpu.memory_space<hbm>>
        %dma_start3A_401 = tpu.memref_slice %arg11[%dma_start3A_396] : memref<3x!tpu.dma_semaphore, #tpu.memory_space<semaphore_mem>> -> memref<1x!tpu.dma_semaphore, #tpu.memory_space<semaphore_mem>>
        %dma_start3A_402 = tpu.memref_squeeze %dma_start3A_401 : memref<1x!tpu.dma_semaphore, #tpu.memory_space<semaphore_mem>> -> memref<!tpu.dma_semaphore, #tpu.memory_space<semaphore_mem>>
        %dma_start3A_403 = arith.constant 0 : i32
        %dma_start3A_404 = tpu.memref_slice %arg7[%sub3A_395, %dma_start3A_403] : memref<2x2048xi32, #tpu.memory_space<vmem>> -> memref<1x2048xi32, #tpu.memory_space<vmem>>
        %dma_start3A_405 = tpu.memref_squeeze %dma_start3A_404 : memref<1x2048xi32, #tpu.memory_space<vmem>> -> memref<2048xi32, #tpu.memory_space<vmem>>
        %dma_start3A_406 = tpu.memref_slice %arg4[%add3A_394] : memref<1286144xi32, #tpu.memory_space<hbm>> -> memref<2048xi32, #tpu.memory_space<hbm>>
        tpu.enqueue_dma source(%dma_start3A_406 : memref<2048xi32, #tpu.memory_space<hbm>>) target(%dma_start3A_405 : memref<2048xi32, #tpu.memory_space<vmem>>) target_semaphore(%dma_start3A_402 : memref<!tpu.dma_semaphore, #tpu.memory_space<semaphore_mem>>)
      } else {
      }
      %dma_wait3A_121 = arith.constant 0 : i32
      %dma_wait3A_122 = arith.constant 0 : i32
      %dma_wait3A_123 = arith.constant 0 : i32
      %dma_wait3A_124 = tpu.memref_slice %arg8[%and3A_101, %dma_wait3A_122, %dma_wait3A_123] : memref<2x128x128xf32, #tpu.memory_space<vmem>> -> memref<1x128x128xf32, #tpu.memory_space<vmem>>
      %dma_wait3A_125 = tpu.memref_squeeze %dma_wait3A_124 : memref<1x128x128xf32, #tpu.memory_space<vmem>> -> memref<128x128xf32, #tpu.memory_space<vmem>>
      %dma_wait3A_126 = tpu.memref_slice %arg7[%and3A_104, %mul3A_110] : memref<2x2048xi32, #tpu.memory_space<vmem>> -> memref<1x128xi32, #tpu.memory_space<vmem>>
      %dma_wait3A_127 = tpu.memref_squeeze %dma_wait3A_126 : memref<1x128xi32, #tpu.memory_space<vmem>> -> memref<128xi32, #tpu.memory_space<vmem>>
      %dma_wait3A_128 = arith.constant 0 : i32
      %dma_wait3A_129 = arith.constant 0 : i32
      %dma_wait3A_130 = tpu.memref_slice %arg2[%dma_wait3A_128, %dma_wait3A_129] : memref<20224x128xf32, #tpu.memory_space<hbm>> -> memref<20224x128xf32, #tpu.memory_space<hbm>>
      %dma_wait3A_131 = tpu.memref_slice %arg11[%dma_wait3A_121] : memref<3x!tpu.dma_semaphore, #tpu.memory_space<semaphore_mem>> -> memref<1x!tpu.dma_semaphore, #tpu.memory_space<semaphore_mem>>
      %dma_wait3A_132 = tpu.memref_squeeze %dma_wait3A_131 : memref<1x!tpu.dma_semaphore, #tpu.memory_space<semaphore_mem>> -> memref<!tpu.dma_semaphore, #tpu.memory_space<semaphore_mem>>
      tpu.wait_indirect_dma semaphore(%dma_wait3A_132 : memref<!tpu.dma_semaphore, #tpu.memory_space<semaphore_mem>>) src(%dma_wait3A_130 : memref<20224x128xf32, #tpu.memory_space<hbm>>) dst(%dma_wait3A_125 : memref<128x128xf32, #tpu.memory_space<vmem>>)
      %add3A_133 = arith.constant 1 : i32
      %add3A_134 = arith.addi %while3A_100, %add3A_133 : i32
      %shift_right_logical3A_135 = arith.constant 3 : i32
      %shift_right_logical3A_136 = arith.shrui %add3A_134, %shift_right_logical3A_135 : i32
      %and3A_137 = arith.constant 1 : i32
      %and3A_138 = arith.andi %shift_right_logical3A_136, %and3A_137 : i32
      %add3A_139 = arith.constant 1 : i32
      %add3A_140 = arith.addi %while3A_100, %add3A_139 : i32
      %and3A_141 = arith.constant 7 : i32
      %and3A_142 = arith.andi %add3A_140, %and3A_141 : i32
      %mul3A_143 = arith.constant 2 : i32
      %mul3A_144 = arith.muli %and3A_142, %mul3A_143 : i32
      %mul3A_145 = arith.constant 128 : i32
      %mul3A_146 = arith.muli %mul3A_144, %mul3A_145 : i32
      %add3A_147 = arith.constant 1 : i32
      %add3A_148 = arith.addi %while3A_100, %add3A_147 : i32
      %lt3A_149 = arith.cmpi slt, %add3A_148, %add3A_7 : i32
      %eq3A_150 = arith.constant 0 : i32
      %eq3A_151 = arith.cmpi eq, %mul3A_146, %eq3A_150 : i32
      %and3A_152 = arith.andi %lt3A_149, %eq3A_151 : i1
      %convert_element_type3A_153 = arith.extui %and3A_152 : i1 to i32
      %cond3A_154 = arith.constant 0 : i32
      %cond3A_155 = arith.cmpi ne, %convert_element_type3A_153, %cond3A_154 : i32
      scf.if %cond3A_155 {
        %add3A_385 = arith.constant 1 : i32
        %add3A_386 = arith.addi %shift_right_logical3A_102, %add3A_385 : i32
        %mul3A_387 = arith.constant 8 : i32
        %mul3A_388 = arith.muli %add3A_386, %mul3A_387 : i32
        %add3A_389 = arith.addi %add3A, %mul3A_388 : i32
        %mul3A_390 = arith.constant 2 : i32
        %mul3A_391 = arith.muli %add3A_389, %mul3A_390 : i32
        %mul3A_392 = arith.constant 128 : i32
        %mul3A_393 = arith.muli %mul3A_391, %mul3A_392 : i32
        %add3A_394 = arith.addi %mul3A_48, %mul3A_393 : i32
        %dma_wait3A_395 = arith.constant 2 : i32
        %dma_wait3A_396 = arith.constant 0 : i32
        %dma_wait3A_397 = tpu.memref_slice %arg7[%and3A_138, %dma_wait3A_396] : memref<2x2048xi32, #tpu.memory_space<vmem>> -> memref<1x2048xi32, #tpu.memory_space<vmem>>
        %dma_wait3A_398 = tpu.memref_squeeze %dma_wait3A_397 : memref<1x2048xi32, #tpu.memory_space<vmem>> -> memref<2048xi32, #tpu.memory_space<vmem>>
        %dma_wait3A_399 = tpu.memref_slice %arg4[%add3A_394] : memref<1286144xi32, #tpu.memory_space<hbm>> -> memref<2048xi32, #tpu.memory_space<hbm>>
        %dma_wait3A_400 = tpu.memref_slice %arg11[%dma_wait3A_395] : memref<3x!tpu.dma_semaphore, #tpu.memory_space<semaphore_mem>> -> memref<1x!tpu.dma_semaphore, #tpu.memory_space<semaphore_mem>>
        %dma_wait3A_401 = tpu.memref_squeeze %dma_wait3A_400 : memref<1x!tpu.dma_semaphore, #tpu.memory_space<semaphore_mem>> -> memref<!tpu.dma_semaphore, #tpu.memory_space<semaphore_mem>>
        %dma_wait3A_402 = arith.constant 0 : i32
        %dma_wait3A_403 = tpu.memref_slice %arg7[%and3A_138, %dma_wait3A_402] : memref<2x2048xi32, #tpu.memory_space<vmem>> -> memref<1x2048xi32, #tpu.memory_space<vmem>>
        %dma_wait3A_404 = tpu.memref_squeeze %dma_wait3A_403 : memref<1x2048xi32, #tpu.memory_space<vmem>> -> memref<2048xi32, #tpu.memory_space<vmem>>
        %dma_wait3A_405 = tpu.memref_slice %arg4[%add3A_394] : memref<1286144xi32, #tpu.memory_space<hbm>> -> memref<2048xi32, #tpu.memory_space<hbm>>
        tpu.wait_dma2 semaphore(%dma_wait3A_401 : memref<!tpu.dma_semaphore, #tpu.memory_space<semaphore_mem>>) src(%dma_wait3A_405 : memref<2048xi32, #tpu.memory_space<hbm>>) dst(%dma_wait3A_404 : memref<2048xi32, #tpu.memory_space<vmem>>)
      } else {
      }
      %add3A_156 = arith.constant 1 : i32
      %add3A_157 = arith.addi %while3A_100, %add3A_156 : i32
      %lt3A_158 = arith.cmpi slt, %add3A_157, %add3A_7 : i32
      %convert_element_type3A_159 = arith.extui %lt3A_158 : i1 to i32
      %cond3A_160 = arith.constant 0 : i32
      %cond3A_161 = arith.cmpi ne, %convert_element_type3A_159, %cond3A_160 : i32
      scf.if %cond3A_161 {
        %sub3A = arith.constant 1 : i32
        %sub3A_385 = arith.subi %sub3A, %and3A_101 : i32
        %dma_start3A_386 = arith.constant 0 : i32
        %dma_start3A_387 = arith.constant 0 : i32
        %dma_start3A_388 = arith.constant 0 : i32
        %dma_start3A_389 = tpu.memref_slice %arg8[%sub3A_385, %dma_start3A_387, %dma_start3A_388] : memref<2x128x128xf32, #tpu.memory_space<vmem>> -> memref<1x128x128xf32, #tpu.memory_space<vmem>>
        %dma_start3A_390 = tpu.memref_squeeze %dma_start3A_389 : memref<1x128x128xf32, #tpu.memory_space<vmem>> -> memref<128x128xf32, #tpu.memory_space<vmem>>
        %dma_start3A_391 = tpu.memref_slice %arg7[%and3A_138, %mul3A_146] : memref<2x2048xi32, #tpu.memory_space<vmem>> -> memref<1x128xi32, #tpu.memory_space<vmem>>
        %dma_start3A_392 = tpu.memref_squeeze %dma_start3A_391 : memref<1x128xi32, #tpu.memory_space<vmem>> -> memref<128xi32, #tpu.memory_space<vmem>>
        %dma_start3A_393 = arith.constant 0 : i32
        %dma_start3A_394 = arith.constant 0 : i32
        %dma_start3A_395 = tpu.memref_slice %arg2[%dma_start3A_393, %dma_start3A_394] : memref<20224x128xf32, #tpu.memory_space<hbm>> -> memref<20224x128xf32, #tpu.memory_space<hbm>>
        %dma_start3A_396 = tpu.memref_slice %arg11[%dma_start3A_386] : memref<3x!tpu.dma_semaphore, #tpu.memory_space<semaphore_mem>> -> memref<1x!tpu.dma_semaphore, #tpu.memory_space<semaphore_mem>>
        %dma_start3A_397 = tpu.memref_squeeze %dma_start3A_396 : memref<1x!tpu.dma_semaphore, #tpu.memory_space<semaphore_mem>> -> memref<!tpu.dma_semaphore, #tpu.memory_space<semaphore_mem>>
        tpu.enqueue_indirect_dma source(%dma_start3A_395 : memref<20224x128xf32, #tpu.memory_space<hbm>>) target(%dma_start3A_390 : memref<128x128xf32, #tpu.memory_space<vmem>>) offsets(%dma_start3A_392 : memref<128xi32, #tpu.memory_space<vmem>>) semaphore(%dma_start3A_397 : memref<!tpu.dma_semaphore, #tpu.memory_space<semaphore_mem>>)
      } else {
      }
      %broadcast_in_dim3A_162 = vector.broadcast %and3A_101 : i32 to vector<16xi32>
      %add3A_163 = arith.constant 128 : i32
      %add3A_164 = arith.addi %mul3A_110, %add3A_163 : i32
      %add3A_165 = arith.constant 0 : i32
      %add3A_166 = arith.addi %add3A_164, %add3A_165 : i32
      %get3A = arith.index_cast %and3A_104 : i32 to index
      %get3A_167 = arith.index_cast %add3A_166 : i32 to index
      %get3A_168 = tpu.vector_load %arg7[%get3A, %get3A_167] {strides = array<i32>} : memref<2x2048xi32, #tpu.memory_space<vmem>>, vector<16xi32>,
      %add3A_169 = arith.constant 0 : i32
      %add3A_170 = vector.broadcast %add3A_169 : i32 to vector<16xi32>
      %add3A_171 = arith.addi %iota3A, %add3A_170 : vector<16xi32>
      %gather3A = tpu.vector_load_idx %arg8[%broadcast_in_dim3A_162, %add3A_171, %broadcast_in_dim3A_46] : memref<2x128x128xf32, #tpu.memory_space<vmem>>[vector<16xi32>, vector<16xi32>, vector<16xi32>], vector<16xf32>,
      %gather3A_172 = tpu.vector_load_idx %arg6[%get3A_168] : memref<10112xf32, #tpu.memory_space<vmem>>[vector<16xi32>], vector<16xf32>,
      %add3A_173 = arith.addf %gather3A, %gather3A_172 : vector<16xf32>
      %neg3A = arith.constant 0.000000e+00 : f32
      %neg3A_174 = vector.broadcast %neg3A : f32 to vector<16xf32>
      %neg3A_175 = arith.subf %neg3A_174, %add3A_173 : vector<16xf32>
      %exp3A = math.exp %neg3A_175 : vector<16xf32>
      %add3A_176 = arith.constant 1.000000e+00 : f32
      %add3A_177 = vector.broadcast %add3A_176 : f32 to vector<16xf32>
      %add3A_178 = arith.addf %add3A_177, %exp3A : vector<16xf32>
      %div3A = arith.constant 1.000000e+00 : f32
      %div3A_179 = vector.broadcast %div3A : f32 to vector<16xf32>
      %div3A_180 = arith.divf %div3A_179, %add3A_178 : vector<16xf32>
      %exp3A_181 = math.exp %div3A_180 : vector<16xf32>
      %swap3A = arith.constant 0 : index
      %swap3A_182 = tpu.vector_load %arg9[%swap3A] {strides = array<i32>} : memref<128xf32, #tpu.memory_space<vmem>>, vector<16xf32>,
      tpu.vector_store %arg9[%swap3A], %exp3A_181 {strides = array<i32>} : memref<128xf32, #tpu.memory_space<vmem>>, vector<16xf32>,
      %add3A_183 = arith.constant 128 : i32
      %add3A_184 = arith.addi %mul3A_110, %add3A_183 : i32
      %add3A_185 = arith.constant 16 : i32
      %add3A_186 = arith.addi %add3A_184, %add3A_185 : i32
      %get3A_187 = arith.index_cast %and3A_104 : i32 to index
      %get3A_188 = arith.index_cast %add3A_186 : i32 to index
      %get3A_189 = tpu.vector_load %arg7[%get3A_187, %get3A_188] {strides = array<i32>} : memref<2x2048xi32, #tpu.memory_space<vmem>>, vector<16xi32>,
      %add3A_190 = arith.constant 16 : i32
      %add3A_191 = vector.broadcast %add3A_190 : i32 to vector<16xi32>
      %add3A_192 = arith.addi %iota3A, %add3A_191 : vector<16xi32>
      %gather3A_193 = tpu.vector_load_idx %arg8[%broadcast_in_dim3A_162, %add3A_192, %broadcast_in_dim3A_46] : memref<2x128x128xf32, #tpu.memory_space<vmem>>[vector<16xi32>, vector<16xi32>, vector<16xi32>], vector<16xf32>,
      %gather3A_194 = tpu.vector_load_idx %arg6[%get3A_189] : memref<10112xf32, #tpu.memory_space<vmem>>[vector<16xi32>], vector<16xf32>,
      %add3A_195 = arith.addf %gather3A_193, %gather3A_194 : vector<16xf32>
      %neg3A_196 = arith.constant 0.000000e+00 : f32
      %neg3A_197 = vector.broadcast %neg3A_196 : f32 to vector<16xf32>
      %neg3A_198 = arith.subf %neg3A_197, %add3A_195 : vector<16xf32>
      %exp3A_199 = math.exp %neg3A_198 : vector<16xf32>
      %add3A_200 = arith.constant 1.000000e+00 : f32
      %add3A_201 = vector.broadcast %add3A_200 : f32 to vector<16xf32>
      %add3A_202 = arith.addf %add3A_201, %exp3A_199 : vector<16xf32>
      %div3A_203 = arith.constant 1.000000e+00 : f32
      %div3A_204 = vector.broadcast %div3A_203 : f32 to vector<16xf32>
      %div3A_205 = arith.divf %div3A_204, %add3A_202 : vector<16xf32>
      %exp3A_206 = math.exp %div3A_205 : vector<16xf32>
      %swap3A_207 = arith.constant 16 : index
      %swap3A_208 = tpu.vector_load %arg9[%swap3A_207] {strides = array<i32>} : memref<128xf32, #tpu.memory_space<vmem>>, vector<16xf32>,
      tpu.vector_store %arg9[%swap3A_207], %exp3A_206 {strides = array<i32>} : memref<128xf32, #tpu.memory_space<vmem>>, vector<16xf32>,
      %add3A_209 = arith.constant 128 : i32
      %add3A_210 = arith.addi %mul3A_110, %add3A_209 : i32
      %add3A_211 = arith.constant 32 : i32
      %add3A_212 = arith.addi %add3A_210, %add3A_211 : i32
      %get3A_213 = arith.index_cast %and3A_104 : i32 to index
      %get3A_214 = arith.index_cast %add3A_212 : i32 to index
      %get3A_215 = tpu.vector_load %arg7[%get3A_213, %get3A_214] {strides = array<i32>} : memref<2x2048xi32, #tpu.memory_space<vmem>>, vector<16xi32>,
      %add3A_216 = arith.constant 32 : i32
      %add3A_217 = vector.broadcast %add3A_216 : i32 to vector<16xi32>
      %add3A_218 = arith.addi %iota3A, %add3A_217 : vector<16xi32>
      %gather3A_219 = tpu.vector_load_idx %arg8[%broadcast_in_dim3A_162, %add3A_218, %broadcast_in_dim3A_46] : memref<2x128x128xf32, #tpu.memory_space<vmem>>[vector<16xi32>, vector<16xi32>, vector<16xi32>], vector<16xf32>,
      %gather3A_220 = tpu.vector_load_idx %arg6[%get3A_215] : memref<10112xf32, #tpu.memory_space<vmem>>[vector<16xi32>], vector<16xf32>,
      %add3A_221 = arith.addf %gather3A_219, %gather3A_220 : vector<16xf32>
      %neg3A_222 = arith.constant 0.000000e+00 : f32
      %neg3A_223 = vector.broadcast %neg3A_222 : f32 to vector<16xf32>
      %neg3A_224 = arith.subf %neg3A_223, %add3A_221 : vector<16xf32>
      %exp3A_225 = math.exp %neg3A_224 : vector<16xf32>
      %add3A_226 = arith.constant 1.000000e+00 : f32
      %add3A_227 = vector.broadcast %add3A_226 : f32 to vector<16xf32>
      %add3A_228 = arith.addf %add3A_227, %exp3A_225 : vector<16xf32>
      %div3A_229 = arith.constant 1.000000e+00 : f32
      %div3A_230 = vector.broadcast %div3A_229 : f32 to vector<16xf32>
      %div3A_231 = arith.divf %div3A_230, %add3A_228 : vector<16xf32>
      %exp3A_232 = math.exp %div3A_231 : vector<16xf32>
      %swap3A_233 = arith.constant 32 : index
      %swap3A_234 = tpu.vector_load %arg9[%swap3A_233] {strides = array<i32>} : memref<128xf32, #tpu.memory_space<vmem>>, vector<16xf32>,
      tpu.vector_store %arg9[%swap3A_233], %exp3A_232 {strides = array<i32>} : memref<128xf32, #tpu.memory_space<vmem>>, vector<16xf32>,
      %add3A_235 = arith.constant 128 : i32
      %add3A_236 = arith.addi %mul3A_110, %add3A_235 : i32
      %add3A_237 = arith.constant 48 : i32
      %add3A_238 = arith.addi %add3A_236, %add3A_237 : i32
      %get3A_239 = arith.index_cast %and3A_104 : i32 to index
      %get3A_240 = arith.index_cast %add3A_238 : i32 to index
      %get3A_241 = tpu.vector_load %arg7[%get3A_239, %get3A_240] {strides = array<i32>} : memref<2x2048xi32, #tpu.memory_space<vmem>>, vector<16xi32>,
      %add3A_242 = arith.constant 48 : i32
      %add3A_243 = vector.broadcast %add3A_242 : i32 to vector<16xi32>
      %add3A_244 = arith.addi %iota3A, %add3A_243 : vector<16xi32>
      %gather3A_245 = tpu.vector_load_idx %arg8[%broadcast_in_dim3A_162, %add3A_244, %broadcast_in_dim3A_46] : memref<2x128x128xf32, #tpu.memory_space<vmem>>[vector<16xi32>, vector<16xi32>, vector<16xi32>], vector<16xf32>,
      %gather3A_246 = tpu.vector_load_idx %arg6[%get3A_241] : memref<10112xf32, #tpu.memory_space<vmem>>[vector<16xi32>], vector<16xf32>,
      %add3A_247 = arith.addf %gather3A_245, %gather3A_246 : vector<16xf32>
      %neg3A_248 = arith.constant 0.000000e+00 : f32
      %neg3A_249 = vector.broadcast %neg3A_248 : f32 to vector<16xf32>
      %neg3A_250 = arith.subf %neg3A_249, %add3A_247 : vector<16xf32>
      %exp3A_251 = math.exp %neg3A_250 : vector<16xf32>
      %add3A_252 = arith.constant 1.000000e+00 : f32
      %add3A_253 = vector.broadcast %add3A_252 : f32 to vector<16xf32>
      %add3A_254 = arith.addf %add3A_253, %exp3A_251 : vector<16xf32>
      %div3A_255 = arith.constant 1.000000e+00 : f32
      %div3A_256 = vector.broadcast %div3A_255 : f32 to vector<16xf32>
      %div3A_257 = arith.divf %div3A_256, %add3A_254 : vector<16xf32>
      %exp3A_258 = math.exp %div3A_257 : vector<16xf32>
      %swap3A_259 = arith.constant 48 : index
      %swap3A_260 = tpu.vector_load %arg9[%swap3A_259] {strides = array<i32>} : memref<128xf32, #tpu.memory_space<vmem>>, vector<16xf32>,
      tpu.vector_store %arg9[%swap3A_259], %exp3A_258 {strides = array<i32>} : memref<128xf32, #tpu.memory_space<vmem>>, vector<16xf32>,
      %add3A_261 = arith.constant 128 : i32
      %add3A_262 = arith.addi %mul3A_110, %add3A_261 : i32
      %add3A_263 = arith.constant 64 : i32
      %add3A_264 = arith.addi %add3A_262, %add3A_263 : i32
      %get3A_265 = arith.index_cast %and3A_104 : i32 to index
      %get3A_266 = arith.index_cast %add3A_264 : i32 to index
      %get3A_267 = tpu.vector_load %arg7[%get3A_265, %get3A_266] {strides = array<i32>} : memref<2x2048xi32, #tpu.memory_space<vmem>>, vector<16xi32>,
      %add3A_268 = arith.constant 64 : i32
      %add3A_269 = vector.broadcast %add3A_268 : i32 to vector<16xi32>
      %add3A_270 = arith.addi %iota3A, %add3A_269 : vector<16xi32>
      %gather3A_271 = tpu.vector_load_idx %arg8[%broadcast_in_dim3A_162, %add3A_270, %broadcast_in_dim3A_46] : memref<2x128x128xf32, #tpu.memory_space<vmem>>[vector<16xi32>, vector<16xi32>, vector<16xi32>], vector<16xf32>,
      %gather3A_272 = tpu.vector_load_idx %arg6[%get3A_267] : memref<10112xf32, #tpu.memory_space<vmem>>[vector<16xi32>], vector<16xf32>,
      %add3A_273 = arith.addf %gather3A_271, %gather3A_272 : vector<16xf32>
      %neg3A_274 = arith.constant 0.000000e+00 : f32
      %neg3A_275 = vector.broadcast %neg3A_274 : f32 to vector<16xf32>
      %neg3A_276 = arith.subf %neg3A_275, %add3A_273 : vector<16xf32>
      %exp3A_277 = math.exp %neg3A_276 : vector<16xf32>
      %add3A_278 = arith.constant 1.000000e+00 : f32
      %add3A_279 = vector.broadcast %add3A_278 : f32 to vector<16xf32>
      %add3A_280 = arith.addf %add3A_279, %exp3A_277 : vector<16xf32>
      %div3A_281 = arith.constant 1.000000e+00 : f32
      %div3A_282 = vector.broadcast %div3A_281 : f32 to vector<16xf32>
      %div3A_283 = arith.divf %div3A_282, %add3A_280 : vector<16xf32>
      %exp3A_284 = math.exp %div3A_283 : vector<16xf32>
      %swap3A_285 = arith.constant 64 : index
      %swap3A_286 = tpu.vector_load %arg9[%swap3A_285] {strides = array<i32>} : memref<128xf32, #tpu.memory_space<vmem>>, vector<16xf32>,
      tpu.vector_store %arg9[%swap3A_285], %exp3A_284 {strides = array<i32>} : memref<128xf32, #tpu.memory_space<vmem>>, vector<16xf32>,
      %add3A_287 = arith.constant 128 : i32
      %add3A_288 = arith.addi %mul3A_110, %add3A_287 : i32
      %add3A_289 = arith.constant 80 : i32
      %add3A_290 = arith.addi %add3A_288, %add3A_289 : i32
      %get3A_291 = arith.index_cast %and3A_104 : i32 to index
      %get3A_292 = arith.index_cast %add3A_290 : i32 to index
      %get3A_293 = tpu.vector_load %arg7[%get3A_291, %get3A_292] {strides = array<i32>} : memref<2x2048xi32, #tpu.memory_space<vmem>>, vector<16xi32>,
      %add3A_294 = arith.constant 80 : i32
      %add3A_295 = vector.broadcast %add3A_294 : i32 to vector<16xi32>
      %add3A_296 = arith.addi %iota3A, %add3A_295 : vector<16xi32>
      %gather3A_297 = tpu.vector_load_idx %arg8[%broadcast_in_dim3A_162, %add3A_296, %broadcast_in_dim3A_46] : memref<2x128x128xf32, #tpu.memory_space<vmem>>[vector<16xi32>, vector<16xi32>, vector<16xi32>], vector<16xf32>,
      %gather3A_298 = tpu.vector_load_idx %arg6[%get3A_293] : memref<10112xf32, #tpu.memory_space<vmem>>[vector<16xi32>], vector<16xf32>,
      %add3A_299 = arith.addf %gather3A_297, %gather3A_298 : vector<16xf32>
      %neg3A_300 = arith.constant 0.000000e+00 : f32
      %neg3A_301 = vector.broadcast %neg3A_300 : f32 to vector<16xf32>
      %neg3A_302 = arith.subf %neg3A_301, %add3A_299 : vector<16xf32>
      %exp3A_303 = math.exp %neg3A_302 : vector<16xf32>
      %add3A_304 = arith.constant 1.000000e+00 : f32
      %add3A_305 = vector.broadcast %add3A_304 : f32 to vector<16xf32>
      %add3A_306 = arith.addf %add3A_305, %exp3A_303 : vector<16xf32>
      %div3A_307 = arith.constant 1.000000e+00 : f32
      %div3A_308 = vector.broadcast %div3A_307 : f32 to vector<16xf32>
      %div3A_309 = arith.divf %div3A_308, %add3A_306 : vector<16xf32>
      %exp3A_310 = math.exp %div3A_309 : vector<16xf32>
      %swap3A_311 = arith.constant 80 : index
      %swap3A_312 = tpu.vector_load %arg9[%swap3A_311] {strides = array<i32>} : memref<128xf32, #tpu.memory_space<vmem>>, vector<16xf32>,
      tpu.vector_store %arg9[%swap3A_311], %exp3A_310 {strides = array<i32>} : memref<128xf32, #tpu.memory_space<vmem>>, vector<16xf32>,
      %add3A_313 = arith.constant 128 : i32
      %add3A_314 = arith.addi %mul3A_110, %add3A_313 : i32
      %add3A_315 = arith.constant 96 : i32
      %add3A_316 = arith.addi %add3A_314, %add3A_315 : i32
      %get3A_317 = arith.index_cast %and3A_104 : i32 to index
      %get3A_318 = arith.index_cast %add3A_316 : i32 to index
      %get3A_319 = tpu.vector_load %arg7[%get3A_317, %get3A_318] {strides = array<i32>} : memref<2x2048xi32, #tpu.memory_space<vmem>>, vector<16xi32>,
      %add3A_320 = arith.constant 96 : i32
      %add3A_321 = vector.broadcast %add3A_320 : i32 to vector<16xi32>
      %add3A_322 = arith.addi %iota3A, %add3A_321 : vector<16xi32>
      %gather3A_323 = tpu.vector_load_idx %arg8[%broadcast_in_dim3A_162, %add3A_322, %broadcast_in_dim3A_46] : memref<2x128x128xf32, #tpu.memory_space<vmem>>[vector<16xi32>, vector<16xi32>, vector<16xi32>], vector<16xf32>,
      %gather3A_324 = tpu.vector_load_idx %arg6[%get3A_319] : memref<10112xf32, #tpu.memory_space<vmem>>[vector<16xi32>], vector<16xf32>,
      %add3A_325 = arith.addf %gather3A_323, %gather3A_324 : vector<16xf32>
      %neg3A_326 = arith.constant 0.000000e+00 : f32
      %neg3A_327 = vector.broadcast %neg3A_326 : f32 to vector<16xf32>
      %neg3A_328 = arith.subf %neg3A_327, %add3A_325 : vector<16xf32>
      %exp3A_329 = math.exp %neg3A_328 : vector<16xf32>
      %add3A_330 = arith.constant 1.000000e+00 : f32
      %add3A_331 = vector.broadcast %add3A_330 : f32 to vector<16xf32>
      %add3A_332 = arith.addf %add3A_331, %exp3A_329 : vector<16xf32>
      %div3A_333 = arith.constant 1.000000e+00 : f32
      %div3A_334 = vector.broadcast %div3A_333 : f32 to vector<16xf32>
      %div3A_335 = arith.divf %div3A_334, %add3A_332 : vector<16xf32>
      %exp3A_336 = math.exp %div3A_335 : vector<16xf32>
      %swap3A_337 = arith.constant 96 : index
      %swap3A_338 = tpu.vector_load %arg9[%swap3A_337] {strides = array<i32>} : memref<128xf32, #tpu.memory_space<vmem>>, vector<16xf32>,
      tpu.vector_store %arg9[%swap3A_337], %exp3A_336 {strides = array<i32>} : memref<128xf32, #tpu.memory_space<vmem>>, vector<16xf32>,
      %add3A_339 = arith.constant 128 : i32
      %add3A_340 = arith.addi %mul3A_110, %add3A_339 : i32
      %add3A_341 = arith.constant 112 : i32
      %add3A_342 = arith.addi %add3A_340, %add3A_341 : i32
      %get3A_343 = arith.index_cast %and3A_104 : i32 to index
      %get3A_344 = arith.index_cast %add3A_342 : i32 to index
      %get3A_345 = tpu.vector_load %arg7[%get3A_343, %get3A_344] {strides = array<i32>} : memref<2x2048xi32, #tpu.memory_space<vmem>>, vector<16xi32>,
      %add3A_346 = arith.constant 112 : i32
      %add3A_347 = vector.broadcast %add3A_346 : i32 to vector<16xi32>
      %add3A_348 = arith.addi %iota3A, %add3A_347 : vector<16xi32>
      %gather3A_349 = tpu.vector_load_idx %arg8[%broadcast_in_dim3A_162, %add3A_348, %broadcast_in_dim3A_46] : memref<2x128x128xf32, #tpu.memory_space<vmem>>[vector<16xi32>, vector<16xi32>, vector<16xi32>], vector<16xf32>,
      %gather3A_350 = tpu.vector_load_idx %arg6[%get3A_345] : memref<10112xf32, #tpu.memory_space<vmem>>[vector<16xi32>], vector<16xf32>,
      %add3A_351 = arith.addf %gather3A_349, %gather3A_350 : vector<16xf32>
      %neg3A_352 = arith.constant 0.000000e+00 : f32
      %neg3A_353 = vector.broadcast %neg3A_352 : f32 to vector<16xf32>
      %neg3A_354 = arith.subf %neg3A_353, %add3A_351 : vector<16xf32>
      %exp3A_355 = math.exp %neg3A_354 : vector<16xf32>
      %add3A_356 = arith.constant 1.000000e+00 : f32
      %add3A_357 = vector.broadcast %add3A_356 : f32 to vector<16xf32>
      %add3A_358 = arith.addf %add3A_357, %exp3A_355 : vector<16xf32>
      %div3A_359 = arith.constant 1.000000e+00 : f32
      %div3A_360 = vector.broadcast %div3A_359 : f32 to vector<16xf32>
      %div3A_361 = arith.divf %div3A_360, %add3A_358 : vector<16xf32>
      %exp3A_362 = math.exp %div3A_361 : vector<16xf32>
      %swap3A_363 = arith.constant 112 : index
      %swap3A_364 = tpu.vector_load %arg9[%swap3A_363] {strides = array<i32>} : memref<128xf32, #tpu.memory_space<vmem>>, vector<16xf32>,
      tpu.vector_store %arg9[%swap3A_363], %exp3A_362 {strides = array<i32>} : memref<128xf32, #tpu.memory_space<vmem>>, vector<16xf32>,
      %scan3A_365 = arith.constant 0 : i32
      %scan3A_366 = arith.constant 0 : i32
      %scan3A_367 = arith.constant 128 : i32
      %scan3A_368 = arith.addi %scan3A_366, %scan3A_367 : i32
      %scan3A_369 = arith.constant 1 : i32
      scf.for %scan3A_385 = %scan3A_366 to %scan3A_368 step %scan3A_369  : i32 {
        %broadcast_in_dim3A_386 = vector.broadcast %scan3A_385 : i32 to vector<16xi32>
        %gather3A_387 = tpu.vector_load_idx %arg9[%broadcast_in_dim3A_386] : memref<128xf32, #tpu.memory_space<vmem>>[vector<16xi32>], vector<16xf32>,
        %get3A_388 = arith.index_cast %and3A_101 : i32 to index
        %get3A_389 = arith.index_cast %scan3A_385 : i32 to index
        %get3A_390 = arith.constant 0 : index
        %get3A_391 = tpu.vector_load %arg8[%get3A_388, %get3A_389, %get3A_390] {strides = array<i32>} : memref<2x128x128xf32, #tpu.memory_space<vmem>>, vector<16xf32>,
        %mul3A_392 = arith.mulf %get3A_391, %gather3A_387 : vector<16xf32>
        %swap3A_393 = arith.index_cast %and3A_101 : i32 to index
        %swap3A_394 = arith.index_cast %scan3A_385 : i32 to index
        %swap3A_395 = arith.constant 0 : index
        %swap3A_396 = tpu.vector_load %arg8[%swap3A_393, %swap3A_394, %swap3A_395] {strides = array<i32>} : memref<2x128x128xf32, #tpu.memory_space<vmem>>, vector<16xf32>,
        tpu.vector_store %arg8[%swap3A_393, %swap3A_394, %swap3A_395], %mul3A_392 {strides = array<i32>} : memref<2x128x128xf32, #tpu.memory_space<vmem>>, vector<16xf32>,
        %get3A_397 = arith.index_cast %and3A_101 : i32 to index
        %get3A_398 = arith.index_cast %scan3A_385 : i32 to index
        %get3A_399 = arith.constant 16 : index
        %get3A_400 = tpu.vector_load %arg8[%get3A_397, %get3A_398, %get3A_399] {strides = array<i32>} : memref<2x128x128xf32, #tpu.memory_space<vmem>>, vector<16xf32>,
        %mul3A_401 = arith.mulf %get3A_400, %gather3A_387 : vector<16xf32>
        %swap3A_402 = arith.index_cast %and3A_101 : i32 to index
        %swap3A_403 = arith.index_cast %scan3A_385 : i32 to index
        %swap3A_404 = arith.constant 16 : index
        %swap3A_405 = tpu.vector_load %arg8[%swap3A_402, %swap3A_403, %swap3A_404] {strides = array<i32>} : memref<2x128x128xf32, #tpu.memory_space<vmem>>, vector<16xf32>,
        tpu.vector_store %arg8[%swap3A_402, %swap3A_403, %swap3A_404], %mul3A_401 {strides = array<i32>} : memref<2x128x128xf32, #tpu.memory_space<vmem>>, vector<16xf32>,
        %mul3A_406 = arith.mulf %gather3A_387, %select_n3A_44 : vector<16xf32>
        %swap3A_407 = arith.index_cast %and3A_101 : i32 to index
        %swap3A_408 = arith.index_cast %scan3A_385 : i32 to index
        %swap3A_409 = arith.constant 32 : index
        %swap3A_410 = tpu.vector_load %arg8[%swap3A_407, %swap3A_408, %swap3A_409] {strides = array<i32>} : memref<2x128x128xf32, #tpu.memory_space<vmem>>, vector<16xf32>,
        tpu.vector_store %arg8[%swap3A_407, %swap3A_408, %swap3A_409], %mul3A_406 {strides = array<i32>} : memref<2x128x128xf32, #tpu.memory_space<vmem>>, vector<16xf32>,
      }
      %scan3A_370 = arith.constant 128 : i32
      %add3A_371 = arith.constant 128 : i32
      %add3A_372 = arith.addi %mul3A_110, %add3A_371 : i32
      %dma_start3A_373 = arith.constant 1 : i32
      %dma_start3A_374 = arith.constant 0 : i32
      %dma_start3A_375 = arith.constant 0 : i32
      %dma_start3A_376 = tpu.memref_slice %arg8[%and3A_101, %dma_start3A_374, %dma_start3A_375] : memref<2x128x128xf32, #tpu.memory_space<vmem>> -> memref<1x128x128xf32, #tpu.memory_space<vmem>>
      %dma_start3A_377 = tpu.memref_squeeze %dma_start3A_376 : memref<1x128x128xf32, #tpu.memory_space<vmem>> -> memref<128x128xf32, #tpu.memory_space<vmem>>
      %dma_start3A_378 = tpu.memref_slice %arg7[%and3A_104, %add3A_372] : memref<2x2048xi32, #tpu.memory_space<vmem>> -> memref<1x128xi32, #tpu.memory_space<vmem>>
      %dma_start3A_379 = tpu.memref_squeeze %dma_start3A_378 : memref<1x128xi32, #tpu.memory_space<vmem>> -> memref<128xi32, #tpu.memory_space<vmem>>
      %dma_start3A_380 = arith.constant 0 : i32
      %dma_start3A_381 = arith.constant 0 : i32
      %dma_start3A_382 = tpu.memref_slice %arg10[%dma_start3A_380, %dma_start3A_381] : memref<10112x128xf32, #tpu.memory_space<vmem_shared>> -> memref<10112x128xf32, #tpu.memory_space<vmem_shared>>
      %dma_start3A_383 = tpu.memref_slice %arg11[%dma_start3A_373] : memref<3x!tpu.dma_semaphore, #tpu.memory_space<semaphore_mem>> -> memref<1x!tpu.dma_semaphore, #tpu.memory_space<semaphore_mem>>
      %dma_start3A_384 = tpu.memref_squeeze %dma_start3A_383 : memref<1x!tpu.dma_semaphore, #tpu.memory_space<semaphore_mem>> -> memref<!tpu.dma_semaphore, #tpu.memory_space<semaphore_mem>>
      tpu.enqueue_indirect_dma source(%dma_start3A_377 : memref<128x128xf32, #tpu.memory_space<vmem>>) target(%dma_start3A_382 : memref<10112x128xf32, #tpu.memory_space<vmem_shared>>) offsets(%dma_start3A_379 : memref<128xi32, #tpu.memory_space<vmem>>) semaphore(%dma_start3A_384 : memref<!tpu.dma_semaphore, #tpu.memory_space<semaphore_mem>>) {add = true}
    }
    %while3A_77 = arith.constant 1 : i32
    scf.for %while3A_100 = %while3A_75 to %while3A_71 step %while3A_77  : i32 {
      %and3A = arith.constant 1 : i32
      %and3A_101 = arith.andi %while3A_100, %and3A : i32
      %shift_right_logical3A = arith.constant 3 : i32
      %shift_right_logical3A_102 = arith.shrui %while3A_100, %shift_right_logical3A : i32
      %and3A_103 = arith.constant 1 : i32
      %and3A_104 = arith.andi %shift_right_logical3A_102, %and3A_103 : i32
      %and3A_105 = arith.constant 7 : i32
      %and3A_106 = arith.andi %while3A_100, %and3A_105 : i32
      %mul3A_107 = arith.constant 2 : i32
      %mul3A_108 = arith.muli %and3A_106, %mul3A_107 : i32
      %mul3A_109 = arith.constant 128 : i32
      %mul3A_110 = arith.muli %mul3A_108, %mul3A_109 : i32
      %gt3A = arith.constant 0 : i32
      %gt3A_111 = arith.cmpi sgt, %while3A_100, %gt3A : i32
      %convert_element_type3A = arith.extui %gt3A_111 : i1 to i32
      %cond3A = arith.constant 0 : i32
      %cond3A_112 = arith.cmpi ne, %convert_element_type3A, %cond3A : i32
      scf.if %cond3A_112 {
        %sub3A = arith.constant 1 : i32
        %sub3A_385 = arith.subi %sub3A, %and3A_101 : i32
        %dma_wait3A_386 = arith.constant 1 : i32
        %dma_wait3A_387 = arith.constant 0 : i32
        %dma_wait3A_388 = arith.constant 0 : i32
        %dma_wait3A_389 = tpu.memref_slice %arg8[%sub3A_385, %dma_wait3A_387, %dma_wait3A_388] : memref<2x128x128xf32, #tpu.memory_space<vmem>> -> memref<1x128x128xf32, #tpu.memory_space<vmem>>
        %dma_wait3A_390 = tpu.memref_squeeze %dma_wait3A_389 : memref<1x128x128xf32, #tpu.memory_space<vmem>> -> memref<128x128xf32, #tpu.memory_space<vmem>>
        %dma_wait3A_391 = arith.constant 0 : i32
        %dma_wait3A_392 = tpu.memref_slice %arg7[%and3A_104, %dma_wait3A_391] : memref<2x2048xi32, #tpu.memory_space<vmem>> -> memref<1x128xi32, #tpu.memory_space<vmem>>
        %dma_wait3A_393 = tpu.memref_squeeze %dma_wait3A_392 : memref<1x128xi32, #tpu.memory_space<vmem>> -> memref<128xi32, #tpu.memory_space<vmem>>
        %dma_wait3A_394 = arith.constant 0 : i32
        %dma_wait3A_395 = arith.constant 0 : i32
        %dma_wait3A_396 = tpu.memref_slice %arg10[%dma_wait3A_394, %dma_wait3A_395] : memref<10112x128xf32, #tpu.memory_space<vmem_shared>> -> memref<10112x128xf32, #tpu.memory_space<vmem_shared>>
        %dma_wait3A_397 = tpu.memref_slice %arg11[%dma_wait3A_386] : memref<3x!tpu.dma_semaphore, #tpu.memory_space<semaphore_mem>> -> memref<1x!tpu.dma_semaphore, #tpu.memory_space<semaphore_mem>>
        %dma_wait3A_398 = tpu.memref_squeeze %dma_wait3A_397 : memref<1x!tpu.dma_semaphore, #tpu.memory_space<semaphore_mem>> -> memref<!tpu.dma_semaphore, #tpu.memory_space<semaphore_mem>>
        tpu.wait_indirect_dma semaphore(%dma_wait3A_398 : memref<!tpu.dma_semaphore, #tpu.memory_space<semaphore_mem>>) src(%dma_wait3A_390 : memref<128x128xf32, #tpu.memory_space<vmem>>) dst(%dma_wait3A_396 : memref<10112x128xf32, #tpu.memory_space<vmem_shared>>)
      } else {
      }
      %eq3A_113 = arith.constant 2 : i32
      %eq3A_114 = arith.cmpi eq, %and3A_106, %eq3A_113 : i32
      %lt3A_115 = arith.constant 19 : i32
      %lt3A_116 = arith.cmpi slt, %shift_right_logical3A_102, %lt3A_115 : i32
      %and3A_117 = arith.andi %eq3A_114, %lt3A_116 : i1
      %convert_element_type3A_118 = arith.extui %and3A_117 : i1 to i32
      %cond3A_119 = arith.constant 0 : i32
      %cond3A_120 = arith.cmpi ne, %convert_element_type3A_118, %cond3A_119 : i32
      scf.if %cond3A_120 {
        %add3A_385 = arith.constant 1 : i32
        %add3A_386 = arith.addi %shift_right_logical3A_102, %add3A_385 : i32
        %mul3A_387 = arith.constant 8 : i32
        %mul3A_388 = arith.muli %add3A_386, %mul3A_387 : i32
        %add3A_389 = arith.addi %add3A, %mul3A_388 : i32
        %mul3A_390 = arith.constant 2 : i32
        %mul3A_391 = arith.muli %add3A_389, %mul3A_390 : i32
        %mul3A_392 = arith.constant 128 : i32
        %mul3A_393 = arith.muli %mul3A_391, %mul3A_392 : i32
        %add3A_394 = arith.addi %mul3A_48, %mul3A_393 : i32
        %sub3A = arith.constant 1 : i32
        %sub3A_395 = arith.subi %sub3A, %and3A_104 : i32
        %dma_start3A_396 = arith.constant 2 : i32
        %dma_start3A_397 = arith.constant 0 : i32
        %dma_start3A_398 = tpu.memref_slice %arg7[%sub3A_395, %dma_start3A_397] : memref<2x2048xi32, #tpu.memory_space<vmem>> -> memref<1x2048xi32, #tpu.memory_space<vmem>>
        %dma_start3A_399 = tpu.memref_squeeze %dma_start3A_398 : memref<1x2048xi32, #tpu.memory_space<vmem>> -> memref<2048xi32, #tpu.memory_space<vmem>>
        %dma_start3A_400 = tpu.memref_slice %arg4[%add3A_394] : memref<1286144xi32, #tpu.memory_space<hbm>> -> memref<2048xi32, #tpu.memory_space<hbm>>
        %dma_start3A_401 = tpu.memref_slice %arg11[%dma_start3A_396] : memref<3x!tpu.dma_semaphore, #tpu.memory_space<semaphore_mem>> -> memref<1x!tpu.dma_semaphore, #tpu.memory_space<semaphore_mem>>
        %dma_start3A_402 = tpu.memref_squeeze %dma_start3A_401 : memref<1x!tpu.dma_semaphore, #tpu.memory_space<semaphore_mem>> -> memref<!tpu.dma_semaphore, #tpu.memory_space<semaphore_mem>>
        %dma_start3A_403 = arith.constant 0 : i32
        %dma_start3A_404 = tpu.memref_slice %arg7[%sub3A_395, %dma_start3A_403] : memref<2x2048xi32, #tpu.memory_space<vmem>> -> memref<1x2048xi32, #tpu.memory_space<vmem>>
        %dma_start3A_405 = tpu.memref_squeeze %dma_start3A_404 : memref<1x2048xi32, #tpu.memory_space<vmem>> -> memref<2048xi32, #tpu.memory_space<vmem>>
        %dma_start3A_406 = tpu.memref_slice %arg4[%add3A_394] : memref<1286144xi32, #tpu.memory_space<hbm>> -> memref<2048xi32, #tpu.memory_space<hbm>>
        tpu.enqueue_dma source(%dma_start3A_406 : memref<2048xi32, #tpu.memory_space<hbm>>) target(%dma_start3A_405 : memref<2048xi32, #tpu.memory_space<vmem>>) target_semaphore(%dma_start3A_402 : memref<!tpu.dma_semaphore, #tpu.memory_space<semaphore_mem>>)
      } else {
      }
      %dma_wait3A_121 = arith.constant 0 : i32
      %dma_wait3A_122 = arith.constant 0 : i32
      %dma_wait3A_123 = arith.constant 0 : i32
      %dma_wait3A_124 = tpu.memref_slice %arg8[%and3A_101, %dma_wait3A_122, %dma_wait3A_123] : memref<2x128x128xf32, #tpu.memory_space<vmem>> -> memref<1x128x128xf32, #tpu.memory_space<vmem>>
      %dma_wait3A_125 = tpu.memref_squeeze %dma_wait3A_124 : memref<1x128x128xf32, #tpu.memory_space<vmem>> -> memref<128x128xf32, #tpu.memory_space<vmem>>
      %dma_wait3A_126 = tpu.memref_slice %arg7[%and3A_104, %mul3A_110] : memref<2x2048xi32, #tpu.memory_space<vmem>> -> memref<1x128xi32, #tpu.memory_space<vmem>>
      %dma_wait3A_127 = tpu.memref_squeeze %dma_wait3A_126 : memref<1x128xi32, #tpu.memory_space<vmem>> -> memref<128xi32, #tpu.memory_space<vmem>>
      %dma_wait3A_128 = arith.constant 0 : i32
      %dma_wait3A_129 = arith.constant 0 : i32
      %dma_wait3A_130 = tpu.memref_slice %arg2[%dma_wait3A_128, %dma_wait3A_129] : memref<20224x128xf32, #tpu.memory_space<hbm>> -> memref<20224x128xf32, #tpu.memory_space<hbm>>
      %dma_wait3A_131 = tpu.memref_slice %arg11[%dma_wait3A_121] : memref<3x!tpu.dma_semaphore, #tpu.memory_space<semaphore_mem>> -> memref<1x!tpu.dma_semaphore, #tpu.memory_space<semaphore_mem>>
      %dma_wait3A_132 = tpu.memref_squeeze %dma_wait3A_131 : memref<1x!tpu.dma_semaphore, #tpu.memory_space<semaphore_mem>> -> memref<!tpu.dma_semaphore, #tpu.memory_space<semaphore_mem>>
      tpu.wait_indirect_dma semaphore(%dma_wait3A_132 : memref<!tpu.dma_semaphore, #tpu.memory_space<semaphore_mem>>) src(%dma_wait3A_130 : memref<20224x128xf32, #tpu.memory_space<hbm>>) dst(%dma_wait3A_125 : memref<128x128xf32, #tpu.memory_space<vmem>>)
      %add3A_133 = arith.constant 1 : i32
      %add3A_134 = arith.addi %while3A_100, %add3A_133 : i32
      %shift_right_logical3A_135 = arith.constant 3 : i32
      %shift_right_logical3A_136 = arith.shrui %add3A_134, %shift_right_logical3A_135 : i32
      %and3A_137 = arith.constant 1 : i32
      %and3A_138 = arith.andi %shift_right_logical3A_136, %and3A_137 : i32
      %add3A_139 = arith.constant 1 : i32
      %add3A_140 = arith.addi %while3A_100, %add3A_139 : i32
      %and3A_141 = arith.constant 7 : i32
      %and3A_142 = arith.andi %add3A_140, %and3A_141 : i32
      %mul3A_143 = arith.constant 2 : i32
      %mul3A_144 = arith.muli %and3A_142, %mul3A_143 : i32
      %mul3A_145 = arith.constant 128 : i32
      %mul3A_146 = arith.muli %mul3A_144, %mul3A_145 : i32
      %add3A_147 = arith.constant 1 : i32
      %add3A_148 = arith.addi %while3A_100, %add3A_147 : i32
      %lt3A_149 = arith.cmpi slt, %add3A_148, %add3A_7 : i32
      %eq3A_150 = arith.constant 0 : i32
      %eq3A_151 = arith.cmpi eq, %mul3A_146, %eq3A_150 : i32
      %and3A_152 = arith.andi %lt3A_149, %eq3A_151 : i1
      %convert_element_type3A_153 = arith.extui %and3A_152 : i1 to i32
      %cond3A_154 = arith.constant 0 : i32
      %cond3A_155 = arith.cmpi ne, %convert_element_type3A_153, %cond3A_154 : i32
      scf.if %cond3A_155 {
        %add3A_385 = arith.constant 1 : i32
        %add3A_386 = arith.addi %shift_right_logical3A_102, %add3A_385 : i32
        %mul3A_387 = arith.constant 8 : i32
        %mul3A_388 = arith.muli %add3A_386, %mul3A_387 : i32
        %add3A_389 = arith.addi %add3A, %mul3A_388 : i32
        %mul3A_390 = arith.constant 2 : i32
        %mul3A_391 = arith.muli %add3A_389, %mul3A_390 : i32
        %mul3A_392 = arith.constant 128 : i32
        %mul3A_393 = arith.muli %mul3A_391, %mul3A_392 : i32
        %add3A_394 = arith.addi %mul3A_48, %mul3A_393 : i32
        %dma_wait3A_395 = arith.constant 2 : i32
        %dma_wait3A_396 = arith.constant 0 : i32
        %dma_wait3A_397 = tpu.memref_slice %arg7[%and3A_138, %dma_wait3A_396] : memref<2x2048xi32, #tpu.memory_space<vmem>> -> memref<1x2048xi32, #tpu.memory_space<vmem>>
        %dma_wait3A_398 = tpu.memref_squeeze %dma_wait3A_397 : memref<1x2048xi32, #tpu.memory_space<vmem>> -> memref<2048xi32, #tpu.memory_space<vmem>>
        %dma_wait3A_399 = tpu.memref_slice %arg4[%add3A_394] : memref<1286144xi32, #tpu.memory_space<hbm>> -> memref<2048xi32, #tpu.memory_space<hbm>>
        %dma_wait3A_400 = tpu.memref_slice %arg11[%dma_wait3A_395] : memref<3x!tpu.dma_semaphore, #tpu.memory_space<semaphore_mem>> -> memref<1x!tpu.dma_semaphore, #tpu.memory_space<semaphore_mem>>
        %dma_wait3A_401 = tpu.memref_squeeze %dma_wait3A_400 : memref<1x!tpu.dma_semaphore, #tpu.memory_space<semaphore_mem>> -> memref<!tpu.dma_semaphore, #tpu.memory_space<semaphore_mem>>
        %dma_wait3A_402 = arith.constant 0 : i32
        %dma_wait3A_403 = tpu.memref_slice %arg7[%and3A_138, %dma_wait3A_402] : memref<2x2048xi32, #tpu.memory_space<vmem>> -> memref<1x2048xi32, #tpu.memory_space<vmem>>
        %dma_wait3A_404 = tpu.memref_squeeze %dma_wait3A_403 : memref<1x2048xi32, #tpu.memory_space<vmem>> -> memref<2048xi32, #tpu.memory_space<vmem>>
        %dma_wait3A_405 = tpu.memref_slice %arg4[%add3A_394] : memref<1286144xi32, #tpu.memory_space<hbm>> -> memref<2048xi32, #tpu.memory_space<hbm>>
        tpu.wait_dma2 semaphore(%dma_wait3A_401 : memref<!tpu.dma_semaphore, #tpu.memory_space<semaphore_mem>>) src(%dma_wait3A_405 : memref<2048xi32, #tpu.memory_space<hbm>>) dst(%dma_wait3A_404 : memref<2048xi32, #tpu.memory_space<vmem>>)
      } else {
      }
      %add3A_156 = arith.constant 1 : i32
      %add3A_157 = arith.addi %while3A_100, %add3A_156 : i32
      %lt3A_158 = arith.cmpi slt, %add3A_157, %add3A_7 : i32
      %convert_element_type3A_159 = arith.extui %lt3A_158 : i1 to i32
      %cond3A_160 = arith.constant 0 : i32
      %cond3A_161 = arith.cmpi ne, %convert_element_type3A_159, %cond3A_160 : i32
      scf.if %cond3A_161 {
        %sub3A = arith.constant 1 : i32
        %sub3A_385 = arith.subi %sub3A, %and3A_101 : i32
        %dma_start3A_386 = arith.constant 0 : i32
        %dma_start3A_387 = arith.constant 0 : i32
        %dma_start3A_388 = arith.constant 0 : i32
        %dma_start3A_389 = tpu.memref_slice %arg8[%sub3A_385, %dma_start3A_387, %dma_start3A_388] : memref<2x128x128xf32, #tpu.memory_space<vmem>> -> memref<1x128x128xf32, #tpu.memory_space<vmem>>
        %dma_start3A_390 = tpu.memref_squeeze %dma_start3A_389 : memref<1x128x128xf32, #tpu.memory_space<vmem>> -> memref<128x128xf32, #tpu.memory_space<vmem>>
        %dma_start3A_391 = tpu.memref_slice %arg7[%and3A_138, %mul3A_146] : memref<2x2048xi32, #tpu.memory_space<vmem>> -> memref<1x128xi32, #tpu.memory_space<vmem>>
        %dma_start3A_392 = tpu.memref_squeeze %dma_start3A_391 : memref<1x128xi32, #tpu.memory_space<vmem>> -> memref<128xi32, #tpu.memory_space<vmem>>
        %dma_start3A_393 = arith.constant 0 : i32
        %dma_start3A_394 = arith.constant 0 : i32
        %dma_start3A_395 = tpu.memref_slice %arg2[%dma_start3A_393, %dma_start3A_394] : memref<20224x128xf32, #tpu.memory_space<hbm>> -> memref<20224x128xf32, #tpu.memory_space<hbm>>
        %dma_start3A_396 = tpu.memref_slice %arg11[%dma_start3A_386] : memref<3x!tpu.dma_semaphore, #tpu.memory_space<semaphore_mem>> -> memref<1x!tpu.dma_semaphore, #tpu.memory_space<semaphore_mem>>
        %dma_start3A_397 = tpu.memref_squeeze %dma_start3A_396 : memref<1x!tpu.dma_semaphore, #tpu.memory_space<semaphore_mem>> -> memref<!tpu.dma_semaphore, #tpu.memory_space<semaphore_mem>>
        tpu.enqueue_indirect_dma source(%dma_start3A_395 : memref<20224x128xf32, #tpu.memory_space<hbm>>) target(%dma_start3A_390 : memref<128x128xf32, #tpu.memory_space<vmem>>) offsets(%dma_start3A_392 : memref<128xi32, #tpu.memory_space<vmem>>) semaphore(%dma_start3A_397 : memref<!tpu.dma_semaphore, #tpu.memory_space<semaphore_mem>>)
      } else {
      }
      %broadcast_in_dim3A_162 = vector.broadcast %and3A_101 : i32 to vector<16xi32>
      %add3A_163 = arith.constant 128 : i32
      %add3A_164 = arith.addi %mul3A_110, %add3A_163 : i32
      %add3A_165 = arith.constant 0 : i32
      %add3A_166 = arith.addi %add3A_164, %add3A_165 : i32
      %get3A = arith.index_cast %and3A_104 : i32 to index
      %get3A_167 = arith.index_cast %add3A_166 : i32 to index
      %get3A_168 = tpu.vector_load %arg7[%get3A, %get3A_167] {strides = array<i32>} : memref<2x2048xi32, #tpu.memory_space<vmem>>, vector<16xi32>,
      %add3A_169 = arith.constant 0 : i32
      %add3A_170 = vector.broadcast %add3A_169 : i32 to vector<16xi32>
      %add3A_171 = arith.addi %iota3A, %add3A_170 : vector<16xi32>
      %gather3A = tpu.vector_load_idx %arg8[%broadcast_in_dim3A_162, %add3A_171, %broadcast_in_dim3A_46] : memref<2x128x128xf32, #tpu.memory_space<vmem>>[vector<16xi32>, vector<16xi32>, vector<16xi32>], vector<16xf32>,
      %gather3A_172 = tpu.vector_load_idx %arg6[%get3A_168] : memref<10112xf32, #tpu.memory_space<vmem>>[vector<16xi32>], vector<16xf32>,
      %add3A_173 = arith.addf %gather3A, %gather3A_172 : vector<16xf32>
      %neg3A = arith.constant 0.000000e+00 : f32
      %neg3A_174 = vector.broadcast %neg3A : f32 to vector<16xf32>
      %neg3A_175 = arith.subf %neg3A_174, %add3A_173 : vector<16xf32>
      %exp3A = math.exp %neg3A_175 : vector<16xf32>
      %add3A_176 = arith.constant 1.000000e+00 : f32
      %add3A_177 = vector.broadcast %add3A_176 : f32 to vector<16xf32>
      %add3A_178 = arith.addf %add3A_177, %exp3A : vector<16xf32>
      %div3A = arith.constant 1.000000e+00 : f32
      %div3A_179 = vector.broadcast %div3A : f32 to vector<16xf32>
      %div3A_180 = arith.divf %div3A_179, %add3A_178 : vector<16xf32>
      %exp3A_181 = math.exp %div3A_180 : vector<16xf32>
      %swap3A = arith.constant 0 : index
      %swap3A_182 = tpu.vector_load %arg9[%swap3A] {strides = array<i32>} : memref<128xf32, #tpu.memory_space<vmem>>, vector<16xf32>,
      tpu.vector_store %arg9[%swap3A], %exp3A_181 {strides = array<i32>} : memref<128xf32, #tpu.memory_space<vmem>>, vector<16xf32>,
      %add3A_183 = arith.constant 128 : i32
      %add3A_184 = arith.addi %mul3A_110, %add3A_183 : i32
      %add3A_185 = arith.constant 16 : i32
      %add3A_186 = arith.addi %add3A_184, %add3A_185 : i32
      %get3A_187 = arith.index_cast %and3A_104 : i32 to index
      %get3A_188 = arith.index_cast %add3A_186 : i32 to index
      %get3A_189 = tpu.vector_load %arg7[%get3A_187, %get3A_188] {strides = array<i32>} : memref<2x2048xi32, #tpu.memory_space<vmem>>, vector<16xi32>,
      %add3A_190 = arith.constant 16 : i32
      %add3A_191 = vector.broadcast %add3A_190 : i32 to vector<16xi32>
      %add3A_192 = arith.addi %iota3A, %add3A_191 : vector<16xi32>
      %gather3A_193 = tpu.vector_load_idx %arg8[%broadcast_in_dim3A_162, %add3A_192, %broadcast_in_dim3A_46] : memref<2x128x128xf32, #tpu.memory_space<vmem>>[vector<16xi32>, vector<16xi32>, vector<16xi32>], vector<16xf32>,
      %gather3A_194 = tpu.vector_load_idx %arg6[%get3A_189] : memref<10112xf32, #tpu.memory_space<vmem>>[vector<16xi32>], vector<16xf32>,
      %add3A_195 = arith.addf %gather3A_193, %gather3A_194 : vector<16xf32>
      %neg3A_196 = arith.constant 0.000000e+00 : f32
      %neg3A_197 = vector.broadcast %neg3A_196 : f32 to vector<16xf32>
      %neg3A_198 = arith.subf %neg3A_197, %add3A_195 : vector<16xf32>
      %exp3A_199 = math.exp %neg3A_198 : vector<16xf32>
      %add3A_200 = arith.constant 1.000000e+00 : f32
      %add3A_201 = vector.broadcast %add3A_200 : f32 to vector<16xf32>
      %add3A_202 = arith.addf %add3A_201, %exp3A_199 : vector<16xf32>
      %div3A_203 = arith.constant 1.000000e+00 : f32
      %div3A_204 = vector.broadcast %div3A_203 : f32 to vector<16xf32>
      %div3A_205 = arith.divf %div3A_204, %add3A_202 : vector<16xf32>
      %exp3A_206 = math.exp %div3A_205 : vector<16xf32>
      %swap3A_207 = arith.constant 16 : index
      %swap3A_208 = tpu.vector_load %arg9[%swap3A_207] {strides = array<i32>} : memref<128xf32, #tpu.memory_space<vmem>>, vector<16xf32>,
      tpu.vector_store %arg9[%swap3A_207], %exp3A_206 {strides = array<i32>} : memref<128xf32, #tpu.memory_space<vmem>>, vector<16xf32>,
      %add3A_209 = arith.constant 128 : i32
      %add3A_210 = arith.addi %mul3A_110, %add3A_209 : i32
      %add3A_211 = arith.constant 32 : i32
      %add3A_212 = arith.addi %add3A_210, %add3A_211 : i32
      %get3A_213 = arith.index_cast %and3A_104 : i32 to index
      %get3A_214 = arith.index_cast %add3A_212 : i32 to index
      %get3A_215 = tpu.vector_load %arg7[%get3A_213, %get3A_214] {strides = array<i32>} : memref<2x2048xi32, #tpu.memory_space<vmem>>, vector<16xi32>,
      %add3A_216 = arith.constant 32 : i32
      %add3A_217 = vector.broadcast %add3A_216 : i32 to vector<16xi32>
      %add3A_218 = arith.addi %iota3A, %add3A_217 : vector<16xi32>
      %gather3A_219 = tpu.vector_load_idx %arg8[%broadcast_in_dim3A_162, %add3A_218, %broadcast_in_dim3A_46] : memref<2x128x128xf32, #tpu.memory_space<vmem>>[vector<16xi32>, vector<16xi32>, vector<16xi32>], vector<16xf32>,
      %gather3A_220 = tpu.vector_load_idx %arg6[%get3A_215] : memref<10112xf32, #tpu.memory_space<vmem>>[vector<16xi32>], vector<16xf32>,
      %add3A_221 = arith.addf %gather3A_219, %gather3A_220 : vector<16xf32>
      %neg3A_222 = arith.constant 0.000000e+00 : f32
      %neg3A_223 = vector.broadcast %neg3A_222 : f32 to vector<16xf32>
      %neg3A_224 = arith.subf %neg3A_223, %add3A_221 : vector<16xf32>
      %exp3A_225 = math.exp %neg3A_224 : vector<16xf32>
      %add3A_226 = arith.constant 1.000000e+00 : f32
      %add3A_227 = vector.broadcast %add3A_226 : f32 to vector<16xf32>
      %add3A_228 = arith.addf %add3A_227, %exp3A_225 : vector<16xf32>
      %div3A_229 = arith.constant 1.000000e+00 : f32
      %div3A_230 = vector.broadcast %div3A_229 : f32 to vector<16xf32>
      %div3A_231 = arith.divf %div3A_230, %add3A_228 : vector<16xf32>
      %exp3A_232 = math.exp %div3A_231 : vector<16xf32>
      %swap3A_233 = arith.constant 32 : index
      %swap3A_234 = tpu.vector_load %arg9[%swap3A_233] {strides = array<i32>} : memref<128xf32, #tpu.memory_space<vmem>>, vector<16xf32>,
      tpu.vector_store %arg9[%swap3A_233], %exp3A_232 {strides = array<i32>} : memref<128xf32, #tpu.memory_space<vmem>>, vector<16xf32>,
      %add3A_235 = arith.constant 128 : i32
      %add3A_236 = arith.addi %mul3A_110, %add3A_235 : i32
      %add3A_237 = arith.constant 48 : i32
      %add3A_238 = arith.addi %add3A_236, %add3A_237 : i32
      %get3A_239 = arith.index_cast %and3A_104 : i32 to index
      %get3A_240 = arith.index_cast %add3A_238 : i32 to index
      %get3A_241 = tpu.vector_load %arg7[%get3A_239, %get3A_240] {strides = array<i32>} : memref<2x2048xi32, #tpu.memory_space<vmem>>, vector<16xi32>,
      %add3A_242 = arith.constant 48 : i32
      %add3A_243 = vector.broadcast %add3A_242 : i32 to vector<16xi32>
      %add3A_244 = arith.addi %iota3A, %add3A_243 : vector<16xi32>
      %gather3A_245 = tpu.vector_load_idx %arg8[%broadcast_in_dim3A_162, %add3A_244, %broadcast_in_dim3A_46] : memref<2x128x128xf32, #tpu.memory_space<vmem>>[vector<16xi32>, vector<16xi32>, vector<16xi32>], vector<16xf32>,
      %gather3A_246 = tpu.vector_load_idx %arg6[%get3A_241] : memref<10112xf32, #tpu.memory_space<vmem>>[vector<16xi32>], vector<16xf32>,
      %add3A_247 = arith.addf %gather3A_245, %gather3A_246 : vector<16xf32>
      %neg3A_248 = arith.constant 0.000000e+00 : f32
      %neg3A_249 = vector.broadcast %neg3A_248 : f32 to vector<16xf32>
      %neg3A_250 = arith.subf %neg3A_249, %add3A_247 : vector<16xf32>
      %exp3A_251 = math.exp %neg3A_250 : vector<16xf32>
      %add3A_252 = arith.constant 1.000000e+00 : f32
      %add3A_253 = vector.broadcast %add3A_252 : f32 to vector<16xf32>
      %add3A_254 = arith.addf %add3A_253, %exp3A_251 : vector<16xf32>
      %div3A_255 = arith.constant 1.000000e+00 : f32
      %div3A_256 = vector.broadcast %div3A_255 : f32 to vector<16xf32>
      %div3A_257 = arith.divf %div3A_256, %add3A_254 : vector<16xf32>
      %exp3A_258 = math.exp %div3A_257 : vector<16xf32>
      %swap3A_259 = arith.constant 48 : index
      %swap3A_260 = tpu.vector_load %arg9[%swap3A_259] {strides = array<i32>} : memref<128xf32, #tpu.memory_space<vmem>>, vector<16xf32>,
      tpu.vector_store %arg9[%swap3A_259], %exp3A_258 {strides = array<i32>} : memref<128xf32, #tpu.memory_space<vmem>>, vector<16xf32>,
      %add3A_261 = arith.constant 128 : i32
      %add3A_262 = arith.addi %mul3A_110, %add3A_261 : i32
      %add3A_263 = arith.constant 64 : i32
      %add3A_264 = arith.addi %add3A_262, %add3A_263 : i32
      %get3A_265 = arith.index_cast %and3A_104 : i32 to index
      %get3A_266 = arith.index_cast %add3A_264 : i32 to index
      %get3A_267 = tpu.vector_load %arg7[%get3A_265, %get3A_266] {strides = array<i32>} : memref<2x2048xi32, #tpu.memory_space<vmem>>, vector<16xi32>,
      %add3A_268 = arith.constant 64 : i32
      %add3A_269 = vector.broadcast %add3A_268 : i32 to vector<16xi32>
      %add3A_270 = arith.addi %iota3A, %add3A_269 : vector<16xi32>
      %gather3A_271 = tpu.vector_load_idx %arg8[%broadcast_in_dim3A_162, %add3A_270, %broadcast_in_dim3A_46] : memref<2x128x128xf32, #tpu.memory_space<vmem>>[vector<16xi32>, vector<16xi32>, vector<16xi32>], vector<16xf32>,
      %gather3A_272 = tpu.vector_load_idx %arg6[%get3A_267] : memref<10112xf32, #tpu.memory_space<vmem>>[vector<16xi32>], vector<16xf32>,
      %add3A_273 = arith.addf %gather3A_271, %gather3A_272 : vector<16xf32>
      %neg3A_274 = arith.constant 0.000000e+00 : f32
      %neg3A_275 = vector.broadcast %neg3A_274 : f32 to vector<16xf32>
      %neg3A_276 = arith.subf %neg3A_275, %add3A_273 : vector<16xf32>
      %exp3A_277 = math.exp %neg3A_276 : vector<16xf32>
      %add3A_278 = arith.constant 1.000000e+00 : f32
      %add3A_279 = vector.broadcast %add3A_278 : f32 to vector<16xf32>
      %add3A_280 = arith.addf %add3A_279, %exp3A_277 : vector<16xf32>
      %div3A_281 = arith.constant 1.000000e+00 : f32
      %div3A_282 = vector.broadcast %div3A_281 : f32 to vector<16xf32>
      %div3A_283 = arith.divf %div3A_282, %add3A_280 : vector<16xf32>
      %exp3A_284 = math.exp %div3A_283 : vector<16xf32>
      %swap3A_285 = arith.constant 64 : index
      %swap3A_286 = tpu.vector_load %arg9[%swap3A_285] {strides = array<i32>} : memref<128xf32, #tpu.memory_space<vmem>>, vector<16xf32>,
      tpu.vector_store %arg9[%swap3A_285], %exp3A_284 {strides = array<i32>} : memref<128xf32, #tpu.memory_space<vmem>>, vector<16xf32>,
      %add3A_287 = arith.constant 128 : i32
      %add3A_288 = arith.addi %mul3A_110, %add3A_287 : i32
      %add3A_289 = arith.constant 80 : i32
      %add3A_290 = arith.addi %add3A_288, %add3A_289 : i32
      %get3A_291 = arith.index_cast %and3A_104 : i32 to index
      %get3A_292 = arith.index_cast %add3A_290 : i32 to index
      %get3A_293 = tpu.vector_load %arg7[%get3A_291, %get3A_292] {strides = array<i32>} : memref<2x2048xi32, #tpu.memory_space<vmem>>, vector<16xi32>,
      %add3A_294 = arith.constant 80 : i32
      %add3A_295 = vector.broadcast %add3A_294 : i32 to vector<16xi32>
      %add3A_296 = arith.addi %iota3A, %add3A_295 : vector<16xi32>
      %gather3A_297 = tpu.vector_load_idx %arg8[%broadcast_in_dim3A_162, %add3A_296, %broadcast_in_dim3A_46] : memref<2x128x128xf32, #tpu.memory_space<vmem>>[vector<16xi32>, vector<16xi32>, vector<16xi32>], vector<16xf32>,
      %gather3A_298 = tpu.vector_load_idx %arg6[%get3A_293] : memref<10112xf32, #tpu.memory_space<vmem>>[vector<16xi32>], vector<16xf32>,
      %add3A_299 = arith.addf %gather3A_297, %gather3A_298 : vector<16xf32>
      %neg3A_300 = arith.constant 0.000000e+00 : f32
      %neg3A_301 = vector.broadcast %neg3A_300 : f32 to vector<16xf32>
      %neg3A_302 = arith.subf %neg3A_301, %add3A_299 : vector<16xf32>
      %exp3A_303 = math.exp %neg3A_302 : vector<16xf32>
      %add3A_304 = arith.constant 1.000000e+00 : f32
      %add3A_305 = vector.broadcast %add3A_304 : f32 to vector<16xf32>
      %add3A_306 = arith.addf %add3A_305, %exp3A_303 : vector<16xf32>
      %div3A_307 = arith.constant 1.000000e+00 : f32
      %div3A_308 = vector.broadcast %div3A_307 : f32 to vector<16xf32>
      %div3A_309 = arith.divf %div3A_308, %add3A_306 : vector<16xf32>
      %exp3A_310 = math.exp %div3A_309 : vector<16xf32>
      %swap3A_311 = arith.constant 80 : index
      %swap3A_312 = tpu.vector_load %arg9[%swap3A_311] {strides = array<i32>} : memref<128xf32, #tpu.memory_space<vmem>>, vector<16xf32>,
      tpu.vector_store %arg9[%swap3A_311], %exp3A_310 {strides = array<i32>} : memref<128xf32, #tpu.memory_space<vmem>>, vector<16xf32>,
      %add3A_313 = arith.constant 128 : i32
      %add3A_314 = arith.addi %mul3A_110, %add3A_313 : i32
      %add3A_315 = arith.constant 96 : i32
      %add3A_316 = arith.addi %add3A_314, %add3A_315 : i32
      %get3A_317 = arith.index_cast %and3A_104 : i32 to index
      %get3A_318 = arith.index_cast %add3A_316 : i32 to index
      %get3A_319 = tpu.vector_load %arg7[%get3A_317, %get3A_318] {strides = array<i32>} : memref<2x2048xi32, #tpu.memory_space<vmem>>, vector<16xi32>,
      %add3A_320 = arith.constant 96 : i32
      %add3A_321 = vector.broadcast %add3A_320 : i32 to vector<16xi32>
      %add3A_322 = arith.addi %iota3A, %add3A_321 : vector<16xi32>
      %gather3A_323 = tpu.vector_load_idx %arg8[%broadcast_in_dim3A_162, %add3A_322, %broadcast_in_dim3A_46] : memref<2x128x128xf32, #tpu.memory_space<vmem>>[vector<16xi32>, vector<16xi32>, vector<16xi32>], vector<16xf32>,
      %gather3A_324 = tpu.vector_load_idx %arg6[%get3A_319] : memref<10112xf32, #tpu.memory_space<vmem>>[vector<16xi32>], vector<16xf32>,
      %add3A_325 = arith.addf %gather3A_323, %gather3A_324 : vector<16xf32>
      %neg3A_326 = arith.constant 0.000000e+00 : f32
      %neg3A_327 = vector.broadcast %neg3A_326 : f32 to vector<16xf32>
      %neg3A_328 = arith.subf %neg3A_327, %add3A_325 : vector<16xf32>
      %exp3A_329 = math.exp %neg3A_328 : vector<16xf32>
      %add3A_330 = arith.constant 1.000000e+00 : f32
      %add3A_331 = vector.broadcast %add3A_330 : f32 to vector<16xf32>
      %add3A_332 = arith.addf %add3A_331, %exp3A_329 : vector<16xf32>
      %div3A_333 = arith.constant 1.000000e+00 : f32
      %div3A_334 = vector.broadcast %div3A_333 : f32 to vector<16xf32>
      %div3A_335 = arith.divf %div3A_334, %add3A_332 : vector<16xf32>
      %exp3A_336 = math.exp %div3A_335 : vector<16xf32>
      %swap3A_337 = arith.constant 96 : index
      %swap3A_338 = tpu.vector_load %arg9[%swap3A_337] {strides = array<i32>} : memref<128xf32, #tpu.memory_space<vmem>>, vector<16xf32>,
      tpu.vector_store %arg9[%swap3A_337], %exp3A_336 {strides = array<i32>} : memref<128xf32, #tpu.memory_space<vmem>>, vector<16xf32>,
      %add3A_339 = arith.constant 128 : i32
      %add3A_340 = arith.addi %mul3A_110, %add3A_339 : i32
      %add3A_341 = arith.constant 112 : i32
      %add3A_342 = arith.addi %add3A_340, %add3A_341 : i32
      %get3A_343 = arith.index_cast %and3A_104 : i32 to index
      %get3A_344 = arith.index_cast %add3A_342 : i32 to index
      %get3A_345 = tpu.vector_load %arg7[%get3A_343, %get3A_344] {strides = array<i32>} : memref<2x2048xi32, #tpu.memory_space<vmem>>, vector<16xi32>,
      %add3A_346 = arith.constant 112 : i32
      %add3A_347 = vector.broadcast %add3A_346 : i32 to vector<16xi32>
      %add3A_348 = arith.addi %iota3A, %add3A_347 : vector<16xi32>
      %gather3A_349 = tpu.vector_load_idx %arg8[%broadcast_in_dim3A_162, %add3A_348, %broadcast_in_dim3A_46] : memref<2x128x128xf32, #tpu.memory_space<vmem>>[vector<16xi32>, vector<16xi32>, vector<16xi32>], vector<16xf32>,
      %gather3A_350 = tpu.vector_load_idx %arg6[%get3A_345] : memref<10112xf32, #tpu.memory_space<vmem>>[vector<16xi32>], vector<16xf32>,
      %add3A_351 = arith.addf %gather3A_349, %gather3A_350 : vector<16xf32>
      %neg3A_352 = arith.constant 0.000000e+00 : f32
      %neg3A_353 = vector.broadcast %neg3A_352 : f32 to vector<16xf32>
      %neg3A_354 = arith.subf %neg3A_353, %add3A_351 : vector<16xf32>
      %exp3A_355 = math.exp %neg3A_354 : vector<16xf32>
      %add3A_356 = arith.constant 1.000000e+00 : f32
      %add3A_357 = vector.broadcast %add3A_356 : f32 to vector<16xf32>
      %add3A_358 = arith.addf %add3A_357, %exp3A_355 : vector<16xf32>
      %div3A_359 = arith.constant 1.000000e+00 : f32
      %div3A_360 = vector.broadcast %div3A_359 : f32 to vector<16xf32>
      %div3A_361 = arith.divf %div3A_360, %add3A_358 : vector<16xf32>
      %exp3A_362 = math.exp %div3A_361 : vector<16xf32>
      %swap3A_363 = arith.constant 112 : index
      %swap3A_364 = tpu.vector_load %arg9[%swap3A_363] {strides = array<i32>} : memref<128xf32, #tpu.memory_space<vmem>>, vector<16xf32>,
      tpu.vector_store %arg9[%swap3A_363], %exp3A_362 {strides = array<i32>} : memref<128xf32, #tpu.memory_space<vmem>>, vector<16xf32>,
      %scan3A_365 = arith.constant 0 : i32
      %scan3A_366 = arith.constant 0 : i32
      %scan3A_367 = arith.constant 128 : i32
      %scan3A_368 = arith.addi %scan3A_366, %scan3A_367 : i32
      %scan3A_369 = arith.constant 1 : i32
      scf.for %scan3A_385 = %scan3A_366 to %scan3A_368 step %scan3A_369  : i32 {
        %broadcast_in_dim3A_386 = vector.broadcast %scan3A_385 : i32 to vector<16xi32>
        %gather3A_387 = tpu.vector_load_idx %arg9[%broadcast_in_dim3A_386] : memref<128xf32, #tpu.memory_space<vmem>>[vector<16xi32>], vector<16xf32>,
        %get3A_388 = arith.index_cast %and3A_101 : i32 to index
        %get3A_389 = arith.index_cast %scan3A_385 : i32 to index
        %get3A_390 = arith.constant 0 : index
        %get3A_391 = tpu.vector_load %arg8[%get3A_388, %get3A_389, %get3A_390] {strides = array<i32>} : memref<2x128x128xf32, #tpu.memory_space<vmem>>, vector<16xf32>,
        %mul3A_392 = arith.mulf %get3A_391, %gather3A_387 : vector<16xf32>
        %swap3A_393 = arith.index_cast %and3A_101 : i32 to index
        %swap3A_394 = arith.index_cast %scan3A_385 : i32 to index
        %swap3A_395 = arith.constant 0 : index
        %swap3A_396 = tpu.vector_load %arg8[%swap3A_393, %swap3A_394, %swap3A_395] {strides = array<i32>} : memref<2x128x128xf32, #tpu.memory_space<vmem>>, vector<16xf32>,
        tpu.vector_store %arg8[%swap3A_393, %swap3A_394, %swap3A_395], %mul3A_392 {strides = array<i32>} : memref<2x128x128xf32, #tpu.memory_space<vmem>>, vector<16xf32>,
        %get3A_397 = arith.index_cast %and3A_101 : i32 to index
        %get3A_398 = arith.index_cast %scan3A_385 : i32 to index
        %get3A_399 = arith.constant 16 : index
        %get3A_400 = tpu.vector_load %arg8[%get3A_397, %get3A_398, %get3A_399] {strides = array<i32>} : memref<2x128x128xf32, #tpu.memory_space<vmem>>, vector<16xf32>,
        %mul3A_401 = arith.mulf %get3A_400, %gather3A_387 : vector<16xf32>
        %swap3A_402 = arith.index_cast %and3A_101 : i32 to index
        %swap3A_403 = arith.index_cast %scan3A_385 : i32 to index
        %swap3A_404 = arith.constant 16 : index
        %swap3A_405 = tpu.vector_load %arg8[%swap3A_402, %swap3A_403, %swap3A_404] {strides = array<i32>} : memref<2x128x128xf32, #tpu.memory_space<vmem>>, vector<16xf32>,
        tpu.vector_store %arg8[%swap3A_402, %swap3A_403, %swap3A_404], %mul3A_401 {strides = array<i32>} : memref<2x128x128xf32, #tpu.memory_space<vmem>>, vector<16xf32>,
        %mul3A_406 = arith.mulf %gather3A_387, %select_n3A_44 : vector<16xf32>
        %swap3A_407 = arith.index_cast %and3A_101 : i32 to index
        %swap3A_408 = arith.index_cast %scan3A_385 : i32 to index
        %swap3A_409 = arith.constant 32 : index
        %swap3A_410 = tpu.vector_load %arg8[%swap3A_407, %swap3A_408, %swap3A_409] {strides = array<i32>} : memref<2x128x128xf32, #tpu.memory_space<vmem>>, vector<16xf32>,
        tpu.vector_store %arg8[%swap3A_407, %swap3A_408, %swap3A_409], %mul3A_406 {strides = array<i32>} : memref<2x128x128xf32, #tpu.memory_space<vmem>>, vector<16xf32>,
      }
      %scan3A_370 = arith.constant 128 : i32
      %add3A_371 = arith.constant 128 : i32
      %add3A_372 = arith.addi %mul3A_110, %add3A_371 : i32
      %dma_start3A_373 = arith.constant 1 : i32
      %dma_start3A_374 = arith.constant 0 : i32
      %dma_start3A_375 = arith.constant 0 : i32
      %dma_start3A_376 = tpu.memref_slice %arg8[%and3A_101, %dma_start3A_374, %dma_start3A_375] : memref<2x128x128xf32, #tpu.memory_space<vmem>> -> memref<1x128x128xf32, #tpu.memory_space<vmem>>
      %dma_start3A_377 = tpu.memref_squeeze %dma_start3A_376 : memref<1x128x128xf32, #tpu.memory_space<vmem>> -> memref<128x128xf32, #tpu.memory_space<vmem>>
      %dma_start3A_378 = tpu.memref_slice %arg7[%and3A_104, %add3A_372] : memref<2x2048xi32, #tpu.memory_space<vmem>> -> memref<1x128xi32, #tpu.memory_space<vmem>>
      %dma_start3A_379 = tpu.memref_squeeze %dma_start3A_378 : memref<1x128xi32, #tpu.memory_space<vmem>> -> memref<128xi32, #tpu.memory_space<vmem>>
      %dma_start3A_380 = arith.constant 0 : i32
      %dma_start3A_381 = arith.constant 0 : i32
      %dma_start3A_382 = tpu.memref_slice %arg10[%dma_start3A_380, %dma_start3A_381] : memref<10112x128xf32, #tpu.memory_space<vmem_shared>> -> memref<10112x128xf32, #tpu.memory_space<vmem_shared>>
      %dma_start3A_383 = tpu.memref_slice %arg11[%dma_start3A_373] : memref<3x!tpu.dma_semaphore, #tpu.memory_space<semaphore_mem>> -> memref<1x!tpu.dma_semaphore, #tpu.memory_space<semaphore_mem>>
      %dma_start3A_384 = tpu.memref_squeeze %dma_start3A_383 : memref<1x!tpu.dma_semaphore, #tpu.memory_space<semaphore_mem>> -> memref<!tpu.dma_semaphore, #tpu.memory_space<semaphore_mem>>
      tpu.enqueue_indirect_dma source(%dma_start3A_377 : memref<128x128xf32, #tpu.memory_space<vmem>>) target(%dma_start3A_382 : memref<10112x128xf32, #tpu.memory_space<vmem_shared>>) offsets(%dma_start3A_379 : memref<128xi32, #tpu.memory_space<vmem>>) semaphore(%dma_start3A_384 : memref<!tpu.dma_semaphore, #tpu.memory_space<semaphore_mem>>) {add = true}
    }
    %dma_wait3A = arith.constant 0 : i32
    %dma_wait3A_78 = arith.constant 0 : i32
    %dma_wait3A_79 = arith.constant 1 : i32
    %dma_wait3A_80 = arith.constant 0 : i32
    %dma_wait3A_81 = arith.constant 0 : i32
    %dma_wait3A_82 = tpu.memref_slice %arg8[%dma_wait3A, %dma_wait3A_80, %dma_wait3A_81] : memref<2x128x128xf32, #tpu.memory_space<vmem>> -> memref<1x128x128xf32, #tpu.memory_space<vmem>>
    %dma_wait3A_83 = tpu.memref_squeeze %dma_wait3A_82 : memref<1x128x128xf32, #tpu.memory_space<vmem>> -> memref<128x128xf32, #tpu.memory_space<vmem>>
    %dma_wait3A_84 = arith.constant 0 : i32
    %dma_wait3A_85 = tpu.memref_slice %arg7[%dma_wait3A_78, %dma_wait3A_84] : memref<2x2048xi32, #tpu.memory_space<vmem>> -> memref<1x128xi32, #tpu.memory_space<vmem>>
    %dma_wait3A_86 = tpu.memref_squeeze %dma_wait3A_85 : memref<1x128xi32, #tpu.memory_space<vmem>> -> memref<128xi32, #tpu.memory_space<vmem>>
    %dma_wait3A_87 = arith.constant 0 : i32
    %dma_wait3A_88 = arith.constant 0 : i32
    %dma_wait3A_89 = tpu.memref_slice %arg10[%dma_wait3A_87, %dma_wait3A_88] : memref<10112x128xf32, #tpu.memory_space<vmem_shared>> -> memref<10112x128xf32, #tpu.memory_space<vmem_shared>>
    %dma_wait3A_90 = tpu.memref_slice %arg11[%dma_wait3A_79] : memref<3x!tpu.dma_semaphore, #tpu.memory_space<semaphore_mem>> -> memref<1x!tpu.dma_semaphore, #tpu.memory_space<semaphore_mem>>
    %dma_wait3A_91 = tpu.memref_squeeze %dma_wait3A_90 : memref<1x!tpu.dma_semaphore, #tpu.memory_space<semaphore_mem>> -> memref<!tpu.dma_semaphore, #tpu.memory_space<semaphore_mem>>
    tpu.wait_indirect_dma semaphore(%dma_wait3A_91 : memref<!tpu.dma_semaphore, #tpu.memory_space<semaphore_mem>>) src(%dma_wait3A_83 : memref<128x128xf32, #tpu.memory_space<vmem>>) dst(%dma_wait3A_89 : memref<10112x128xf32, #tpu.memory_space<vmem_shared>>)
    %barrier3A_92 = arith.constant 0 : index
    tpu.barrier barrier_id(%barrier3A_92)
    %mul3A_93 = arith.constant 632 : i32
    %mul3A_94 = arith.muli %arg1, %mul3A_93 : i32
    %mul3A_95 = arith.constant 10112 : i32
    %mul3A_96 = arith.muli %arg0, %mul3A_95 : i32
    %mul3A_97 = arith.constant 632 : i32
    %mul3A_98 = arith.muli %arg1, %mul3A_97 : i32
    %add3A_99 = arith.addi %mul3A_96, %mul3A_98 : i32
    "tpu.region"() ({
      %run_scoped3A_100 = tpu.sem_alloc : memref<!tpu.dma_semaphore, #tpu.memory_space<semaphore_mem>>
      %dma_start3A_101 = arith.constant 0 : i32
      %dma_start3A_102 = tpu.memref_slice %arg5[%add3A_99, %dma_start3A_101] : memref<20224x128xf32, #tpu.memory_space<hbm>> -> memref<632x128xf32, #tpu.memory_space<hbm>>
      %dma_start3A_103 = arith.constant 0 : i32
      %dma_start3A_104 = tpu.memref_slice %arg10[%mul3A_94, %dma_start3A_103] : memref<10112x128xf32, #tpu.memory_space<vmem_shared>> -> memref<632x128xf32, #tpu.memory_space<vmem_shared>>
      tpu.enqueue_dma source(%dma_start3A_104 : memref<632x128xf32, #tpu.memory_space<vmem_shared>>) target(%dma_start3A_102 : memref<632x128xf32, #tpu.memory_space<hbm>>) target_semaphore(%run_scoped3A_100 : memref<!tpu.dma_semaphore, #tpu.memory_space<semaphore_mem>>)
      %dma_wait3A_105 = arith.constant 0 : i32
      %dma_wait3A_106 = tpu.memref_slice %arg5[%add3A_99, %dma_wait3A_105] : memref<20224x128xf32, #tpu.memory_space<hbm>> -> memref<632x128xf32, #tpu.memory_space<hbm>>
      %dma_wait3A_107 = arith.constant 0 : i32
      %dma_wait3A_108 = tpu.memref_slice %arg10[%mul3A_94, %dma_wait3A_107] : memref<10112x128xf32, #tpu.memory_space<vmem_shared>> -> memref<632x128xf32, #tpu.memory_space<vmem_shared>>
      tpu.wait_dma2 semaphore(%run_scoped3A_100 : memref<!tpu.dma_semaphore, #tpu.memory_space<semaphore_mem>>) src(%dma_wait3A_108 : memref<632x128xf32, #tpu.memory_space<vmem_shared>>) dst(%dma_wait3A_106 : memref<632x128xf32, #tpu.memory_space<hbm>>)
      tpu.yield
    }) : () -> ()
    return
  }
}

module attributes {stable_mosaic.version = 14 : i64} {
  func.func @_tc1_body(%arg0: i32, %arg1: memref<512x128xf32, #tpu.memory_space<vmem>>, %arg2: memref<128x128xf32, #tpu.memory_space<vmem>>, %arg3: memref<128x2xf32, #tpu.memory_space<vmem>>, %arg4: memref<512x128xf32, #tpu.memory_space<vmem>>, %arg5: memref<512x2xf32, #tpu.memory_space<vmem>>) attributes {dimension_semantics = [#tpu.dimension_semantics<arbitrary>], iteration_bounds = array<i64: 40>, scalar_prefetch = 0 : i64, scratch_operands = 0 : i64, tpu.core_type = #tpu.core_type<tc>, window_params = [{transform_indices = @transform_0, window_bounds = array<i64: 512, 128>}, {pipeline_mode = #tpu.pipeline_mode<synchronous>, transform_indices = @transform_1, window_bounds = array<i64: 128, 128>}, {pipeline_mode = #tpu.pipeline_mode<synchronous>, transform_indices = @transform_2, window_bounds = array<i64: 128, 2>}, {transform_indices = @transform_3, window_bounds = array<i64: 512, 128>}, {transform_indices = @transform_4, window_bounds = array<i64: 512, 2>}]} {
    %get3A = arith.constant 0 : index
    %get3A_0 = arith.constant 0 : index
    %get3A_1 = vector.load %arg1[%get3A, %get3A_0] : memref<512x128xf32, #tpu.memory_space<vmem>>, vector<512x128xf32>
    %get3A_2 = arith.constant 0 : index
    %get3A_3 = arith.constant 0 : index
    %get3A_4 = vector.load %arg2[%get3A_2, %get3A_3] : memref<128x128xf32, #tpu.memory_space<vmem>>, vector<128x128xf32>
    %dot_general3A = arith.constant dense<0.000000e+00> : vector<512x128xf32>
    %dot_general3A_5 = tpu.matmul %get3A_1, %get3A_4, %dot_general3A {dimension_numbers = #tpu.dot_dimension_numbers<[1], [0], [0], [1], [0, 0, 1, 1], [], []>, transpose_lhs_hint = false} : vector<512x128xf32>, vector<128x128xf32>, vector<512x128xf32> -> vector<512x128xf32>
    %swap3A = arith.constant 0 : index
    %swap3A_6 = arith.constant 0 : index
    %swap3A_7 = vector.load %arg4[%swap3A, %swap3A_6] : memref<512x128xf32, #tpu.memory_space<vmem>>, vector<512x128xf32>
    tpu.vector_store %arg4[%swap3A, %swap3A_6], %dot_general3A_5 {strides = array<i32>} : memref<512x128xf32, #tpu.memory_space<vmem>>, vector<512x128xf32>,
    %get3A_8 = arith.constant 0 : index
    %get3A_9 = arith.constant 0 : index
    %get3A_10 = vector.load %arg3[%get3A_8, %get3A_9] : memref<128x2xf32, #tpu.memory_space<vmem>>, vector<128x2xf32>
    %dot_general3A_11 = arith.constant dense<0.000000e+00> : vector<512x2xf32>
    %dot_general3A_12 = tpu.matmul %get3A_1, %get3A_10, %dot_general3A_11 {dimension_numbers = #tpu.dot_dimension_numbers<[1], [0], [0], [1], [0, 0, 1, 1], [], []>, transpose_lhs_hint = false} : vector<512x128xf32>, vector<128x2xf32>, vector<512x2xf32> -> vector<512x2xf32>
    %swap3A_13 = arith.constant 0 : index
    %swap3A_14 = arith.constant 0 : index
    %swap3A_15 = vector.load %arg5[%swap3A_13, %swap3A_14] : memref<512x2xf32, #tpu.memory_space<vmem>>, vector<512x2xf32>
    tpu.vector_store %arg5[%swap3A_13, %swap3A_14], %dot_general3A_12 {strides = array<i32>} : memref<512x2xf32, #tpu.memory_space<vmem>>, vector<512x2xf32>,
    return
  }
  func.func @transform_0(%arg0: i32) -> (i32, i32) {
    %c0_i32 = arith.constant 0 : i32
    %c0_i32_0 = arith.constant 0 : i32
    return %arg0, %c0_i32 : i32, i32
  }
  func.func @transform_1(%arg0: i32) -> (i32, i32) {
    %c0_i32 = arith.constant 0 : i32
    %c0_i32_0 = arith.constant 0 : i32
    %c0_i32_1 = arith.constant 0 : i32
    return %c0_i32, %c0_i32_0 : i32, i32
  }
  func.func @transform_2(%arg0: i32) -> (i32, i32) {
    %c0_i32 = arith.constant 0 : i32
    %c0_i32_0 = arith.constant 0 : i32
    %c0_i32_1 = arith.constant 0 : i32
    return %c0_i32, %c0_i32_0 : i32, i32
  }
  func.func @transform_3(%arg0: i32) -> (i32, i32) {
    %c0_i32 = arith.constant 0 : i32
    %c0_i32_0 = arith.constant 0 : i32
    return %arg0, %c0_i32 : i32, i32
  }
  func.func @transform_4(%arg0: i32) -> (i32, i32) {
    %c0_i32 = arith.constant 0 : i32
    %c0_i32_0 = arith.constant 0 : i32
    return %arg0, %c0_i32 : i32, i32
  }
}

module attributes {stable_mosaic.version = 14 : i64} {
  func.func @_tc2_body(%arg0: i32, %arg1: memref<512x128xf32, #tpu.memory_space<vmem>>, %arg2: memref<512x128xf32, #tpu.memory_space<vmem>>, %arg3: memref<64x128xf32, #tpu.memory_space<vmem>>, %arg4: memref<64x2xf32, #tpu.memory_space<vmem>>, %arg5: memref<512x128xf32, #tpu.memory_space<vmem>>, %arg6: memref<512x2xf32, #tpu.memory_space<vmem>>) attributes {dimension_semantics = [#tpu.dimension_semantics<arbitrary>], iteration_bounds = array<i64: 40>, scalar_prefetch = 0 : i64, scratch_operands = 0 : i64, tpu.core_type = #tpu.core_type<tc>, window_params = [{transform_indices = @transform_0, window_bounds = array<i64: 512, 128>}, {transform_indices = @transform_1, window_bounds = array<i64: 512, 128>}, {pipeline_mode = #tpu.pipeline_mode<synchronous>, transform_indices = @transform_2, window_bounds = array<i64: 64, 128>}, {pipeline_mode = #tpu.pipeline_mode<synchronous>, transform_indices = @transform_3, window_bounds = array<i64: 64, 2>}, {transform_indices = @transform_4, window_bounds = array<i64: 512, 128>}, {transform_indices = @transform_5, window_bounds = array<i64: 512, 2>}]} {
    %get3A = arith.constant 0 : index
    %get3A_0 = arith.constant 0 : index
    %get3A_1 = vector.load %arg1[%get3A, %get3A_0] : memref<512x128xf32, #tpu.memory_space<vmem>>, vector<512x128xf32>
    %get3A_2 = arith.constant 0 : index
    %get3A_3 = arith.constant 0 : index
    %get3A_4 = vector.load %arg2[%get3A_2, %get3A_3] : memref<512x128xf32, #tpu.memory_space<vmem>>, vector<512x128xf32>
    %slice3A = vector.extract_strided_slice %get3A_4 {offsets = [0, 64], sizes = [512, 1], strides = [1, 1]} : vector<512x128xf32> to vector<512x1xf32>
    %slice3A_5 = vector.extract_strided_slice %get3A_1 {offsets = [0, 0], sizes = [512, 64], strides = [1, 1]} : vector<512x128xf32> to vector<512x64xf32>
    %slice3A_6 = vector.extract_strided_slice %get3A_4 {offsets = [0, 0], sizes = [512, 64], strides = [1, 1]} : vector<512x128xf32> to vector<512x64xf32>
    %add3A = arith.constant 9.99999996E-13 : f32
    %add3A_7 = vector.broadcast %add3A : f32 to vector<512x1xf32>
    %add3A_8 = arith.addf %slice3A, %add3A_7 : vector<512x1xf32>
    %div3A = vector.broadcast %add3A_8 : vector<512x1xf32> to vector<512x64xf32>
    %div3A_9 = arith.divf %slice3A_6, %div3A : vector<512x64xf32>
    %add3A_10 = arith.addf %slice3A_5, %div3A_9 : vector<512x64xf32>
    %get3A_11 = arith.constant 0 : index
    %get3A_12 = arith.constant 0 : index
    %get3A_13 = vector.load %arg3[%get3A_11, %get3A_12] : memref<64x128xf32, #tpu.memory_space<vmem>>, vector<64x128xf32>
    %dot_general3A = arith.constant dense<0.000000e+00> : vector<512x128xf32>
    %dot_general3A_14 = tpu.matmul %add3A_10, %get3A_13, %dot_general3A {dimension_numbers = #tpu.dot_dimension_numbers<[1], [0], [0], [1], [0, 0, 1, 1], [], []>, transpose_lhs_hint = false} : vector<512x64xf32>, vector<64x128xf32>, vector<512x128xf32> -> vector<512x128xf32>
    %swap3A = arith.constant 0 : index
    %swap3A_15 = arith.constant 0 : index
    %swap3A_16 = vector.load %arg5[%swap3A, %swap3A_15] : memref<512x128xf32, #tpu.memory_space<vmem>>, vector<512x128xf32>
    tpu.vector_store %arg5[%swap3A, %swap3A_15], %dot_general3A_14 {strides = array<i32>} : memref<512x128xf32, #tpu.memory_space<vmem>>, vector<512x128xf32>,
    %get3A_17 = arith.constant 0 : index
    %get3A_18 = arith.constant 0 : index
    %get3A_19 = vector.load %arg4[%get3A_17, %get3A_18] : memref<64x2xf32, #tpu.memory_space<vmem>>, vector<64x2xf32>
    %dot_general3A_20 = arith.constant dense<0.000000e+00> : vector<512x2xf32>
    %dot_general3A_21 = tpu.matmul %add3A_10, %get3A_19, %dot_general3A_20 {dimension_numbers = #tpu.dot_dimension_numbers<[1], [0], [0], [1], [0, 0, 1, 1], [], []>, transpose_lhs_hint = false} : vector<512x64xf32>, vector<64x2xf32>, vector<512x2xf32> -> vector<512x2xf32>
    %swap3A_22 = arith.constant 0 : index
    %swap3A_23 = arith.constant 0 : index
    %swap3A_24 = vector.load %arg6[%swap3A_22, %swap3A_23] : memref<512x2xf32, #tpu.memory_space<vmem>>, vector<512x2xf32>
    tpu.vector_store %arg6[%swap3A_22, %swap3A_23], %dot_general3A_21 {strides = array<i32>} : memref<512x2xf32, #tpu.memory_space<vmem>>, vector<512x2xf32>,
    return
  }
  func.func @transform_0(%arg0: i32) -> (i32, i32) {
    %c0_i32 = arith.constant 0 : i32
    %c0_i32_0 = arith.constant 0 : i32
    return %arg0, %c0_i32 : i32, i32
  }
  func.func @transform_1(%arg0: i32) -> (i32, i32) {
    %c0_i32 = arith.constant 0 : i32
    %c0_i32_0 = arith.constant 0 : i32
    return %arg0, %c0_i32 : i32, i32
  }
  func.func @transform_2(%arg0: i32) -> (i32, i32) {
    %c0_i32 = arith.constant 0 : i32
    %c0_i32_0 = arith.constant 0 : i32
    %c0_i32_1 = arith.constant 0 : i32
    return %c0_i32, %c0_i32_0 : i32, i32
  }
  func.func @transform_3(%arg0: i32) -> (i32, i32) {
    %c0_i32 = arith.constant 0 : i32
    %c0_i32_0 = arith.constant 0 : i32
    %c0_i32_1 = arith.constant 0 : i32
    return %c0_i32, %c0_i32_0 : i32, i32
  }
  func.func @transform_4(%arg0: i32) -> (i32, i32) {
    %c0_i32 = arith.constant 0 : i32
    %c0_i32_0 = arith.constant 0 : i32
    return %arg0, %c0_i32 : i32, i32
  }
  func.func @transform_5(%arg0: i32) -> (i32, i32) {
    %c0_i32 = arith.constant 0 : i32
    %c0_i32_0 = arith.constant 0 : i32
    return %arg0, %c0_i32 : i32, i32
  }
}

module attributes {stable_mosaic.version = 14 : i64} {
  func.func @_tc3_body(%arg0: i32, %arg1: memref<512x128xf32, #tpu.memory_space<vmem>>, %arg2: memref<512x128xf32, #tpu.memory_space<vmem>>, %arg3: memref<512x128xf32, #tpu.memory_space<vmem>>, %arg4: memref<16x128xf32, #tpu.memory_space<vmem>>, %arg5: memref<16x128xf32, #tpu.memory_space<vmem>>, %arg6: memref<1x128xf32, #tpu.memory_space<vmem>>, %arg7: memref<1x16xf32, #tpu.memory_space<vmem>>, %arg8: memref<512x256xf32, #tpu.memory_space<vmem>>) attributes {dimension_semantics = [#tpu.dimension_semantics<arbitrary>], iteration_bounds = array<i64: 40>, scalar_prefetch = 0 : i64, scratch_operands = 0 : i64, tpu.core_type = #tpu.core_type<tc>, window_params = [{transform_indices = @transform_0, window_bounds = array<i64: 512, 128>}, {transform_indices = @transform_1, window_bounds = array<i64: 512, 128>}, {transform_indices = @transform_2, window_bounds = array<i64: 512, 128>}, {pipeline_mode = #tpu.pipeline_mode<synchronous>, transform_indices = @transform_3, window_bounds = array<i64: 16, 128>}, {pipeline_mode = #tpu.pipeline_mode<synchronous>, transform_indices = @transform_4, window_bounds = array<i64: 16, 128>}, {pipeline_mode = #tpu.pipeline_mode<synchronous>, transform_indices = @transform_5, window_bounds = array<i64: 1, 128>}, {pipeline_mode = #tpu.pipeline_mode<synchronous>, transform_indices = @transform_6, window_bounds = array<i64: 1, 16>}, {transform_indices = @transform_7, window_bounds = array<i64: 512, 256>}]} {
    %get3A = arith.constant 0 : index
    %get3A_0 = arith.constant 0 : index
    %get3A_1 = vector.load %arg3[%get3A, %get3A_0] : memref<512x128xf32, #tpu.memory_space<vmem>>, vector<512x128xf32>
    %slice3A = vector.extract_strided_slice %get3A_1 {offsets = [0, 32], sizes = [512, 1], strides = [1, 1]} : vector<512x128xf32> to vector<512x1xf32>
    %add3A = arith.constant 9.99999996E-13 : f32
    %add3A_2 = vector.broadcast %add3A : f32 to vector<512x1xf32>
    %add3A_3 = arith.addf %slice3A, %add3A_2 : vector<512x1xf32>
    %div3A = arith.constant 1.000000e+00 : f32
    %div3A_4 = vector.broadcast %div3A : f32 to vector<512x1xf32>
    %div3A_5 = arith.divf %div3A_4, %add3A_3 : vector<512x1xf32>
    %get3A_6 = arith.constant 0 : index
    %get3A_7 = arith.constant 0 : index
    %get3A_8 = vector.load %arg2[%get3A_6, %get3A_7] : memref<512x128xf32, #tpu.memory_space<vmem>>, vector<512x16xf32>
    %slice3A_9 = vector.extract_strided_slice %get3A_1 {offsets = [0, 0], sizes = [512, 16], strides = [1, 1]} : vector<512x128xf32> to vector<512x16xf32>
    %mul3A = vector.broadcast %div3A_5 : vector<512x1xf32> to vector<512x16xf32>
    %mul3A_10 = arith.mulf %slice3A_9, %mul3A : vector<512x16xf32>
    %add3A_11 = arith.addf %get3A_8, %mul3A_10 : vector<512x16xf32>
    %slice3A_12 = vector.extract_strided_slice %get3A_1 {offsets = [0, 16], sizes = [512, 16], strides = [1, 1]} : vector<512x128xf32> to vector<512x16xf32>
    %mul3A_13 = vector.broadcast %div3A_5 : vector<512x1xf32> to vector<512x16xf32>
    %mul3A_14 = arith.mulf %slice3A_12, %mul3A_13 : vector<512x16xf32>
    %mul3A_15 = arith.mulf %slice3A, %div3A_5 : vector<512x1xf32>
    %get3A_16 = arith.constant 0 : index
    %get3A_17 = arith.constant 0 : index
    %get3A_18 = vector.load %arg7[%get3A_16, %get3A_17] : memref<1x16xf32, #tpu.memory_space<vmem>>, vector<1x16xf32>
    %mul3A_19 = vector.broadcast %mul3A_15 : vector<512x1xf32> to vector<512x16xf32>
    %mul3A_20 = vector.broadcast %get3A_18 : vector<1x16xf32> to vector<512x16xf32>
    %mul3A_21 = arith.mulf %mul3A_19, %mul3A_20 : vector<512x16xf32>
    %add3A_22 = arith.addf %mul3A_14, %mul3A_21 : vector<512x16xf32>
    %get3A_23 = arith.constant 0 : index
    %get3A_24 = arith.constant 0 : index
    %get3A_25 = vector.load %arg4[%get3A_23, %get3A_24] : memref<16x128xf32, #tpu.memory_space<vmem>>, vector<16x128xf32>
    %dot_general3A = arith.constant dense<0.000000e+00> : vector<512x128xf32>
    %dot_general3A_26 = tpu.matmul %add3A_11, %get3A_25, %dot_general3A {dimension_numbers = #tpu.dot_dimension_numbers<[1], [0], [0], [1], [0, 0, 1, 1], [], []>, transpose_lhs_hint = false} : vector<512x16xf32>, vector<16x128xf32>, vector<512x128xf32> -> vector<512x128xf32>
    %get3A_27 = arith.constant 0 : index
    %get3A_28 = arith.constant 0 : index
    %get3A_29 = vector.load %arg5[%get3A_27, %get3A_28] : memref<16x128xf32, #tpu.memory_space<vmem>>, vector<16x128xf32>
    %dot_general3A_30 = arith.constant dense<0.000000e+00> : vector<512x128xf32>
    %dot_general3A_31 = tpu.matmul %add3A_22, %get3A_29, %dot_general3A_30 {dimension_numbers = #tpu.dot_dimension_numbers<[1], [0], [0], [1], [0, 0, 1, 1], [], []>, transpose_lhs_hint = false} : vector<512x16xf32>, vector<16x128xf32>, vector<512x128xf32> -> vector<512x128xf32>
    %add3A_32 = arith.addf %dot_general3A_26, %dot_general3A_31 : vector<512x128xf32>
    %get3A_33 = arith.constant 0 : index
    %get3A_34 = arith.constant 0 : index
    %get3A_35 = vector.load %arg6[%get3A_33, %get3A_34] : memref<1x128xf32, #tpu.memory_space<vmem>>, vector<1x128xf32>
    %add3A_36 = vector.broadcast %get3A_35 : vector<1x128xf32> to vector<512x128xf32>
    %add3A_37 = arith.addf %add3A_32, %add3A_36 : vector<512x128xf32>
    %get3A_38 = arith.constant 0 : index
    %get3A_39 = arith.constant 0 : index
    %get3A_40 = vector.load %arg1[%get3A_38, %get3A_39] : memref<512x128xf32, #tpu.memory_space<vmem>>, vector<512x128xf32>
    %swap3A = arith.constant 0 : index
    %swap3A_41 = arith.constant 0 : index
    %swap3A_42 = vector.load %arg8[%swap3A, %swap3A_41] : memref<512x256xf32, #tpu.memory_space<vmem>>, vector<512x128xf32>
    tpu.vector_store %arg8[%swap3A, %swap3A_41], %get3A_40 {strides = array<i32>} : memref<512x256xf32, #tpu.memory_space<vmem>>, vector<512x128xf32>,
    %max3A = arith.constant 0.000000e+00 : f32
    %max3A_43 = vector.broadcast %max3A : f32 to vector<512x128xf32>
    %max3A_44 = arith.maximumf %add3A_37, %max3A_43 : vector<512x128xf32>
    %swap3A_45 = arith.constant 0 : index
    %swap3A_46 = arith.constant 128 : index
    %swap3A_47 = vector.load %arg8[%swap3A_45, %swap3A_46] : memref<512x256xf32, #tpu.memory_space<vmem>>, vector<512x128xf32>
    tpu.vector_store %arg8[%swap3A_45, %swap3A_46], %max3A_44 {strides = array<i32>} : memref<512x256xf32, #tpu.memory_space<vmem>>, vector<512x128xf32>,
    return
  }
  func.func @transform_0(%arg0: i32) -> (i32, i32) {
    %c0_i32 = arith.constant 0 : i32
    %c0_i32_0 = arith.constant 0 : i32
    return %arg0, %c0_i32 : i32, i32
  }
  func.func @transform_1(%arg0: i32) -> (i32, i32) {
    %c0_i32 = arith.constant 0 : i32
    %c0_i32_0 = arith.constant 0 : i32
    return %arg0, %c0_i32 : i32, i32
  }
  func.func @transform_2(%arg0: i32) -> (i32, i32) {
    %c0_i32 = arith.constant 0 : i32
    %c0_i32_0 = arith.constant 0 : i32
    return %arg0, %c0_i32 : i32, i32
  }
  func.func @transform_3(%arg0: i32) -> (i32, i32) {
    %c0_i32 = arith.constant 0 : i32
    %c0_i32_0 = arith.constant 0 : i32
    %c0_i32_1 = arith.constant 0 : i32
    return %c0_i32, %c0_i32_0 : i32, i32
  }
  func.func @transform_4(%arg0: i32) -> (i32, i32) {
    %c0_i32 = arith.constant 0 : i32
    %c0_i32_0 = arith.constant 0 : i32
    %c0_i32_1 = arith.constant 0 : i32
    return %c0_i32, %c0_i32_0 : i32, i32
  }
  func.func @transform_5(%arg0: i32) -> (i32, i32) {
    %c0_i32 = arith.constant 0 : i32
    %c0_i32_0 = arith.constant 0 : i32
    %c0_i32_1 = arith.constant 0 : i32
    return %c0_i32, %c0_i32_0 : i32, i32
  }
  func.func @transform_6(%arg0: i32) -> (i32, i32) {
    %c0_i32 = arith.constant 0 : i32
    %c0_i32_0 = arith.constant 0 : i32
    %c0_i32_1 = arith.constant 0 : i32
    return %c0_i32, %c0_i32_0 : i32, i32
  }
  func.func @transform_7(%arg0: i32) -> (i32, i32) {
    %c0_i32 = arith.constant 0 : i32
    %c0_i32_0 = arith.constant 0 : i32
    return %arg0, %c0_i32 : i32, i32
  }
}

</mosaic_0001>

<sc_bundles>
// kernel: kernel.10.cloned.1.call-start
scs
__scs_entry_jumppad:
0x0: {  	(pc) =	sbr.rel $0x88, $3  }
0x1: {  	(tag) =	ssettag $0x0;
	lr =	simm.s32 $0x1  }
0x2: {  	[smem:$0x3F93] =	sst lr;
	_ =	strace $0xD0000000  }
0x3: {  	_ = 	snop  }
0x4: {  	_ = 	snop  }
0x5: {  	_ = 	snop  }
0x6: {  	_ = 	snop  }
0x7: {  	_ = 	snop  }
__scs_overlays_trampoline_lowered:
0x8: {  	[smem:$0x3FA2] =	sst s0  }
0x9: {  	[smem:$0x3FA3] =	sst s1  }
0xa: {  	[smem:$0x3FA4] =	sst s2  }
0xb: {  	[smem:$0x3FA5] =	sst s3  }
0xc: {  	[smem:$0x3FA6] =	sst s4  }
0xd: {  	[smem:$0x3FA7] =	sst s5  }
0xe: {  	[smem:$0x3FA8] =	sst s6  }
0xf: {  	[smem:$0x3FA9] =	sst s7  }
0x10: {  	[smem:$0x3FAA] =	sst s8  }
0x11: {  	[smem:$0x3FAB] =	sst s9;
	s0 =	simm.s32 @!p0 $0x0  }
0x12: {  	s1 =	sld [smem:$0x3F91];
	s0 =	simm.s32 @p0 $0x1  }
0x13: {  	[smem:$0x3FAC] =	sst s0;
	s0 =	simm.s32 @!p1 $0x0  }
0x14: {  	s2 =	sld [smem:$0x3F90];
	s0 =	simm.s32 @p1 $0x1  }
0x15: {  	[smem:$0x3FAD] =	sst s0;
	s0 =	simm.s32 @!p2 $0x0  }
0x16: {  	s3 =	sld [smem:$0x3FDB];
	s0 =	simm.s32 @p2 $0x1  }
0x17: {  	s4 =	simm.s32 $0x1BF5;
	[smem:$0x3FAF] =	sst s0  }
0x18: {  	s0 =	sld [smem:$0x3F92];
	_ =	swait.ge [sflag:s4], $0x0  }
0x19: {  	s7 =	sld [smem:$0x3F93]  }
0x1a: {  	s8 =	sadd.s32 $0xFFFFE003, lr  }
0x1b: {  	s9 =	sadd.s32 $0xFFFFFEF7, lr;
	s5 =	simm.s32 $0xFFFFFFFF;
	p2 =	slt.u32 s8, $0xFFFFF086  }
0x1c: {  	p1 =	slt.u32 s9, $0xF7A;
	s5 =	simm.s32 @!p2 $0x0  }
0x1d: {  	s5 =	simm.s32 @p1 $0x1;
	p0 =	seq.s32 s7, s2  }
0x1e: {  	s7 =	smul.u32 @!p0 $0xF7A, s2;
	p2 =	seq.s32 @!p0 s5, $0x0  }
0x1f: {  	s9 =	smul.u32 $0xF7A, s1;
	s8 =	simm.s32 @!p0 $0x1BF5;
	p2 =	por !p2, p0  }
0x20: {  	[sflag:s8] =	ssyncset.s32 @!p0 $0xFFFFF086;
	s6 =	sadd.s32 @!p0 s3, s7;
	s7 =	simm.s32 @!p0 $0x108  }
0x21: {  	s3 =	sadd.s32 s3, s9;
	s6 =	sadd.s32 @!p0 $0x88, s6;
	s7 =	simm.s32 @p2 $0x1082  }
0x22: {  	[simem:s7], [sflag:s8] =	dma.local @!p0 [hbm:s6], $0xF7A  }
0x23: {  	s9 =	sor.u32 $0xD0000000, s2;
	s6 =	simm.s32 $0x108;
	_ =	swait.ge @!p0 [sflag:s8], $0x0  }
0x24: {  	s3 =	sadd.s32 $0x88, s3;
	s6 =	simm.s32 @!p1 $0x1082;
	[sflag:s4] =	ssyncset.s32 $0xFFFFF086  }
0x25: {  	[simem:s6], [sflag:s4] =	dma.local [hbm:s3], $0xF7A  }
0x26: {  	[smem:$0x3F93] =	sst s1;
	(tag) =	ssettag s2;
	_ =	strace s9  }
0x27: {  	s1 =	sld [smem:$0x3FA3]  }
0x28: {  	s2 =	sld [smem:$0x3FA4]  }
0x29: {  	s4 =	sld [smem:$0x3FA6]  }
0x2a: {  	p0 =	seq.s32 s5, $0x0;
	s5 =	sld [smem:$0x3FA7]  }
0x2b: {  	s6 =	sld [smem:$0x3FA8]  }
0x2c: {  	s7 =	sld [smem:$0x3FA9]  }
0x2d: {  	s3 =	simm.s32 $0x108;
	s8 =	sld [smem:$0x3FAA]  }
0x2e: {  	s3 =	simm.s32 @!p0 $0x1082;
	s9 =	sld [smem:$0x3FAB]  }
0x2f: {  	lr =	sadd.s32 s0, s3;
	s0 =	sld [smem:$0x3FA2]  }
0x30: {  	s3 =	sld [smem:$0x3FA5]  }
0x31: {  	[smem:$0x3FAE] =	sst s10  }
0x32: {  	s10 =	sld [smem:$0x3FAC];
	_ =	sdelay $0x3  }
0x33: {  	p0 =	seq.s32 s10, $0x1;
	s10 =	sld [smem:$0x3FAE];
	_ =	sdelay $0x3  }
0x34: {  	[smem:$0x3FAE] =	sst s10  }
0x35: {  	s10 =	sld [smem:$0x3FAD];
	_ =	sdelay $0x3  }
0x36: {  	p1 =	seq.s32 s10, $0x1;
	s10 =	sld [smem:$0x3FAE];
	_ =	sdelay $0x3  }
0x37: {  	[smem:$0x3FAE] =	sst s10  }
0x38: {  	s10 =	sld [smem:$0x3FAF]  }
0x39: {  	_ = 	snop;
	(pc) =	sbr.ind lr, $3  }
0x3a: {  	_ = 	snop  }
0x3b: {  	_ = 	snop  }
0x3c: {  	p2 =	seq.s32 s10, $0x1;
	s10 =	sld [smem:$0x3FAE]  }
0x3d: {  	_ =	shalt  }
0x3e: {  	_ =	shalt  }
0x3f: {  	_ =	shalt  }
0x40: {  	_ =	shalt  }
0x41: {  	_ =	shalt  }
0x42: {  	_ =	shalt  }
0x43: {  	_ =	shalt  }
0x44: {  	_ =	shalt  }
0x45: {  	_ =	shalt  }
0x46: {  	_ =	shalt  }
0x47: {  	_ =	shalt  }
0x48: {  	_ =	shalt  }
0x49: {  	_ =	shalt  }
0x4a: {  	_ =	shalt  }
0x4b: {  	_ =	shalt  }
0x4c: {  	_ =	shalt  }
0x4d: {  	_ =	shalt  }
0x4e: {  	_ =	shalt  }
0x4f: {  	_ =	shalt  }
0x50: {  	_ =	shalt  }
0x51: {  	_ =	shalt  }
0x52: {  	_ =	shalt  }
0x53: {  	_ =	shalt  }
0x54: {  	_ =	shalt  }
0x55: {  	_ =	shalt  }
0x56: {  	_ =	shalt  }
0x57: {  	_ =	shalt  }
0x58: {  	_ =	shalt  }
0x59: {  	_ =	shalt  }
0x5a: {  	_ =	shalt  }
0x5b: {  	_ =	shalt  }
0x5c: {  	_ =	shalt  }
0x5d: {  	_ =	shalt  }
0x5e: {  	_ =	shalt  }
0x5f: {  	_ =	shalt  }
0x60: {  	_ =	shalt  }
0x61: {  	_ =	shalt  }
0x62: {  	_ =	shalt  }
0x63: {  	_ =	shalt  }
0x64: {  	_ =	shalt  }
0x65: {  	_ =	shalt  }
0x66: {  	_ =	shalt  }
0x67: {  	_ =	shalt  }
0x68: {  	_ =	shalt  }
0x69: {  	_ =	shalt  }
0x6a: {  	_ =	shalt  }
0x6b: {  	_ =	shalt  }
0x6c: {  	_ =	shalt  }
0x6d: {  	_ =	shalt  }
0x6e: {  	_ =	shalt  }
0x6f: {  	_ =	shalt  }
0x70: {  	_ =	shalt  }
0x71: {  	_ =	shalt  }
0x72: {  	_ =	shalt  }
0x73: {  	_ =	shalt  }
0x74: {  	_ =	shalt  }
0x75: {  	_ =	shalt  }
0x76: {  	_ =	shalt  }
0x77: {  	_ =	shalt  }
0x78: {  	_ =	shalt  }
0x79: {  	_ =	shalt  }
0x7a: {  	_ =	shalt  }
0x7b: {  	_ =	shalt  }
0x7c: {  	_ =	shalt  }
0x7d: {  	_ =	shalt  }
0x7e: {  	_ =	shalt  }
0x7f: {  	_ =	shalt  }
0x80: {  	_ =	shalt  }
0x81: {  	_ =	shalt  }
0x82: {  	_ =	shalt  }
0x83: {  	_ =	shalt  }
0x84: {  	_ =	shalt  }
0x85: {  	_ =	shalt  }
0x86: {  	_ =	shalt  }
0x87: {  	_ =	shalt  }
.Lfunc_end0:
.L_simem_size_0:
called_computation.1_lowered:
.L_overlay_start_0:
0x88: {  	s2 =	sld [smem:$0x3FD9]  }
0x89: {  	s3 =	sld [smem:$0x3FFE];
	_ =	sdelay $0x1  }
0x8a: {  	s1 =	srdreg.scid  }
0x8b: {  	s0 =	sand.u32 $0x1, s1  }
0x8c: {  	s14 =	sshll.u32 s0, $0xA;
	s2 =	sadd.s32 s3, s2  }
0x8d: {  	s2 =	sadd.s32 s2, s14  }
0x8e: {  	[smem:$0x3FBA] =	sst s2  }
0x8f: {  	_ = 	snop  }
0x90: {  	s2 =	sld [smem:$0x3FD0];
	_ =	sdelay $0x2  }
0x91: {  	s15 =	simm.s32 $0xA;
	s4 =	simm.s32 $0x10  }
0x92: {  	[smem:s4], [sflag:s15] =	dma.local [hbm:s2], $0x1  }
0x93: {  	_ =	swait.eq [sflag:s15], $0x1  }
0x94: {  	[sflag:s15] =	ssyncset.done $0x0  }
0x95: {  	s16 =	sld [smem:$0x10];
	[sflag:s15] =	ssyncadd.s32 $0xFFFFFFFF  }
0x96: {  	s17 =	sld [smem:$0x11];
	(tm) =	ssettm $0x1  }
0x97: {  	s18 =	sld [smem:$0x3FFB];
	_ =	sdelay $0x3  }
0x98: {  	_ =	strace s18  }
0x99: {  	s4 =	sld [smem:$0x3FFC];
	_ =	sdelay $0x3  }
0x9a: {  	_ =	strace s4  }
0x9b: {  	s4 =	sld [smem:$0x3FFD];
	_ =	sdelay $0x3  }
0x9c: {  	_ =	strace s4  }
0x9d: {  	_ =	strace $0x8FFFFFFF  }
0x9e: {  	s19 =	sld [smem:$0x3FDB];
	_ =	sdelay $0x1  }
0x9f: {  	s5 =	simm.s32 $_scs_section_size  }
0xa0: {  	s6 =	simm.s32 $_size__tile_overlayer_lowered;
	s7 =	simm.s32 $_tile_overlayer_lowered  }
0xa1: {  	s22 =	simm.s32 $0x1BFF;
	s21 =	sshll.u32 s7, $0x1;
	s4 =	sadd.s32 s5, s19  }
0xa2: {  	s8 =	simm.s32 $0x0;
	s20 =	sshll.u32 s6, $0x1;
	s6 =	sadd.s32 s21, s4  }
0xa3: {  	[timem:s8], [sflag:s22] =	dma.local [hbm:s6], s20  }
0xa4: {  	_ =	swait.ge [sflag:s22], s20  }
0xa5: {  	s5 =	ssub.s32 $0x0, s20;
	[sflag:s22] =	ssyncset.done $0x0  }
0xa6: {  	[sflag:s22] =	ssyncadd.s32 s5;
	_ =	sdelay $0x1  }
0xa7: {  	s23 =	simm.s32 $0x1B8B  }
0xa8: {  	_ =	swait.ge [sflag:s23], $0x1  }
0xa9: {  	[sflag:s23] =	ssyncset.done $0x0  }
0xaa: {  	s25 =	simm.s32 $0x1B8E;
	s24 =	sld [smem:$0x3FFE];
	[sflag:s23] =	ssyncadd.s32 $0xFFFFFFFF  }
0xab: {  	s26 =	simm.s32 $execute0_lowered;
	[smem:$0x3FD2] =	sst s25  }
0xac: {  	s6 =	sshll.u32 s26, $0x1;
	_ =	strace $0x80000049;
	[dreg:$0x1] =	wrdreg $0xFFFFFFFF  }
0xad: {  	s28 =	simm.s32 $_size_execute0_lowered;
	s4 =	sadd.s32 s4, s6;
	[dreg:$0x0] =	wrdreg $0x0  }
0xae: {  	s6 =	sshll.u32 s28, $0x1;
	[dreg:$0x2] =	wrdreg s4  }
0xaf: {  	[dreg:$0x3] =	wrdreg s6  }
0xb0: {  	[dreg:$0x4] =	wrdreg $0xC0  }
0xb1: {  	_ =	task [dreg:s8], $0x5FFFF  }
0xb2: {  	[dreg:$0x1] =	wrdreg $0xFFFFFFFF  }
0xb3: {  	[dreg:$0x0] =	wrdreg $0x60  }
0xb4: {  	[dreg:$0x2] =	wrdreg s24  }
0xb5: {  	[dreg:$0x3] =	wrdreg s17  }
0xb6: {  	[dreg:$0x4] =	wrdreg s16  }
0xb7: {  	[dreg:$0x5] =	wrdreg $0xB8000  }
0xb8: {  	[dreg:$0x6] =	wrdreg $0x9  }
0xb9: {  	_ =	task.clear_ibuf [dreg:s8], $0x7FFFF;
	_ =	strace $0x90000049  }
0xba: {  	s29 =	simm.s32 $0x9;
	_ =	strace $0x8000004B  }
0xbb: {  	_ =	swait.ge [sflag:s29], $0x1  }
0xbc: {  	[sflag:s29] =	ssyncadd.s32 $0xFFFFFFFF  }
0xbd: {  	_ =	strace $0x9000004B  }
0xbe: {  	_ =	sfence  }
0xbf: {  	s30 =	sld [smem:$0x0];
	_ =	sdelay $0x2  }
0xc0: {  	s31 =	sshll.u32 s1, $0xD;
	s1 =	sshrl.u32 s1, $0x2  }
0xc1: {  	s3 =	sand.u32 $0x4000, s31;
	s1 =	sadd.s32 s1, s30  }
0xc2: {  	s0 =	sor.u32 s3, s0;
	s1 =	sshll.u32 s1, $0x11  }
0xc3: {  	s0 =	sor.u32 s1, s0  }
0xc4: {  	s0 =	sadd.s32 $0x8F2B, s0  }
0xc5: {  	[sflag:s0] =	ssyncadd.remote.s32 $0x1  }
0xc6: {  	_ =	sfence.sel $0xFFFF  }
0xc7: {  	[dreg:$0x0] =	wrdreg $0xFFFFFFFF;
	(pc) =	sbr.abs _section_cstart, $3  }
0xc8: {  	[dreg:$0x1] =	wrdreg $0xFFFFFFFF  }
0xc9: {  	_ =	task.clear_ibuf [dreg:s8], $0x2FFFF;
	_ =	strace $0x9FFFFFFF  }
0xca: {  	(tm) =	ssettm $0x7FFFFFFF  }
0xcb: {  	_ =	shalt  }
tec
execute0_lowered:
.L_overlay_start_1:
0x0: {  	(tag) =	ssettag $0x1  }
0x1: {  	s1 =	rddreg [dreg:$0x0]  }
0x2: {  	s4 =	rddreg [dreg:$0x1]  }
0x3: {  	s0 =	srdreg.scid;
	s2 =	rddreg [dreg:$0x2]  }
0x4: {  	s21 =	stileid.u32;
	s3 =	rddreg [dreg:$0x3];
	s8 =	simm.s32 $0x0  }
0x5: {  	s18 =	simm.s32 $0x4;
	s19 =	simm.s32 $0x3780;
	s20 =	simm.s32 $0x2780  }
0x6: {  	s28 =	simm.s32 $0x1;
	s29 =	simm.s32 $0xB780;
	s30 =	simm.s32 $0x2  }
0x7: {  	s31 =	simm.s32 $0x0;
	s7 =	sand.u32 $0x1, s0;
	s5 =	smul.u32 $0x278, s21  }
0x8: {  	[smem:$0x7FF] =	sst s8;
	s24 =	smul.u32 $0x9C, s21;
	s25 =	smin.u32 s21, $0x4  }
0x9: {  	s26 =	smul.u32 $0x4F000, s21;
	p0 =	slt.u32 s21, $0x4;
	s8 =	simm.s32 $0x9D  }
0xa: {  	s6 =	smul.u32 $0x2780, s7;
	_ =	strace $0x8000004A;
	s9 =	ssub.s32 $0x2, s7  }
0xb: {  	s7 =	smul.u32 $0x9D000, s7;
	s8 =	simm.s32 @!p0 $0x9C;
	s23 =	sshrl.u32 s9, $0x1  }
0xc: {  	s5 =	sadd.s32 s5, s6;
	s17 =	ssub.s32 s9, s23;
	s6 =	sshrl.u32 s6, $0x3  }
0xd: {  	s9 =	sshrl.u32 s26, $0x2;
	s26 =	simm.s32 $0x80;
	s4 =	sadd.s32 s4, s6  }
0xe: {  	v0 =	vlaneseq.u32;
	s22 =	sshll.u32 s5, $0x4;
	[dreg:$0x5] =	wrdreg s4;
	s4 =	sadd.s32 s25, s24  }
0xf: {  	v8 =	vmul.u32 $0x80, v0;
	s5 =	sadd.s32 $0x2E00, s1;
	s9 =	sadd.s32 s9, s3;
	s10 =	sshll.u32 s4, $0x8  }
0x10: {  	vm0 =	vcmask $0x300;
	v0 =	vimm.f32 $0.0e+00;
	s17 =	smax.u32 s17, $0x1;
	s1 =	sadd.s32 s22, s1;
	s12 =	sadd.s32 s7, s10  }
0x11: {  	v9 =	vsel vm0, $0x3F800000, v0;
	v1 =	vor.u32 $0x7F, v8;
	v2 =	vor.u32 $0x87F, v8;
	s11 =	sadd.s32 $0x8000, s9;
	s13 =	sadd.s32 $0x10000, s9;
	s14 =	sshrl.u32 s12, $0x3  }
0x12: {  	v3 =	vor.u32 $0x107F, v8;
	v4 =	vor.u32 $0x187F, v8;
	v5 =	vor.u32 $0x207F, v8;
	s15 =	sadd.s32 $0x8, s4;
	s16 =	sadd.s32 $0x51E00, s1;
	s14 =	sadd.s32 s2, s14  }
0x13: {  	v6 =	vor.u32 $0x287F, v8;
	v7 =	vor.u32 $0x307F, v8;
	v8 =	vor.u32 $0x387F, v8;
	s10 =	sadd.s32 $0x4000, s9;
	s12 =	sadd.s32 $0xC000, s9;
	s21 =	sadd.s32 $0x10, s14  }
.LBB2_1:
0x14: {  	s0 =	simm.s32 $0x0;
	s1 =	rddreg [dreg:$0x5]  }
0x15: {  	[tilespmem:s0], [sflag:$0x4] =	stream.linear.gather [hbm4b:s1+s0], $0x2780, $0x38;
	[tilespmem:$0x1F400] =	vst v63  }
0x16: {  	_ =	swait.ge [sflag:s18], $0x2780  }
0x17: {  	[sflag:s18] =	ssyncset.done $0x0  }
0x18: {  	s4 =	simm.s32 $0x200;
	s1 =	simm.s32 $0x0;
	[sflag:s18] =	ssyncadd.s32 $0xFFFFD880  }
.LBB2_2:
0x19: {  	p0 =	sne.s32 s4, $0xFE00;
	[tilespmem:s1+$0x37F0] =	vst v0  }
0x1a: {  	[tilespmem:s1+$0x3780] =	vst v0  }
0x1b: {  	[tilespmem:s1+$0x3790] =	vst v0  }
.Ltmp0:
0x1c: {  	[tilespmem:s1+$0x37A0] =	vst v0;
	(pc) =	sbr.rel @p0 .LBB2_2-.Ltmp0, $4  }
0x1d: {  	[tilespmem:s1+$0x37B0] =	vst v0  }
0x1e: {  	[tilespmem:s1+$0x37C0] =	vst v0  }
0x1f: {  	[tilespmem:s1+$0x37D0] =	vst v0  }
0x20: {  	[tilespmem:s1+$0x37E0] =	vst v0;
	s1 =	sshra.s32 s4, $0x2;
	s4 =	sadd.s32 $0x200, s4  }
0x21: {  	[tilespmem:s1+$0x37F0] =	vst v0  }
0x22: {  	[tilespmem:s1+$0x3780] =	vst v0  }
0x23: {  	[tilespmem:s1+$0x3790] =	vst v0  }
0x24: {  	[tilespmem:s1+$0x37A0] =	vst v0  }
0x25: {  	[tilespmem:s1+$0x37B0] =	vst v0  }
0x26: {  	[tilespmem:s1+$0x37C0] =	vst v0  }
0x27: {  	[tilespmem:s1+$0x37D0] =	vst v0  }
0x28: {  	[tilespmem:s1+$0x37E0] =	vst v0  }
0x29: {  	[spmem:s9] =	stream.linear.scatter [tilespmem:s19], [sflag:$0x4], $0x4000, $0x38;
	[tilespmem:$0x1F400] =	vst v63  }
0x2a: {  	_ =	swait.ge [sflag:s18], $0x4000  }
0x2b: {  	[sflag:s18] =	ssyncset.done $0x0  }
0x2c: {  	[sflag:s18] =	ssyncadd.s32 $0xFFFFC000  }
0x2d: {  	[spmem:s10] =	stream.linear.scatter [tilespmem:s19], [sflag:$0x4], $0x4000, $0x38;
	[tilespmem:$0x1F400] =	vst v63  }
0x2e: {  	_ =	swait.ge [sflag:s18], $0x4000  }
0x2f: {  	[sflag:s18] =	ssyncset.done $0x0  }
0x30: {  	[sflag:s18] =	ssyncadd.s32 $0xFFFFC000  }
0x31: {  	[spmem:s11] =	stream.linear.scatter [tilespmem:s19], [sflag:$0x4], $0x4000, $0x38;
	[tilespmem:$0x1F400] =	vst v63  }
0x32: {  	_ =	swait.ge [sflag:s18], $0x4000  }
0x33: {  	[sflag:s18] =	ssyncset.done $0x0  }
0x34: {  	[sflag:s18] =	ssyncadd.s32 $0xFFFFC000  }
0x35: {  	[spmem:s12] =	stream.linear.scatter [tilespmem:s19], [sflag:$0x4], $0x4000, $0x38;
	[tilespmem:$0x1F400] =	vst v63  }
0x36: {  	_ =	swait.ge [sflag:s18], $0x4000  }
0x37: {  	[sflag:s18] =	ssyncset.done $0x0  }
0x38: {  	[sflag:s18] =	ssyncadd.s32 $0xFFFFC000  }
0x39: {  	[spmem:s13] =	stream.linear.scatter [tilespmem:s19], [sflag:$0x4], $0x3C00, $0x38;
	[tilespmem:$0x1F400] =	vst v63  }
0x3a: {  	_ =	swait.ge [sflag:s18], $0x3C00  }
0x3b: {  	[sflag:s18] =	ssyncset.done $0x0  }
0x3c: {  	[sflag:s18] =	ssyncadd.s32 $0xFFFFC400  }
0x3d: {  	s1 =	simm.s32 $0x0;
	[bflag:$0x0] =	sbarrier.arrive $0xFFFF  }
0x3e: {  	[tilespmem:s20], [sflag:$0x4] =	stream.linear.gather [hbm4b:s14+s1], $0x80, $0x38;
	[tilespmem:$0x1F400] =	vst v63  }
0x3f: {  	s0 =	simm.s32 $0x2880  }
0x40: {  	[tilespmem:s0], [sflag:$0x4] =	stream.linear.gather [hbm4b:s21+s1], $0x80, $0x38;
	[tilespmem:$0x1F400] =	vst v63  }
0x41: {  	s4 =	sadd.s32 $0x20, s14;
	s23 =	simm.s32 $0x2980  }
0x42: {  	[tilespmem:s23], [sflag:$0x4] =	stream.linear.gather [hbm4b:s4+s1], $0x80, $0x38;
	[tilespmem:$0x1F400] =	vst v63  }
0x43: {  	s24 =	sadd.s32 $0x30, s14;
	s25 =	simm.s32 $0x2A80  }
0x44: {  	[tilespmem:s25], [sflag:$0x4] =	stream.linear.gather [hbm4b:s24+s1], $0x80, $0x38;
	[tilespmem:$0x1F400] =	vst v63  }
0x45: {  	s6 =	simm.s32 $0x2B80;
	s0 =	sadd.s32 $0x40, s14  }
0x46: {  	[tilespmem:s6], [sflag:$0x4] =	stream.linear.gather [hbm4b:s0+s1], $0x80, $0x38;
	[tilespmem:$0x1F400] =	vst v63  }
0x47: {  	s22 =	sadd.s32 $0x50, s14;
	s23 =	simm.s32 $0x2C80  }
0x48: {  	[tilespmem:s23], [sflag:$0x4] =	stream.linear.gather [hbm4b:s22+s1], $0x80, $0x38;
	[tilespmem:$0x1F400] =	vst v63  }
0x49: {  	s24 =	sadd.s32 $0x60, s14;
	s25 =	simm.s32 $0x2D80  }
0x4a: {  	[tilespmem:s25], [sflag:$0x4] =	stream.linear.gather [hbm4b:s24+s1], $0x80, $0x38;
	[tilespmem:$0x1F400] =	vst v63  }
0x4b: {  	s0 =	sadd.s32 $0x70, s14;
	s6 =	simm.s32 $0x2E80  }
0x4c: {  	[tilespmem:s6], [sflag:$0x4] =	stream.linear.gather [hbm4b:s0+s1], $0x80, $0x38;
	[tilespmem:$0x1F400] =	vst v63  }
0x4d: {  	s22 =	sadd.s32 $0x80, s14;
	s23 =	simm.s32 $0x2F80  }
0x4e: {  	[tilespmem:s23], [sflag:$0x4] =	stream.linear.gather [hbm4b:s22+s1], $0x80, $0x38;
	[tilespmem:$0x1F400] =	vst v63  }
0x4f: {  	s24 =	sadd.s32 $0x90, s14;
	s25 =	simm.s32 $0x3080  }
0x50: {  	[tilespmem:s25], [sflag:$0x4] =	stream.linear.gather [hbm4b:s24+s1], $0x80, $0x38;
	[tilespmem:$0x1F400] =	vst v63  }
0x51: {  	s0 =	sadd.s32 $0xA0, s14;
	s6 =	simm.s32 $0x3180  }
0x52: {  	[tilespmem:s6], [sflag:$0x4] =	stream.linear.gather [hbm4b:s0+s1], $0x80, $0x38;
	[tilespmem:$0x1F400] =	vst v63  }
0x53: {  	s22 =	sadd.s32 $0xB0, s14;
	s23 =	simm.s32 $0x3280  }
0x54: {  	[tilespmem:s23], [sflag:$0x4] =	stream.linear.gather [hbm4b:s22+s1], $0x80, $0x38;
	[tilespmem:$0x1F400] =	vst v63  }
0x55: {  	s24 =	sadd.s32 $0xC0, s14;
	s25 =	simm.s32 $0x3380  }
0x56: {  	[tilespmem:s25], [sflag:$0x4] =	stream.linear.gather [hbm4b:s24+s1], $0x80, $0x38;
	[tilespmem:$0x1F400] =	vst v63  }
0x57: {  	s0 =	sadd.s32 $0xD0, s14;
	s6 =	simm.s32 $0x3480  }
0x58: {  	[tilespmem:s6], [sflag:$0x4] =	stream.linear.gather [hbm4b:s0+s1], $0x80, $0x38;
	[tilespmem:$0x1F400] =	vst v63  }
0x59: {  	s22 =	sadd.s32 $0xE0, s14;
	s23 =	simm.s32 $0x3580  }
0x5a: {  	[tilespmem:s23], [sflag:$0x4] =	stream.linear.gather [hbm4b:s22+s1], $0x80, $0x38;
	[tilespmem:$0x1F400] =	vst v63  }
0x5b: {  	s24 =	sadd.s32 $0xF0, s14;
	s25 =	simm.s32 $0x3680  }
0x5c: {  	[tilespmem:s25], [sflag:$0x4] =	stream.linear.gather [hbm4b:s24+s1], $0x80, $0x38;
	[tilespmem:$0x1F400] =	vst v63  }
0x5d: {  	_ =	swait.ge [sflag:s18], $0x800  }
0x5e: {  	[sflag:s18] =	ssyncset.done $0x0  }
0x5f: {  	p0 =	por $0x0, $0x0;
	[sflag:s18] =	ssyncadd.s32 $0xFFFFF800  }
0x60: {  	[tilespmem:s19], [sflag:$0x1] =	stream.indirect.gather [hbm4b:s5+s26], $0x80, s20, s26, $0xb8;
	[tilespmem:$0x1F400] =	vst v63  }
.LBB2_4:
0x61: {  	p1 =	seq.s32 s1, $0x0  }
.Ltmp1:
0x62: {  	_ = 	snop;
	(pc) =	sbr.rel @p1 .LBB2_6-.Ltmp1, $3  }
0x63: {  	_ =	sdelay $0x1  }
0x64: {  	s4 =	sshrl.u32 s1, $0x3  }
0x65: {  	s22 =	sand.u32 $0x7, s1;
	s4 =	sand.u32 $0x1, s4  }
0x66: {  	p1 =	sgt.u32 s1, $0x97  }
0x67: {  	p2 =	sne.s32 @!p1 s22, $0x2  }
0x68: {  	p1 =	por p2, p1  }
0x69: {  	s23 =	sand.u32 @!p1 $0xF8, s1  }
0x6a: {  	s23 =	sadd.s32 @!p1 s23, s15  }
0x6b: {  	_ =	swait.ge [sflag:s30], $0x4000;
	s23 =	sshll.u32 @!p1 s23, $0x8  }
0x6c: {  	[sflag:s30] =	ssyncset.done $0x0;
	s24 =	sshll.u32 @!p1 s4, $0x7;
	s23 =	sadd.s32 @!p1 s7, s23  }
0x6d: {  	[sflag:s30] =	ssyncadd.s32 $0xFFFFC000;
	s24 =	sxor.u32 @!p1 $0x80, s24;
	s23 =	sshrl.u32 @!p1 s23, $0x3  }
0x6e: {  	s0 =	simm.s32 @!p1 $0x0;
	s25 =	sadd.s32 @!p1 $0x2780, s24;
	s23 =	sadd.s32 @!p1 s2, s23  }
0x6f: {  	[tilespmem:s25], [sflag:$0x3] =	stream.linear.gather @!p1 [hbm4b:s23+s0], $0x80, $0x38;
	[tilespmem:$0x1F400] =	vst v63  }
0x70: {  	s6 =	sadd.s32 @!p1 $0x2880, s24;
	s25 =	sadd.s32 @!p1 $0x10, s23  }
0x71: {  	[tilespmem:s6], [sflag:$0x3] =	stream.linear.gather @!p1 [hbm4b:s25+s0], $0x80, $0x38;
	[tilespmem:$0x1F400] =	vst v63  }
0x72: {  	s6 =	sadd.s32 @!p1 $0x20, s23;
	s25 =	sadd.s32 @!p1 $0x2980, s24  }
0x73: {  	[tilespmem:s25], [sflag:$0x3] =	stream.linear.gather @!p1 [hbm4b:s6+s0], $0x80, $0x38;
	[tilespmem:$0x1F400] =	vst v63  }
0x74: {  	s6 =	sadd.s32 @!p1 $0x30, s23;
	s25 =	sadd.s32 @!p1 $0x2A80, s24  }
0x75: {  	[tilespmem:s25], [sflag:$0x3] =	stream.linear.gather @!p1 [hbm4b:s6+s0], $0x80, $0x38;
	[tilespmem:$0x1F400] =	vst v63  }
0x76: {  	s6 =	sadd.s32 @!p1 $0x40, s23;
	s25 =	sadd.s32 @!p1 $0x2B80, s24  }
0x77: {  	[tilespmem:s25], [sflag:$0x3] =	stream.linear.gather @!p1 [hbm4b:s6+s0], $0x80, $0x38;
	[tilespmem:$0x1F400] =	vst v63  }
0x78: {  	s6 =	sadd.s32 @!p1 $0x50, s23;
	s25 =	sadd.s32 @!p1 $0x2C80, s24  }
0x79: {  	[tilespmem:s25], [sflag:$0x3] =	stream.linear.gather @!p1 [hbm4b:s6+s0], $0x80, $0x38;
	[tilespmem:$0x1F400] =	vst v63  }
0x7a: {  	s6 =	sadd.s32 @!p1 $0x60, s23;
	s25 =	sadd.s32 @!p1 $0x2D80, s24  }
0x7b: {  	[tilespmem:s25], [sflag:$0x3] =	stream.linear.gather @!p1 [hbm4b:s6+s0], $0x80, $0x38;
	[tilespmem:$0x1F400] =	vst v63  }
0x7c: {  	s6 =	sadd.s32 @!p1 $0x70, s23;
	s25 =	sadd.s32 @!p1 $0x2E80, s24  }
0x7d: {  	[tilespmem:s25], [sflag:$0x3] =	stream.linear.gather @!p1 [hbm4b:s6+s0], $0x80, $0x38;
	[tilespmem:$0x1F400] =	vst v63  }
0x7e: {  	s6 =	sadd.s32 @!p1 $0x80, s23;
	s25 =	sadd.s32 @!p1 $0x2F80, s24  }
0x7f: {  	[tilespmem:s25], [sflag:$0x3] =	stream.linear.gather @!p1 [hbm4b:s6+s0], $0x80, $0x38;
	[tilespmem:$0x1F400] =	vst v63  }
0x80: {  	s6 =	sadd.s32 @!p1 $0x90, s23;
	s25 =	sadd.s32 @!p1 $0x3080, s24  }
0x81: {  	[tilespmem:s25], [sflag:$0x3] =	stream.linear.gather @!p1 [hbm4b:s6+s0], $0x80, $0x38;
	[tilespmem:$0x1F400] =	vst v63  }
0x82: {  	s6 =	sadd.s32 @!p1 $0xA0, s23;
	s25 =	sadd.s32 @!p1 $0x3180, s24  }
0x83: {  	[tilespmem:s25], [sflag:$0x3] =	stream.linear.gather @!p1 [hbm4b:s6+s0], $0x80, $0x38;
	[tilespmem:$0x1F400] =	vst v63  }
0x84: {  	s6 =	sadd.s32 @!p1 $0xB0, s23;
	s25 =	sadd.s32 @!p1 $0x3280, s24  }
0x85: {  	[tilespmem:s25], [sflag:$0x3] =	stream.linear.gather @!p1 [hbm4b:s6+s0], $0x80, $0x38;
	[tilespmem:$0x1F400] =	vst v63  }
0x86: {  	s6 =	sadd.s32 @!p1 $0xC0, s23;
	s25 =	sadd.s32 @!p1 $0x3380, s24  }
0x87: {  	[tilespmem:s25], [sflag:$0x3] =	stream.linear.gather @!p1 [hbm4b:s6+s0], $0x80, $0x38;
	[tilespmem:$0x1F400] =	vst v63  }
0x88: {  	s6 =	sadd.s32 @!p1 $0xD0, s23;
	s25 =	sadd.s32 @!p1 $0x3480, s24  }
0x89: {  	[tilespmem:s25], [sflag:$0x3] =	stream.linear.gather @!p1 [hbm4b:s6+s0], $0x80, $0x38;
	[tilespmem:$0x1F400] =	vst v63  }
0x8a: {  	s6 =	sadd.s32 @!p1 $0xE0, s23;
	s25 =	sadd.s32 @!p1 $0x3580, s24  }
0x8b: {  	[tilespmem:s25], [sflag:$0x3] =	stream.linear.gather @!p1 [hbm4b:s6+s0], $0x80, $0x38;
	[tilespmem:$0x1F400] =	vst v63  }
0x8c: {  	s6 =	sadd.s32 @!p1 $0xF0, s23;
	s23 =	sadd.s32 @!p1 $0x3680, s24  }
0x8d: {  	[tilespmem:s23], [sflag:$0x3] =	stream.linear.gather @!p1 [hbm4b:s6+s0], $0x80, $0x38;
	[tilespmem:$0x1F400] =	vst v63  }
.LBB2_6:
0x8e: {  	s0 =	sand.u32 $0x1, s1;
	s1 =	sadd.s32 $0x1, s1  }
0x8f: {  	s6 =	sshll.u32 s1, $0x8  }
0x90: {  	_ =	swait.ge [sflag:s28], $0x4000;
	p1 =	sge.u32 s1, s8;
	s6 =	sand.u32 $0x700, s6  }
0x91: {  	[sflag:s28] =	ssyncset.done $0x0;
	p2 =	sne.s32 @!p1 s6, $0x0  }
0x92: {  	s4 =	sshll.u32 s4, $0x7;
	[sflag:s28] =	ssyncadd.s32 $0xFFFFC000;
	p2 =	por p2, p1  }
0x93: {  	s24 =	sshll.u32 @!p1 s1, $0x4;
	s25 =	sshll.u32 @!p1 s0, $0xE;
	s23 =	simm.s32 @!p2 $0x3  }
0x94: {  	s24 =	sand.u32 @!p1 $0x80, s24;
	s6 =	sshll.u32 @!p1 s6, $0x1;
	_ =	swait.ge @!p2 [sflag:s23], $0x800  }
0x95: {  	s6 =	sadd.s32 @!p1 s24, s6;
	s24 =	simm.s32 @!p1 $0x80;
	[sflag:s23] =	ssyncset.done @!p2 $0x0  }
0x96: {  	[sflag:s23] =	ssyncadd.s32 @!p2 $0xFFFFF800;
	s23 =	sxor.u32 @!p1 $0x4000, s25;
	s25 =	sshll.u32 s22, $0x9  }
0x97: {  	s6 =	sadd.s32 @!p1 $0x2780, s6;
	s23 =	sor.u32 @!p1 $0x3780, s23;
	s4 =	sor.u32 s4, s25  }
0x98: {  	[tilespmem:s23], [sflag:$0x1] =	stream.indirect.gather @!p1 [hbm4b:s5+s24], $0x80, s6, s24, $0xb8;
	[tilespmem:$0x1F400] =	vst v63  }
0x99: {  	v10 =	vld [tilespmem:s4+$0x2880]  }
0x9a: {  	s6 =	sshll.u32 s0, $0xE  }
0x9b: {  	v11 =	vor.u32 s6, v1;
	_ =	sdelay $0x4  }
0x9c: {  	s24 =	simm.s32 $0x0;
	v11 =	vld.idx.msk [tilespmem:v11+s19+$0x0], $0xffff  }
0x9d: {  	v10 =	vld.idx.msk [tilespmem:v10+s24+$0x0], $0xffff;
	_ =	sdelay $0x4  }
0x9e: {  	v10 =	vadd.f32 v10, v11;
	_ =	sdelay $0x1  }
0x9f: {  	v10 =	vsub.f32 $0.0e+00, v10;
	_ =	sdelay $0x1  }
0xa0: {  	v10 =	vmul.f32 $1.442695020e+00, v10;
	_ =	sdelay $0x1  }
0xa1: {  	(erf) = vpow2.f32 v10;
	_ =	sdelay $0x8  }
0xa2: {  	v10 =	vpop (erf)  }
0xa3: {  	v10 =	vadd.f32 $1.000000000e+00, v10;
	_ =	sdelay $0x1  }
0xa4: {  	(erf) = vrcp.f32 v10;
	_ =	sdelay $0x8  }
0xa5: {  	v10 =	vpop (erf)  }
0xa6: {  	v10 =	vmul.f32 $1.442695020e+00, v10;
	_ =	sdelay $0x1  }
0xa7: {  	(erf) = vpow2.f32 v10;
	_ =	sdelay $0x8  }
0xa8: {  	v10 =	vpop (erf)  }
0xa9: {  	[tilespmem:$0xB780] =	vst v10  }
0xaa: {  	v10 =	vld [tilespmem:s4+$0x2890];
	_ =	sdelay $0x1  }
0xab: {  	v11 =	vor.u32 s6, v2;
	_ =	sdelay $0x4  }
0xac: {  	v11 =	vld.idx.msk [tilespmem:v11+s19+$0x0], $0xffff  }
0xad: {  	v10 =	vld.idx.msk [tilespmem:v10+s24+$0x0], $0xffff;
	_ =	sdelay $0x4  }
0xae: {  	v10 =	vadd.f32 v10, v11;
	_ =	sdelay $0x1  }
0xaf: {  	v10 =	vsub.f32 $0.0e+00, v10;
	_ =	sdelay $0x1  }
0xb0: {  	v10 =	vmul.f32 $1.442695020e+00, v10;
	_ =	sdelay $0x1  }
0xb1: {  	(erf) = vpow2.f32 v10;
	_ =	sdelay $0x8  }
0xb2: {  	v10 =	vpop (erf)  }
0xb3: {  	v10 =	vadd.f32 $1.000000000e+00, v10;
	_ =	sdelay $0x1  }
0xb4: {  	(erf) = vrcp.f32 v10;
	_ =	sdelay $0x8  }
0xb5: {  	v10 =	vpop (erf)  }
0xb6: {  	v10 =	vmul.f32 $1.442695020e+00, v10;
	_ =	sdelay $0x1  }
0xb7: {  	(erf) = vpow2.f32 v10;
	_ =	sdelay $0x8  }
0xb8: {  	v10 =	vpop (erf)  }
0xb9: {  	[tilespmem:$0xB790] =	vst v10  }
0xba: {  	v10 =	vld [tilespmem:s4+$0x28A0];
	_ =	sdelay $0x1  }
0xbb: {  	v11 =	vor.u32 s6, v3;
	_ =	sdelay $0x4  }
0xbc: {  	v11 =	vld.idx.msk [tilespmem:v11+s19+$0x0], $0xffff  }
0xbd: {  	v10 =	vld.idx.msk [tilespmem:v10+s24+$0x0], $0xffff;
	_ =	sdelay $0x4  }
0xbe: {  	v10 =	vadd.f32 v10, v11;
	_ =	sdelay $0x1  }
0xbf: {  	v10 =	vsub.f32 $0.0e+00, v10;
	_ =	sdelay $0x1  }
0xc0: {  	v10 =	vmul.f32 $1.442695020e+00, v10;
	_ =	sdelay $0x1  }
0xc1: {  	(erf) = vpow2.f32 v10;
	_ =	sdelay $0x8  }
0xc2: {  	v10 =	vpop (erf)  }
0xc3: {  	v10 =	vadd.f32 $1.000000000e+00, v10;
	_ =	sdelay $0x1  }
0xc4: {  	(erf) = vrcp.f32 v10;
	_ =	sdelay $0x8  }
0xc5: {  	v10 =	vpop (erf)  }
0xc6: {  	v10 =	vmul.f32 $1.442695020e+00, v10;
	_ =	sdelay $0x1  }
0xc7: {  	(erf) = vpow2.f32 v10;
	_ =	sdelay $0x8  }
0xc8: {  	v10 =	vpop (erf)  }
0xc9: {  	[tilespmem:$0xB7A0] =	vst v10  }
0xca: {  	v10 =	vld [tilespmem:s4+$0x28B0];
	_ =	sdelay $0x1  }
0xcb: {  	v11 =	vor.u32 s6, v4;
	_ =	sdelay $0x4  }
0xcc: {  	v11 =	vld.idx.msk [tilespmem:v11+s19+$0x0], $0xffff  }
0xcd: {  	v10 =	vld.idx.msk [tilespmem:v10+s24+$0x0], $0xffff;
	_ =	sdelay $0x4  }
0xce: {  	v10 =	vadd.f32 v10, v11;
	_ =	sdelay $0x1  }
0xcf: {  	v10 =	vsub.f32 $0.0e+00, v10;
	_ =	sdelay $0x1  }
0xd0: {  	v10 =	vmul.f32 $1.442695020e+00, v10;
	_ =	sdelay $0x1  }
0xd1: {  	(erf) = vpow2.f32 v10;
	_ =	sdelay $0x8  }
0xd2: {  	v10 =	vpop (erf)  }
0xd3: {  	v10 =	vadd.f32 $1.000000000e+00, v10;
	_ =	sdelay $0x1  }
0xd4: {  	(erf) = vrcp.f32 v10;
	_ =	sdelay $0x8  }
0xd5: {  	v10 =	vpop (erf)  }
0xd6: {  	v10 =	vmul.f32 $1.442695020e+00, v10;
	_ =	sdelay $0x1  }
0xd7: {  	(erf) = vpow2.f32 v10;
	_ =	sdelay $0x8  }
0xd8: {  	v10 =	vpop (erf)  }
0xd9: {  	[tilespmem:$0xB7B0] =	vst v10  }
0xda: {  	v10 =	vld [tilespmem:s4+$0x28C0];
	_ =	sdelay $0x1  }
0xdb: {  	v11 =	vor.u32 s6, v5;
	_ =	sdelay $0x4  }
0xdc: {  	v11 =	vld.idx.msk [tilespmem:v11+s19+$0x0], $0xffff  }
0xdd: {  	v10 =	vld.idx.msk [tilespmem:v10+s24+$0x0], $0xffff;
	_ =	sdelay $0x4  }
0xde: {  	v10 =	vadd.f32 v10, v11;
	_ =	sdelay $0x1  }
0xdf: {  	v10 =	vsub.f32 $0.0e+00, v10;
	_ =	sdelay $0x1  }
0xe0: {  	v10 =	vmul.f32 $1.442695020e+00, v10;
	_ =	sdelay $0x1  }
0xe1: {  	(erf) = vpow2.f32 v10;
	_ =	sdelay $0x8  }
0xe2: {  	v10 =	vpop (erf)  }
0xe3: {  	v10 =	vadd.f32 $1.000000000e+00, v10;
	_ =	sdelay $0x1  }
0xe4: {  	(erf) = vrcp.f32 v10;
	_ =	sdelay $0x8  }
0xe5: {  	v10 =	vpop (erf)  }
0xe6: {  	v10 =	vmul.f32 $1.442695020e+00, v10;
	_ =	sdelay $0x1  }
0xe7: {  	(erf) = vpow2.f32 v10;
	_ =	sdelay $0x8  }
0xe8: {  	v10 =	vpop (erf)  }
0xe9: {  	[tilespmem:$0xB7C0] =	vst v10  }
0xea: {  	v10 =	vld [tilespmem:s4+$0x28D0];
	_ =	sdelay $0x1  }
0xeb: {  	v11 =	vor.u32 s6, v6;
	_ =	sdelay $0x4  }
0xec: {  	v11 =	vld.idx.msk [tilespmem:v11+s19+$0x0], $0xffff  }
0xed: {  	v10 =	vld.idx.msk [tilespmem:v10+s24+$0x0], $0xffff;
	_ =	sdelay $0x4  }
0xee: {  	v10 =	vadd.f32 v10, v11;
	_ =	sdelay $0x1  }
0xef: {  	v10 =	vsub.f32 $0.0e+00, v10;
	_ =	sdelay $0x1  }
0xf0: {  	v10 =	vmul.f32 $1.442695020e+00, v10;
	_ =	sdelay $0x1  }
0xf1: {  	(erf) = vpow2.f32 v10;
	_ =	sdelay $0x8  }
0xf2: {  	v10 =	vpop (erf)  }
0xf3: {  	v10 =	vadd.f32 $1.000000000e+00, v10;
	_ =	sdelay $0x1  }
0xf4: {  	(erf) = vrcp.f32 v10;
	_ =	sdelay $0x8  }
0xf5: {  	v10 =	vpop (erf)  }
0xf6: {  	v10 =	vmul.f32 $1.442695020e+00, v10;
	_ =	sdelay $0x1  }
0xf7: {  	(erf) = vpow2.f32 v10;
	_ =	sdelay $0x8  }
0xf8: {  	v10 =	vpop (erf)  }
0xf9: {  	[tilespmem:$0xB7D0] =	vst v10  }
0xfa: {  	v10 =	vld [tilespmem:s4+$0x28E0];
	_ =	sdelay $0x1  }
0xfb: {  	v11 =	vor.u32 s6, v7;
	_ =	sdelay $0x4  }
0xfc: {  	v11 =	vld.idx.msk [tilespmem:v11+s19+$0x0], $0xffff  }
0xfd: {  	v10 =	vld.idx.msk [tilespmem:v10+s24+$0x0], $0xffff;
	_ =	sdelay $0x4  }
0xfe: {  	v10 =	vadd.f32 v10, v11;
	_ =	sdelay $0x1  }
0xff: {  	v10 =	vsub.f32 $0.0e+00, v10;
	_ =	sdelay $0x1  }
0x100: {  	v10 =	vmul.f32 $1.442695020e+00, v10;
	_ =	sdelay $0x1  }
0x101: {  	(erf) = vpow2.f32 v10;
	_ =	sdelay $0x8  }
0x102: {  	v10 =	vpop (erf)  }
0x103: {  	v10 =	vadd.f32 $1.000000000e+00, v10;
	_ =	sdelay $0x1  }
0x104: {  	(erf) = vrcp.f32 v10;
	_ =	sdelay $0x8  }
0x105: {  	v10 =	vpop (erf)  }
0x106: {  	v10 =	vmul.f32 $1.442695020e+00, v10;
	_ =	sdelay $0x1  }
0x107: {  	(erf) = vpow2.f32 v10;
	_ =	sdelay $0x8  }
0x108: {  	v10 =	vpop (erf)  }
0x109: {  	[tilespmem:$0xB7E0] =	vst v10  }
0x10a: {  	v10 =	vld [tilespmem:s4+$0x28F0];
	_ =	sdelay $0x1  }
0x10b: {  	v11 =	vor.u32 s6, v8;
	_ =	sdelay $0x4  }
0x10c: {  	v11 =	vld.idx.msk [tilespmem:v11+s19+$0x0], $0xffff  }
0x10d: {  	v10 =	vld.idx.msk [tilespmem:v10+s24+$0x0], $0xffff;
	_ =	sdelay $0x4  }
0x10e: {  	v10 =	vadd.f32 v10, v11;
	_ =	sdelay $0x1  }
0x10f: {  	v10 =	vsub.f32 $0.0e+00, v10;
	_ =	sdelay $0x1  }
0x110: {  	v10 =	vmul.f32 $1.442695020e+00, v10;
	_ =	sdelay $0x1  }
0x111: {  	(erf) = vpow2.f32 v10;
	_ =	sdelay $0x8  }
0x112: {  	v10 =	vpop (erf)  }
0x113: {  	v10 =	vadd.f32 $1.000000000e+00, v10;
	_ =	sdelay $0x1  }
0x114: {  	(erf) = vrcp.f32 v10;
	_ =	sdelay $0x8  }
0x115: {  	v10 =	vpop (erf)  }
0x116: {  	v10 =	vmul.f32 $1.442695020e+00, v10;
	_ =	sdelay $0x1  }
0x117: {  	(erf) = vpow2.f32 v10;
	_ =	sdelay $0x6  }
0x118: {  	s0 =	simm.s32 $0x1;
	v10 =	vmov s24  }
0x119: {  	s0 =	simm.s32 @!p0 $0x0  }
0x11a: {  	s0 =	sshll.u32 s0, $0xE;
	v11 =	vpop (erf)  }
0x11b: {  	s23 =	sor.u32 $0x3790, s0;
	[tilespmem:$0xB7F0] =	vst v11  }
0x11c: {  	v12 =	vld [tilespmem:s23+$0xFFFFFFF0]  }
0x11d: {  	v11 =	vld.idx.msk [tilespmem:v10+s29+$0x0], $0xffff  }
0x11e: {  	v14 =	vld [tilespmem:s23+$0x0];
	_ =	sdelay $0x3  }
0x11f: {  	s25 =	simm.s32 $0x1;
	s22 =	sor.u32 $0x3780, s6  }
0x120: {  	s4 =	sadd.s32 $0x2880, s4;
	s24 =	smov.u32 s23;
	v10 =	vmov s25;
	s25 =	simm.s32 $0x2;
	v13 =	vmul.f32 v12, v11;
	v12 =	vmul.f32 v14, v11  }
.LBB2_7:
0x121: {  	p1 =	sne.s32 s25, $0x7F;
	v11 =	vmul.f32 v9, v11  }
0x122: {  	[tilespmem:s23+$0xFFFFFFF0] =	vst v13  }
0x123: {  	s23 =	sadd.s32 $0x80, s23;
	[tilespmem:s24+$0x0] =	vst v12  }
0x124: {  	v12 =	vld [tilespmem:s23+$0xFFFFFFF0];
	[tilespmem:s24+$0x10] =	vst v11;
	s24 =	smov.u32 s23  }
0x125: {  	v11 =	vld.idx.msk [tilespmem:v10+s29+$0x0], $0xffff  }
0x126: {  	v14 =	vld [tilespmem:s23+$0x0]  }
.Ltmp2:
0x127: {  	(pc) =	sbr.rel @p1 .LBB2_7-.Ltmp2, $2  }
0x128: {  	_ =	sdelay $0x2  }
0x129: {  	v10 =	vmov s25;
	s25 =	sadd.s32 $0x1, s25;
	v13 =	vmul.f32 v12, v11;
	v12 =	vmul.f32 v14, v11  }
0x12a: {  	_ = 	snop  }
0x12b: {  	v11 =	vmul.f32 v9, v11;
	[tilespmem:s23+$0xFFFFFFF0] =	vst v13  }
0x12c: {  	s0 =	sadd.s32 $0x80, s23;
	[tilespmem:s24+$0x0] =	vst v12  }
0x12d: {  	v12 =	vld [tilespmem:s0+$0xFFFFFFF0];
	[tilespmem:s24+$0x10] =	vst v11  }
0x12e: {  	v10 =	vld.idx.msk [tilespmem:v10+s29+$0x0], $0xffff  }
0x12f: {  	v11 =	vld [tilespmem:s0+$0x0];
	_ =	sdelay $0x3  }
0x130: {  	p1 =	sne.s32 s1, s8;
	v12 =	vmul.f32 v12, v10  }
.Ltmp3:
0x131: {  	v11 =	vmul.f32 v11, v10;
	(pc) =	sbr.rel @p1 .LBB2_4-.Ltmp3, $4  }
0x132: {  	v10 =	vmul.f32 v9, v10;
	[tilespmem:s0+$0xFFFFFFF0] =	vst v12  }
0x133: {  	[tilespmem:s0+$0x0] =	vst v11  }
0x134: {  	p0 =	por !p0, !p0;
	[tilespmem:s0+$0x10] =	vst v10  }
0x135: {  	[spmem:s3] =	stream.indirect.scatter.add.f32 [tilespmem:s22], [sflag:$0x2], $0x80, s4, s26, $0xb8;
	[tilespmem:$0x1F400] =	vst v63  }
0x136: {  	_ =	swait.ge [sflag:s30], $0x4000;
	s0 =	stileid.u32  }
0x137: {  	s1 =	sshrl.u32 s9, $0x3;
	s31 =	sadd.s32 $0x1, s31;
	[sflag:s30] =	ssyncset.done $0x0  }
0x138: {  	s0 =	sshll.u32 s0, $0x6;
	p0 =	sne.s32 s31, s17;
	[sflag:s30] =	ssyncadd.s32 $0xFFFFC000  }
.Ltmp4:
0x139: {  	s0 =	sor.u32 $0x1C04, s0;
	[bflag:$0x0] =	sbarrier.arrive $0xFFFF;
	(pc) =	sbr.rel @p0 .LBB2_1-.Ltmp4, $4  }
0x13a: {  	[hbm:s16], [sflag:s0] =	dma.local [spmem:s1], $0x2780  }
0x13b: {  	_ =	swait.ge [sflag:s18], $0x2780  }
0x13c: {  	[sflag:s18] =	ssyncset.done $0x0  }
0x13d: {  	[sflag:s18] =	ssyncadd.s32 $0xFFFFD880  }
0x13e: {  	_ =	sfence.sel $0x180000  }
0x13f: {  	[bflag:$0x0] =	sbarrier.arrive $0xFFFF  }
0x140: {  	_ =	strace $0x9000004A  }
0x141: {  	s0 =	stileid.u32;
	[bflag:$0x2] =	sbarrier.arrive $0xFFFF  }
0x142: {  	p0 =	sne.s32 s0, $0x0;
	s0 =	rddreg [dreg:$0x4]  }
0x143: {  	s0 =	sadd.s32 @!p0 $0x100000, s0  }
0x144: {  	[sflag:s0] =	ssyncadd.tile.s32 @!p0 $0x1;
	_ =	shalt  }
.Lfunc_end2:
_tile_overlayer_lowered:
.L_overlay_start_2:
0x145: {  	(tag) =	ssettag $0x2  }
0x146: {  	s0 =	rddreg [dreg:$0x0];
	s2 =	stileid.u32  }
0x147: {  	s1 =	rddreg [dreg:$0x1];
	p0 =	sne.s32 s2, $0x0  }
0x148: {  	s3 =	rddreg [dreg:$0x2];
	[bflag:$0x3] =	sbarrier.arrive $0xFFFF;
	s2 =	simm.s32 @!p0 $0x1C04  }
0x149: {  	[timem:s3], [sflag:s2] =	dma.local @!p0 [hbm:s0], s1  }
0x14a: {  	s0 =	simm.s32 @!p0 $0x4  }
0x14b: {  	_ =	swait.ge @!p0 [sflag:s0], s1  }
0x14c: {  	s1 =	ssub.s32 @!p0 $0x0, s1;
	[sflag:s0] =	ssyncset.done @!p0 $0x0  }
0x14d: {  	[sflag:s0] =	ssyncadd.s32 @!p0 s1  }
0x14e: {  	[bflag:$0x3] =	sbarrier.arrive $0xFFFF  }
0x14f: {  	_ =	shalt  }

// kernel: kernel.7.cloned.1.call-start
scs
__scs_entry_jumppad:
0x0: {  	(pc) =	sbr.rel $0x88, $3  }
0x1: {  	(tag) =	ssettag $0x0;
	lr =	simm.s32 $0x1  }
0x2: {  	[smem:$0x3F93] =	sst lr;
	_ =	strace $0xD0000000  }
0x3: {  	_ = 	snop  }
0x4: {  	_ = 	snop  }
0x5: {  	_ = 	snop  }
0x6: {  	_ = 	snop  }
0x7: {  	_ = 	snop  }
__scs_overlays_trampoline_lowered:
0x8: {  	[smem:$0x3FA2] =	sst s0  }
0x9: {  	[smem:$0x3FA3] =	sst s1  }
0xa: {  	[smem:$0x3FA4] =	sst s2  }
0xb: {  	[smem:$0x3FA5] =	sst s3  }
0xc: {  	[smem:$0x3FA6] =	sst s4  }
0xd: {  	[smem:$0x3FA7] =	sst s5  }
0xe: {  	[smem:$0x3FA8] =	sst s6  }
0xf: {  	[smem:$0x3FA9] =	sst s7  }
0x10: {  	[smem:$0x3FAA] =	sst s8  }
0x11: {  	[smem:$0x3FAB] =	sst s9;
	s0 =	simm.s32 @!p0 $0x0  }
0x12: {  	s1 =	sld [smem:$0x3F91];
	s0 =	simm.s32 @p0 $0x1  }
0x13: {  	[smem:$0x3FAC] =	sst s0;
	s0 =	simm.s32 @!p1 $0x0  }
0x14: {  	s2 =	sld [smem:$0x3F90];
	s0 =	simm.s32 @p1 $0x1  }
0x15: {  	[smem:$0x3FAD] =	sst s0;
	s0 =	simm.s32 @!p2 $0x0  }
0x16: {  	s3 =	sld [smem:$0x3FDB];
	s0 =	simm.s32 @p2 $0x1  }
0x17: {  	s4 =	simm.s32 $0x1BF5;
	[smem:$0x3FAF] =	sst s0  }
0x18: {  	s0 =	sld [smem:$0x3F92];
	_ =	swait.ge [sflag:s4], $0x0  }
0x19: {  	s7 =	sld [smem:$0x3F93]  }
0x1a: {  	s8 =	sadd.s32 $0xFFFFE003, lr  }
0x1b: {  	s9 =	sadd.s32 $0xFFFFFEF7, lr;
	s5 =	simm.s32 $0xFFFFFFFF;
	p2 =	slt.u32 s8, $0xFFFFF086  }
0x1c: {  	p1 =	slt.u32 s9, $0xF7A;
	s5 =	simm.s32 @!p2 $0x0  }
0x1d: {  	s5 =	simm.s32 @p1 $0x1;
	p0 =	seq.s32 s7, s2  }
0x1e: {  	s7 =	smul.u32 @!p0 $0xF7A, s2;
	p2 =	seq.s32 @!p0 s5, $0x0  }
0x1f: {  	s9 =	smul.u32 $0xF7A, s1;
	s8 =	simm.s32 @!p0 $0x1BF5;
	p2 =	por !p2, p0  }
0x20: {  	[sflag:s8] =	ssyncset.s32 @!p0 $0xFFFFF086;
	s6 =	sadd.s32 @!p0 s3, s7;
	s7 =	simm.s32 @!p0 $0x108  }
0x21: {  	s3 =	sadd.s32 s3, s9;
	s6 =	sadd.s32 @!p0 $0x88, s6;
	s7 =	simm.s32 @p2 $0x1082  }
0x22: {  	[simem:s7], [sflag:s8] =	dma.local @!p0 [hbm:s6], $0xF7A  }
0x23: {  	s9 =	sor.u32 $0xD0000000, s2;
	s6 =	simm.s32 $0x108;
	_ =	swait.ge @!p0 [sflag:s8], $0x0  }
0x24: {  	s3 =	sadd.s32 $0x88, s3;
	s6 =	simm.s32 @!p1 $0x1082;
	[sflag:s4] =	ssyncset.s32 $0xFFFFF086  }
0x25: {  	[simem:s6], [sflag:s4] =	dma.local [hbm:s3], $0xF7A  }
0x26: {  	[smem:$0x3F93] =	sst s1;
	(tag) =	ssettag s2;
	_ =	strace s9  }
0x27: {  	s1 =	sld [smem:$0x3FA3]  }
0x28: {  	s2 =	sld [smem:$0x3FA4]  }
0x29: {  	s4 =	sld [smem:$0x3FA6]  }
0x2a: {  	p0 =	seq.s32 s5, $0x0;
	s5 =	sld [smem:$0x3FA7]  }
0x2b: {  	s6 =	sld [smem:$0x3FA8]  }
0x2c: {  	s7 =	sld [smem:$0x3FA9]  }
0x2d: {  	s3 =	simm.s32 $0x108;
	s8 =	sld [smem:$0x3FAA]  }
0x2e: {  	s3 =	simm.s32 @!p0 $0x1082;
	s9 =	sld [smem:$0x3FAB]  }
0x2f: {  	lr =	sadd.s32 s0, s3;
	s0 =	sld [smem:$0x3FA2]  }
0x30: {  	s3 =	sld [smem:$0x3FA5]  }
0x31: {  	[smem:$0x3FAE] =	sst s10  }
0x32: {  	s10 =	sld [smem:$0x3FAC];
	_ =	sdelay $0x3  }
0x33: {  	p0 =	seq.s32 s10, $0x1;
	s10 =	sld [smem:$0x3FAE];
	_ =	sdelay $0x3  }
0x34: {  	[smem:$0x3FAE] =	sst s10  }
0x35: {  	s10 =	sld [smem:$0x3FAD];
	_ =	sdelay $0x3  }
0x36: {  	p1 =	seq.s32 s10, $0x1;
	s10 =	sld [smem:$0x3FAE];
	_ =	sdelay $0x3  }
0x37: {  	[smem:$0x3FAE] =	sst s10  }
0x38: {  	s10 =	sld [smem:$0x3FAF]  }
0x39: {  	_ = 	snop;
	(pc) =	sbr.ind lr, $3  }
0x3a: {  	_ = 	snop  }
0x3b: {  	_ = 	snop  }
0x3c: {  	p2 =	seq.s32 s10, $0x1;
	s10 =	sld [smem:$0x3FAE]  }
0x3d: {  	_ =	shalt  }
0x3e: {  	_ =	shalt  }
0x3f: {  	_ =	shalt  }
0x40: {  	_ =	shalt  }
0x41: {  	_ =	shalt  }
0x42: {  	_ =	shalt  }
0x43: {  	_ =	shalt  }
0x44: {  	_ =	shalt  }
0x45: {  	_ =	shalt  }
0x46: {  	_ =	shalt  }
0x47: {  	_ =	shalt  }
0x48: {  	_ =	shalt  }
0x49: {  	_ =	shalt  }
0x4a: {  	_ =	shalt  }
0x4b: {  	_ =	shalt  }
0x4c: {  	_ =	shalt  }
0x4d: {  	_ =	shalt  }
0x4e: {  	_ =	shalt  }
0x4f: {  	_ =	shalt  }
0x50: {  	_ =	shalt  }
0x51: {  	_ =	shalt  }
0x52: {  	_ =	shalt  }
0x53: {  	_ =	shalt  }
0x54: {  	_ =	shalt  }
0x55: {  	_ =	shalt  }
0x56: {  	_ =	shalt  }
0x57: {  	_ =	shalt  }
0x58: {  	_ =	shalt  }
0x59: {  	_ =	shalt  }
0x5a: {  	_ =	shalt  }
0x5b: {  	_ =	shalt  }
0x5c: {  	_ =	shalt  }
0x5d: {  	_ =	shalt  }
0x5e: {  	_ =	shalt  }
0x5f: {  	_ =	shalt  }
0x60: {  	_ =	shalt  }
0x61: {  	_ =	shalt  }
0x62: {  	_ =	shalt  }
0x63: {  	_ =	shalt  }
0x64: {  	_ =	shalt  }
0x65: {  	_ =	shalt  }
0x66: {  	_ =	shalt  }
0x67: {  	_ =	shalt  }
0x68: {  	_ =	shalt  }
0x69: {  	_ =	shalt  }
0x6a: {  	_ =	shalt  }
0x6b: {  	_ =	shalt  }
0x6c: {  	_ =	shalt  }
0x6d: {  	_ =	shalt  }
0x6e: {  	_ =	shalt  }
0x6f: {  	_ =	shalt  }
0x70: {  	_ =	shalt  }
0x71: {  	_ =	shalt  }
0x72: {  	_ =	shalt  }
0x73: {  	_ =	shalt  }
0x74: {  	_ =	shalt  }
0x75: {  	_ =	shalt  }
0x76: {  	_ =	shalt  }
0x77: {  	_ =	shalt  }
0x78: {  	_ =	shalt  }
0x79: {  	_ =	shalt  }
0x7a: {  	_ =	shalt  }
0x7b: {  	_ =	shalt  }
0x7c: {  	_ =	shalt  }
0x7d: {  	_ =	shalt  }
0x7e: {  	_ =	shalt  }
0x7f: {  	_ =	shalt  }
0x80: {  	_ =	shalt  }
0x81: {  	_ =	shalt  }
0x82: {  	_ =	shalt  }
0x83: {  	_ =	shalt  }
0x84: {  	_ =	shalt  }
0x85: {  	_ =	shalt  }
0x86: {  	_ =	shalt  }
0x87: {  	_ =	shalt  }
.Lfunc_end0:
.L_simem_size_0:
called_computation_lowered:
.L_overlay_start_0:
0x88: {  	s2 =	sld [smem:$0x3FD9]  }
0x89: {  	s3 =	sld [smem:$0x3FFE];
	_ =	sdelay $0x1  }
0x8a: {  	s1 =	srdreg.scid  }
0x8b: {  	s0 =	sand.u32 $0x1, s1  }
0x8c: {  	s14 =	sshll.u32 s0, $0xA;
	s2 =	sadd.s32 s3, s2  }
0x8d: {  	s2 =	sadd.s32 s2, s14  }
0x8e: {  	[smem:$0x3FBA] =	sst s2  }
0x8f: {  	_ = 	snop  }
0x90: {  	s2 =	sld [smem:$0x3FD0];
	_ =	sdelay $0x2  }
0x91: {  	s15 =	simm.s32 $0xA;
	s4 =	simm.s32 $0x10  }
0x92: {  	[smem:s4], [sflag:s15] =	dma.local [hbm:s2], $0x1  }
0x93: {  	_ =	swait.eq [sflag:s15], $0x1  }
0x94: {  	[sflag:s15] =	ssyncset.done $0x0  }
0x95: {  	s16 =	sld [smem:$0x10];
	[sflag:s15] =	ssyncadd.s32 $0xFFFFFFFF  }
0x96: {  	s17 =	sld [smem:$0x11];
	(tm) =	ssettm $0x1  }
0x97: {  	s18 =	sld [smem:$0x3FFB];
	_ =	sdelay $0x3  }
0x98: {  	_ =	strace s18  }
0x99: {  	s4 =	sld [smem:$0x3FFC];
	_ =	sdelay $0x3  }
0x9a: {  	_ =	strace s4  }
0x9b: {  	s4 =	sld [smem:$0x3FFD];
	_ =	sdelay $0x3  }
0x9c: {  	_ =	strace s4  }
0x9d: {  	_ =	strace $0x8FFFFFFF  }
0x9e: {  	s19 =	sld [smem:$0x3FDB];
	_ =	sdelay $0x1  }
0x9f: {  	s5 =	simm.s32 $_scs_section_size  }
0xa0: {  	s6 =	simm.s32 $_size__tile_overlayer_lowered;
	s7 =	simm.s32 $_tile_overlayer_lowered  }
0xa1: {  	s22 =	simm.s32 $0x1BFF;
	s21 =	sshll.u32 s7, $0x1;
	s4 =	sadd.s32 s5, s19  }
0xa2: {  	s8 =	simm.s32 $0x0;
	s20 =	sshll.u32 s6, $0x1;
	s6 =	sadd.s32 s21, s4  }
0xa3: {  	[timem:s8], [sflag:s22] =	dma.local [hbm:s6], s20  }
0xa4: {  	_ =	swait.ge [sflag:s22], s20  }
0xa5: {  	s5 =	ssub.s32 $0x0, s20;
	[sflag:s22] =	ssyncset.done $0x0  }
0xa6: {  	[sflag:s22] =	ssyncadd.s32 s5;
	_ =	sdelay $0x1  }
0xa7: {  	s23 =	simm.s32 $0x1B8B  }
0xa8: {  	_ =	swait.ge [sflag:s23], $0x1  }
0xa9: {  	[sflag:s23] =	ssyncset.done $0x0  }
0xaa: {  	s25 =	simm.s32 $0x1B8E;
	s24 =	sld [smem:$0x3FFE];
	[sflag:s23] =	ssyncadd.s32 $0xFFFFFFFF  }
0xab: {  	s26 =	simm.s32 $execute0_lowered;
	[smem:$0x3FD2] =	sst s25  }
0xac: {  	s6 =	sshll.u32 s26, $0x1;
	_ =	strace $0x80000046;
	[dreg:$0x1] =	wrdreg $0xFFFFFFFF  }
0xad: {  	s28 =	simm.s32 $_size_execute0_lowered;
	s4 =	sadd.s32 s4, s6;
	[dreg:$0x0] =	wrdreg $0x0  }
0xae: {  	s6 =	sshll.u32 s28, $0x1;
	[dreg:$0x2] =	wrdreg s4  }
0xaf: {  	[dreg:$0x3] =	wrdreg s6  }
0xb0: {  	[dreg:$0x4] =	wrdreg $0xC0  }
0xb1: {  	_ =	task [dreg:s8], $0x5FFFF  }
0xb2: {  	[dreg:$0x1] =	wrdreg $0xFFFFFFFF  }
0xb3: {  	[dreg:$0x0] =	wrdreg $0x60  }
0xb4: {  	[dreg:$0x2] =	wrdreg s24  }
0xb5: {  	[dreg:$0x3] =	wrdreg s17  }
0xb6: {  	[dreg:$0x4] =	wrdreg s16  }
0xb7: {  	[dreg:$0x5] =	wrdreg $0xB8000  }
0xb8: {  	[dreg:$0x6] =	wrdreg $0x9  }
0xb9: {  	_ =	task.clear_ibuf [dreg:s8], $0x7FFFF;
	_ =	strace $0x90000046  }
0xba: {  	s29 =	simm.s32 $0x9;
	_ =	strace $0x80000048  }
0xbb: {  	_ =	swait.ge [sflag:s29], $0x1  }
0xbc: {  	[sflag:s29] =	ssyncadd.s32 $0xFFFFFFFF  }
0xbd: {  	_ =	strace $0x90000048  }
0xbe: {  	_ =	sfence  }
0xbf: {  	s30 =	sld [smem:$0x0];
	_ =	sdelay $0x2  }
0xc0: {  	s31 =	sshll.u32 s1, $0xD;
	s1 =	sshrl.u32 s1, $0x2  }
0xc1: {  	s3 =	sand.u32 $0x4000, s31;
	s1 =	sadd.s32 s1, s30  }
0xc2: {  	s0 =	sor.u32 s3, s0;
	s1 =	sshll.u32 s1, $0x11  }
0xc3: {  	s0 =	sor.u32 s1, s0  }
0xc4: {  	s0 =	sadd.s32 $0x8F2B, s0  }
0xc5: {  	[sflag:s0] =	ssyncadd.remote.s32 $0x1  }
0xc6: {  	_ =	sfence.sel $0xFFFF  }
0xc7: {  	[dreg:$0x0] =	wrdreg $0xFFFFFFFF;
	(pc) =	sbr.abs _section_cstart, $3  }
0xc8: {  	[dreg:$0x1] =	wrdreg $0xFFFFFFFF  }
0xc9: {  	_ =	task.clear_ibuf [dreg:s8], $0x2FFFF;
	_ =	strace $0x9FFFFFFF  }
0xca: {  	(tm) =	ssettm $0x7FFFFFFF  }
0xcb: {  	_ =	shalt  }
tec
execute0_lowered:
.L_overlay_start_1:
0x0: {  	(tag) =	ssettag $0x1  }
0x1: {  	s1 =	rddreg [dreg:$0x0]  }
0x2: {  	s4 =	rddreg [dreg:$0x1]  }
0x3: {  	s0 =	srdreg.scid;
	s2 =	rddreg [dreg:$0x2]  }
0x4: {  	s21 =	stileid.u32;
	s3 =	rddreg [dreg:$0x3];
	s8 =	simm.s32 $0x0  }
0x5: {  	s18 =	simm.s32 $0x4;
	s19 =	simm.s32 $0x3780;
	s20 =	simm.s32 $0x2780  }
0x6: {  	s28 =	simm.s32 $0x1;
	s29 =	simm.s32 $0xB780;
	s30 =	simm.s32 $0x2  }
0x7: {  	s31 =	simm.s32 $0x0;
	s7 =	sand.u32 $0x1, s0;
	s5 =	smul.u32 $0x278, s21  }
0x8: {  	[smem:$0x7FF] =	sst s8;
	s24 =	smul.u32 $0x9C, s21;
	s25 =	smin.u32 s21, $0x4  }
0x9: {  	s26 =	smul.u32 $0x4F000, s21;
	p0 =	slt.u32 s21, $0x4;
	s8 =	simm.s32 $0x9D  }
0xa: {  	s6 =	smul.u32 $0x2780, s7;
	_ =	strace $0x80000047;
	s9 =	ssub.s32 $0x2, s7  }
0xb: {  	s7 =	smul.u32 $0x9D000, s7;
	s8 =	simm.s32 @!p0 $0x9C;
	s23 =	sshrl.u32 s9, $0x1  }
0xc: {  	s5 =	sadd.s32 s5, s6;
	s17 =	ssub.s32 s9, s23;
	s6 =	sshrl.u32 s6, $0x3  }
0xd: {  	s9 =	sshrl.u32 s26, $0x2;
	s26 =	simm.s32 $0x80;
	s4 =	sadd.s32 s4, s6  }
0xe: {  	v0 =	vlaneseq.u32;
	s22 =	sshll.u32 s5, $0x4;
	[dreg:$0x5] =	wrdreg s4;
	s4 =	sadd.s32 s25, s24  }
0xf: {  	v8 =	vmul.u32 $0x80, v0;
	s5 =	sadd.s32 $0x2E00, s1;
	s9 =	sadd.s32 s9, s3;
	s10 =	sshll.u32 s4, $0x8  }
0x10: {  	vm0 =	vcmask $0x300;
	v0 =	vimm.f32 $0.0e+00;
	s17 =	smax.u32 s17, $0x1;
	s1 =	sadd.s32 s22, s1;
	s12 =	sadd.s32 s7, s10  }
0x11: {  	v9 =	vsel vm0, $0x3F800000, v0;
	v1 =	vor.u32 $0x7F, v8;
	v2 =	vor.u32 $0x87F, v8;
	s11 =	sadd.s32 $0x8000, s9;
	s13 =	sadd.s32 $0x10000, s9;
	s14 =	sshrl.u32 s12, $0x3  }
0x12: {  	v3 =	vor.u32 $0x107F, v8;
	v4 =	vor.u32 $0x187F, v8;
	v5 =	vor.u32 $0x207F, v8;
	s15 =	sadd.s32 $0x8, s4;
	s16 =	sadd.s32 $0x51E00, s1;
	s14 =	sadd.s32 s2, s14  }
0x13: {  	v6 =	vor.u32 $0x287F, v8;
	v7 =	vor.u32 $0x307F, v8;
	v8 =	vor.u32 $0x387F, v8;
	s10 =	sadd.s32 $0x4000, s9;
	s12 =	sadd.s32 $0xC000, s9;
	s21 =	sadd.s32 $0x10, s14  }
.LBB2_1:
0x14: {  	s0 =	simm.s32 $0x0;
	s1 =	rddreg [dreg:$0x5]  }
0x15: {  	[tilespmem:s0], [sflag:$0x4] =	stream.linear.gather [hbm4b:s1+s0], $0x2780, $0x38;
	[tilespmem:$0x1F400] =	vst v63  }
0x16: {  	_ =	swait.ge [sflag:s18], $0x2780  }
0x17: {  	[sflag:s18] =	ssyncset.done $0x0  }
0x18: {  	s4 =	simm.s32 $0x200;
	s1 =	simm.s32 $0x0;
	[sflag:s18] =	ssyncadd.s32 $0xFFFFD880  }
.LBB2_2:
0x19: {  	p0 =	sne.s32 s4, $0xFE00;
	[tilespmem:s1+$0x37F0] =	vst v0  }
0x1a: {  	[tilespmem:s1+$0x3780] =	vst v0  }
0x1b: {  	[tilespmem:s1+$0x3790] =	vst v0  }
.Ltmp0:
0x1c: {  	[tilespmem:s1+$0x37A0] =	vst v0;
	(pc) =	sbr.rel @p0 .LBB2_2-.Ltmp0, $4  }
0x1d: {  	[tilespmem:s1+$0x37B0] =	vst v0  }
0x1e: {  	[tilespmem:s1+$0x37C0] =	vst v0  }
0x1f: {  	[tilespmem:s1+$0x37D0] =	vst v0  }
0x20: {  	[tilespmem:s1+$0x37E0] =	vst v0;
	s1 =	sshra.s32 s4, $0x2;
	s4 =	sadd.s32 $0x200, s4  }
0x21: {  	[tilespmem:s1+$0x37F0] =	vst v0  }
0x22: {  	[tilespmem:s1+$0x3780] =	vst v0  }
0x23: {  	[tilespmem:s1+$0x3790] =	vst v0  }
0x24: {  	[tilespmem:s1+$0x37A0] =	vst v0  }
0x25: {  	[tilespmem:s1+$0x37B0] =	vst v0  }
0x26: {  	[tilespmem:s1+$0x37C0] =	vst v0  }
0x27: {  	[tilespmem:s1+$0x37D0] =	vst v0  }
0x28: {  	[tilespmem:s1+$0x37E0] =	vst v0  }
0x29: {  	[spmem:s9] =	stream.linear.scatter [tilespmem:s19], [sflag:$0x4], $0x4000, $0x38;
	[tilespmem:$0x1F400] =	vst v63  }
0x2a: {  	_ =	swait.ge [sflag:s18], $0x4000  }
0x2b: {  	[sflag:s18] =	ssyncset.done $0x0  }
0x2c: {  	[sflag:s18] =	ssyncadd.s32 $0xFFFFC000  }
0x2d: {  	[spmem:s10] =	stream.linear.scatter [tilespmem:s19], [sflag:$0x4], $0x4000, $0x38;
	[tilespmem:$0x1F400] =	vst v63  }
0x2e: {  	_ =	swait.ge [sflag:s18], $0x4000  }
0x2f: {  	[sflag:s18] =	ssyncset.done $0x0  }
0x30: {  	[sflag:s18] =	ssyncadd.s32 $0xFFFFC000  }
0x31: {  	[spmem:s11] =	stream.linear.scatter [tilespmem:s19], [sflag:$0x4], $0x4000, $0x38;
	[tilespmem:$0x1F400] =	vst v63  }
0x32: {  	_ =	swait.ge [sflag:s18], $0x4000  }
0x33: {  	[sflag:s18] =	ssyncset.done $0x0  }
0x34: {  	[sflag:s18] =	ssyncadd.s32 $0xFFFFC000  }
0x35: {  	[spmem:s12] =	stream.linear.scatter [tilespmem:s19], [sflag:$0x4], $0x4000, $0x38;
	[tilespmem:$0x1F400] =	vst v63  }
0x36: {  	_ =	swait.ge [sflag:s18], $0x4000  }
0x37: {  	[sflag:s18] =	ssyncset.done $0x0  }
0x38: {  	[sflag:s18] =	ssyncadd.s32 $0xFFFFC000  }
0x39: {  	[spmem:s13] =	stream.linear.scatter [tilespmem:s19], [sflag:$0x4], $0x3C00, $0x38;
	[tilespmem:$0x1F400] =	vst v63  }
0x3a: {  	_ =	swait.ge [sflag:s18], $0x3C00  }
0x3b: {  	[sflag:s18] =	ssyncset.done $0x0  }
0x3c: {  	[sflag:s18] =	ssyncadd.s32 $0xFFFFC400  }
0x3d: {  	s1 =	simm.s32 $0x0;
	[bflag:$0x0] =	sbarrier.arrive $0xFFFF  }
0x3e: {  	[tilespmem:s20], [sflag:$0x4] =	stream.linear.gather [hbm4b:s14+s1], $0x80, $0x38;
	[tilespmem:$0x1F400] =	vst v63  }
0x3f: {  	s0 =	simm.s32 $0x2880  }
0x40: {  	[tilespmem:s0], [sflag:$0x4] =	stream.linear.gather [hbm4b:s21+s1], $0x80, $0x38;
	[tilespmem:$0x1F400] =	vst v63  }
0x41: {  	s4 =	sadd.s32 $0x20, s14;
	s23 =	simm.s32 $0x2980  }
0x42: {  	[tilespmem:s23], [sflag:$0x4] =	stream.linear.gather [hbm4b:s4+s1], $0x80, $0x38;
	[tilespmem:$0x1F400] =	vst v63  }
0x43: {  	s24 =	sadd.s32 $0x30, s14;
	s25 =	simm.s32 $0x2A80  }
0x44: {  	[tilespmem:s25], [sflag:$0x4] =	stream.linear.gather [hbm4b:s24+s1], $0x80, $0x38;
	[tilespmem:$0x1F400] =	vst v63  }
0x45: {  	s6 =	simm.s32 $0x2B80;
	s0 =	sadd.s32 $0x40, s14  }
0x46: {  	[tilespmem:s6], [sflag:$0x4] =	stream.linear.gather [hbm4b:s0+s1], $0x80, $0x38;
	[tilespmem:$0x1F400] =	vst v63  }
0x47: {  	s22 =	sadd.s32 $0x50, s14;
	s23 =	simm.s32 $0x2C80  }
0x48: {  	[tilespmem:s23], [sflag:$0x4] =	stream.linear.gather [hbm4b:s22+s1], $0x80, $0x38;
	[tilespmem:$0x1F400] =	vst v63  }
0x49: {  	s24 =	sadd.s32 $0x60, s14;
	s25 =	simm.s32 $0x2D80  }
0x4a: {  	[tilespmem:s25], [sflag:$0x4] =	stream.linear.gather [hbm4b:s24+s1], $0x80, $0x38;
	[tilespmem:$0x1F400] =	vst v63  }
0x4b: {  	s0 =	sadd.s32 $0x70, s14;
	s6 =	simm.s32 $0x2E80  }
0x4c: {  	[tilespmem:s6], [sflag:$0x4] =	stream.linear.gather [hbm4b:s0+s1], $0x80, $0x38;
	[tilespmem:$0x1F400] =	vst v63  }
0x4d: {  	s22 =	sadd.s32 $0x80, s14;
	s23 =	simm.s32 $0x2F80  }
0x4e: {  	[tilespmem:s23], [sflag:$0x4] =	stream.linear.gather [hbm4b:s22+s1], $0x80, $0x38;
	[tilespmem:$0x1F400] =	vst v63  }
0x4f: {  	s24 =	sadd.s32 $0x90, s14;
	s25 =	simm.s32 $0x3080  }
0x50: {  	[tilespmem:s25], [sflag:$0x4] =	stream.linear.gather [hbm4b:s24+s1], $0x80, $0x38;
	[tilespmem:$0x1F400] =	vst v63  }
0x51: {  	s0 =	sadd.s32 $0xA0, s14;
	s6 =	simm.s32 $0x3180  }
0x52: {  	[tilespmem:s6], [sflag:$0x4] =	stream.linear.gather [hbm4b:s0+s1], $0x80, $0x38;
	[tilespmem:$0x1F400] =	vst v63  }
0x53: {  	s22 =	sadd.s32 $0xB0, s14;
	s23 =	simm.s32 $0x3280  }
0x54: {  	[tilespmem:s23], [sflag:$0x4] =	stream.linear.gather [hbm4b:s22+s1], $0x80, $0x38;
	[tilespmem:$0x1F400] =	vst v63  }
0x55: {  	s24 =	sadd.s32 $0xC0, s14;
	s25 =	simm.s32 $0x3380  }
0x56: {  	[tilespmem:s25], [sflag:$0x4] =	stream.linear.gather [hbm4b:s24+s1], $0x80, $0x38;
	[tilespmem:$0x1F400] =	vst v63  }
0x57: {  	s0 =	sadd.s32 $0xD0, s14;
	s6 =	simm.s32 $0x3480  }
0x58: {  	[tilespmem:s6], [sflag:$0x4] =	stream.linear.gather [hbm4b:s0+s1], $0x80, $0x38;
	[tilespmem:$0x1F400] =	vst v63  }
0x59: {  	s22 =	sadd.s32 $0xE0, s14;
	s23 =	simm.s32 $0x3580  }
0x5a: {  	[tilespmem:s23], [sflag:$0x4] =	stream.linear.gather [hbm4b:s22+s1], $0x80, $0x38;
	[tilespmem:$0x1F400] =	vst v63  }
0x5b: {  	s24 =	sadd.s32 $0xF0, s14;
	s25 =	simm.s32 $0x3680  }
0x5c: {  	[tilespmem:s25], [sflag:$0x4] =	stream.linear.gather [hbm4b:s24+s1], $0x80, $0x38;
	[tilespmem:$0x1F400] =	vst v63  }
0x5d: {  	_ =	swait.ge [sflag:s18], $0x800  }
0x5e: {  	[sflag:s18] =	ssyncset.done $0x0  }
0x5f: {  	p0 =	por $0x0, $0x0;
	[sflag:s18] =	ssyncadd.s32 $0xFFFFF800  }
0x60: {  	[tilespmem:s19], [sflag:$0x1] =	stream.indirect.gather [hbm4b:s5+s26], $0x80, s20, s26, $0xb8;
	[tilespmem:$0x1F400] =	vst v63  }
.LBB2_4:
0x61: {  	p1 =	seq.s32 s1, $0x0  }
.Ltmp1:
0x62: {  	_ = 	snop;
	(pc) =	sbr.rel @p1 .LBB2_6-.Ltmp1, $3  }
0x63: {  	_ =	sdelay $0x1  }
0x64: {  	s4 =	sshrl.u32 s1, $0x3  }
0x65: {  	s22 =	sand.u32 $0x7, s1;
	s4 =	sand.u32 $0x1, s4  }
0x66: {  	p1 =	sgt.u32 s1, $0x97  }
0x67: {  	p2 =	sne.s32 @!p1 s22, $0x2  }
0x68: {  	p1 =	por p2, p1  }
0x69: {  	s23 =	sand.u32 @!p1 $0xF8, s1  }
0x6a: {  	s23 =	sadd.s32 @!p1 s23, s15  }
0x6b: {  	_ =	swait.ge [sflag:s30], $0x4000;
	s23 =	sshll.u32 @!p1 s23, $0x8  }
0x6c: {  	[sflag:s30] =	ssyncset.done $0x0;
	s24 =	sshll.u32 @!p1 s4, $0x7;
	s23 =	sadd.s32 @!p1 s7, s23  }
0x6d: {  	[sflag:s30] =	ssyncadd.s32 $0xFFFFC000;
	s24 =	sxor.u32 @!p1 $0x80, s24;
	s23 =	sshrl.u32 @!p1 s23, $0x3  }
0x6e: {  	s0 =	simm.s32 @!p1 $0x0;
	s25 =	sadd.s32 @!p1 $0x2780, s24;
	s23 =	sadd.s32 @!p1 s2, s23  }
0x6f: {  	[tilespmem:s25], [sflag:$0x3] =	stream.linear.gather @!p1 [hbm4b:s23+s0], $0x80, $0x38;
	[tilespmem:$0x1F400] =	vst v63  }
0x70: {  	s6 =	sadd.s32 @!p1 $0x2880, s24;
	s25 =	sadd.s32 @!p1 $0x10, s23  }
0x71: {  	[tilespmem:s6], [sflag:$0x3] =	stream.linear.gather @!p1 [hbm4b:s25+s0], $0x80, $0x38;
	[tilespmem:$0x1F400] =	vst v63  }
0x72: {  	s6 =	sadd.s32 @!p1 $0x20, s23;
	s25 =	sadd.s32 @!p1 $0x2980, s24  }
0x73: {  	[tilespmem:s25], [sflag:$0x3] =	stream.linear.gather @!p1 [hbm4b:s6+s0], $0x80, $0x38;
	[tilespmem:$0x1F400] =	vst v63  }
0x74: {  	s6 =	sadd.s32 @!p1 $0x30, s23;
	s25 =	sadd.s32 @!p1 $0x2A80, s24  }
0x75: {  	[tilespmem:s25], [sflag:$0x3] =	stream.linear.gather @!p1 [hbm4b:s6+s0], $0x80, $0x38;
	[tilespmem:$0x1F400] =	vst v63  }
0x76: {  	s6 =	sadd.s32 @!p1 $0x40, s23;
	s25 =	sadd.s32 @!p1 $0x2B80, s24  }
0x77: {  	[tilespmem:s25], [sflag:$0x3] =	stream.linear.gather @!p1 [hbm4b:s6+s0], $0x80, $0x38;
	[tilespmem:$0x1F400] =	vst v63  }
0x78: {  	s6 =	sadd.s32 @!p1 $0x50, s23;
	s25 =	sadd.s32 @!p1 $0x2C80, s24  }
0x79: {  	[tilespmem:s25], [sflag:$0x3] =	stream.linear.gather @!p1 [hbm4b:s6+s0], $0x80, $0x38;
	[tilespmem:$0x1F400] =	vst v63  }
0x7a: {  	s6 =	sadd.s32 @!p1 $0x60, s23;
	s25 =	sadd.s32 @!p1 $0x2D80, s24  }
0x7b: {  	[tilespmem:s25], [sflag:$0x3] =	stream.linear.gather @!p1 [hbm4b:s6+s0], $0x80, $0x38;
	[tilespmem:$0x1F400] =	vst v63  }
0x7c: {  	s6 =	sadd.s32 @!p1 $0x70, s23;
	s25 =	sadd.s32 @!p1 $0x2E80, s24  }
0x7d: {  	[tilespmem:s25], [sflag:$0x3] =	stream.linear.gather @!p1 [hbm4b:s6+s0], $0x80, $0x38;
	[tilespmem:$0x1F400] =	vst v63  }
0x7e: {  	s6 =	sadd.s32 @!p1 $0x80, s23;
	s25 =	sadd.s32 @!p1 $0x2F80, s24  }
0x7f: {  	[tilespmem:s25], [sflag:$0x3] =	stream.linear.gather @!p1 [hbm4b:s6+s0], $0x80, $0x38;
	[tilespmem:$0x1F400] =	vst v63  }
0x80: {  	s6 =	sadd.s32 @!p1 $0x90, s23;
	s25 =	sadd.s32 @!p1 $0x3080, s24  }
0x81: {  	[tilespmem:s25], [sflag:$0x3] =	stream.linear.gather @!p1 [hbm4b:s6+s0], $0x80, $0x38;
	[tilespmem:$0x1F400] =	vst v63  }
0x82: {  	s6 =	sadd.s32 @!p1 $0xA0, s23;
	s25 =	sadd.s32 @!p1 $0x3180, s24  }
0x83: {  	[tilespmem:s25], [sflag:$0x3] =	stream.linear.gather @!p1 [hbm4b:s6+s0], $0x80, $0x38;
	[tilespmem:$0x1F400] =	vst v63  }
0x84: {  	s6 =	sadd.s32 @!p1 $0xB0, s23;
	s25 =	sadd.s32 @!p1 $0x3280, s24  }
0x85: {  	[tilespmem:s25], [sflag:$0x3] =	stream.linear.gather @!p1 [hbm4b:s6+s0], $0x80, $0x38;
	[tilespmem:$0x1F400] =	vst v63  }
0x86: {  	s6 =	sadd.s32 @!p1 $0xC0, s23;
	s25 =	sadd.s32 @!p1 $0x3380, s24  }
0x87: {  	[tilespmem:s25], [sflag:$0x3] =	stream.linear.gather @!p1 [hbm4b:s6+s0], $0x80, $0x38;
	[tilespmem:$0x1F400] =	vst v63  }
0x88: {  	s6 =	sadd.s32 @!p1 $0xD0, s23;
	s25 =	sadd.s32 @!p1 $0x3480, s24  }
0x89: {  	[tilespmem:s25], [sflag:$0x3] =	stream.linear.gather @!p1 [hbm4b:s6+s0], $0x80, $0x38;
	[tilespmem:$0x1F400] =	vst v63  }
0x8a: {  	s6 =	sadd.s32 @!p1 $0xE0, s23;
	s25 =	sadd.s32 @!p1 $0x3580, s24  }
0x8b: {  	[tilespmem:s25], [sflag:$0x3] =	stream.linear.gather @!p1 [hbm4b:s6+s0], $0x80, $0x38;
	[tilespmem:$0x1F400] =	vst v63  }
0x8c: {  	s6 =	sadd.s32 @!p1 $0xF0, s23;
	s23 =	sadd.s32 @!p1 $0x3680, s24  }
0x8d: {  	[tilespmem:s23], [sflag:$0x3] =	stream.linear.gather @!p1 [hbm4b:s6+s0], $0x80, $0x38;
	[tilespmem:$0x1F400] =	vst v63  }
.LBB2_6:
0x8e: {  	s0 =	sand.u32 $0x1, s1;
	s1 =	sadd.s32 $0x1, s1  }
0x8f: {  	s6 =	sshll.u32 s1, $0x8  }
0x90: {  	_ =	swait.ge [sflag:s28], $0x4000;
	p1 =	sge.u32 s1, s8;
	s6 =	sand.u32 $0x700, s6  }
0x91: {  	[sflag:s28] =	ssyncset.done $0x0;
	p2 =	sne.s32 @!p1 s6, $0x0  }
0x92: {  	s4 =	sshll.u32 s4, $0x7;
	[sflag:s28] =	ssyncadd.s32 $0xFFFFC000;
	p2 =	por p2, p1  }
0x93: {  	s24 =	sshll.u32 @!p1 s1, $0x4;
	s25 =	sshll.u32 @!p1 s0, $0xE;
	s23 =	simm.s32 @!p2 $0x3  }
0x94: {  	s24 =	sand.u32 @!p1 $0x80, s24;
	s6 =	sshll.u32 @!p1 s6, $0x1;
	_ =	swait.ge @!p2 [sflag:s23], $0x800  }
0x95: {  	s6 =	sadd.s32 @!p1 s24, s6;
	s24 =	simm.s32 @!p1 $0x80;
	[sflag:s23] =	ssyncset.done @!p2 $0x0  }
0x96: {  	[sflag:s23] =	ssyncadd.s32 @!p2 $0xFFFFF800;
	s23 =	sxor.u32 @!p1 $0x4000, s25;
	s25 =	sshll.u32 s22, $0x9  }
0x97: {  	s6 =	sadd.s32 @!p1 $0x2780, s6;
	s23 =	sor.u32 @!p1 $0x3780, s23;
	s4 =	sor.u32 s4, s25  }
0x98: {  	[tilespmem:s23], [sflag:$0x1] =	stream.indirect.gather @!p1 [hbm4b:s5+s24], $0x80, s6, s24, $0xb8;
	[tilespmem:$0x1F400] =	vst v63  }
0x99: {  	v10 =	vld [tilespmem:s4+$0x2880]  }
0x9a: {  	s6 =	sshll.u32 s0, $0xE  }
0x9b: {  	v11 =	vor.u32 s6, v1;
	_ =	sdelay $0x4  }
0x9c: {  	s24 =	simm.s32 $0x0;
	v11 =	vld.idx.msk [tilespmem:v11+s19+$0x0], $0xffff  }
0x9d: {  	v10 =	vld.idx.msk [tilespmem:v10+s24+$0x0], $0xffff;
	_ =	sdelay $0x4  }
0x9e: {  	v10 =	vadd.f32 v10, v11;
	_ =	sdelay $0x1  }
0x9f: {  	v10 =	vsub.f32 $0.0e+00, v10;
	_ =	sdelay $0x1  }
0xa0: {  	v10 =	vmul.f32 $1.442695020e+00, v10;
	_ =	sdelay $0x1  }
0xa1: {  	(erf) = vpow2.f32 v10;
	_ =	sdelay $0x8  }
0xa2: {  	v10 =	vpop (erf)  }
0xa3: {  	v10 =	vadd.f32 $1.000000000e+00, v10;
	_ =	sdelay $0x1  }
0xa4: {  	(erf) = vrcp.f32 v10;
	_ =	sdelay $0x8  }
0xa5: {  	v10 =	vpop (erf)  }
0xa6: {  	v10 =	vmul.f32 $1.442695020e+00, v10;
	_ =	sdelay $0x1  }
0xa7: {  	(erf) = vpow2.f32 v10;
	_ =	sdelay $0x8  }
0xa8: {  	v10 =	vpop (erf)  }
0xa9: {  	[tilespmem:$0xB780] =	vst v10  }
0xaa: {  	v10 =	vld [tilespmem:s4+$0x2890];
	_ =	sdelay $0x1  }
0xab: {  	v11 =	vor.u32 s6, v2;
	_ =	sdelay $0x4  }
0xac: {  	v11 =	vld.idx.msk [tilespmem:v11+s19+$0x0], $0xffff  }
0xad: {  	v10 =	vld.idx.msk [tilespmem:v10+s24+$0x0], $0xffff;
	_ =	sdelay $0x4  }
0xae: {  	v10 =	vadd.f32 v10, v11;
	_ =	sdelay $0x1  }
0xaf: {  	v10 =	vsub.f32 $0.0e+00, v10;
	_ =	sdelay $0x1  }
0xb0: {  	v10 =	vmul.f32 $1.442695020e+00, v10;
	_ =	sdelay $0x1  }
0xb1: {  	(erf) = vpow2.f32 v10;
	_ =	sdelay $0x8  }
0xb2: {  	v10 =	vpop (erf)  }
0xb3: {  	v10 =	vadd.f32 $1.000000000e+00, v10;
	_ =	sdelay $0x1  }
0xb4: {  	(erf) = vrcp.f32 v10;
	_ =	sdelay $0x8  }
0xb5: {  	v10 =	vpop (erf)  }
0xb6: {  	v10 =	vmul.f32 $1.442695020e+00, v10;
	_ =	sdelay $0x1  }
0xb7: {  	(erf) = vpow2.f32 v10;
	_ =	sdelay $0x8  }
0xb8: {  	v10 =	vpop (erf)  }
0xb9: {  	[tilespmem:$0xB790] =	vst v10  }
0xba: {  	v10 =	vld [tilespmem:s4+$0x28A0];
	_ =	sdelay $0x1  }
0xbb: {  	v11 =	vor.u32 s6, v3;
	_ =	sdelay $0x4  }
0xbc: {  	v11 =	vld.idx.msk [tilespmem:v11+s19+$0x0], $0xffff  }
0xbd: {  	v10 =	vld.idx.msk [tilespmem:v10+s24+$0x0], $0xffff;
	_ =	sdelay $0x4  }
0xbe: {  	v10 =	vadd.f32 v10, v11;
	_ =	sdelay $0x1  }
0xbf: {  	v10 =	vsub.f32 $0.0e+00, v10;
	_ =	sdelay $0x1  }
0xc0: {  	v10 =	vmul.f32 $1.442695020e+00, v10;
	_ =	sdelay $0x1  }
0xc1: {  	(erf) = vpow2.f32 v10;
	_ =	sdelay $0x8  }
0xc2: {  	v10 =	vpop (erf)  }
0xc3: {  	v10 =	vadd.f32 $1.000000000e+00, v10;
	_ =	sdelay $0x1  }
0xc4: {  	(erf) = vrcp.f32 v10;
	_ =	sdelay $0x8  }
0xc5: {  	v10 =	vpop (erf)  }
0xc6: {  	v10 =	vmul.f32 $1.442695020e+00, v10;
	_ =	sdelay $0x1  }
0xc7: {  	(erf) = vpow2.f32 v10;
	_ =	sdelay $0x8  }
0xc8: {  	v10 =	vpop (erf)  }
0xc9: {  	[tilespmem:$0xB7A0] =	vst v10  }
0xca: {  	v10 =	vld [tilespmem:s4+$0x28B0];
	_ =	sdelay $0x1  }
0xcb: {  	v11 =	vor.u32 s6, v4;
	_ =	sdelay $0x4  }
0xcc: {  	v11 =	vld.idx.msk [tilespmem:v11+s19+$0x0], $0xffff  }
0xcd: {  	v10 =	vld.idx.msk [tilespmem:v10+s24+$0x0], $0xffff;
	_ =	sdelay $0x4  }
0xce: {  	v10 =	vadd.f32 v10, v11;
	_ =	sdelay $0x1  }
0xcf: {  	v10 =	vsub.f32 $0.0e+00, v10;
	_ =	sdelay $0x1  }
0xd0: {  	v10 =	vmul.f32 $1.442695020e+00, v10;
	_ =	sdelay $0x1  }
0xd1: {  	(erf) = vpow2.f32 v10;
	_ =	sdelay $0x8  }
0xd2: {  	v10 =	vpop (erf)  }
0xd3: {  	v10 =	vadd.f32 $1.000000000e+00, v10;
	_ =	sdelay $0x1  }
0xd4: {  	(erf) = vrcp.f32 v10;
	_ =	sdelay $0x8  }
0xd5: {  	v10 =	vpop (erf)  }
0xd6: {  	v10 =	vmul.f32 $1.442695020e+00, v10;
	_ =	sdelay $0x1  }
0xd7: {  	(erf) = vpow2.f32 v10;
	_ =	sdelay $0x8  }
0xd8: {  	v10 =	vpop (erf)  }
0xd9: {  	[tilespmem:$0xB7B0] =	vst v10  }
0xda: {  	v10 =	vld [tilespmem:s4+$0x28C0];
	_ =	sdelay $0x1  }
0xdb: {  	v11 =	vor.u32 s6, v5;
	_ =	sdelay $0x4  }
0xdc: {  	v11 =	vld.idx.msk [tilespmem:v11+s19+$0x0], $0xffff  }
0xdd: {  	v10 =	vld.idx.msk [tilespmem:v10+s24+$0x0], $0xffff;
	_ =	sdelay $0x4  }
0xde: {  	v10 =	vadd.f32 v10, v11;
	_ =	sdelay $0x1  }
0xdf: {  	v10 =	vsub.f32 $0.0e+00, v10;
	_ =	sdelay $0x1  }
0xe0: {  	v10 =	vmul.f32 $1.442695020e+00, v10;
	_ =	sdelay $0x1  }
0xe1: {  	(erf) = vpow2.f32 v10;
	_ =	sdelay $0x8  }
0xe2: {  	v10 =	vpop (erf)  }
0xe3: {  	v10 =	vadd.f32 $1.000000000e+00, v10;
	_ =	sdelay $0x1  }
0xe4: {  	(erf) = vrcp.f32 v10;
	_ =	sdelay $0x8  }
0xe5: {  	v10 =	vpop (erf)  }
0xe6: {  	v10 =	vmul.f32 $1.442695020e+00, v10;
	_ =	sdelay $0x1  }
0xe7: {  	(erf) = vpow2.f32 v10;
	_ =	sdelay $0x8  }
0xe8: {  	v10 =	vpop (erf)  }
0xe9: {  	[tilespmem:$0xB7C0] =	vst v10  }
0xea: {  	v10 =	vld [tilespmem:s4+$0x28D0];
	_ =	sdelay $0x1  }
0xeb: {  	v11 =	vor.u32 s6, v6;
	_ =	sdelay $0x4  }
0xec: {  	v11 =	vld.idx.msk [tilespmem:v11+s19+$0x0], $0xffff  }
0xed: {  	v10 =	vld.idx.msk [tilespmem:v10+s24+$0x0], $0xffff;
	_ =	sdelay $0x4  }
0xee: {  	v10 =	vadd.f32 v10, v11;
	_ =	sdelay $0x1  }
0xef: {  	v10 =	vsub.f32 $0.0e+00, v10;
	_ =	sdelay $0x1  }
0xf0: {  	v10 =	vmul.f32 $1.442695020e+00, v10;
	_ =	sdelay $0x1  }
0xf1: {  	(erf) = vpow2.f32 v10;
	_ =	sdelay $0x8  }
0xf2: {  	v10 =	vpop (erf)  }
0xf3: {  	v10 =	vadd.f32 $1.000000000e+00, v10;
	_ =	sdelay $0x1  }
0xf4: {  	(erf) = vrcp.f32 v10;
	_ =	sdelay $0x8  }
0xf5: {  	v10 =	vpop (erf)  }
0xf6: {  	v10 =	vmul.f32 $1.442695020e+00, v10;
	_ =	sdelay $0x1  }
0xf7: {  	(erf) = vpow2.f32 v10;
	_ =	sdelay $0x8  }
0xf8: {  	v10 =	vpop (erf)  }
0xf9: {  	[tilespmem:$0xB7D0] =	vst v10  }
0xfa: {  	v10 =	vld [tilespmem:s4+$0x28E0];
	_ =	sdelay $0x1  }
0xfb: {  	v11 =	vor.u32 s6, v7;
	_ =	sdelay $0x4  }
0xfc: {  	v11 =	vld.idx.msk [tilespmem:v11+s19+$0x0], $0xffff  }
0xfd: {  	v10 =	vld.idx.msk [tilespmem:v10+s24+$0x0], $0xffff;
	_ =	sdelay $0x4  }
0xfe: {  	v10 =	vadd.f32 v10, v11;
	_ =	sdelay $0x1  }
0xff: {  	v10 =	vsub.f32 $0.0e+00, v10;
	_ =	sdelay $0x1  }
0x100: {  	v10 =	vmul.f32 $1.442695020e+00, v10;
	_ =	sdelay $0x1  }
0x101: {  	(erf) = vpow2.f32 v10;
	_ =	sdelay $0x8  }
0x102: {  	v10 =	vpop (erf)  }
0x103: {  	v10 =	vadd.f32 $1.000000000e+00, v10;
	_ =	sdelay $0x1  }
0x104: {  	(erf) = vrcp.f32 v10;
	_ =	sdelay $0x8  }
0x105: {  	v10 =	vpop (erf)  }
0x106: {  	v10 =	vmul.f32 $1.442695020e+00, v10;
	_ =	sdelay $0x1  }
0x107: {  	(erf) = vpow2.f32 v10;
	_ =	sdelay $0x8  }
0x108: {  	v10 =	vpop (erf)  }
0x109: {  	[tilespmem:$0xB7E0] =	vst v10  }
0x10a: {  	v10 =	vld [tilespmem:s4+$0x28F0];
	_ =	sdelay $0x1  }
0x10b: {  	v11 =	vor.u32 s6, v8;
	_ =	sdelay $0x4  }
0x10c: {  	v11 =	vld.idx.msk [tilespmem:v11+s19+$0x0], $0xffff  }
0x10d: {  	v10 =	vld.idx.msk [tilespmem:v10+s24+$0x0], $0xffff;
	_ =	sdelay $0x4  }
0x10e: {  	v10 =	vadd.f32 v10, v11;
	_ =	sdelay $0x1  }
0x10f: {  	v10 =	vsub.f32 $0.0e+00, v10;
	_ =	sdelay $0x1  }
0x110: {  	v10 =	vmul.f32 $1.442695020e+00, v10;
	_ =	sdelay $0x1  }
0x111: {  	(erf) = vpow2.f32 v10;
	_ =	sdelay $0x8  }
0x112: {  	v10 =	vpop (erf)  }
0x113: {  	v10 =	vadd.f32 $1.000000000e+00, v10;
	_ =	sdelay $0x1  }
0x114: {  	(erf) = vrcp.f32 v10;
	_ =	sdelay $0x8  }
0x115: {  	v10 =	vpop (erf)  }
0x116: {  	v10 =	vmul.f32 $1.442695020e+00, v10;
	_ =	sdelay $0x1  }
0x117: {  	(erf) = vpow2.f32 v10;
	_ =	sdelay $0x6  }
0x118: {  	s0 =	simm.s32 $0x1;
	v10 =	vmov s24  }
0x119: {  	s0 =	simm.s32 @!p0 $0x0  }
0x11a: {  	s0 =	sshll.u32 s0, $0xE;
	v11 =	vpop (erf)  }
0x11b: {  	s23 =	sor.u32 $0x37A0, s0;
	[tilespmem:$0xB7F0] =	vst v11  }
0x11c: {  	v11 =	vld [tilespmem:s23+$0xFFFFFFF0]  }
0x11d: {  	v14 =	vld.idx.msk [tilespmem:v10+s29+$0x0], $0xffff  }
0x11e: {  	v10 =	vld [tilespmem:s23+$0xFFFFFFE0]  }
0x11f: {  	v13 =	vld [tilespmem:s23+$0x0]  }
0x120: {  	v15 =	vld [tilespmem:s23+$0x10];
	_ =	sdelay $0x2  }
0x121: {  	v16 =	vmul.f32 v10, v14  }
0x122: {  	s25 =	simm.s32 $0x1;
	s22 =	sor.u32 $0x3780, s6;
	v12 =	vmul.f32 v11, v14;
	v13 =	vmul.f32 v13, v14  }
0x123: {  	s4 =	sadd.s32 $0x2880, s4;
	s24 =	smov.u32 s23;
	v11 =	vmul.f32 v15, v14;
	v10 =	vmov s25;
	s25 =	simm.s32 $0x2;
	v14 =	vmul.f32 v9, v14;
	[tilespmem:s23+$0xFFFFFFE0] =	vst v16  }
.LBB2_7:
0x124: {  	p1 =	sne.s32 s25, $0x7F;
	[tilespmem:s23+$0xFFFFFFF0] =	vst v12  }
0x125: {  	s23 =	sadd.s32 $0x80, s23;
	[tilespmem:s24+$0x0] =	vst v13  }
0x126: {  	v12 =	vld [tilespmem:s23+$0xFFFFFFF0];
	[tilespmem:s24+$0x10] =	vst v11  }
0x127: {  	v11 =	vld [tilespmem:s23+$0x10];
	[tilespmem:s24+$0x20] =	vst v14;
	s24 =	smov.u32 s23  }
0x128: {  	v14 =	vld.idx.msk [tilespmem:v10+s29+$0x0], $0xffff  }
0x129: {  	v10 =	vld [tilespmem:s23+$0xFFFFFFE0]  }
0x12a: {  	v13 =	vld [tilespmem:s23+$0x0];
	_ =	sdelay $0x1  }
.Ltmp2:
0x12b: {  	(pc) =	sbr.rel @p1 .LBB2_7-.Ltmp2, $4  }
0x12c: {  	_ = 	snop  }
0x12d: {  	v12 =	vmul.f32 v12, v14;
	v15 =	vmul.f32 v10, v14  }
0x12e: {  	v11 =	vmul.f32 v11, v14;
	v13 =	vmul.f32 v13, v14  }
0x12f: {  	v10 =	vmov s25;
	s25 =	sadd.s32 $0x1, s25;
	v14 =	vmul.f32 v9, v14;
	[tilespmem:s23+$0xFFFFFFE0] =	vst v15  }
0x130: {  	[tilespmem:s23+$0xFFFFFFF0] =	vst v12  }
0x131: {  	s0 =	sadd.s32 $0x80, s23;
	[tilespmem:s24+$0x0] =	vst v13  }
0x132: {  	v12 =	vld [tilespmem:s0+$0xFFFFFFF0];
	[tilespmem:s24+$0x10] =	vst v11  }
0x133: {  	v11 =	vld [tilespmem:s0+$0x10]  }
0x134: {  	[tilespmem:s24+$0x20] =	vst v14;
	v13 =	vld [tilespmem:s0+$0xFFFFFFE0]  }
0x135: {  	v10 =	vld.idx.msk [tilespmem:v10+s29+$0x0], $0xffff;
	_ =	sdelay $0x1  }
0x136: {  	v14 =	vld [tilespmem:s0+$0x0];
	_ =	sdelay $0x2  }
0x137: {  	v13 =	vmul.f32 v13, v10  }
0x138: {  	v12 =	vmul.f32 v12, v10  }
0x139: {  	p1 =	sne.s32 s1, s8;
	v14 =	vmul.f32 v14, v10;
	[tilespmem:s0+$0xFFFFFFE0] =	vst v13  }
.Ltmp3:
0x13a: {  	v11 =	vmul.f32 v11, v10;
	[tilespmem:s0+$0xFFFFFFF0] =	vst v12;
	(pc) =	sbr.rel @p1 .LBB2_4-.Ltmp3, $4  }
0x13b: {  	v10 =	vmul.f32 v9, v10;
	[tilespmem:s0+$0x0] =	vst v14  }
0x13c: {  	[tilespmem:s0+$0x10] =	vst v11  }
0x13d: {  	p0 =	por !p0, !p0;
	[tilespmem:s0+$0x20] =	vst v10  }
0x13e: {  	[spmem:s3] =	stream.indirect.scatter.add.f32 [tilespmem:s22], [sflag:$0x2], $0x80, s4, s26, $0xb8;
	[tilespmem:$0x1F400] =	vst v63  }
0x13f: {  	_ =	swait.ge [sflag:s30], $0x4000;
	s0 =	stileid.u32  }
0x140: {  	s1 =	sshrl.u32 s9, $0x3;
	s31 =	sadd.s32 $0x1, s31;
	[sflag:s30] =	ssyncset.done $0x0  }
0x141: {  	s0 =	sshll.u32 s0, $0x6;
	p0 =	sne.s32 s31, s17;
	[sflag:s30] =	ssyncadd.s32 $0xFFFFC000  }
.Ltmp4:
0x142: {  	s0 =	sor.u32 $0x1C04, s0;
	[bflag:$0x0] =	sbarrier.arrive $0xFFFF;
	(pc) =	sbr.rel @p0 .LBB2_1-.Ltmp4, $4  }
0x143: {  	[hbm:s16], [sflag:s0] =	dma.local [spmem:s1], $0x2780  }
0x144: {  	_ =	swait.ge [sflag:s18], $0x2780  }
0x145: {  	[sflag:s18] =	ssyncset.done $0x0  }
0x146: {  	[sflag:s18] =	ssyncadd.s32 $0xFFFFD880  }
0x147: {  	_ =	sfence.sel $0x180000  }
0x148: {  	[bflag:$0x0] =	sbarrier.arrive $0xFFFF  }
0x149: {  	_ =	strace $0x90000047  }
0x14a: {  	s0 =	stileid.u32;
	[bflag:$0x2] =	sbarrier.arrive $0xFFFF  }
0x14b: {  	p0 =	sne.s32 s0, $0x0;
	s0 =	rddreg [dreg:$0x4]  }
0x14c: {  	s0 =	sadd.s32 @!p0 $0x100000, s0  }
0x14d: {  	[sflag:s0] =	ssyncadd.tile.s32 @!p0 $0x1;
	_ =	shalt  }
.Lfunc_end2:
_tile_overlayer_lowered:
.L_overlay_start_2:
0x14e: {  	(tag) =	ssettag $0x2  }
0x14f: {  	s0 =	rddreg [dreg:$0x0];
	s2 =	stileid.u32  }
0x150: {  	s1 =	rddreg [dreg:$0x1];
	p0 =	sne.s32 s2, $0x0  }
0x151: {  	s3 =	rddreg [dreg:$0x2];
	[bflag:$0x3] =	sbarrier.arrive $0xFFFF;
	s2 =	simm.s32 @!p0 $0x1C04  }
0x152: {  	[timem:s3], [sflag:s2] =	dma.local @!p0 [hbm:s0], s1  }
0x153: {  	s0 =	simm.s32 @!p0 $0x4  }
0x154: {  	_ =	swait.ge @!p0 [sflag:s0], s1  }
0x155: {  	s1 =	ssub.s32 @!p0 $0x0, s1;
	[sflag:s0] =	ssyncset.done @!p0 $0x0  }
0x156: {  	[sflag:s0] =	ssyncadd.s32 @!p0 s1  }
0x157: {  	[bflag:$0x3] =	sbarrier.arrive $0xFFFF  }
0x158: {  	_ =	shalt  }

</sc_bundles>
